<compile_context>
chip_gen: v7x
topology: tpu7x:2x2x1
jax: 0.10.2.dev20260603
libtpu: 0.0.44.dev20260713+nightly
codegen_flags: <defaults>
</compile_context>

<pallas_src>
import functools

import jax
import jax.numpy as jnp
from jax import lax
from jax.experimental import pallas as pl
from jax.experimental.pallas import tpu as pltpu
from jax.experimental.pallas import tpu_sc as plsc

N = 10000
E = 320000
NCORE = 2
NSUB = 16
NW = NCORE * NSUB
EPT = E // NW
NCHUNK = 80
CK = EPT // NCHUNK
RPT = N // NSUB
BR = 2000

_MESH = dict(core_axis_name="c", subcore_axis_name="s",
             num_cores=NCORE, num_subcores=NSUB)



@functools.partial(
    pl.kernel,
    out_type=(jax.ShapeDtypeStruct((NCORE, N), jnp.float32),
              jax.ShapeDtypeStruct((NCORE, N), jnp.float32)),
    mesh=plsc.VectorSubcoreMesh(**_MESH),
    scratch_types=[
        pltpu.VMEM((NCHUNK, CK), jnp.int32),
        pltpu.VMEM((NCHUNK, CK), jnp.int32),
        pltpu.VMEM((N,), jnp.float32),
        pltpu.VMEM((CK,), jnp.float32),
        [pltpu.SemaphoreType.DMA for _ in range(4)],
        pltpu.VMEM_SHARED((N,), jnp.float32),
        pltpu.VMEM_SHARED((N,), jnp.float32),
    ],
    compiler_params=pltpu.CompilerParams(needs_layout_passes=False),
)
def _deg_kernel(dst1_hbm, dst2_hbm, zeros_hbm, ones_hbm, out1, out2,
                dstv1, dstv2, buf_v, ones_v, sems, sh1, sh2):
    c = lax.axis_index("c")
    s = lax.axis_index("s")
    wid = c * NSUB + s
    pltpu.async_copy(zeros_hbm, buf_v, sems[0])
    pltpu.async_copy(ones_hbm, ones_v, sems[1])
    pltpu.async_copy(dst1_hbm.at[wid], dstv1, sems[2])
    pltpu.async_copy(dst2_hbm.at[wid], dstv2, sems[3])
    pltpu.make_async_copy(zeros_hbm, buf_v, sems[0]).wait()

    @pl.when(s == 0)
    def _():
        pltpu.sync_copy(buf_v, sh1)
        pltpu.sync_copy(buf_v, sh2)

    pltpu.make_async_copy(ones_hbm, ones_v, sems[1]).wait()
    pltpu.make_async_copy(dst1_hbm.at[wid], dstv1, sems[2]).wait()
    pltpu.make_async_copy(dst2_hbm.at[wid], dstv2, sems[3]).wait()
    plsc.subcore_barrier()

    def one_pass(dstv, sh):
        def wave(jo, carry):
            for b in range(16):
                pltpu.async_copy(ones_v, sh.at[dstv.at[jo * 16 + b]],
                                 sems[0], add=True)
            for b in range(16):
                pltpu.make_async_copy(ones_v, sh.at[dstv.at[0]],
                                      sems[0]).wait()
            return carry

        lax.fori_loop(0, NCHUNK // 16, wave, 0)

    one_pass(dstv1, sh1)
    one_pass(dstv2, sh2)
    plsc.subcore_barrier()

    @pl.when(s == 0)
    def _():
        pltpu.sync_copy(sh1, buf_v)
        pltpu.sync_copy(buf_v, out1.at[c])
        pltpu.sync_copy(sh2, buf_v)
        pltpu.sync_copy(buf_v, out2.at[c])



def _zero_acc(bufrow, acc_s, s):
    def zero_chunk(j, carry):
        k = s + NSUB * j

        @pl.when(k < N // 80)
        def _():
            pltpu.sync_copy(bufrow.at[pl.ds(0, 80)],
                            acc_s.at[pl.ds(k * 80, 80)])

        return carry

    lax.fori_loop(0, pl.cdiv(N // 80, NSUB), zero_chunk, 0)


def _copy_out(acc_s, out, c, s, bufrow):
    def out_chunk(j, carry):
        k = s + NSUB * j

        @pl.when(k < N // 80)
        def _():
            pltpu.sync_copy(acc_s.at[pl.ds(k * 80, 80)],
                            bufrow.at[pl.ds(0, 80)])
            pltpu.sync_copy(bufrow.at[pl.ds(0, 80)],
                            out.at[c, pl.ds(k * 80, 80)])

        return carry

    lax.fori_loop(0, pl.cdiv(N // 80, NSUB), out_chunk, 0)


def _ring_pass(g_hbm, srcv, dstv, bufs, gsem, ssem, acc_s,
               nchunk, nbuf, ahead):
    def gath(j, b):
        pltpu.async_copy(g_hbm.at[srcv.at[j]], bufs[b], gsem[b])

    def scat(j, b):
        pltpu.async_copy(bufs[b], acc_s.at[dstv.at[j]], ssem[b], add=True)

    def wait_g(b):
        pltpu.make_async_copy(g_hbm.at[srcv.at[0]], bufs[b],
                              gsem[b]).wait()

    def wait_s(b):
        pltpu.make_async_copy(bufs[b], acc_s.at[dstv.at[0]],
                              ssem[b]).wait()

    for j in range(ahead):
        gath(j, j % nbuf)
    for j in range(ahead):
        wait_g(j % nbuf)
        scat(j, j % nbuf)
        gath(j + ahead, (j + ahead) % nbuf)

    def body(jo, carry):
        for bb in range(nbuf):
            j = ahead + jo * nbuf + bb

            @pl.when(j < nchunk)
            def _():
                b = (ahead + bb) % nbuf
                wait_g(b)
                scat(j, b)
                wait_s((2 * ahead + bb) % nbuf)

                @pl.when(j + ahead < nchunk)
                def _():
                    gath(j + ahead, (2 * ahead + bb) % nbuf)

        return carry

    lax.fori_loop(0, (nchunk - ahead + nbuf - 1) // nbuf, body, 0)
    for j in range(nchunk - (nbuf - ahead), nchunk):
        wait_s(j % nbuf)


def _make_agg(D, nbuf, ahead):
    @functools.partial(
        pl.kernel,
        out_type=jax.ShapeDtypeStruct((NCORE, N, D), jnp.bfloat16),
        mesh=plsc.VectorSubcoreMesh(**_MESH),
        scratch_types=[
            pltpu.VMEM((NCHUNK, CK), jnp.int32),
            pltpu.VMEM((NCHUNK, CK), jnp.int32),
            [pltpu.VMEM((CK, D), jnp.bfloat16) for _ in range(nbuf)],
            [pltpu.SemaphoreType.DMA for _ in range(nbuf)],
            [pltpu.SemaphoreType.DMA for _ in range(nbuf)],
            pltpu.VMEM_SHARED((N, D), jnp.bfloat16),
        ],
        compiler_params=pltpu.CompilerParams(
            needs_layout_passes=False, use_tc_tiling_on_sc=False),
    )
    def _agg(g_hbm, src_hbm, dst_hbm, zrow_hbm, out, srcv, dstv, bufs,
             gsem, ssem, acc_s):
        c = lax.axis_index("c")
        s = lax.axis_index("s")
        wid = c * NSUB + s
        pltpu.async_copy(src_hbm.at[wid], srcv, gsem[0])
        pltpu.async_copy(dst_hbm.at[wid], dstv, gsem[1])
        pltpu.sync_copy(zrow_hbm, bufs[0])
        _zero_acc(bufs[0], acc_s, s)
        pltpu.make_async_copy(src_hbm.at[wid], srcv, gsem[0]).wait()
        pltpu.make_async_copy(dst_hbm.at[wid], dstv, gsem[1]).wait()
        plsc.subcore_barrier()
        _ring_pass(g_hbm, srcv, dstv, bufs, gsem, ssem, acc_s,
                   NCHUNK, nbuf, ahead)
        plsc.subcore_barrier()
        _copy_out(acc_s, out, c, s, bufs[0])

    return _agg


_agg128 = _make_agg(128, 8, 4)
_agg64 = _make_agg(64, 8, 4)



def _row_spec(d):
    return pl.BlockSpec((BR, d), lambda i: (i, 0))


def _full_spec(r, c):
    return pl.BlockSpec((r, c), lambda i: (0, 0))


def _tc_prep(d1a, d1b, d2a, d2b, x, W20):
    def body(d1a_r, d1b_r, d2a_r, d2b_r, x_r, w_r, g1_r, g2_r):
        dinv1 = lax.rsqrt(d1a_r[...] + d1b_r[...] + 1.0)
        g1_r[...] = (dinv1 * x_r[...]).astype(jnp.bfloat16)
        dinv2 = lax.rsqrt(d2a_r[...] + d2b_r[...] + 1.0)
        g2_r[...] = (dinv2 * jnp.dot(x_r[...], w_r[...],
                                     preferred_element_type=jnp.float32)
                     ).astype(jnp.bfloat16)

    return pl.pallas_call(
        body,
        grid=(N // BR,),
        in_specs=[_row_spec(1)] * 4 + [_row_spec(128), _full_spec(128, 64)],
        out_specs=[_row_spec(128), _row_spec(64)],
        out_shape=[jax.ShapeDtypeStruct((N, 128), jnp.bfloat16),
                   jax.ShapeDtypeStruct((N, 64), jnp.bfloat16)],
    )(d1a, d1b, d2a, d2b, x, W20)


def _tc_mid(a1a, a1b, g1, d1a, d1b, W10, b10, a2a, a2b, g2, d2a, d2b, b20):
    def body(a1a_r, a1b_r, g1_r, d1a_r, d1b_r, w10_r, b10_r,
             a2a_r, a2b_r, g2_r, d2a_r, d2b_r, b20_r, h1_r, g3_r):
        f32 = jnp.float32
        dinv1 = lax.rsqrt(d1a_r[...] + d1b_r[...] + 1.0)
        s1 = dinv1 * (a1a_r[...].astype(f32) + a1b_r[...].astype(f32)
                      + g1_r[...].astype(f32))
        h1_r[...] = jnp.maximum(
            jnp.dot(s1, w10_r[...], preferred_element_type=f32)
            + b10_r[...], 0.0)
        dinv2 = lax.rsqrt(d2a_r[...] + d2b_r[...] + 1.0)
        h2 = dinv2 * (a2a_r[...].astype(f32) + a2b_r[...].astype(f32)
                      + g2_r[...].astype(f32)) + b20_r[...]
        g3_r[...] = (dinv2 * h2).astype(jnp.bfloat16)

    return pl.pallas_call(
        body,
        grid=(N // BR,),
        in_specs=[_row_spec(128)] * 3 + [_row_spec(1)] * 2 +
                 [_full_spec(128, 256), _full_spec(1, 256)] +
                 [_row_spec(64)] * 3 + [_row_spec(1)] * 2 +
                 [_full_spec(1, 64)],
        out_specs=[_row_spec(256), _row_spec(64)],
        out_shape=[jax.ShapeDtypeStruct((N, 256), jnp.float32),
                   jax.ShapeDtypeStruct((N, 64), jnp.bfloat16)],
    )(a1a, a1b, g1, d1a, d1b, W10, b10, a2a, a2b, g2, d2a, d2b, b20)


def _tc_out(a3a, a3b, g3, d2a, d2b, W21, b21, h1, Wfc, bfc):
    def body(a3a_r, a3b_r, g3_r, d2a_r, d2b_r, w21_r, b21_r, h1_r,
             wfc_r, bfc_r, out_r):
        f32 = jnp.float32
        dinv2 = lax.rsqrt(d2a_r[...] + d2b_r[...] + 1.0)
        s3 = dinv2 * (a3a_r[...].astype(f32) + a3b_r[...].astype(f32)
                      + g3_r[...].astype(f32))
        h2p = jnp.maximum(
            jnp.dot(s3, w21_r[...], preferred_element_type=jnp.float32)
            + b21_r[...], 0.0)
        h = h1_r[...] + h2p
        out_r[...] = jnp.dot(h, wfc_r[...],
                             preferred_element_type=jnp.float32) + bfc_r[...]

    return pl.pallas_call(
        body,
        grid=(N // BR,),
        in_specs=[_row_spec(64)] * 3 + [_row_spec(1)] * 2 +
                 [_full_spec(64, 256), _full_spec(1, 256), _row_spec(256),
                  _full_spec(256, 16), _full_spec(1, 16)],
        out_specs=_row_spec(16),
        out_shape=jax.ShapeDtypeStruct((N, 16), jnp.float32),
    )(a3a, a3b, g3, d2a, d2b, W21, b21, h1, Wfc, bfc)



def kernel(x, edge_index1, edge_index2, W10, b10, W20, b20, W21, b21,
           Wfc, bfc):
    src1 = edge_index1[0].reshape(NW, NCHUNK, CK)
    dst1 = edge_index1[1].reshape(NW, NCHUNK, CK)
    src2 = edge_index2[0].reshape(NW, NCHUNK, CK)
    dst2 = edge_index2[1].reshape(NW, NCHUNK, CK)

    zerosN = jnp.zeros((N,), jnp.float32)
    onesCK = jnp.ones((CK,), jnp.float32)
    zrow128 = jnp.zeros((CK, 128), jnp.bfloat16)
    zrow64 = jnp.zeros((CK, 64), jnp.bfloat16)

    deg1p, deg2p = _deg_kernel(dst1, dst2, zerosN, onesCK)
    d1a = deg1p[0].reshape(N, 1)
    d1b = deg1p[1].reshape(N, 1)
    d2a = deg2p[0].reshape(N, 1)
    d2b = deg2p[1].reshape(N, 1)

    g1, g2 = _tc_prep(d1a, d1b, d2a, d2b, x, W20)

    acc1 = _agg128(g1, src1, dst1, zrow128)
    acc2 = _agg64(g2, src2, dst2, zrow64)

    h1, g3 = _tc_mid(acc1[0], acc1[1], g1, d1a, d1b, W10,
                     b10.reshape(1, -1), acc2[0], acc2[1], g2, d2a, d2b,
                     b20.reshape(1, -1))

    acc3 = _agg64(g3, src2, dst2, zrow64)

    out = _tc_out(acc3[0], acc3[1], g3, d2a, d2b, W21, b21.reshape(1, -1),
                  h1, Wfc, bfc.reshape(1, -1))
    return out

# --- scband reference (transcript-rebuilt; emitter-appended) ---
"""Pipeline reference for scband-ti-re-mge-45440753991796 (READ-ONLY COPY).

The authoritative reference and input builder live on the scoring server;
editing this copy changes nothing except your own understanding.
"""

import jax, jax.numpy as jnp
import numpy as np

N_NODES = 10000
D_FEAT = 128
N_EDGES = 320000
CLASS_NUM = 16


def _gcn(x, edge_index, W, b, activation=None):
    # tf_geometric-style GCN: renormalized adjacency with self-loops,
    # h = D^{-1/2} (A + I) D^{-1/2} (x @ W) + b
    n = x.shape[0]
    src = edge_index[0]
    dst = edge_index[1]
    loop = jnp.arange(n, dtype=src.dtype)
    src = jnp.concatenate([src, loop], axis=0)
    dst = jnp.concatenate([dst, loop], axis=0)
    ew = jnp.ones(src.shape[0], dtype=x.dtype)
    deg = jnp.zeros(n, dtype=x.dtype).at[dst].add(ew)
    dinv = jnp.where(deg > 0, deg ** -0.5, 0.0)
    norm = dinv[src] * dinv[dst] * ew
    h = x @ W
    msg = h[src] * norm[:, None]
    out = jnp.zeros((n, W.shape[1]), dtype=x.dtype).at[dst].add(msg)
    out = out + b
    if activation is not None:
        out = activation(out)
    return out


def setup_inputs(seed: int = 0) -> dict:
    key = jax.random.key(seed)
    ks = jax.random.split(key, 16)
    x = jax.random.normal(ks[0], (N_NODES, D_FEAT), dtype=jnp.float32)
    edge_index1 = jax.random.randint(ks[1], (2, N_EDGES), 0, N_NODES, dtype=jnp.int64 if jax.config.read('jax_enable_x64') else jnp.int32).astype(jnp.int32)
    edge_index2 = jax.random.randint(ks[2], (2, N_EDGES), 0, N_NODES, dtype=jnp.int32)
    s = (2.0 / D_FEAT) ** 0.5
    W10 = jax.random.normal(ks[3], (D_FEAT, 256), dtype=jnp.float32) * s
    b10 = jnp.zeros((256,), dtype=jnp.float32)
    W20 = jax.random.normal(ks[4], (D_FEAT, 64), dtype=jnp.float32) * s
    b20 = jnp.zeros((64,), dtype=jnp.float32)
    W21 = jax.random.normal(ks[5], (64, 256), dtype=jnp.float32) * (2.0 / 64) ** 0.5
    b21 = jnp.zeros((256,), dtype=jnp.float32)
    Wfc = jax.random.normal(ks[6], (256, CLASS_NUM), dtype=jnp.float32) * (2.0 / 256) ** 0.5
    bfc = jnp.zeros((CLASS_NUM,), dtype=jnp.float32)
    return {"x": x, "edge_index1": edge_index1, "edge_index2": edge_index2,
            "W10": W10, "b10": b10, "W20": W20, "b20": b20,
            "W21": W21, "b21": b21, "Wfc": Wfc, "bfc": bfc}


def reference(x, edge_index1, edge_index2, W10, b10, W20, b20, W21, b21, Wfc, bfc):
    h1 = _gcn(x, edge_index1, W10, b10, activation=jax.nn.relu)
    h2 = _gcn(x, edge_index2, W20, b20, activation=None)
    h2 = _gcn(h2, edge_index2, W21, b21, activation=jax.nn.relu)
    h = h1 + h2
    out = h @ Wfc + bfc
    return out

if __name__ == "__main__":
    import jax
    _d = setup_inputs()
    print(jax.jit(kernel)(*tuple(_d.values())))

</pallas_src>

<mosaic_0001>
#map = affine_map<(d0, d1) -> (0, 0)>
#map1 = affine_map<(d0, d1) -> (0, 0, 0)>
module attributes {stable_mosaic.version = 14 : i64} {
  func.func @_agg(%arg0: i32, %arg1: i32, %arg2: memref<10000x64xbf16, #tpu.memory_space<hbm>>, %arg3: memref<32x80x125xi32, #tpu.memory_space<hbm>>, %arg4: memref<32x80x125xi32, #tpu.memory_space<hbm>>, %arg5: memref<125x64xbf16, #tpu.memory_space<hbm>>, %arg6: memref<2x10000x64xbf16, #tpu.memory_space<hbm>>, %arg7: memref<80x125xi32, #tpu.memory_space<vmem>>, %arg8: memref<80x125xi32, #tpu.memory_space<vmem>>, %arg9: memref<125x64xbf16, #tpu.memory_space<vmem>>, %arg10: memref<125x64xbf16, #tpu.memory_space<vmem>>, %arg11: memref<125x64xbf16, #tpu.memory_space<vmem>>, %arg12: memref<125x64xbf16, #tpu.memory_space<vmem>>, %arg13: memref<125x64xbf16, #tpu.memory_space<vmem>>, %arg14: memref<125x64xbf16, #tpu.memory_space<vmem>>, %arg15: memref<125x64xbf16, #tpu.memory_space<vmem>>, %arg16: memref<125x64xbf16, #tpu.memory_space<vmem>>, %arg17: memref<!tpu.dma_semaphore, #tpu.memory_space<semaphore_mem>>, %arg18: memref<!tpu.dma_semaphore, #tpu.memory_space<semaphore_mem>>, %arg19: memref<!tpu.dma_semaphore, #tpu.memory_space<semaphore_mem>>, %arg20: memref<!tpu.dma_semaphore, #tpu.memory_space<semaphore_mem>>, %arg21: memref<!tpu.dma_semaphore, #tpu.memory_space<semaphore_mem>>, %arg22: memref<!tpu.dma_semaphore, #tpu.memory_space<semaphore_mem>>, %arg23: memref<!tpu.dma_semaphore, #tpu.memory_space<semaphore_mem>>, %arg24: memref<!tpu.dma_semaphore, #tpu.memory_space<semaphore_mem>>, %arg25: memref<!tpu.dma_semaphore, #tpu.memory_space<semaphore_mem>>, %arg26: memref<!tpu.dma_semaphore, #tpu.memory_space<semaphore_mem>>, %arg27: memref<!tpu.dma_semaphore, #tpu.memory_space<semaphore_mem>>, %arg28: memref<!tpu.dma_semaphore, #tpu.memory_space<semaphore_mem>>, %arg29: memref<!tpu.dma_semaphore, #tpu.memory_space<semaphore_mem>>, %arg30: memref<!tpu.dma_semaphore, #tpu.memory_space<semaphore_mem>>, %arg31: memref<!tpu.dma_semaphore, #tpu.memory_space<semaphore_mem>>, %arg32: memref<!tpu.dma_semaphore, #tpu.memory_space<semaphore_mem>>, %arg33: memref<10000x64xbf16, #tpu.memory_space<vmem_shared>>) attributes {dimension_semantics = [#tpu.dimension_semantics<core_parallel>, #tpu.dimension_semantics<subcore_parallel>], iteration_bounds = array<i64: 2, 16>, scalar_prefetch = 0 : i64, scratch_operands = 27 : i64, tpu.core_type = #tpu.core_type<sc_vector_subcore>, window_params = [{transform_indices = #map}, {transform_indices = #map1}, {transform_indices = #map1}, {transform_indices = #map}, {transform_indices = #map1}]} {
    %mul3A = arith.constant 16 : i32
    %mul3A_0 = arith.muli %arg0, %mul3A : i32
    %add3A = arith.addi %mul3A_0, %arg1 : i32
    %dma_start3A = arith.constant 0 : i32
    %dma_start3A_1 = arith.constant 0 : i32
    %dma_start3A_2 = tpu.memref_slice %arg3[%add3A, %dma_start3A, %dma_start3A_1] : memref<32x80x125xi32, #tpu.memory_space<hbm>> -> memref<1x80x125xi32, #tpu.memory_space<hbm>>
    %dma_start3A_3 = tpu.memref_squeeze %dma_start3A_2 : memref<1x80x125xi32, #tpu.memory_space<hbm>> -> memref<80x125xi32, #tpu.memory_space<hbm>>
    %dma_start3A_4 = arith.constant 0 : i32
    %dma_start3A_5 = arith.constant 0 : i32
    %dma_start3A_6 = tpu.memref_slice %arg3[%add3A, %dma_start3A_4, %dma_start3A_5] : memref<32x80x125xi32, #tpu.memory_space<hbm>> -> memref<1x80x125xi32, #tpu.memory_space<hbm>>
    %dma_start3A_7 = tpu.memref_squeeze %dma_start3A_6 : memref<1x80x125xi32, #tpu.memory_space<hbm>> -> memref<80x125xi32, #tpu.memory_space<hbm>>
    tpu.enqueue_dma source(%dma_start3A_7 : memref<80x125xi32, #tpu.memory_space<hbm>>) target(%arg7 : memref<80x125xi32, #tpu.memory_space<vmem>>) target_semaphore(%arg17 : memref<!tpu.dma_semaphore, #tpu.memory_space<semaphore_mem>>)
    %dma_start3A_8 = arith.constant 0 : i32
    %dma_start3A_9 = arith.constant 0 : i32
    %dma_start3A_10 = tpu.memref_slice %arg4[%add3A, %dma_start3A_8, %dma_start3A_9] : memref<32x80x125xi32, #tpu.memory_space<hbm>> -> memref<1x80x125xi32, #tpu.memory_space<hbm>>
    %dma_start3A_11 = tpu.memref_squeeze %dma_start3A_10 : memref<1x80x125xi32, #tpu.memory_space<hbm>> -> memref<80x125xi32, #tpu.memory_space<hbm>>
    %dma_start3A_12 = arith.constant 0 : i32
    %dma_start3A_13 = arith.constant 0 : i32
    %dma_start3A_14 = tpu.memref_slice %arg4[%add3A, %dma_start3A_12, %dma_start3A_13] : memref<32x80x125xi32, #tpu.memory_space<hbm>> -> memref<1x80x125xi32, #tpu.memory_space<hbm>>
    %dma_start3A_15 = tpu.memref_squeeze %dma_start3A_14 : memref<1x80x125xi32, #tpu.memory_space<hbm>> -> memref<80x125xi32, #tpu.memory_space<hbm>>
    tpu.enqueue_dma source(%dma_start3A_15 : memref<80x125xi32, #tpu.memory_space<hbm>>) target(%arg8 : memref<80x125xi32, #tpu.memory_space<vmem>>) target_semaphore(%arg18 : memref<!tpu.dma_semaphore, #tpu.memory_space<semaphore_mem>>)
    "tpu.region"() ({
      %run_scoped3A = tpu.sem_alloc : memref<!tpu.dma_semaphore, #tpu.memory_space<semaphore_mem>>
      tpu.enqueue_dma source(%arg5 : memref<125x64xbf16, #tpu.memory_space<hbm>>) target(%arg9 : memref<125x64xbf16, #tpu.memory_space<vmem>>) target_semaphore(%run_scoped3A : memref<!tpu.dma_semaphore, #tpu.memory_space<semaphore_mem>>)
      tpu.wait_dma2 semaphore(%run_scoped3A : memref<!tpu.dma_semaphore, #tpu.memory_space<semaphore_mem>>) src(%arg5 : memref<125x64xbf16, #tpu.memory_space<hbm>>) dst(%arg9 : memref<125x64xbf16, #tpu.memory_space<vmem>>)
      tpu.yield
    }) : () -> ()
    %scan3A = arith.constant 0 : i32
    %scan3A_16 = arith.constant 0 : i32
    %scan3A_17 = arith.constant 8 : i32
    %scan3A_18 = arith.addi %scan3A_16, %scan3A_17 : i32
    %scan3A_19 = arith.constant 1 : i32
    scf.for %scan3A_189 = %scan3A_16 to %scan3A_18 step %scan3A_19  : i32 {
      %mul3A_190 = arith.constant 16 : i32
      %mul3A_191 = arith.muli %mul3A_190, %scan3A_189 : i32
      %add3A_192 = arith.addi %arg1, %mul3A_191 : i32
      %lt3A = arith.constant 125 : i32
      %lt3A_193 = arith.cmpi slt, %add3A_192, %lt3A : i32
      %convert_element_type3A = arith.extui %lt3A_193 : i1 to i32
      %cond3A = arith.constant 0 : i32
      %cond3A_194 = arith.cmpi ne, %convert_element_type3A, %cond3A : i32
      scf.if %cond3A_194 {
        %mul3A_195 = arith.constant 80 : i32
        %mul3A_196 = arith.muli %add3A_192, %mul3A_195 : i32
        "tpu.region"() ({
          %run_scoped3A = tpu.sem_alloc : memref<!tpu.dma_semaphore, #tpu.memory_space<semaphore_mem>>
          %dma_start3A_197 = arith.constant 0 : i32
          %dma_start3A_198 = arith.constant 0 : i32
          %dma_start3A_199 = tpu.memref_slice %arg9[%dma_start3A_197, %dma_start3A_198] : memref<125x64xbf16, #tpu.memory_space<vmem>> -> memref<80x64xbf16, #tpu.memory_space<vmem>>
          %dma_start3A_200 = arith.constant 0 : i32
          %dma_start3A_201 = tpu.memref_slice %arg33[%mul3A_196, %dma_start3A_200] : memref<10000x64xbf16, #tpu.memory_space<vmem_shared>> -> memref<80x64xbf16, #tpu.memory_space<vmem_shared>>
          %dma_start3A_202 = arith.constant 0 : i32
          %dma_start3A_203 = tpu.memref_slice %arg33[%mul3A_196, %dma_start3A_202] : memref<10000x64xbf16, #tpu.memory_space<vmem_shared>> -> memref<80x64xbf16, #tpu.memory_space<vmem_shared>>
          %dma_start3A_204 = arith.constant 0 : i32
          %dma_start3A_205 = arith.constant 0 : i32
          %dma_start3A_206 = tpu.memref_slice %arg9[%dma_start3A_204, %dma_start3A_205] : memref<125x64xbf16, #tpu.memory_space<vmem>> -> memref<80x64xbf16, #tpu.memory_space<vmem>>
          tpu.enqueue_dma source(%dma_start3A_206 : memref<80x64xbf16, #tpu.memory_space<vmem>>) target(%dma_start3A_203 : memref<80x64xbf16, #tpu.memory_space<vmem_shared>>) target_semaphore(%run_scoped3A : memref<!tpu.dma_semaphore, #tpu.memory_space<semaphore_mem>>)
          %dma_wait3A_207 = arith.constant 0 : i32
          %dma_wait3A_208 = arith.constant 0 : i32
          %dma_wait3A_209 = tpu.memref_slice %arg9[%dma_wait3A_207, %dma_wait3A_208] : memref<125x64xbf16, #tpu.memory_space<vmem>> -> memref<80x64xbf16, #tpu.memory_space<vmem>>
          %dma_wait3A_210 = arith.constant 0 : i32
          %dma_wait3A_211 = tpu.memref_slice %arg33[%mul3A_196, %dma_wait3A_210] : memref<10000x64xbf16, #tpu.memory_space<vmem_shared>> -> memref<80x64xbf16, #tpu.memory_space<vmem_shared>>
          %dma_wait3A_212 = arith.constant 0 : i32
          %dma_wait3A_213 = tpu.memref_slice %arg33[%mul3A_196, %dma_wait3A_212] : memref<10000x64xbf16, #tpu.memory_space<vmem_shared>> -> memref<80x64xbf16, #tpu.memory_space<vmem_shared>>
          %dma_wait3A_214 = arith.constant 0 : i32
          %dma_wait3A_215 = arith.constant 0 : i32
          %dma_wait3A_216 = tpu.memref_slice %arg9[%dma_wait3A_214, %dma_wait3A_215] : memref<125x64xbf16, #tpu.memory_space<vmem>> -> memref<80x64xbf16, #tpu.memory_space<vmem>>
          tpu.wait_dma2 semaphore(%run_scoped3A : memref<!tpu.dma_semaphore, #tpu.memory_space<semaphore_mem>>) src(%dma_wait3A_216 : memref<80x64xbf16, #tpu.memory_space<vmem>>) dst(%dma_wait3A_213 : memref<80x64xbf16, #tpu.memory_space<vmem_shared>>)
          tpu.yield
        }) : () -> ()
      } else {
      }
    }
    %scan3A_20 = arith.constant 8 : i32
    %dma_wait3A = arith.constant 0 : i32
    %dma_wait3A_21 = arith.constant 0 : i32
    %dma_wait3A_22 = tpu.memref_slice %arg3[%add3A, %dma_wait3A, %dma_wait3A_21] : memref<32x80x125xi32, #tpu.memory_space<hbm>> -> memref<1x80x125xi32, #tpu.memory_space<hbm>>
    %dma_wait3A_23 = tpu.memref_squeeze %dma_wait3A_22 : memref<1x80x125xi32, #tpu.memory_space<hbm>> -> memref<80x125xi32, #tpu.memory_space<hbm>>
    %dma_wait3A_24 = arith.constant 0 : i32
    %dma_wait3A_25 = arith.constant 0 : i32
    %dma_wait3A_26 = tpu.memref_slice %arg3[%add3A, %dma_wait3A_24, %dma_wait3A_25] : memref<32x80x125xi32, #tpu.memory_space<hbm>> -> memref<1x80x125xi32, #tpu.memory_space<hbm>>
    %dma_wait3A_27 = tpu.memref_squeeze %dma_wait3A_26 : memref<1x80x125xi32, #tpu.memory_space<hbm>> -> memref<80x125xi32, #tpu.memory_space<hbm>>
    tpu.wait_dma2 semaphore(%arg17 : memref<!tpu.dma_semaphore, #tpu.memory_space<semaphore_mem>>) src(%dma_wait3A_27 : memref<80x125xi32, #tpu.memory_space<hbm>>) dst(%arg7 : memref<80x125xi32, #tpu.memory_space<vmem>>)
    %dma_wait3A_28 = arith.constant 0 : i32
    %dma_wait3A_29 = arith.constant 0 : i32
    %dma_wait3A_30 = tpu.memref_slice %arg4[%add3A, %dma_wait3A_28, %dma_wait3A_29] : memref<32x80x125xi32, #tpu.memory_space<hbm>> -> memref<1x80x125xi32, #tpu.memory_space<hbm>>
    %dma_wait3A_31 = tpu.memref_squeeze %dma_wait3A_30 : memref<1x80x125xi32, #tpu.memory_space<hbm>> -> memref<80x125xi32, #tpu.memory_space<hbm>>
    %dma_wait3A_32 = arith.constant 0 : i32
    %dma_wait3A_33 = arith.constant 0 : i32
    %dma_wait3A_34 = tpu.memref_slice %arg4[%add3A, %dma_wait3A_32, %dma_wait3A_33] : memref<32x80x125xi32, #tpu.memory_space<hbm>> -> memref<1x80x125xi32, #tpu.memory_space<hbm>>
    %dma_wait3A_35 = tpu.memref_squeeze %dma_wait3A_34 : memref<1x80x125xi32, #tpu.memory_space<hbm>> -> memref<80x125xi32, #tpu.memory_space<hbm>>
    tpu.wait_dma2 semaphore(%arg18 : memref<!tpu.dma_semaphore, #tpu.memory_space<semaphore_mem>>) src(%dma_wait3A_35 : memref<80x125xi32, #tpu.memory_space<hbm>>) dst(%arg8 : memref<80x125xi32, #tpu.memory_space<vmem>>)
    %barrier3A = arith.constant 0 : index
    tpu.barrier barrier_id(%barrier3A)
    %dma_start3A_36 = arith.constant 0 : i32
    %dma_start3A_37 = arith.constant 0 : i32
    %dma_start3A_38 = tpu.memref_slice %arg7[%dma_start3A_36, %dma_start3A_37] : memref<80x125xi32, #tpu.memory_space<vmem>> -> memref<1x125xi32, #tpu.memory_space<vmem>>
    %dma_start3A_39 = tpu.memref_squeeze %dma_start3A_38 : memref<1x125xi32, #tpu.memory_space<vmem>> -> memref<125xi32, #tpu.memory_space<vmem>>
    %dma_start3A_40 = arith.constant 0 : i32
    %dma_start3A_41 = arith.constant 0 : i32
    %dma_start3A_42 = tpu.memref_slice %arg2[%dma_start3A_40, %dma_start3A_41] : memref<10000x64xbf16, #tpu.memory_space<hbm>> -> memref<10000x64xbf16, #tpu.memory_space<hbm>>
    tpu.enqueue_indirect_dma source(%dma_start3A_42 : memref<10000x64xbf16, #tpu.memory_space<hbm>>) target(%arg9 : memref<125x64xbf16, #tpu.memory_space<vmem>>) offsets(%dma_start3A_39 : memref<125xi32, #tpu.memory_space<vmem>>) semaphore(%arg17 : memref<!tpu.dma_semaphore, #tpu.memory_space<semaphore_mem>>)
    %dma_start3A_43 = arith.constant 1 : i32
    %dma_start3A_44 = arith.constant 0 : i32
    %dma_start3A_45 = tpu.memref_slice %arg7[%dma_start3A_43, %dma_start3A_44] : memref<80x125xi32, #tpu.memory_space<vmem>> -> memref<1x125xi32, #tpu.memory_space<vmem>>
    %dma_start3A_46 = tpu.memref_squeeze %dma_start3A_45 : memref<1x125xi32, #tpu.memory_space<vmem>> -> memref<125xi32, #tpu.memory_space<vmem>>
    %dma_start3A_47 = arith.constant 0 : i32
    %dma_start3A_48 = arith.constant 0 : i32
    %dma_start3A_49 = tpu.memref_slice %arg2[%dma_start3A_47, %dma_start3A_48] : memref<10000x64xbf16, #tpu.memory_space<hbm>> -> memref<10000x64xbf16, #tpu.memory_space<hbm>>
    tpu.enqueue_indirect_dma source(%dma_start3A_49 : memref<10000x64xbf16, #tpu.memory_space<hbm>>) target(%arg10 : memref<125x64xbf16, #tpu.memory_space<vmem>>) offsets(%dma_start3A_46 : memref<125xi32, #tpu.memory_space<vmem>>) semaphore(%arg18 : memref<!tpu.dma_semaphore, #tpu.memory_space<semaphore_mem>>)
    %dma_start3A_50 = arith.constant 2 : i32
    %dma_start3A_51 = arith.constant 0 : i32
    %dma_start3A_52 = tpu.memref_slice %arg7[%dma_start3A_50, %dma_start3A_51] : memref<80x125xi32, #tpu.memory_space<vmem>> -> memref<1x125xi32, #tpu.memory_space<vmem>>
    %dma_start3A_53 = tpu.memref_squeeze %dma_start3A_52 : memref<1x125xi32, #tpu.memory_space<vmem>> -> memref<125xi32, #tpu.memory_space<vmem>>
    %dma_start3A_54 = arith.constant 0 : i32
    %dma_start3A_55 = arith.constant 0 : i32
    %dma_start3A_56 = tpu.memref_slice %arg2[%dma_start3A_54, %dma_start3A_55] : memref<10000x64xbf16, #tpu.memory_space<hbm>> -> memref<10000x64xbf16, #tpu.memory_space<hbm>>
    tpu.enqueue_indirect_dma source(%dma_start3A_56 : memref<10000x64xbf16, #tpu.memory_space<hbm>>) target(%arg11 : memref<125x64xbf16, #tpu.memory_space<vmem>>) offsets(%dma_start3A_53 : memref<125xi32, #tpu.memory_space<vmem>>) semaphore(%arg19 : memref<!tpu.dma_semaphore, #tpu.memory_space<semaphore_mem>>)
    %dma_start3A_57 = arith.constant 3 : i32
    %dma_start3A_58 = arith.constant 0 : i32
    %dma_start3A_59 = tpu.memref_slice %arg7[%dma_start3A_57, %dma_start3A_58] : memref<80x125xi32, #tpu.memory_space<vmem>> -> memref<1x125xi32, #tpu.memory_space<vmem>>
    %dma_start3A_60 = tpu.memref_squeeze %dma_start3A_59 : memref<1x125xi32, #tpu.memory_space<vmem>> -> memref<125xi32, #tpu.memory_space<vmem>>
    %dma_start3A_61 = arith.constant 0 : i32
    %dma_start3A_62 = arith.constant 0 : i32
    %dma_start3A_63 = tpu.memref_slice %arg2[%dma_start3A_61, %dma_start3A_62] : memref<10000x64xbf16, #tpu.memory_space<hbm>> -> memref<10000x64xbf16, #tpu.memory_space<hbm>>
    tpu.enqueue_indirect_dma source(%dma_start3A_63 : memref<10000x64xbf16, #tpu.memory_space<hbm>>) target(%arg12 : memref<125x64xbf16, #tpu.memory_space<vmem>>) offsets(%dma_start3A_60 : memref<125xi32, #tpu.memory_space<vmem>>) semaphore(%arg20 : memref<!tpu.dma_semaphore, #tpu.memory_space<semaphore_mem>>)
    %dma_wait3A_64 = arith.constant 0 : i32
    %dma_wait3A_65 = arith.constant 0 : i32
    %dma_wait3A_66 = tpu.memref_slice %arg7[%dma_wait3A_64, %dma_wait3A_65] : memref<80x125xi32, #tpu.memory_space<vmem>> -> memref<1x125xi32, #tpu.memory_space<vmem>>
    %dma_wait3A_67 = tpu.memref_squeeze %dma_wait3A_66 : memref<1x125xi32, #tpu.memory_space<vmem>> -> memref<125xi32, #tpu.memory_space<vmem>>
    %dma_wait3A_68 = arith.constant 0 : i32
    %dma_wait3A_69 = arith.constant 0 : i32
    %dma_wait3A_70 = tpu.memref_slice %arg2[%dma_wait3A_68, %dma_wait3A_69] : memref<10000x64xbf16, #tpu.memory_space<hbm>> -> memref<10000x64xbf16, #tpu.memory_space<hbm>>
    tpu.wait_indirect_dma semaphore(%arg17 : memref<!tpu.dma_semaphore, #tpu.memory_space<semaphore_mem>>) src(%dma_wait3A_70 : memref<10000x64xbf16, #tpu.memory_space<hbm>>) dst(%arg9 : memref<125x64xbf16, #tpu.memory_space<vmem>>)
    %dma_start3A_71 = arith.constant 0 : i32
    %dma_start3A_72 = arith.constant 0 : i32
    %dma_start3A_73 = tpu.memref_slice %arg8[%dma_start3A_71, %dma_start3A_72] : memref<80x125xi32, #tpu.memory_space<vmem>> -> memref<1x125xi32, #tpu.memory_space<vmem>>
    %dma_start3A_74 = tpu.memref_squeeze %dma_start3A_73 : memref<1x125xi32, #tpu.memory_space<vmem>> -> memref<125xi32, #tpu.memory_space<vmem>>
    %dma_start3A_75 = arith.constant 0 : i32
    %dma_start3A_76 = arith.constant 0 : i32
    %dma_start3A_77 = tpu.memref_slice %arg33[%dma_start3A_75, %dma_start3A_76] : memref<10000x64xbf16, #tpu.memory_space<vmem_shared>> -> memref<10000x64xbf16, #tpu.memory_space<vmem_shared>>
    tpu.enqueue_indirect_dma source(%arg9 : memref<125x64xbf16, #tpu.memory_space<vmem>>) target(%dma_start3A_77 : memref<10000x64xbf16, #tpu.memory_space<vmem_shared>>) offsets(%dma_start3A_74 : memref<125xi32, #tpu.memory_space<vmem>>) semaphore(%arg25 : memref<!tpu.dma_semaphore, #tpu.memory_space<semaphore_mem>>) {add = true}
    %dma_start3A_78 = arith.constant 4 : i32
    %dma_start3A_79 = arith.constant 0 : i32
    %dma_start3A_80 = tpu.memref_slice %arg7[%dma_start3A_78, %dma_start3A_79] : memref<80x125xi32, #tpu.memory_space<vmem>> -> memref<1x125xi32, #tpu.memory_space<vmem>>
    %dma_start3A_81 = tpu.memref_squeeze %dma_start3A_80 : memref<1x125xi32, #tpu.memory_space<vmem>> -> memref<125xi32, #tpu.memory_space<vmem>>
    %dma_start3A_82 = arith.constant 0 : i32
    %dma_start3A_83 = arith.constant 0 : i32
    %dma_start3A_84 = tpu.memref_slice %arg2[%dma_start3A_82, %dma_start3A_83] : memref<10000x64xbf16, #tpu.memory_space<hbm>> -> memref<10000x64xbf16, #tpu.memory_space<hbm>>
    tpu.enqueue_indirect_dma source(%dma_start3A_84 : memref<10000x64xbf16, #tpu.memory_space<hbm>>) target(%arg13 : memref<125x64xbf16, #tpu.memory_space<vmem>>) offsets(%dma_start3A_81 : memref<125xi32, #tpu.memory_space<vmem>>) semaphore(%arg21 : memref<!tpu.dma_semaphore, #tpu.memory_space<semaphore_mem>>)
    %dma_wait3A_85 = arith.constant 0 : i32
    %dma_wait3A_86 = arith.constant 0 : i32
    %dma_wait3A_87 = tpu.memref_slice %arg7[%dma_wait3A_85, %dma_wait3A_86] : memref<80x125xi32, #tpu.memory_space<vmem>> -> memref<1x125xi32, #tpu.memory_space<vmem>>
    %dma_wait3A_88 = tpu.memref_squeeze %dma_wait3A_87 : memref<1x125xi32, #tpu.memory_space<vmem>> -> memref<125xi32, #tpu.memory_space<vmem>>
    %dma_wait3A_89 = arith.constant 0 : i32
    %dma_wait3A_90 = arith.constant 0 : i32
    %dma_wait3A_91 = tpu.memref_slice %arg2[%dma_wait3A_89, %dma_wait3A_90] : memref<10000x64xbf16, #tpu.memory_space<hbm>> -> memref<10000x64xbf16, #tpu.memory_space<hbm>>
    tpu.wait_indirect_dma semaphore(%arg18 : memref<!tpu.dma_semaphore, #tpu.memory_space<semaphore_mem>>) src(%dma_wait3A_91 : memref<10000x64xbf16, #tpu.memory_space<hbm>>) dst(%arg10 : memref<125x64xbf16, #tpu.memory_space<vmem>>)
    %dma_start3A_92 = arith.constant 1 : i32
    %dma_start3A_93 = arith.constant 0 : i32
    %dma_start3A_94 = tpu.memref_slice %arg8[%dma_start3A_92, %dma_start3A_93] : memref<80x125xi32, #tpu.memory_space<vmem>> -> memref<1x125xi32, #tpu.memory_space<vmem>>
    %dma_start3A_95 = tpu.memref_squeeze %dma_start3A_94 : memref<1x125xi32, #tpu.memory_space<vmem>> -> memref<125xi32, #tpu.memory_space<vmem>>
    %dma_start3A_96 = arith.constant 0 : i32
    %dma_start3A_97 = arith.constant 0 : i32
    %dma_start3A_98 = tpu.memref_slice %arg33[%dma_start3A_96, %dma_start3A_97] : memref<10000x64xbf16, #tpu.memory_space<vmem_shared>> -> memref<10000x64xbf16, #tpu.memory_space<vmem_shared>>
    tpu.enqueue_indirect_dma source(%arg10 : memref<125x64xbf16, #tpu.memory_space<vmem>>) target(%dma_start3A_98 : memref<10000x64xbf16, #tpu.memory_space<vmem_shared>>) offsets(%dma_start3A_95 : memref<125xi32, #tpu.memory_space<vmem>>) semaphore(%arg26 : memref<!tpu.dma_semaphore, #tpu.memory_space<semaphore_mem>>) {add = true}
    %dma_start3A_99 = arith.constant 5 : i32
    %dma_start3A_100 = arith.constant 0 : i32
    %dma_start3A_101 = tpu.memref_slice %arg7[%dma_start3A_99, %dma_start3A_100] : memref<80x125xi32, #tpu.memory_space<vmem>> -> memref<1x125xi32, #tpu.memory_space<vmem>>
    %dma_start3A_102 = tpu.memref_squeeze %dma_start3A_101 : memref<1x125xi32, #tpu.memory_space<vmem>> -> memref<125xi32, #tpu.memory_space<vmem>>
    %dma_start3A_103 = arith.constant 0 : i32
    %dma_start3A_104 = arith.constant 0 : i32
    %dma_start3A_105 = tpu.memref_slice %arg2[%dma_start3A_103, %dma_start3A_104] : memref<10000x64xbf16, #tpu.memory_space<hbm>> -> memref<10000x64xbf16, #tpu.memory_space<hbm>>
    tpu.enqueue_indirect_dma source(%dma_start3A_105 : memref<10000x64xbf16, #tpu.memory_space<hbm>>) target(%arg14 : memref<125x64xbf16, #tpu.memory_space<vmem>>) offsets(%dma_start3A_102 : memref<125xi32, #tpu.memory_space<vmem>>) semaphore(%arg22 : memref<!tpu.dma_semaphore, #tpu.memory_space<semaphore_mem>>)
    %dma_wait3A_106 = arith.constant 0 : i32
    %dma_wait3A_107 = arith.constant 0 : i32
    %dma_wait3A_108 = tpu.memref_slice %arg7[%dma_wait3A_106, %dma_wait3A_107] : memref<80x125xi32, #tpu.memory_space<vmem>> -> memref<1x125xi32, #tpu.memory_space<vmem>>
    %dma_wait3A_109 = tpu.memref_squeeze %dma_wait3A_108 : memref<1x125xi32, #tpu.memory_space<vmem>> -> memref<125xi32, #tpu.memory_space<vmem>>
    %dma_wait3A_110 = arith.constant 0 : i32
    %dma_wait3A_111 = arith.constant 0 : i32
    %dma_wait3A_112 = tpu.memref_slice %arg2[%dma_wait3A_110, %dma_wait3A_111] : memref<10000x64xbf16, #tpu.memory_space<hbm>> -> memref<10000x64xbf16, #tpu.memory_space<hbm>>
    tpu.wait_indirect_dma semaphore(%arg19 : memref<!tpu.dma_semaphore, #tpu.memory_space<semaphore_mem>>) src(%dma_wait3A_112 : memref<10000x64xbf16, #tpu.memory_space<hbm>>) dst(%arg11 : memref<125x64xbf16, #tpu.memory_space<vmem>>)
    %dma_start3A_113 = arith.constant 2 : i32
    %dma_start3A_114 = arith.constant 0 : i32
    %dma_start3A_115 = tpu.memref_slice %arg8[%dma_start3A_113, %dma_start3A_114] : memref<80x125xi32, #tpu.memory_space<vmem>> -> memref<1x125xi32, #tpu.memory_space<vmem>>
    %dma_start3A_116 = tpu.memref_squeeze %dma_start3A_115 : memref<1x125xi32, #tpu.memory_space<vmem>> -> memref<125xi32, #tpu.memory_space<vmem>>
    %dma_start3A_117 = arith.constant 0 : i32
    %dma_start3A_118 = arith.constant 0 : i32
    %dma_start3A_119 = tpu.memref_slice %arg33[%dma_start3A_117, %dma_start3A_118] : memref<10000x64xbf16, #tpu.memory_space<vmem_shared>> -> memref<10000x64xbf16, #tpu.memory_space<vmem_shared>>
    tpu.enqueue_indirect_dma source(%arg11 : memref<125x64xbf16, #tpu.memory_space<vmem>>) target(%dma_start3A_119 : memref<10000x64xbf16, #tpu.memory_space<vmem_shared>>) offsets(%dma_start3A_116 : memref<125xi32, #tpu.memory_space<vmem>>) semaphore(%arg27 : memref<!tpu.dma_semaphore, #tpu.memory_space<semaphore_mem>>) {add = true}
    %dma_start3A_120 = arith.constant 6 : i32
    %dma_start3A_121 = arith.constant 0 : i32
    %dma_start3A_122 = tpu.memref_slice %arg7[%dma_start3A_120, %dma_start3A_121] : memref<80x125xi32, #tpu.memory_space<vmem>> -> memref<1x125xi32, #tpu.memory_space<vmem>>
    %dma_start3A_123 = tpu.memref_squeeze %dma_start3A_122 : memref<1x125xi32, #tpu.memory_space<vmem>> -> memref<125xi32, #tpu.memory_space<vmem>>
    %dma_start3A_124 = arith.constant 0 : i32
    %dma_start3A_125 = arith.constant 0 : i32
    %dma_start3A_126 = tpu.memref_slice %arg2[%dma_start3A_124, %dma_start3A_125] : memref<10000x64xbf16, #tpu.memory_space<hbm>> -> memref<10000x64xbf16, #tpu.memory_space<hbm>>
    tpu.enqueue_indirect_dma source(%dma_start3A_126 : memref<10000x64xbf16, #tpu.memory_space<hbm>>) target(%arg15 : memref<125x64xbf16, #tpu.memory_space<vmem>>) offsets(%dma_start3A_123 : memref<125xi32, #tpu.memory_space<vmem>>) semaphore(%arg23 : memref<!tpu.dma_semaphore, #tpu.memory_space<semaphore_mem>>)
    %dma_wait3A_127 = arith.constant 0 : i32
    %dma_wait3A_128 = arith.constant 0 : i32
    %dma_wait3A_129 = tpu.memref_slice %arg7[%dma_wait3A_127, %dma_wait3A_128] : memref<80x125xi32, #tpu.memory_space<vmem>> -> memref<1x125xi32, #tpu.memory_space<vmem>>
    %dma_wait3A_130 = tpu.memref_squeeze %dma_wait3A_129 : memref<1x125xi32, #tpu.memory_space<vmem>> -> memref<125xi32, #tpu.memory_space<vmem>>
    %dma_wait3A_131 = arith.constant 0 : i32
    %dma_wait3A_132 = arith.constant 0 : i32
    %dma_wait3A_133 = tpu.memref_slice %arg2[%dma_wait3A_131, %dma_wait3A_132] : memref<10000x64xbf16, #tpu.memory_space<hbm>> -> memref<10000x64xbf16, #tpu.memory_space<hbm>>
    tpu.wait_indirect_dma semaphore(%arg20 : memref<!tpu.dma_semaphore, #tpu.memory_space<semaphore_mem>>) src(%dma_wait3A_133 : memref<10000x64xbf16, #tpu.memory_space<hbm>>) dst(%arg12 : memref<125x64xbf16, #tpu.memory_space<vmem>>)
    %dma_start3A_134 = arith.constant 3 : i32
    %dma_start3A_135 = arith.constant 0 : i32
    %dma_start3A_136 = tpu.memref_slice %arg8[%dma_start3A_134, %dma_start3A_135] : memref<80x125xi32, #tpu.memory_space<vmem>> -> memref<1x125xi32, #tpu.memory_space<vmem>>
    %dma_start3A_137 = tpu.memref_squeeze %dma_start3A_136 : memref<1x125xi32, #tpu.memory_space<vmem>> -> memref<125xi32, #tpu.memory_space<vmem>>
    %dma_start3A_138 = arith.constant 0 : i32
    %dma_start3A_139 = arith.constant 0 : i32
    %dma_start3A_140 = tpu.memref_slice %arg33[%dma_start3A_138, %dma_start3A_139] : memref<10000x64xbf16, #tpu.memory_space<vmem_shared>> -> memref<10000x64xbf16, #tpu.memory_space<vmem_shared>>
    tpu.enqueue_indirect_dma source(%arg12 : memref<125x64xbf16, #tpu.memory_space<vmem>>) target(%dma_start3A_140 : memref<10000x64xbf16, #tpu.memory_space<vmem_shared>>) offsets(%dma_start3A_137 : memref<125xi32, #tpu.memory_space<vmem>>) semaphore(%arg28 : memref<!tpu.dma_semaphore, #tpu.memory_space<semaphore_mem>>) {add = true}
    %dma_start3A_141 = arith.constant 7 : i32
    %dma_start3A_142 = arith.constant 0 : i32
    %dma_start3A_143 = tpu.memref_slice %arg7[%dma_start3A_141, %dma_start3A_142] : memref<80x125xi32, #tpu.memory_space<vmem>> -> memref<1x125xi32, #tpu.memory_space<vmem>>
    %dma_start3A_144 = tpu.memref_squeeze %dma_start3A_143 : memref<1x125xi32, #tpu.memory_space<vmem>> -> memref<125xi32, #tpu.memory_space<vmem>>
    %dma_start3A_145 = arith.constant 0 : i32
    %dma_start3A_146 = arith.constant 0 : i32
    %dma_start3A_147 = tpu.memref_slice %arg2[%dma_start3A_145, %dma_start3A_146] : memref<10000x64xbf16, #tpu.memory_space<hbm>> -> memref<10000x64xbf16, #tpu.memory_space<hbm>>
    tpu.enqueue_indirect_dma source(%dma_start3A_147 : memref<10000x64xbf16, #tpu.memory_space<hbm>>) target(%arg16 : memref<125x64xbf16, #tpu.memory_space<vmem>>) offsets(%dma_start3A_144 : memref<125xi32, #tpu.memory_space<vmem>>) semaphore(%arg24 : memref<!tpu.dma_semaphore, #tpu.memory_space<semaphore_mem>>)
    %scan3A_148 = arith.constant 0 : i32
    %scan3A_149 = arith.constant 0 : i32
    %scan3A_150 = arith.constant 10 : i32
    %scan3A_151 = arith.addi %scan3A_149, %scan3A_150 : i32
    %scan3A_152 = arith.constant 1 : i32
    scf.for %scan3A_189 = %scan3A_149 to %scan3A_151 step %scan3A_152  : i32 {
      %mul3A_190 = arith.constant 8 : i32
      %mul3A_191 = arith.muli %scan3A_189, %mul3A_190 : i32
      %add3A_192 = arith.constant 4 : i32
      %add3A_193 = arith.addi %add3A_192, %mul3A_191 : i32
      %add3A_194 = arith.constant 0 : i32
      %add3A_195 = arith.addi %add3A_193, %add3A_194 : i32
      %lt3A = arith.constant 80 : i32
      %lt3A_196 = arith.cmpi slt, %add3A_195, %lt3A : i32
      %convert_element_type3A = arith.extui %lt3A_196 : i1 to i32
      %cond3A = arith.constant 0 : i32
      %cond3A_197 = arith.cmpi ne, %convert_element_type3A, %cond3A : i32
      scf.if %cond3A_197 {
        %dma_wait3A_275 = arith.constant 0 : i32
        %dma_wait3A_276 = arith.constant 0 : i32
        %dma_wait3A_277 = tpu.memref_slice %arg7[%dma_wait3A_275, %dma_wait3A_276] : memref<80x125xi32, #tpu.memory_space<vmem>> -> memref<1x125xi32, #tpu.memory_space<vmem>>
        %dma_wait3A_278 = tpu.memref_squeeze %dma_wait3A_277 : memref<1x125xi32, #tpu.memory_space<vmem>> -> memref<125xi32, #tpu.memory_space<vmem>>
        %dma_wait3A_279 = arith.constant 0 : i32
        %dma_wait3A_280 = arith.constant 0 : i32
        %dma_wait3A_281 = tpu.memref_slice %arg2[%dma_wait3A_279, %dma_wait3A_280] : memref<10000x64xbf16, #tpu.memory_space<hbm>> -> memref<10000x64xbf16, #tpu.memory_space<hbm>>
        tpu.wait_indirect_dma semaphore(%arg21 : memref<!tpu.dma_semaphore, #tpu.memory_space<semaphore_mem>>) src(%dma_wait3A_281 : memref<10000x64xbf16, #tpu.memory_space<hbm>>) dst(%arg13 : memref<125x64xbf16, #tpu.memory_space<vmem>>)
        %dma_start3A_282 = arith.constant 0 : i32
        %dma_start3A_283 = tpu.memref_slice %arg8[%add3A_195, %dma_start3A_282] : memref<80x125xi32, #tpu.memory_space<vmem>> -> memref<1x125xi32, #tpu.memory_space<vmem>>
        %dma_start3A_284 = tpu.memref_squeeze %dma_start3A_283 : memref<1x125xi32, #tpu.memory_space<vmem>> -> memref<125xi32, #tpu.memory_space<vmem>>
        %dma_start3A_285 = arith.constant 0 : i32
        %dma_start3A_286 = arith.constant 0 : i32
        %dma_start3A_287 = tpu.memref_slice %arg33[%dma_start3A_285, %dma_start3A_286] : memref<10000x64xbf16, #tpu.memory_space<vmem_shared>> -> memref<10000x64xbf16, #tpu.memory_space<vmem_shared>>
        tpu.enqueue_indirect_dma source(%arg13 : memref<125x64xbf16, #tpu.memory_space<vmem>>) target(%dma_start3A_287 : memref<10000x64xbf16, #tpu.memory_space<vmem_shared>>) offsets(%dma_start3A_284 : memref<125xi32, #tpu.memory_space<vmem>>) semaphore(%arg29 : memref<!tpu.dma_semaphore, #tpu.memory_space<semaphore_mem>>) {add = true}
        %dma_wait3A_288 = arith.constant 0 : i32
        %dma_wait3A_289 = arith.constant 0 : i32
        %dma_wait3A_290 = tpu.memref_slice %arg8[%dma_wait3A_288, %dma_wait3A_289] : memref<80x125xi32, #tpu.memory_space<vmem>> -> memref<1x125xi32, #tpu.memory_space<vmem>>
        %dma_wait3A_291 = tpu.memref_squeeze %dma_wait3A_290 : memref<1x125xi32, #tpu.memory_space<vmem>> -> memref<125xi32, #tpu.memory_space<vmem>>
        %dma_wait3A_292 = arith.constant 0 : i32
        %dma_wait3A_293 = arith.constant 0 : i32
        %dma_wait3A_294 = tpu.memref_slice %arg33[%dma_wait3A_292, %dma_wait3A_293] : memref<10000x64xbf16, #tpu.memory_space<vmem_shared>> -> memref<10000x64xbf16, #tpu.memory_space<vmem_shared>>
        tpu.wait_indirect_dma semaphore(%arg25 : memref<!tpu.dma_semaphore, #tpu.memory_space<semaphore_mem>>) src(%arg9 : memref<125x64xbf16, #tpu.memory_space<vmem>>) dst(%dma_wait3A_294 : memref<10000x64xbf16, #tpu.memory_space<vmem_shared>>)
        %add3A_295 = arith.constant 4 : i32
        %add3A_296 = arith.addi %add3A_195, %add3A_295 : i32
        %lt3A_297 = arith.constant 80 : i32
        %lt3A_298 = arith.cmpi slt, %add3A_296, %lt3A_297 : i32
        %convert_element_type3A_299 = arith.extui %lt3A_298 : i1 to i32
        %cond3A_300 = arith.constant 0 : i32
        %cond3A_301 = arith.cmpi ne, %convert_element_type3A_299, %cond3A_300 : i32
        scf.if %cond3A_301 {
          %add3A_302 = arith.constant 4 : i32
          %add3A_303 = arith.addi %add3A_195, %add3A_302 : i32
          %dma_start3A_304 = arith.constant 0 : i32
          %dma_start3A_305 = tpu.memref_slice %arg7[%add3A_303, %dma_start3A_304] : memref<80x125xi32, #tpu.memory_space<vmem>> -> memref<1x125xi32, #tpu.memory_space<vmem>>
          %dma_start3A_306 = tpu.memref_squeeze %dma_start3A_305 : memref<1x125xi32, #tpu.memory_space<vmem>> -> memref<125xi32, #tpu.memory_space<vmem>>
          %dma_start3A_307 = arith.constant 0 : i32
          %dma_start3A_308 = arith.constant 0 : i32
          %dma_start3A_309 = tpu.memref_slice %arg2[%dma_start3A_307, %dma_start3A_308] : memref<10000x64xbf16, #tpu.memory_space<hbm>> -> memref<10000x64xbf16, #tpu.memory_space<hbm>>
          tpu.enqueue_indirect_dma source(%dma_start3A_309 : memref<10000x64xbf16, #tpu.memory_space<hbm>>) target(%arg9 : memref<125x64xbf16, #tpu.memory_space<vmem>>) offsets(%dma_start3A_306 : memref<125xi32, #tpu.memory_space<vmem>>) semaphore(%arg17 : memref<!tpu.dma_semaphore, #tpu.memory_space<semaphore_mem>>)
        } else {
        }
      } else {
      }
      %mul3A_198 = arith.constant 8 : i32
      %mul3A_199 = arith.muli %scan3A_189, %mul3A_198 : i32
      %add3A_200 = arith.constant 4 : i32
      %add3A_201 = arith.addi %add3A_200, %mul3A_199 : i32
      %add3A_202 = arith.constant 1 : i32
      %add3A_203 = arith.addi %add3A_201, %add3A_202 : i32
      %lt3A_204 = arith.constant 80 : i32
      %lt3A_205 = arith.cmpi slt, %add3A_203, %lt3A_204 : i32
      %convert_element_type3A_206 = arith.extui %lt3A_205 : i1 to i32
      %cond3A_207 = arith.constant 0 : i32
      %cond3A_208 = arith.cmpi ne, %convert_element_type3A_206, %cond3A_207 : i32
      scf.if %cond3A_208 {
        %dma_wait3A_275 = arith.constant 0 : i32
        %dma_wait3A_276 = arith.constant 0 : i32
        %dma_wait3A_277 = tpu.memref_slice %arg7[%dma_wait3A_275, %dma_wait3A_276] : memref<80x125xi32, #tpu.memory_space<vmem>> -> memref<1x125xi32, #tpu.memory_space<vmem>>
        %dma_wait3A_278 = tpu.memref_squeeze %dma_wait3A_277 : memref<1x125xi32, #tpu.memory_space<vmem>> -> memref<125xi32, #tpu.memory_space<vmem>>
        %dma_wait3A_279 = arith.constant 0 : i32
        %dma_wait3A_280 = arith.constant 0 : i32
        %dma_wait3A_281 = tpu.memref_slice %arg2[%dma_wait3A_279, %dma_wait3A_280] : memref<10000x64xbf16, #tpu.memory_space<hbm>> -> memref<10000x64xbf16, #tpu.memory_space<hbm>>
        tpu.wait_indirect_dma semaphore(%arg22 : memref<!tpu.dma_semaphore, #tpu.memory_space<semaphore_mem>>) src(%dma_wait3A_281 : memref<10000x64xbf16, #tpu.memory_space<hbm>>) dst(%arg14 : memref<125x64xbf16, #tpu.memory_space<vmem>>)
        %dma_start3A_282 = arith.constant 0 : i32
        %dma_start3A_283 = tpu.memref_slice %arg8[%add3A_203, %dma_start3A_282] : memref<80x125xi32, #tpu.memory_space<vmem>> -> memref<1x125xi32, #tpu.memory_space<vmem>>
        %dma_start3A_284 = tpu.memref_squeeze %dma_start3A_283 : memref<1x125xi32, #tpu.memory_space<vmem>> -> memref<125xi32, #tpu.memory_space<vmem>>
        %dma_start3A_285 = arith.constant 0 : i32
        %dma_start3A_286 = arith.constant 0 : i32
        %dma_start3A_287 = tpu.memref_slice %arg33[%dma_start3A_285, %dma_start3A_286] : memref<10000x64xbf16, #tpu.memory_space<vmem_shared>> -> memref<10000x64xbf16, #tpu.memory_space<vmem_shared>>
        tpu.enqueue_indirect_dma source(%arg14 : memref<125x64xbf16, #tpu.memory_space<vmem>>) target(%dma_start3A_287 : memref<10000x64xbf16, #tpu.memory_space<vmem_shared>>) offsets(%dma_start3A_284 : memref<125xi32, #tpu.memory_space<vmem>>) semaphore(%arg30 : memref<!tpu.dma_semaphore, #tpu.memory_space<semaphore_mem>>) {add = true}
        %dma_wait3A_288 = arith.constant 0 : i32
        %dma_wait3A_289 = arith.constant 0 : i32
        %dma_wait3A_290 = tpu.memref_slice %arg8[%dma_wait3A_288, %dma_wait3A_289] : memref<80x125xi32, #tpu.memory_space<vmem>> -> memref<1x125xi32, #tpu.memory_space<vmem>>
        %dma_wait3A_291 = tpu.memref_squeeze %dma_wait3A_290 : memref<1x125xi32, #tpu.memory_space<vmem>> -> memref<125xi32, #tpu.memory_space<vmem>>
        %dma_wait3A_292 = arith.constant 0 : i32
        %dma_wait3A_293 = arith.constant 0 : i32
        %dma_wait3A_294 = tpu.memref_slice %arg33[%dma_wait3A_292, %dma_wait3A_293] : memref<10000x64xbf16, #tpu.memory_space<vmem_shared>> -> memref<10000x64xbf16, #tpu.memory_space<vmem_shared>>
        tpu.wait_indirect_dma semaphore(%arg26 : memref<!tpu.dma_semaphore, #tpu.memory_space<semaphore_mem>>) src(%arg10 : memref<125x64xbf16, #tpu.memory_space<vmem>>) dst(%dma_wait3A_294 : memref<10000x64xbf16, #tpu.memory_space<vmem_shared>>)
        %add3A_295 = arith.constant 4 : i32
        %add3A_296 = arith.addi %add3A_203, %add3A_295 : i32
        %lt3A_297 = arith.constant 80 : i32
        %lt3A_298 = arith.cmpi slt, %add3A_296, %lt3A_297 : i32
        %convert_element_type3A_299 = arith.extui %lt3A_298 : i1 to i32
        %cond3A_300 = arith.constant 0 : i32
        %cond3A_301 = arith.cmpi ne, %convert_element_type3A_299, %cond3A_300 : i32
        scf.if %cond3A_301 {
          %add3A_302 = arith.constant 4 : i32
          %add3A_303 = arith.addi %add3A_203, %add3A_302 : i32
          %dma_start3A_304 = arith.constant 0 : i32
          %dma_start3A_305 = tpu.memref_slice %arg7[%add3A_303, %dma_start3A_304] : memref<80x125xi32, #tpu.memory_space<vmem>> -> memref<1x125xi32, #tpu.memory_space<vmem>>
          %dma_start3A_306 = tpu.memref_squeeze %dma_start3A_305 : memref<1x125xi32, #tpu.memory_space<vmem>> -> memref<125xi32, #tpu.memory_space<vmem>>
          %dma_start3A_307 = arith.constant 0 : i32
          %dma_start3A_308 = arith.constant 0 : i32
          %dma_start3A_309 = tpu.memref_slice %arg2[%dma_start3A_307, %dma_start3A_308] : memref<10000x64xbf16, #tpu.memory_space<hbm>> -> memref<10000x64xbf16, #tpu.memory_space<hbm>>
          tpu.enqueue_indirect_dma source(%dma_start3A_309 : memref<10000x64xbf16, #tpu.memory_space<hbm>>) target(%arg10 : memref<125x64xbf16, #tpu.memory_space<vmem>>) offsets(%dma_start3A_306 : memref<125xi32, #tpu.memory_space<vmem>>) semaphore(%arg18 : memref<!tpu.dma_semaphore, #tpu.memory_space<semaphore_mem>>)
        } else {
        }
      } else {
      }
      %mul3A_209 = arith.constant 8 : i32
      %mul3A_210 = arith.muli %scan3A_189, %mul3A_209 : i32
      %add3A_211 = arith.constant 4 : i32
      %add3A_212 = arith.addi %add3A_211, %mul3A_210 : i32
      %add3A_213 = arith.constant 2 : i32
      %add3A_214 = arith.addi %add3A_212, %add3A_213 : i32
      %lt3A_215 = arith.constant 80 : i32
      %lt3A_216 = arith.cmpi slt, %add3A_214, %lt3A_215 : i32
      %convert_element_type3A_217 = arith.extui %lt3A_216 : i1 to i32
      %cond3A_218 = arith.constant 0 : i32
      %cond3A_219 = arith.cmpi ne, %convert_element_type3A_217, %cond3A_218 : i32
      scf.if %cond3A_219 {
        %dma_wait3A_275 = arith.constant 0 : i32
        %dma_wait3A_276 = arith.constant 0 : i32
        %dma_wait3A_277 = tpu.memref_slice %arg7[%dma_wait3A_275, %dma_wait3A_276] : memref<80x125xi32, #tpu.memory_space<vmem>> -> memref<1x125xi32, #tpu.memory_space<vmem>>
        %dma_wait3A_278 = tpu.memref_squeeze %dma_wait3A_277 : memref<1x125xi32, #tpu.memory_space<vmem>> -> memref<125xi32, #tpu.memory_space<vmem>>
        %dma_wait3A_279 = arith.constant 0 : i32
        %dma_wait3A_280 = arith.constant 0 : i32
        %dma_wait3A_281 = tpu.memref_slice %arg2[%dma_wait3A_279, %dma_wait3A_280] : memref<10000x64xbf16, #tpu.memory_space<hbm>> -> memref<10000x64xbf16, #tpu.memory_space<hbm>>
        tpu.wait_indirect_dma semaphore(%arg23 : memref<!tpu.dma_semaphore, #tpu.memory_space<semaphore_mem>>) src(%dma_wait3A_281 : memref<10000x64xbf16, #tpu.memory_space<hbm>>) dst(%arg15 : memref<125x64xbf16, #tpu.memory_space<vmem>>)
        %dma_start3A_282 = arith.constant 0 : i32
        %dma_start3A_283 = tpu.memref_slice %arg8[%add3A_214, %dma_start3A_282] : memref<80x125xi32, #tpu.memory_space<vmem>> -> memref<1x125xi32, #tpu.memory_space<vmem>>
        %dma_start3A_284 = tpu.memref_squeeze %dma_start3A_283 : memref<1x125xi32, #tpu.memory_space<vmem>> -> memref<125xi32, #tpu.memory_space<vmem>>
        %dma_start3A_285 = arith.constant 0 : i32
        %dma_start3A_286 = arith.constant 0 : i32
        %dma_start3A_287 = tpu.memref_slice %arg33[%dma_start3A_285, %dma_start3A_286] : memref<10000x64xbf16, #tpu.memory_space<vmem_shared>> -> memref<10000x64xbf16, #tpu.memory_space<vmem_shared>>
        tpu.enqueue_indirect_dma source(%arg15 : memref<125x64xbf16, #tpu.memory_space<vmem>>) target(%dma_start3A_287 : memref<10000x64xbf16, #tpu.memory_space<vmem_shared>>) offsets(%dma_start3A_284 : memref<125xi32, #tpu.memory_space<vmem>>) semaphore(%arg31 : memref<!tpu.dma_semaphore, #tpu.memory_space<semaphore_mem>>) {add = true}
        %dma_wait3A_288 = arith.constant 0 : i32
        %dma_wait3A_289 = arith.constant 0 : i32
        %dma_wait3A_290 = tpu.memref_slice %arg8[%dma_wait3A_288, %dma_wait3A_289] : memref<80x125xi32, #tpu.memory_space<vmem>> -> memref<1x125xi32, #tpu.memory_space<vmem>>
        %dma_wait3A_291 = tpu.memref_squeeze %dma_wait3A_290 : memref<1x125xi32, #tpu.memory_space<vmem>> -> memref<125xi32, #tpu.memory_space<vmem>>
        %dma_wait3A_292 = arith.constant 0 : i32
        %dma_wait3A_293 = arith.constant 0 : i32
        %dma_wait3A_294 = tpu.memref_slice %arg33[%dma_wait3A_292, %dma_wait3A_293] : memref<10000x64xbf16, #tpu.memory_space<vmem_shared>> -> memref<10000x64xbf16, #tpu.memory_space<vmem_shared>>
        tpu.wait_indirect_dma semaphore(%arg27 : memref<!tpu.dma_semaphore, #tpu.memory_space<semaphore_mem>>) src(%arg11 : memref<125x64xbf16, #tpu.memory_space<vmem>>) dst(%dma_wait3A_294 : memref<10000x64xbf16, #tpu.memory_space<vmem_shared>>)
        %add3A_295 = arith.constant 4 : i32
        %add3A_296 = arith.addi %add3A_214, %add3A_295 : i32
        %lt3A_297 = arith.constant 80 : i32
        %lt3A_298 = arith.cmpi slt, %add3A_296, %lt3A_297 : i32
        %convert_element_type3A_299 = arith.extui %lt3A_298 : i1 to i32
        %cond3A_300 = arith.constant 0 : i32
        %cond3A_301 = arith.cmpi ne, %convert_element_type3A_299, %cond3A_300 : i32
        scf.if %cond3A_301 {
          %add3A_302 = arith.constant 4 : i32
          %add3A_303 = arith.addi %add3A_214, %add3A_302 : i32
          %dma_start3A_304 = arith.constant 0 : i32
          %dma_start3A_305 = tpu.memref_slice %arg7[%add3A_303, %dma_start3A_304] : memref<80x125xi32, #tpu.memory_space<vmem>> -> memref<1x125xi32, #tpu.memory_space<vmem>>
          %dma_start3A_306 = tpu.memref_squeeze %dma_start3A_305 : memref<1x125xi32, #tpu.memory_space<vmem>> -> memref<125xi32, #tpu.memory_space<vmem>>
          %dma_start3A_307 = arith.constant 0 : i32
          %dma_start3A_308 = arith.constant 0 : i32
          %dma_start3A_309 = tpu.memref_slice %arg2[%dma_start3A_307, %dma_start3A_308] : memref<10000x64xbf16, #tpu.memory_space<hbm>> -> memref<10000x64xbf16, #tpu.memory_space<hbm>>
          tpu.enqueue_indirect_dma source(%dma_start3A_309 : memref<10000x64xbf16, #tpu.memory_space<hbm>>) target(%arg11 : memref<125x64xbf16, #tpu.memory_space<vmem>>) offsets(%dma_start3A_306 : memref<125xi32, #tpu.memory_space<vmem>>) semaphore(%arg19 : memref<!tpu.dma_semaphore, #tpu.memory_space<semaphore_mem>>)
        } else {
        }
      } else {
      }
      %mul3A_220 = arith.constant 8 : i32
      %mul3A_221 = arith.muli %scan3A_189, %mul3A_220 : i32
      %add3A_222 = arith.constant 4 : i32
      %add3A_223 = arith.addi %add3A_222, %mul3A_221 : i32
      %add3A_224 = arith.constant 3 : i32
      %add3A_225 = arith.addi %add3A_223, %add3A_224 : i32
      %lt3A_226 = arith.constant 80 : i32
      %lt3A_227 = arith.cmpi slt, %add3A_225, %lt3A_226 : i32
      %convert_element_type3A_228 = arith.extui %lt3A_227 : i1 to i32
      %cond3A_229 = arith.constant 0 : i32
      %cond3A_230 = arith.cmpi ne, %convert_element_type3A_228, %cond3A_229 : i32
      scf.if %cond3A_230 {
        %dma_wait3A_275 = arith.constant 0 : i32
        %dma_wait3A_276 = arith.constant 0 : i32
        %dma_wait3A_277 = tpu.memref_slice %arg7[%dma_wait3A_275, %dma_wait3A_276] : memref<80x125xi32, #tpu.memory_space<vmem>> -> memref<1x125xi32, #tpu.memory_space<vmem>>
        %dma_wait3A_278 = tpu.memref_squeeze %dma_wait3A_277 : memref<1x125xi32, #tpu.memory_space<vmem>> -> memref<125xi32, #tpu.memory_space<vmem>>
        %dma_wait3A_279 = arith.constant 0 : i32
        %dma_wait3A_280 = arith.constant 0 : i32
        %dma_wait3A_281 = tpu.memref_slice %arg2[%dma_wait3A_279, %dma_wait3A_280] : memref<10000x64xbf16, #tpu.memory_space<hbm>> -> memref<10000x64xbf16, #tpu.memory_space<hbm>>
        tpu.wait_indirect_dma semaphore(%arg24 : memref<!tpu.dma_semaphore, #tpu.memory_space<semaphore_mem>>) src(%dma_wait3A_281 : memref<10000x64xbf16, #tpu.memory_space<hbm>>) dst(%arg16 : memref<125x64xbf16, #tpu.memory_space<vmem>>)
        %dma_start3A_282 = arith.constant 0 : i32
        %dma_start3A_283 = tpu.memref_slice %arg8[%add3A_225, %dma_start3A_282] : memref<80x125xi32, #tpu.memory_space<vmem>> -> memref<1x125xi32, #tpu.memory_space<vmem>>
        %dma_start3A_284 = tpu.memref_squeeze %dma_start3A_283 : memref<1x125xi32, #tpu.memory_space<vmem>> -> memref<125xi32, #tpu.memory_space<vmem>>
        %dma_start3A_285 = arith.constant 0 : i32
        %dma_start3A_286 = arith.constant 0 : i32
        %dma_start3A_287 = tpu.memref_slice %arg33[%dma_start3A_285, %dma_start3A_286] : memref<10000x64xbf16, #tpu.memory_space<vmem_shared>> -> memref<10000x64xbf16, #tpu.memory_space<vmem_shared>>
        tpu.enqueue_indirect_dma source(%arg16 : memref<125x64xbf16, #tpu.memory_space<vmem>>) target(%dma_start3A_287 : memref<10000x64xbf16, #tpu.memory_space<vmem_shared>>) offsets(%dma_start3A_284 : memref<125xi32, #tpu.memory_space<vmem>>) semaphore(%arg32 : memref<!tpu.dma_semaphore, #tpu.memory_space<semaphore_mem>>) {add = true}
        %dma_wait3A_288 = arith.constant 0 : i32
        %dma_wait3A_289 = arith.constant 0 : i32
        %dma_wait3A_290 = tpu.memref_slice %arg8[%dma_wait3A_288, %dma_wait3A_289] : memref<80x125xi32, #tpu.memory_space<vmem>> -> memref<1x125xi32, #tpu.memory_space<vmem>>
        %dma_wait3A_291 = tpu.memref_squeeze %dma_wait3A_290 : memref<1x125xi32, #tpu.memory_space<vmem>> -> memref<125xi32, #tpu.memory_space<vmem>>
        %dma_wait3A_292 = arith.constant 0 : i32
        %dma_wait3A_293 = arith.constant 0 : i32
        %dma_wait3A_294 = tpu.memref_slice %arg33[%dma_wait3A_292, %dma_wait3A_293] : memref<10000x64xbf16, #tpu.memory_space<vmem_shared>> -> memref<10000x64xbf16, #tpu.memory_space<vmem_shared>>
        tpu.wait_indirect_dma semaphore(%arg28 : memref<!tpu.dma_semaphore, #tpu.memory_space<semaphore_mem>>) src(%arg12 : memref<125x64xbf16, #tpu.memory_space<vmem>>) dst(%dma_wait3A_294 : memref<10000x64xbf16, #tpu.memory_space<vmem_shared>>)
        %add3A_295 = arith.constant 4 : i32
        %add3A_296 = arith.addi %add3A_225, %add3A_295 : i32
        %lt3A_297 = arith.constant 80 : i32
        %lt3A_298 = arith.cmpi slt, %add3A_296, %lt3A_297 : i32
        %convert_element_type3A_299 = arith.extui %lt3A_298 : i1 to i32
        %cond3A_300 = arith.constant 0 : i32
        %cond3A_301 = arith.cmpi ne, %convert_element_type3A_299, %cond3A_300 : i32
        scf.if %cond3A_301 {
          %add3A_302 = arith.constant 4 : i32
          %add3A_303 = arith.addi %add3A_225, %add3A_302 : i32
          %dma_start3A_304 = arith.constant 0 : i32
          %dma_start3A_305 = tpu.memref_slice %arg7[%add3A_303, %dma_start3A_304] : memref<80x125xi32, #tpu.memory_space<vmem>> -> memref<1x125xi32, #tpu.memory_space<vmem>>
          %dma_start3A_306 = tpu.memref_squeeze %dma_start3A_305 : memref<1x125xi32, #tpu.memory_space<vmem>> -> memref<125xi32, #tpu.memory_space<vmem>>
          %dma_start3A_307 = arith.constant 0 : i32
          %dma_start3A_308 = arith.constant 0 : i32
          %dma_start3A_309 = tpu.memref_slice %arg2[%dma_start3A_307, %dma_start3A_308] : memref<10000x64xbf16, #tpu.memory_space<hbm>> -> memref<10000x64xbf16, #tpu.memory_space<hbm>>
          tpu.enqueue_indirect_dma source(%dma_start3A_309 : memref<10000x64xbf16, #tpu.memory_space<hbm>>) target(%arg12 : memref<125x64xbf16, #tpu.memory_space<vmem>>) offsets(%dma_start3A_306 : memref<125xi32, #tpu.memory_space<vmem>>) semaphore(%arg20 : memref<!tpu.dma_semaphore, #tpu.memory_space<semaphore_mem>>)
        } else {
        }
      } else {
      }
      %mul3A_231 = arith.constant 8 : i32
      %mul3A_232 = arith.muli %scan3A_189, %mul3A_231 : i32
      %add3A_233 = arith.constant 4 : i32
      %add3A_234 = arith.addi %add3A_233, %mul3A_232 : i32
      %add3A_235 = arith.constant 4 : i32
      %add3A_236 = arith.addi %add3A_234, %add3A_235 : i32
      %lt3A_237 = arith.constant 80 : i32
      %lt3A_238 = arith.cmpi slt, %add3A_236, %lt3A_237 : i32
      %convert_element_type3A_239 = arith.extui %lt3A_238 : i1 to i32
      %cond3A_240 = arith.constant 0 : i32
      %cond3A_241 = arith.cmpi ne, %convert_element_type3A_239, %cond3A_240 : i32
      scf.if %cond3A_241 {
        %dma_wait3A_275 = arith.constant 0 : i32
        %dma_wait3A_276 = arith.constant 0 : i32
        %dma_wait3A_277 = tpu.memref_slice %arg7[%dma_wait3A_275, %dma_wait3A_276] : memref<80x125xi32, #tpu.memory_space<vmem>> -> memref<1x125xi32, #tpu.memory_space<vmem>>
        %dma_wait3A_278 = tpu.memref_squeeze %dma_wait3A_277 : memref<1x125xi32, #tpu.memory_space<vmem>> -> memref<125xi32, #tpu.memory_space<vmem>>
        %dma_wait3A_279 = arith.constant 0 : i32
        %dma_wait3A_280 = arith.constant 0 : i32
        %dma_wait3A_281 = tpu.memref_slice %arg2[%dma_wait3A_279, %dma_wait3A_280] : memref<10000x64xbf16, #tpu.memory_space<hbm>> -> memref<10000x64xbf16, #tpu.memory_space<hbm>>
        tpu.wait_indirect_dma semaphore(%arg17 : memref<!tpu.dma_semaphore, #tpu.memory_space<semaphore_mem>>) src(%dma_wait3A_281 : memref<10000x64xbf16, #tpu.memory_space<hbm>>) dst(%arg9 : memref<125x64xbf16, #tpu.memory_space<vmem>>)
        %dma_start3A_282 = arith.constant 0 : i32
        %dma_start3A_283 = tpu.memref_slice %arg8[%add3A_236, %dma_start3A_282] : memref<80x125xi32, #tpu.memory_space<vmem>> -> memref<1x125xi32, #tpu.memory_space<vmem>>
        %dma_start3A_284 = tpu.memref_squeeze %dma_start3A_283 : memref<1x125xi32, #tpu.memory_space<vmem>> -> memref<125xi32, #tpu.memory_space<vmem>>
        %dma_start3A_285 = arith.constant 0 : i32
        %dma_start3A_286 = arith.constant 0 : i32
        %dma_start3A_287 = tpu.memref_slice %arg33[%dma_start3A_285, %dma_start3A_286] : memref<10000x64xbf16, #tpu.memory_space<vmem_shared>> -> memref<10000x64xbf16, #tpu.memory_space<vmem_shared>>
        tpu.enqueue_indirect_dma source(%arg9 : memref<125x64xbf16, #tpu.memory_space<vmem>>) target(%dma_start3A_287 : memref<10000x64xbf16, #tpu.memory_space<vmem_shared>>) offsets(%dma_start3A_284 : memref<125xi32, #tpu.memory_space<vmem>>) semaphore(%arg25 : memref<!tpu.dma_semaphore, #tpu.memory_space<semaphore_mem>>) {add = true}
        %dma_wait3A_288 = arith.constant 0 : i32
        %dma_wait3A_289 = arith.constant 0 : i32
        %dma_wait3A_290 = tpu.memref_slice %arg8[%dma_wait3A_288, %dma_wait3A_289] : memref<80x125xi32, #tpu.memory_space<vmem>> -> memref<1x125xi32, #tpu.memory_space<vmem>>
        %dma_wait3A_291 = tpu.memref_squeeze %dma_wait3A_290 : memref<1x125xi32, #tpu.memory_space<vmem>> -> memref<125xi32, #tpu.memory_space<vmem>>
        %dma_wait3A_292 = arith.constant 0 : i32
        %dma_wait3A_293 = arith.constant 0 : i32
        %dma_wait3A_294 = tpu.memref_slice %arg33[%dma_wait3A_292, %dma_wait3A_293] : memref<10000x64xbf16, #tpu.memory_space<vmem_shared>> -> memref<10000x64xbf16, #tpu.memory_space<vmem_shared>>
        tpu.wait_indirect_dma semaphore(%arg29 : memref<!tpu.dma_semaphore, #tpu.memory_space<semaphore_mem>>) src(%arg13 : memref<125x64xbf16, #tpu.memory_space<vmem>>) dst(%dma_wait3A_294 : memref<10000x64xbf16, #tpu.memory_space<vmem_shared>>)
        %add3A_295 = arith.constant 4 : i32
        %add3A_296 = arith.addi %add3A_236, %add3A_295 : i32
        %lt3A_297 = arith.constant 80 : i32
        %lt3A_298 = arith.cmpi slt, %add3A_296, %lt3A_297 : i32
        %convert_element_type3A_299 = arith.extui %lt3A_298 : i1 to i32
        %cond3A_300 = arith.constant 0 : i32
        %cond3A_301 = arith.cmpi ne, %convert_element_type3A_299, %cond3A_300 : i32
        scf.if %cond3A_301 {
          %add3A_302 = arith.constant 4 : i32
          %add3A_303 = arith.addi %add3A_236, %add3A_302 : i32
          %dma_start3A_304 = arith.constant 0 : i32
          %dma_start3A_305 = tpu.memref_slice %arg7[%add3A_303, %dma_start3A_304] : memref<80x125xi32, #tpu.memory_space<vmem>> -> memref<1x125xi32, #tpu.memory_space<vmem>>
          %dma_start3A_306 = tpu.memref_squeeze %dma_start3A_305 : memref<1x125xi32, #tpu.memory_space<vmem>> -> memref<125xi32, #tpu.memory_space<vmem>>
          %dma_start3A_307 = arith.constant 0 : i32
          %dma_start3A_308 = arith.constant 0 : i32
          %dma_start3A_309 = tpu.memref_slice %arg2[%dma_start3A_307, %dma_start3A_308] : memref<10000x64xbf16, #tpu.memory_space<hbm>> -> memref<10000x64xbf16, #tpu.memory_space<hbm>>
          tpu.enqueue_indirect_dma source(%dma_start3A_309 : memref<10000x64xbf16, #tpu.memory_space<hbm>>) target(%arg13 : memref<125x64xbf16, #tpu.memory_space<vmem>>) offsets(%dma_start3A_306 : memref<125xi32, #tpu.memory_space<vmem>>) semaphore(%arg21 : memref<!tpu.dma_semaphore, #tpu.memory_space<semaphore_mem>>)
        } else {
        }
      } else {
      }
      %mul3A_242 = arith.constant 8 : i32
      %mul3A_243 = arith.muli %scan3A_189, %mul3A_242 : i32
      %add3A_244 = arith.constant 4 : i32
      %add3A_245 = arith.addi %add3A_244, %mul3A_243 : i32
      %add3A_246 = arith.constant 5 : i32
      %add3A_247 = arith.addi %add3A_245, %add3A_246 : i32
      %lt3A_248 = arith.constant 80 : i32
      %lt3A_249 = arith.cmpi slt, %add3A_247, %lt3A_248 : i32
      %convert_element_type3A_250 = arith.extui %lt3A_249 : i1 to i32
      %cond3A_251 = arith.constant 0 : i32
      %cond3A_252 = arith.cmpi ne, %convert_element_type3A_250, %cond3A_251 : i32
      scf.if %cond3A_252 {
        %dma_wait3A_275 = arith.constant 0 : i32
        %dma_wait3A_276 = arith.constant 0 : i32
        %dma_wait3A_277 = tpu.memref_slice %arg7[%dma_wait3A_275, %dma_wait3A_276] : memref<80x125xi32, #tpu.memory_space<vmem>> -> memref<1x125xi32, #tpu.memory_space<vmem>>
        %dma_wait3A_278 = tpu.memref_squeeze %dma_wait3A_277 : memref<1x125xi32, #tpu.memory_space<vmem>> -> memref<125xi32, #tpu.memory_space<vmem>>
        %dma_wait3A_279 = arith.constant 0 : i32
        %dma_wait3A_280 = arith.constant 0 : i32
        %dma_wait3A_281 = tpu.memref_slice %arg2[%dma_wait3A_279, %dma_wait3A_280] : memref<10000x64xbf16, #tpu.memory_space<hbm>> -> memref<10000x64xbf16, #tpu.memory_space<hbm>>
        tpu.wait_indirect_dma semaphore(%arg18 : memref<!tpu.dma_semaphore, #tpu.memory_space<semaphore_mem>>) src(%dma_wait3A_281 : memref<10000x64xbf16, #tpu.memory_space<hbm>>) dst(%arg10 : memref<125x64xbf16, #tpu.memory_space<vmem>>)
        %dma_start3A_282 = arith.constant 0 : i32
        %dma_start3A_283 = tpu.memref_slice %arg8[%add3A_247, %dma_start3A_282] : memref<80x125xi32, #tpu.memory_space<vmem>> -> memref<1x125xi32, #tpu.memory_space<vmem>>
        %dma_start3A_284 = tpu.memref_squeeze %dma_start3A_283 : memref<1x125xi32, #tpu.memory_space<vmem>> -> memref<125xi32, #tpu.memory_space<vmem>>
        %dma_start3A_285 = arith.constant 0 : i32
        %dma_start3A_286 = arith.constant 0 : i32
        %dma_start3A_287 = tpu.memref_slice %arg33[%dma_start3A_285, %dma_start3A_286] : memref<10000x64xbf16, #tpu.memory_space<vmem_shared>> -> memref<10000x64xbf16, #tpu.memory_space<vmem_shared>>
        tpu.enqueue_indirect_dma source(%arg10 : memref<125x64xbf16, #tpu.memory_space<vmem>>) target(%dma_start3A_287 : memref<10000x64xbf16, #tpu.memory_space<vmem_shared>>) offsets(%dma_start3A_284 : memref<125xi32, #tpu.memory_space<vmem>>) semaphore(%arg26 : memref<!tpu.dma_semaphore, #tpu.memory_space<semaphore_mem>>) {add = true}
        %dma_wait3A_288 = arith.constant 0 : i32
        %dma_wait3A_289 = arith.constant 0 : i32
        %dma_wait3A_290 = tpu.memref_slice %arg8[%dma_wait3A_288, %dma_wait3A_289] : memref<80x125xi32, #tpu.memory_space<vmem>> -> memref<1x125xi32, #tpu.memory_space<vmem>>
        %dma_wait3A_291 = tpu.memref_squeeze %dma_wait3A_290 : memref<1x125xi32, #tpu.memory_space<vmem>> -> memref<125xi32, #tpu.memory_space<vmem>>
        %dma_wait3A_292 = arith.constant 0 : i32
        %dma_wait3A_293 = arith.constant 0 : i32
        %dma_wait3A_294 = tpu.memref_slice %arg33[%dma_wait3A_292, %dma_wait3A_293] : memref<10000x64xbf16, #tpu.memory_space<vmem_shared>> -> memref<10000x64xbf16, #tpu.memory_space<vmem_shared>>
        tpu.wait_indirect_dma semaphore(%arg30 : memref<!tpu.dma_semaphore, #tpu.memory_space<semaphore_mem>>) src(%arg14 : memref<125x64xbf16, #tpu.memory_space<vmem>>) dst(%dma_wait3A_294 : memref<10000x64xbf16, #tpu.memory_space<vmem_shared>>)
        %add3A_295 = arith.constant 4 : i32
        %add3A_296 = arith.addi %add3A_247, %add3A_295 : i32
        %lt3A_297 = arith.constant 80 : i32
        %lt3A_298 = arith.cmpi slt, %add3A_296, %lt3A_297 : i32
        %convert_element_type3A_299 = arith.extui %lt3A_298 : i1 to i32
        %cond3A_300 = arith.constant 0 : i32
        %cond3A_301 = arith.cmpi ne, %convert_element_type3A_299, %cond3A_300 : i32
        scf.if %cond3A_301 {
          %add3A_302 = arith.constant 4 : i32
          %add3A_303 = arith.addi %add3A_247, %add3A_302 : i32
          %dma_start3A_304 = arith.constant 0 : i32
          %dma_start3A_305 = tpu.memref_slice %arg7[%add3A_303, %dma_start3A_304] : memref<80x125xi32, #tpu.memory_space<vmem>> -> memref<1x125xi32, #tpu.memory_space<vmem>>
          %dma_start3A_306 = tpu.memref_squeeze %dma_start3A_305 : memref<1x125xi32, #tpu.memory_space<vmem>> -> memref<125xi32, #tpu.memory_space<vmem>>
          %dma_start3A_307 = arith.constant 0 : i32
          %dma_start3A_308 = arith.constant 0 : i32
          %dma_start3A_309 = tpu.memref_slice %arg2[%dma_start3A_307, %dma_start3A_308] : memref<10000x64xbf16, #tpu.memory_space<hbm>> -> memref<10000x64xbf16, #tpu.memory_space<hbm>>
          tpu.enqueue_indirect_dma source(%dma_start3A_309 : memref<10000x64xbf16, #tpu.memory_space<hbm>>) target(%arg14 : memref<125x64xbf16, #tpu.memory_space<vmem>>) offsets(%dma_start3A_306 : memref<125xi32, #tpu.memory_space<vmem>>) semaphore(%arg22 : memref<!tpu.dma_semaphore, #tpu.memory_space<semaphore_mem>>)
        } else {
        }
      } else {
      }
      %mul3A_253 = arith.constant 8 : i32
      %mul3A_254 = arith.muli %scan3A_189, %mul3A_253 : i32
      %add3A_255 = arith.constant 4 : i32
      %add3A_256 = arith.addi %add3A_255, %mul3A_254 : i32
      %add3A_257 = arith.constant 6 : i32
      %add3A_258 = arith.addi %add3A_256, %add3A_257 : i32
      %lt3A_259 = arith.constant 80 : i32
      %lt3A_260 = arith.cmpi slt, %add3A_258, %lt3A_259 : i32
      %convert_element_type3A_261 = arith.extui %lt3A_260 : i1 to i32
      %cond3A_262 = arith.constant 0 : i32
      %cond3A_263 = arith.cmpi ne, %convert_element_type3A_261, %cond3A_262 : i32
      scf.if %cond3A_263 {
        %dma_wait3A_275 = arith.constant 0 : i32
        %dma_wait3A_276 = arith.constant 0 : i32
        %dma_wait3A_277 = tpu.memref_slice %arg7[%dma_wait3A_275, %dma_wait3A_276] : memref<80x125xi32, #tpu.memory_space<vmem>> -> memref<1x125xi32, #tpu.memory_space<vmem>>
        %dma_wait3A_278 = tpu.memref_squeeze %dma_wait3A_277 : memref<1x125xi32, #tpu.memory_space<vmem>> -> memref<125xi32, #tpu.memory_space<vmem>>
        %dma_wait3A_279 = arith.constant 0 : i32
        %dma_wait3A_280 = arith.constant 0 : i32
        %dma_wait3A_281 = tpu.memref_slice %arg2[%dma_wait3A_279, %dma_wait3A_280] : memref<10000x64xbf16, #tpu.memory_space<hbm>> -> memref<10000x64xbf16, #tpu.memory_space<hbm>>
        tpu.wait_indirect_dma semaphore(%arg19 : memref<!tpu.dma_semaphore, #tpu.memory_space<semaphore_mem>>) src(%dma_wait3A_281 : memref<10000x64xbf16, #tpu.memory_space<hbm>>) dst(%arg11 : memref<125x64xbf16, #tpu.memory_space<vmem>>)
        %dma_start3A_282 = arith.constant 0 : i32
        %dma_start3A_283 = tpu.memref_slice %arg8[%add3A_258, %dma_start3A_282] : memref<80x125xi32, #tpu.memory_space<vmem>> -> memref<1x125xi32, #tpu.memory_space<vmem>>
        %dma_start3A_284 = tpu.memref_squeeze %dma_start3A_283 : memref<1x125xi32, #tpu.memory_space<vmem>> -> memref<125xi32, #tpu.memory_space<vmem>>
        %dma_start3A_285 = arith.constant 0 : i32
        %dma_start3A_286 = arith.constant 0 : i32
        %dma_start3A_287 = tpu.memref_slice %arg33[%dma_start3A_285, %dma_start3A_286] : memref<10000x64xbf16, #tpu.memory_space<vmem_shared>> -> memref<10000x64xbf16, #tpu.memory_space<vmem_shared>>
        tpu.enqueue_indirect_dma source(%arg11 : memref<125x64xbf16, #tpu.memory_space<vmem>>) target(%dma_start3A_287 : memref<10000x64xbf16, #tpu.memory_space<vmem_shared>>) offsets(%dma_start3A_284 : memref<125xi32, #tpu.memory_space<vmem>>) semaphore(%arg27 : memref<!tpu.dma_semaphore, #tpu.memory_space<semaphore_mem>>) {add = true}
        %dma_wait3A_288 = arith.constant 0 : i32
        %dma_wait3A_289 = arith.constant 0 : i32
        %dma_wait3A_290 = tpu.memref_slice %arg8[%dma_wait3A_288, %dma_wait3A_289] : memref<80x125xi32, #tpu.memory_space<vmem>> -> memref<1x125xi32, #tpu.memory_space<vmem>>
        %dma_wait3A_291 = tpu.memref_squeeze %dma_wait3A_290 : memref<1x125xi32, #tpu.memory_space<vmem>> -> memref<125xi32, #tpu.memory_space<vmem>>
        %dma_wait3A_292 = arith.constant 0 : i32
        %dma_wait3A_293 = arith.constant 0 : i32
        %dma_wait3A_294 = tpu.memref_slice %arg33[%dma_wait3A_292, %dma_wait3A_293] : memref<10000x64xbf16, #tpu.memory_space<vmem_shared>> -> memref<10000x64xbf16, #tpu.memory_space<vmem_shared>>
        tpu.wait_indirect_dma semaphore(%arg31 : memref<!tpu.dma_semaphore, #tpu.memory_space<semaphore_mem>>) src(%arg15 : memref<125x64xbf16, #tpu.memory_space<vmem>>) dst(%dma_wait3A_294 : memref<10000x64xbf16, #tpu.memory_space<vmem_shared>>)
        %add3A_295 = arith.constant 4 : i32
        %add3A_296 = arith.addi %add3A_258, %add3A_295 : i32
        %lt3A_297 = arith.constant 80 : i32
        %lt3A_298 = arith.cmpi slt, %add3A_296, %lt3A_297 : i32
        %convert_element_type3A_299 = arith.extui %lt3A_298 : i1 to i32
        %cond3A_300 = arith.constant 0 : i32
        %cond3A_301 = arith.cmpi ne, %convert_element_type3A_299, %cond3A_300 : i32
        scf.if %cond3A_301 {
          %add3A_302 = arith.constant 4 : i32
          %add3A_303 = arith.addi %add3A_258, %add3A_302 : i32
          %dma_start3A_304 = arith.constant 0 : i32
          %dma_start3A_305 = tpu.memref_slice %arg7[%add3A_303, %dma_start3A_304] : memref<80x125xi32, #tpu.memory_space<vmem>> -> memref<1x125xi32, #tpu.memory_space<vmem>>
          %dma_start3A_306 = tpu.memref_squeeze %dma_start3A_305 : memref<1x125xi32, #tpu.memory_space<vmem>> -> memref<125xi32, #tpu.memory_space<vmem>>
          %dma_start3A_307 = arith.constant 0 : i32
          %dma_start3A_308 = arith.constant 0 : i32
          %dma_start3A_309 = tpu.memref_slice %arg2[%dma_start3A_307, %dma_start3A_308] : memref<10000x64xbf16, #tpu.memory_space<hbm>> -> memref<10000x64xbf16, #tpu.memory_space<hbm>>
          tpu.enqueue_indirect_dma source(%dma_start3A_309 : memref<10000x64xbf16, #tpu.memory_space<hbm>>) target(%arg15 : memref<125x64xbf16, #tpu.memory_space<vmem>>) offsets(%dma_start3A_306 : memref<125xi32, #tpu.memory_space<vmem>>) semaphore(%arg23 : memref<!tpu.dma_semaphore, #tpu.memory_space<semaphore_mem>>)
        } else {
        }
      } else {
      }
      %mul3A_264 = arith.constant 8 : i32
      %mul3A_265 = arith.muli %scan3A_189, %mul3A_264 : i32
      %add3A_266 = arith.constant 4 : i32
      %add3A_267 = arith.addi %add3A_266, %mul3A_265 : i32
      %add3A_268 = arith.constant 7 : i32
      %add3A_269 = arith.addi %add3A_267, %add3A_268 : i32
      %lt3A_270 = arith.constant 80 : i32
      %lt3A_271 = arith.cmpi slt, %add3A_269, %lt3A_270 : i32
      %convert_element_type3A_272 = arith.extui %lt3A_271 : i1 to i32
      %cond3A_273 = arith.constant 0 : i32
      %cond3A_274 = arith.cmpi ne, %convert_element_type3A_272, %cond3A_273 : i32
      scf.if %cond3A_274 {
        %dma_wait3A_275 = arith.constant 0 : i32
        %dma_wait3A_276 = arith.constant 0 : i32
        %dma_wait3A_277 = tpu.memref_slice %arg7[%dma_wait3A_275, %dma_wait3A_276] : memref<80x125xi32, #tpu.memory_space<vmem>> -> memref<1x125xi32, #tpu.memory_space<vmem>>
        %dma_wait3A_278 = tpu.memref_squeeze %dma_wait3A_277 : memref<1x125xi32, #tpu.memory_space<vmem>> -> memref<125xi32, #tpu.memory_space<vmem>>
        %dma_wait3A_279 = arith.constant 0 : i32
        %dma_wait3A_280 = arith.constant 0 : i32
        %dma_wait3A_281 = tpu.memref_slice %arg2[%dma_wait3A_279, %dma_wait3A_280] : memref<10000x64xbf16, #tpu.memory_space<hbm>> -> memref<10000x64xbf16, #tpu.memory_space<hbm>>
        tpu.wait_indirect_dma semaphore(%arg20 : memref<!tpu.dma_semaphore, #tpu.memory_space<semaphore_mem>>) src(%dma_wait3A_281 : memref<10000x64xbf16, #tpu.memory_space<hbm>>) dst(%arg12 : memref<125x64xbf16, #tpu.memory_space<vmem>>)
        %dma_start3A_282 = arith.constant 0 : i32
        %dma_start3A_283 = tpu.memref_slice %arg8[%add3A_269, %dma_start3A_282] : memref<80x125xi32, #tpu.memory_space<vmem>> -> memref<1x125xi32, #tpu.memory_space<vmem>>
        %dma_start3A_284 = tpu.memref_squeeze %dma_start3A_283 : memref<1x125xi32, #tpu.memory_space<vmem>> -> memref<125xi32, #tpu.memory_space<vmem>>
        %dma_start3A_285 = arith.constant 0 : i32
        %dma_start3A_286 = arith.constant 0 : i32
        %dma_start3A_287 = tpu.memref_slice %arg33[%dma_start3A_285, %dma_start3A_286] : memref<10000x64xbf16, #tpu.memory_space<vmem_shared>> -> memref<10000x64xbf16, #tpu.memory_space<vmem_shared>>
        tpu.enqueue_indirect_dma source(%arg12 : memref<125x64xbf16, #tpu.memory_space<vmem>>) target(%dma_start3A_287 : memref<10000x64xbf16, #tpu.memory_space<vmem_shared>>) offsets(%dma_start3A_284 : memref<125xi32, #tpu.memory_space<vmem>>) semaphore(%arg28 : memref<!tpu.dma_semaphore, #tpu.memory_space<semaphore_mem>>) {add = true}
        %dma_wait3A_288 = arith.constant 0 : i32
        %dma_wait3A_289 = arith.constant 0 : i32
        %dma_wait3A_290 = tpu.memref_slice %arg8[%dma_wait3A_288, %dma_wait3A_289] : memref<80x125xi32, #tpu.memory_space<vmem>> -> memref<1x125xi32, #tpu.memory_space<vmem>>
        %dma_wait3A_291 = tpu.memref_squeeze %dma_wait3A_290 : memref<1x125xi32, #tpu.memory_space<vmem>> -> memref<125xi32, #tpu.memory_space<vmem>>
        %dma_wait3A_292 = arith.constant 0 : i32
        %dma_wait3A_293 = arith.constant 0 : i32
        %dma_wait3A_294 = tpu.memref_slice %arg33[%dma_wait3A_292, %dma_wait3A_293] : memref<10000x64xbf16, #tpu.memory_space<vmem_shared>> -> memref<10000x64xbf16, #tpu.memory_space<vmem_shared>>
        tpu.wait_indirect_dma semaphore(%arg32 : memref<!tpu.dma_semaphore, #tpu.memory_space<semaphore_mem>>) src(%arg16 : memref<125x64xbf16, #tpu.memory_space<vmem>>) dst(%dma_wait3A_294 : memref<10000x64xbf16, #tpu.memory_space<vmem_shared>>)
        %add3A_295 = arith.constant 4 : i32
        %add3A_296 = arith.addi %add3A_269, %add3A_295 : i32
        %lt3A_297 = arith.constant 80 : i32
        %lt3A_298 = arith.cmpi slt, %add3A_296, %lt3A_297 : i32
        %convert_element_type3A_299 = arith.extui %lt3A_298 : i1 to i32
        %cond3A_300 = arith.constant 0 : i32
        %cond3A_301 = arith.cmpi ne, %convert_element_type3A_299, %cond3A_300 : i32
        scf.if %cond3A_301 {
          %add3A_302 = arith.constant 4 : i32
          %add3A_303 = arith.addi %add3A_269, %add3A_302 : i32
          %dma_start3A_304 = arith.constant 0 : i32
          %dma_start3A_305 = tpu.memref_slice %arg7[%add3A_303, %dma_start3A_304] : memref<80x125xi32, #tpu.memory_space<vmem>> -> memref<1x125xi32, #tpu.memory_space<vmem>>
          %dma_start3A_306 = tpu.memref_squeeze %dma_start3A_305 : memref<1x125xi32, #tpu.memory_space<vmem>> -> memref<125xi32, #tpu.memory_space<vmem>>
          %dma_start3A_307 = arith.constant 0 : i32
          %dma_start3A_308 = arith.constant 0 : i32
          %dma_start3A_309 = tpu.memref_slice %arg2[%dma_start3A_307, %dma_start3A_308] : memref<10000x64xbf16, #tpu.memory_space<hbm>> -> memref<10000x64xbf16, #tpu.memory_space<hbm>>
          tpu.enqueue_indirect_dma source(%dma_start3A_309 : memref<10000x64xbf16, #tpu.memory_space<hbm>>) target(%arg16 : memref<125x64xbf16, #tpu.memory_space<vmem>>) offsets(%dma_start3A_306 : memref<125xi32, #tpu.memory_space<vmem>>) semaphore(%arg24 : memref<!tpu.dma_semaphore, #tpu.memory_space<semaphore_mem>>)
        } else {
        }
      } else {
      }
    }
    %scan3A_153 = arith.constant 10 : i32
    %dma_wait3A_154 = arith.constant 0 : i32
    %dma_wait3A_155 = arith.constant 0 : i32
    %dma_wait3A_156 = tpu.memref_slice %arg8[%dma_wait3A_154, %dma_wait3A_155] : memref<80x125xi32, #tpu.memory_space<vmem>> -> memref<1x125xi32, #tpu.memory_space<vmem>>
    %dma_wait3A_157 = tpu.memref_squeeze %dma_wait3A_156 : memref<1x125xi32, #tpu.memory_space<vmem>> -> memref<125xi32, #tpu.memory_space<vmem>>
    %dma_wait3A_158 = arith.constant 0 : i32
    %dma_wait3A_159 = arith.constant 0 : i32
    %dma_wait3A_160 = tpu.memref_slice %arg33[%dma_wait3A_158, %dma_wait3A_159] : memref<10000x64xbf16, #tpu.memory_space<vmem_shared>> -> memref<10000x64xbf16, #tpu.memory_space<vmem_shared>>
    tpu.wait_indirect_dma semaphore(%arg29 : memref<!tpu.dma_semaphore, #tpu.memory_space<semaphore_mem>>) src(%arg13 : memref<125x64xbf16, #tpu.memory_space<vmem>>) dst(%dma_wait3A_160 : memref<10000x64xbf16, #tpu.memory_space<vmem_shared>>)
    %dma_wait3A_161 = arith.constant 0 : i32
    %dma_wait3A_162 = arith.constant 0 : i32
    %dma_wait3A_163 = tpu.memref_slice %arg8[%dma_wait3A_161, %dma_wait3A_162] : memref<80x125xi32, #tpu.memory_space<vmem>> -> memref<1x125xi32, #tpu.memory_space<vmem>>
    %dma_wait3A_164 = tpu.memref_squeeze %dma_wait3A_163 : memref<1x125xi32, #tpu.memory_space<vmem>> -> memref<125xi32, #tpu.memory_space<vmem>>
    %dma_wait3A_165 = arith.constant 0 : i32
    %dma_wait3A_166 = arith.constant 0 : i32
    %dma_wait3A_167 = tpu.memref_slice %arg33[%dma_wait3A_165, %dma_wait3A_166] : memref<10000x64xbf16, #tpu.memory_space<vmem_shared>> -> memref<10000x64xbf16, #tpu.memory_space<vmem_shared>>
    tpu.wait_indirect_dma semaphore(%arg30 : memref<!tpu.dma_semaphore, #tpu.memory_space<semaphore_mem>>) src(%arg14 : memref<125x64xbf16, #tpu.memory_space<vmem>>) dst(%dma_wait3A_167 : memref<10000x64xbf16, #tpu.memory_space<vmem_shared>>)
    %dma_wait3A_168 = arith.constant 0 : i32
    %dma_wait3A_169 = arith.constant 0 : i32
    %dma_wait3A_170 = tpu.memref_slice %arg8[%dma_wait3A_168, %dma_wait3A_169] : memref<80x125xi32, #tpu.memory_space<vmem>> -> memref<1x125xi32, #tpu.memory_space<vmem>>
    %dma_wait3A_171 = tpu.memref_squeeze %dma_wait3A_170 : memref<1x125xi32, #tpu.memory_space<vmem>> -> memref<125xi32, #tpu.memory_space<vmem>>
    %dma_wait3A_172 = arith.constant 0 : i32
    %dma_wait3A_173 = arith.constant 0 : i32
    %dma_wait3A_174 = tpu.memref_slice %arg33[%dma_wait3A_172, %dma_wait3A_173] : memref<10000x64xbf16, #tpu.memory_space<vmem_shared>> -> memref<10000x64xbf16, #tpu.memory_space<vmem_shared>>
    tpu.wait_indirect_dma semaphore(%arg31 : memref<!tpu.dma_semaphore, #tpu.memory_space<semaphore_mem>>) src(%arg15 : memref<125x64xbf16, #tpu.memory_space<vmem>>) dst(%dma_wait3A_174 : memref<10000x64xbf16, #tpu.memory_space<vmem_shared>>)
    %dma_wait3A_175 = arith.constant 0 : i32
    %dma_wait3A_176 = arith.constant 0 : i32
    %dma_wait3A_177 = tpu.memref_slice %arg8[%dma_wait3A_175, %dma_wait3A_176] : memref<80x125xi32, #tpu.memory_space<vmem>> -> memref<1x125xi32, #tpu.memory_space<vmem>>
    %dma_wait3A_178 = tpu.memref_squeeze %dma_wait3A_177 : memref<1x125xi32, #tpu.memory_space<vmem>> -> memref<125xi32, #tpu.memory_space<vmem>>
    %dma_wait3A_179 = arith.constant 0 : i32
    %dma_wait3A_180 = arith.constant 0 : i32
    %dma_wait3A_181 = tpu.memref_slice %arg33[%dma_wait3A_179, %dma_wait3A_180] : memref<10000x64xbf16, #tpu.memory_space<vmem_shared>> -> memref<10000x64xbf16, #tpu.memory_space<vmem_shared>>
    tpu.wait_indirect_dma semaphore(%arg32 : memref<!tpu.dma_semaphore, #tpu.memory_space<semaphore_mem>>) src(%arg16 : memref<125x64xbf16, #tpu.memory_space<vmem>>) dst(%dma_wait3A_181 : memref<10000x64xbf16, #tpu.memory_space<vmem_shared>>)
    %barrier3A_182 = arith.constant 0 : index
    tpu.barrier barrier_id(%barrier3A_182)
    %scan3A_183 = arith.constant 0 : i32
    %scan3A_184 = arith.constant 0 : i32
    %scan3A_185 = arith.constant 8 : i32
    %scan3A_186 = arith.addi %scan3A_184, %scan3A_185 : i32
    %scan3A_187 = arith.constant 1 : i32
    scf.for %scan3A_189 = %scan3A_184 to %scan3A_186 step %scan3A_187  : i32 {
      %mul3A_190 = arith.constant 16 : i32
      %mul3A_191 = arith.muli %mul3A_190, %scan3A_189 : i32
      %add3A_192 = arith.addi %arg1, %mul3A_191 : i32
      %lt3A = arith.constant 125 : i32
      %lt3A_193 = arith.cmpi slt, %add3A_192, %lt3A : i32
      %convert_element_type3A = arith.extui %lt3A_193 : i1 to i32
      %cond3A = arith.constant 0 : i32
      %cond3A_194 = arith.cmpi ne, %convert_element_type3A, %cond3A : i32
      scf.if %cond3A_194 {
        %mul3A_195 = arith.constant 80 : i32
        %mul3A_196 = arith.muli %add3A_192, %mul3A_195 : i32
        "tpu.region"() ({
          %run_scoped3A = tpu.sem_alloc : memref<!tpu.dma_semaphore, #tpu.memory_space<semaphore_mem>>
          %dma_start3A_199 = arith.constant 0 : i32
          %dma_start3A_200 = arith.constant 0 : i32
          %dma_start3A_201 = tpu.memref_slice %arg9[%dma_start3A_199, %dma_start3A_200] : memref<125x64xbf16, #tpu.memory_space<vmem>> -> memref<80x64xbf16, #tpu.memory_space<vmem>>
          %dma_start3A_202 = arith.constant 0 : i32
          %dma_start3A_203 = tpu.memref_slice %arg33[%mul3A_196, %dma_start3A_202] : memref<10000x64xbf16, #tpu.memory_space<vmem_shared>> -> memref<80x64xbf16, #tpu.memory_space<vmem_shared>>
          %dma_start3A_204 = arith.constant 0 : i32
          %dma_start3A_205 = arith.constant 0 : i32
          %dma_start3A_206 = tpu.memref_slice %arg9[%dma_start3A_204, %dma_start3A_205] : memref<125x64xbf16, #tpu.memory_space<vmem>> -> memref<80x64xbf16, #tpu.memory_space<vmem>>
          %dma_start3A_207 = arith.constant 0 : i32
          %dma_start3A_208 = tpu.memref_slice %arg33[%mul3A_196, %dma_start3A_207] : memref<10000x64xbf16, #tpu.memory_space<vmem_shared>> -> memref<80x64xbf16, #tpu.memory_space<vmem_shared>>
          tpu.enqueue_dma source(%dma_start3A_208 : memref<80x64xbf16, #tpu.memory_space<vmem_shared>>) target(%dma_start3A_206 : memref<80x64xbf16, #tpu.memory_space<vmem>>) target_semaphore(%run_scoped3A : memref<!tpu.dma_semaphore, #tpu.memory_space<semaphore_mem>>)
          %dma_wait3A_209 = arith.constant 0 : i32
          %dma_wait3A_210 = arith.constant 0 : i32
          %dma_wait3A_211 = tpu.memref_slice %arg9[%dma_wait3A_209, %dma_wait3A_210] : memref<125x64xbf16, #tpu.memory_space<vmem>> -> memref<80x64xbf16, #tpu.memory_space<vmem>>
          %dma_wait3A_212 = arith.constant 0 : i32
          %dma_wait3A_213 = tpu.memref_slice %arg33[%mul3A_196, %dma_wait3A_212] : memref<10000x64xbf16, #tpu.memory_space<vmem_shared>> -> memref<80x64xbf16, #tpu.memory_space<vmem_shared>>
          %dma_wait3A_214 = arith.constant 0 : i32
          %dma_wait3A_215 = arith.constant 0 : i32
          %dma_wait3A_216 = tpu.memref_slice %arg9[%dma_wait3A_214, %dma_wait3A_215] : memref<125x64xbf16, #tpu.memory_space<vmem>> -> memref<80x64xbf16, #tpu.memory_space<vmem>>
          %dma_wait3A_217 = arith.constant 0 : i32
          %dma_wait3A_218 = tpu.memref_slice %arg33[%mul3A_196, %dma_wait3A_217] : memref<10000x64xbf16, #tpu.memory_space<vmem_shared>> -> memref<80x64xbf16, #tpu.memory_space<vmem_shared>>
          tpu.wait_dma2 semaphore(%run_scoped3A : memref<!tpu.dma_semaphore, #tpu.memory_space<semaphore_mem>>) src(%dma_wait3A_218 : memref<80x64xbf16, #tpu.memory_space<vmem_shared>>) dst(%dma_wait3A_216 : memref<80x64xbf16, #tpu.memory_space<vmem>>)
          tpu.yield
        }) : () -> ()
        %mul3A_197 = arith.constant 80 : i32
        %mul3A_198 = arith.muli %add3A_192, %mul3A_197 : i32
        "tpu.region"() ({
          %run_scoped3A = tpu.sem_alloc : memref<!tpu.dma_semaphore, #tpu.memory_space<semaphore_mem>>
          %dma_start3A_199 = arith.constant 0 : i32
          %dma_start3A_200 = arith.constant 0 : i32
          %dma_start3A_201 = tpu.memref_slice %arg9[%dma_start3A_199, %dma_start3A_200] : memref<125x64xbf16, #tpu.memory_space<vmem>> -> memref<80x64xbf16, #tpu.memory_space<vmem>>
          %dma_start3A_202 = arith.constant 0 : i32
          %dma_start3A_203 = tpu.memref_slice %arg6[%arg0, %mul3A_198, %dma_start3A_202] : memref<2x10000x64xbf16, #tpu.memory_space<hbm>> -> memref<1x80x64xbf16, #tpu.memory_space<hbm>>
          %dma_start3A_204 = tpu.memref_squeeze %dma_start3A_203 : memref<1x80x64xbf16, #tpu.memory_space<hbm>> -> memref<80x64xbf16, #tpu.memory_space<hbm>>
          %dma_start3A_205 = arith.constant 0 : i32
          %dma_start3A_206 = tpu.memref_slice %arg6[%arg0, %mul3A_198, %dma_start3A_205] : memref<2x10000x64xbf16, #tpu.memory_space<hbm>> -> memref<1x80x64xbf16, #tpu.memory_space<hbm>>
          %dma_start3A_207 = tpu.memref_squeeze %dma_start3A_206 : memref<1x80x64xbf16, #tpu.memory_space<hbm>> -> memref<80x64xbf16, #tpu.memory_space<hbm>>
          %dma_start3A_208 = arith.constant 0 : i32
          %dma_start3A_209 = arith.constant 0 : i32
          %dma_start3A_210 = tpu.memref_slice %arg9[%dma_start3A_208, %dma_start3A_209] : memref<125x64xbf16, #tpu.memory_space<vmem>> -> memref<80x64xbf16, #tpu.memory_space<vmem>>
          tpu.enqueue_dma source(%dma_start3A_210 : memref<80x64xbf16, #tpu.memory_space<vmem>>) target(%dma_start3A_207 : memref<80x64xbf16, #tpu.memory_space<hbm>>) target_semaphore(%run_scoped3A : memref<!tpu.dma_semaphore, #tpu.memory_space<semaphore_mem>>)
          %dma_wait3A_211 = arith.constant 0 : i32
          %dma_wait3A_212 = arith.constant 0 : i32
          %dma_wait3A_213 = tpu.memref_slice %arg9[%dma_wait3A_211, %dma_wait3A_212] : memref<125x64xbf16, #tpu.memory_space<vmem>> -> memref<80x64xbf16, #tpu.memory_space<vmem>>
          %dma_wait3A_214 = arith.constant 0 : i32
          %dma_wait3A_215 = tpu.memref_slice %arg6[%arg0, %mul3A_198, %dma_wait3A_214] : memref<2x10000x64xbf16, #tpu.memory_space<hbm>> -> memref<1x80x64xbf16, #tpu.memory_space<hbm>>
          %dma_wait3A_216 = tpu.memref_squeeze %dma_wait3A_215 : memref<1x80x64xbf16, #tpu.memory_space<hbm>> -> memref<80x64xbf16, #tpu.memory_space<hbm>>
          %dma_wait3A_217 = arith.constant 0 : i32
          %dma_wait3A_218 = tpu.memref_slice %arg6[%arg0, %mul3A_198, %dma_wait3A_217] : memref<2x10000x64xbf16, #tpu.memory_space<hbm>> -> memref<1x80x64xbf16, #tpu.memory_space<hbm>>
          %dma_wait3A_219 = tpu.memref_squeeze %dma_wait3A_218 : memref<1x80x64xbf16, #tpu.memory_space<hbm>> -> memref<80x64xbf16, #tpu.memory_space<hbm>>
          %dma_wait3A_220 = arith.constant 0 : i32
          %dma_wait3A_221 = arith.constant 0 : i32
          %dma_wait3A_222 = tpu.memref_slice %arg9[%dma_wait3A_220, %dma_wait3A_221] : memref<125x64xbf16, #tpu.memory_space<vmem>> -> memref<80x64xbf16, #tpu.memory_space<vmem>>
          tpu.wait_dma2 semaphore(%run_scoped3A : memref<!tpu.dma_semaphore, #tpu.memory_space<semaphore_mem>>) src(%dma_wait3A_222 : memref<80x64xbf16, #tpu.memory_space<vmem>>) dst(%dma_wait3A_219 : memref<80x64xbf16, #tpu.memory_space<hbm>>)
          tpu.yield
        }) : () -> ()
      } else {
      }
    }
    %scan3A_188 = arith.constant 8 : i32
    return
  }
}

#map = affine_map<(d0, d1) -> (0, 0, 0)>
#map1 = affine_map<(d0, d1) -> (0)>
#map2 = affine_map<(d0, d1) -> (0, 0)>
module attributes {stable_mosaic.version = 14 : i64} {
  func.func @_deg_kernel(%arg0: i32, %arg1: i32, %arg2: memref<32x80x125xi32, #tpu.memory_space<hbm>>, %arg3: memref<32x80x125xi32, #tpu.memory_space<hbm>>, %arg4: memref<10000xf32, #tpu.memory_space<hbm>>, %arg5: memref<125xf32, #tpu.memory_space<hbm>>, %arg6: memref<2x10000xf32, #tpu.memory_space<hbm>>, %arg7: memref<2x10000xf32, #tpu.memory_space<hbm>>, %arg8: memref<80x125xi32, #tpu.memory_space<vmem>>, %arg9: memref<80x125xi32, #tpu.memory_space<vmem>>, %arg10: memref<10000xf32, #tpu.memory_space<vmem>>, %arg11: memref<125xf32, #tpu.memory_space<vmem>>, %arg12: memref<!tpu.dma_semaphore, #tpu.memory_space<semaphore_mem>>, %arg13: memref<!tpu.dma_semaphore, #tpu.memory_space<semaphore_mem>>, %arg14: memref<!tpu.dma_semaphore, #tpu.memory_space<semaphore_mem>>, %arg15: memref<!tpu.dma_semaphore, #tpu.memory_space<semaphore_mem>>, %arg16: memref<10000xf32, #tpu.memory_space<vmem_shared>>, %arg17: memref<10000xf32, #tpu.memory_space<vmem_shared>>) attributes {dimension_semantics = [#tpu.dimension_semantics<core_parallel>, #tpu.dimension_semantics<subcore_parallel>], iteration_bounds = array<i64: 2, 16>, scalar_prefetch = 0 : i64, scratch_operands = 10 : i64, tpu.core_type = #tpu.core_type<sc_vector_subcore>, window_params = [{transform_indices = #map}, {transform_indices = #map}, {transform_indices = #map1}, {transform_indices = #map1}, {transform_indices = #map2}, {transform_indices = #map2}]} {
    %mul3A = arith.constant 16 : i32
    %mul3A_0 = arith.muli %arg0, %mul3A : i32
    %add3A = arith.addi %mul3A_0, %arg1 : i32
    tpu.enqueue_dma source(%arg4 : memref<10000xf32, #tpu.memory_space<hbm>>) target(%arg10 : memref<10000xf32, #tpu.memory_space<vmem>>) target_semaphore(%arg12 : memref<!tpu.dma_semaphore, #tpu.memory_space<semaphore_mem>>)
    tpu.enqueue_dma source(%arg5 : memref<125xf32, #tpu.memory_space<hbm>>) target(%arg11 : memref<125xf32, #tpu.memory_space<vmem>>) target_semaphore(%arg13 : memref<!tpu.dma_semaphore, #tpu.memory_space<semaphore_mem>>)
    %dma_start3A = arith.constant 0 : i32
    %dma_start3A_1 = arith.constant 0 : i32
    %dma_start3A_2 = tpu.memref_slice %arg2[%add3A, %dma_start3A, %dma_start3A_1] : memref<32x80x125xi32, #tpu.memory_space<hbm>> -> memref<1x80x125xi32, #tpu.memory_space<hbm>>
    %dma_start3A_3 = tpu.memref_squeeze %dma_start3A_2 : memref<1x80x125xi32, #tpu.memory_space<hbm>> -> memref<80x125xi32, #tpu.memory_space<hbm>>
    %dma_start3A_4 = arith.constant 0 : i32
    %dma_start3A_5 = arith.constant 0 : i32
    %dma_start3A_6 = tpu.memref_slice %arg2[%add3A, %dma_start3A_4, %dma_start3A_5] : memref<32x80x125xi32, #tpu.memory_space<hbm>> -> memref<1x80x125xi32, #tpu.memory_space<hbm>>
    %dma_start3A_7 = tpu.memref_squeeze %dma_start3A_6 : memref<1x80x125xi32, #tpu.memory_space<hbm>> -> memref<80x125xi32, #tpu.memory_space<hbm>>
    tpu.enqueue_dma source(%dma_start3A_7 : memref<80x125xi32, #tpu.memory_space<hbm>>) target(%arg8 : memref<80x125xi32, #tpu.memory_space<vmem>>) target_semaphore(%arg14 : memref<!tpu.dma_semaphore, #tpu.memory_space<semaphore_mem>>)
    %dma_start3A_8 = arith.constant 0 : i32
    %dma_start3A_9 = arith.constant 0 : i32
    %dma_start3A_10 = tpu.memref_slice %arg3[%add3A, %dma_start3A_8, %dma_start3A_9] : memref<32x80x125xi32, #tpu.memory_space<hbm>> -> memref<1x80x125xi32, #tpu.memory_space<hbm>>
    %dma_start3A_11 = tpu.memref_squeeze %dma_start3A_10 : memref<1x80x125xi32, #tpu.memory_space<hbm>> -> memref<80x125xi32, #tpu.memory_space<hbm>>
    %dma_start3A_12 = arith.constant 0 : i32
    %dma_start3A_13 = arith.constant 0 : i32
    %dma_start3A_14 = tpu.memref_slice %arg3[%add3A, %dma_start3A_12, %dma_start3A_13] : memref<32x80x125xi32, #tpu.memory_space<hbm>> -> memref<1x80x125xi32, #tpu.memory_space<hbm>>
    %dma_start3A_15 = tpu.memref_squeeze %dma_start3A_14 : memref<1x80x125xi32, #tpu.memory_space<hbm>> -> memref<80x125xi32, #tpu.memory_space<hbm>>
    tpu.enqueue_dma source(%dma_start3A_15 : memref<80x125xi32, #tpu.memory_space<hbm>>) target(%arg9 : memref<80x125xi32, #tpu.memory_space<vmem>>) target_semaphore(%arg15 : memref<!tpu.dma_semaphore, #tpu.memory_space<semaphore_mem>>)
    tpu.wait_dma2 semaphore(%arg12 : memref<!tpu.dma_semaphore, #tpu.memory_space<semaphore_mem>>) src(%arg4 : memref<10000xf32, #tpu.memory_space<hbm>>) dst(%arg10 : memref<10000xf32, #tpu.memory_space<vmem>>)
    %eq3A = arith.constant 0 : i32
    %eq3A_16 = arith.cmpi eq, %arg1, %eq3A : i32
    %convert_element_type3A = arith.extui %eq3A_16 : i1 to i32
    %cond3A = arith.constant 0 : i32
    %cond3A_17 = arith.cmpi ne, %convert_element_type3A, %cond3A : i32
    scf.if %cond3A_17 {
      "tpu.region"() ({
        %run_scoped3A = tpu.sem_alloc : memref<!tpu.dma_semaphore, #tpu.memory_space<semaphore_mem>>
        tpu.enqueue_dma source(%arg10 : memref<10000xf32, #tpu.memory_space<vmem>>) target(%arg16 : memref<10000xf32, #tpu.memory_space<vmem_shared>>) target_semaphore(%run_scoped3A : memref<!tpu.dma_semaphore, #tpu.memory_space<semaphore_mem>>)
        tpu.wait_dma2 semaphore(%run_scoped3A : memref<!tpu.dma_semaphore, #tpu.memory_space<semaphore_mem>>) src(%arg10 : memref<10000xf32, #tpu.memory_space<vmem>>) dst(%arg16 : memref<10000xf32, #tpu.memory_space<vmem_shared>>)
        tpu.yield
      }) : () -> ()
      "tpu.region"() ({
        %run_scoped3A = tpu.sem_alloc : memref<!tpu.dma_semaphore, #tpu.memory_space<semaphore_mem>>
        tpu.enqueue_dma source(%arg10 : memref<10000xf32, #tpu.memory_space<vmem>>) target(%arg17 : memref<10000xf32, #tpu.memory_space<vmem_shared>>) target_semaphore(%run_scoped3A : memref<!tpu.dma_semaphore, #tpu.memory_space<semaphore_mem>>)
        tpu.wait_dma2 semaphore(%run_scoped3A : memref<!tpu.dma_semaphore, #tpu.memory_space<semaphore_mem>>) src(%arg10 : memref<10000xf32, #tpu.memory_space<vmem>>) dst(%arg17 : memref<10000xf32, #tpu.memory_space<vmem_shared>>)
        tpu.yield
      }) : () -> ()
    } else {
    }
    tpu.wait_dma2 semaphore(%arg13 : memref<!tpu.dma_semaphore, #tpu.memory_space<semaphore_mem>>) src(%arg5 : memref<125xf32, #tpu.memory_space<hbm>>) dst(%arg11 : memref<125xf32, #tpu.memory_space<vmem>>)
    %dma_wait3A = arith.constant 0 : i32
    %dma_wait3A_18 = arith.constant 0 : i32
    %dma_wait3A_19 = tpu.memref_slice %arg2[%add3A, %dma_wait3A, %dma_wait3A_18] : memref<32x80x125xi32, #tpu.memory_space<hbm>> -> memref<1x80x125xi32, #tpu.memory_space<hbm>>
    %dma_wait3A_20 = tpu.memref_squeeze %dma_wait3A_19 : memref<1x80x125xi32, #tpu.memory_space<hbm>> -> memref<80x125xi32, #tpu.memory_space<hbm>>
    %dma_wait3A_21 = arith.constant 0 : i32
    %dma_wait3A_22 = arith.constant 0 : i32
    %dma_wait3A_23 = tpu.memref_slice %arg2[%add3A, %dma_wait3A_21, %dma_wait3A_22] : memref<32x80x125xi32, #tpu.memory_space<hbm>> -> memref<1x80x125xi32, #tpu.memory_space<hbm>>
    %dma_wait3A_24 = tpu.memref_squeeze %dma_wait3A_23 : memref<1x80x125xi32, #tpu.memory_space<hbm>> -> memref<80x125xi32, #tpu.memory_space<hbm>>
    tpu.wait_dma2 semaphore(%arg14 : memref<!tpu.dma_semaphore, #tpu.memory_space<semaphore_mem>>) src(%dma_wait3A_24 : memref<80x125xi32, #tpu.memory_space<hbm>>) dst(%arg8 : memref<80x125xi32, #tpu.memory_space<vmem>>)
    %dma_wait3A_25 = arith.constant 0 : i32
    %dma_wait3A_26 = arith.constant 0 : i32
    %dma_wait3A_27 = tpu.memref_slice %arg3[%add3A, %dma_wait3A_25, %dma_wait3A_26] : memref<32x80x125xi32, #tpu.memory_space<hbm>> -> memref<1x80x125xi32, #tpu.memory_space<hbm>>
    %dma_wait3A_28 = tpu.memref_squeeze %dma_wait3A_27 : memref<1x80x125xi32, #tpu.memory_space<hbm>> -> memref<80x125xi32, #tpu.memory_space<hbm>>
    %dma_wait3A_29 = arith.constant 0 : i32
    %dma_wait3A_30 = arith.constant 0 : i32
    %dma_wait3A_31 = tpu.memref_slice %arg3[%add3A, %dma_wait3A_29, %dma_wait3A_30] : memref<32x80x125xi32, #tpu.memory_space<hbm>> -> memref<1x80x125xi32, #tpu.memory_space<hbm>>
    %dma_wait3A_32 = tpu.memref_squeeze %dma_wait3A_31 : memref<1x80x125xi32, #tpu.memory_space<hbm>> -> memref<80x125xi32, #tpu.memory_space<hbm>>
    tpu.wait_dma2 semaphore(%arg15 : memref<!tpu.dma_semaphore, #tpu.memory_space<semaphore_mem>>) src(%dma_wait3A_32 : memref<80x125xi32, #tpu.memory_space<hbm>>) dst(%arg9 : memref<80x125xi32, #tpu.memory_space<vmem>>)
    %barrier3A = arith.constant 0 : index
    tpu.barrier barrier_id(%barrier3A)
    %scan3A = arith.constant 0 : i32
    %scan3A_33 = arith.constant 0 : i32
    %scan3A_34 = arith.constant 5 : i32
    %scan3A_35 = arith.addi %scan3A_33, %scan3A_34 : i32
    %scan3A_36 = arith.constant 1 : i32
    scf.for %scan3A_50 = %scan3A_33 to %scan3A_35 step %scan3A_36  : i32 {
      %mul3A_51 = arith.constant 16 : i32
      %mul3A_52 = arith.muli %scan3A_50, %mul3A_51 : i32
      %add3A_53 = arith.constant 0 : i32
      %add3A_54 = arith.addi %mul3A_52, %add3A_53 : i32
      %dma_start3A_55 = arith.constant 0 : i32
      %dma_start3A_56 = tpu.memref_slice %arg8[%add3A_54, %dma_start3A_55] : memref<80x125xi32, #tpu.memory_space<vmem>> -> memref<1x125xi32, #tpu.memory_space<vmem>>
      %dma_start3A_57 = tpu.memref_squeeze %dma_start3A_56 : memref<1x125xi32, #tpu.memory_space<vmem>> -> memref<125xi32, #tpu.memory_space<vmem>>
      %dma_start3A_58 = arith.constant 0 : i32
      %dma_start3A_59 = tpu.memref_slice %arg16[%dma_start3A_58] : memref<10000xf32, #tpu.memory_space<vmem_shared>> -> memref<10000xf32, #tpu.memory_space<vmem_shared>>
      tpu.enqueue_indirect_dma source(%arg11 : memref<125xf32, #tpu.memory_space<vmem>>) target(%dma_start3A_59 : memref<10000xf32, #tpu.memory_space<vmem_shared>>) offsets(%dma_start3A_57 : memref<125xi32, #tpu.memory_space<vmem>>) semaphore(%arg12 : memref<!tpu.dma_semaphore, #tpu.memory_space<semaphore_mem>>) {add = true}
      %mul3A_60 = arith.constant 16 : i32
      %mul3A_61 = arith.muli %scan3A_50, %mul3A_60 : i32
      %add3A_62 = arith.constant 1 : i32
      %add3A_63 = arith.addi %mul3A_61, %add3A_62 : i32
      %dma_start3A_64 = arith.constant 0 : i32
      %dma_start3A_65 = tpu.memref_slice %arg8[%add3A_63, %dma_start3A_64] : memref<80x125xi32, #tpu.memory_space<vmem>> -> memref<1x125xi32, #tpu.memory_space<vmem>>
      %dma_start3A_66 = tpu.memref_squeeze %dma_start3A_65 : memref<1x125xi32, #tpu.memory_space<vmem>> -> memref<125xi32, #tpu.memory_space<vmem>>
      %dma_start3A_67 = arith.constant 0 : i32
      %dma_start3A_68 = tpu.memref_slice %arg16[%dma_start3A_67] : memref<10000xf32, #tpu.memory_space<vmem_shared>> -> memref<10000xf32, #tpu.memory_space<vmem_shared>>
      tpu.enqueue_indirect_dma source(%arg11 : memref<125xf32, #tpu.memory_space<vmem>>) target(%dma_start3A_68 : memref<10000xf32, #tpu.memory_space<vmem_shared>>) offsets(%dma_start3A_66 : memref<125xi32, #tpu.memory_space<vmem>>) semaphore(%arg12 : memref<!tpu.dma_semaphore, #tpu.memory_space<semaphore_mem>>) {add = true}
      %mul3A_69 = arith.constant 16 : i32
      %mul3A_70 = arith.muli %scan3A_50, %mul3A_69 : i32
      %add3A_71 = arith.constant 2 : i32
      %add3A_72 = arith.addi %mul3A_70, %add3A_71 : i32
      %dma_start3A_73 = arith.constant 0 : i32
      %dma_start3A_74 = tpu.memref_slice %arg8[%add3A_72, %dma_start3A_73] : memref<80x125xi32, #tpu.memory_space<vmem>> -> memref<1x125xi32, #tpu.memory_space<vmem>>
      %dma_start3A_75 = tpu.memref_squeeze %dma_start3A_74 : memref<1x125xi32, #tpu.memory_space<vmem>> -> memref<125xi32, #tpu.memory_space<vmem>>
      %dma_start3A_76 = arith.constant 0 : i32
      %dma_start3A_77 = tpu.memref_slice %arg16[%dma_start3A_76] : memref<10000xf32, #tpu.memory_space<vmem_shared>> -> memref<10000xf32, #tpu.memory_space<vmem_shared>>
      tpu.enqueue_indirect_dma source(%arg11 : memref<125xf32, #tpu.memory_space<vmem>>) target(%dma_start3A_77 : memref<10000xf32, #tpu.memory_space<vmem_shared>>) offsets(%dma_start3A_75 : memref<125xi32, #tpu.memory_space<vmem>>) semaphore(%arg12 : memref<!tpu.dma_semaphore, #tpu.memory_space<semaphore_mem>>) {add = true}
      %mul3A_78 = arith.constant 16 : i32
      %mul3A_79 = arith.muli %scan3A_50, %mul3A_78 : i32
      %add3A_80 = arith.constant 3 : i32
      %add3A_81 = arith.addi %mul3A_79, %add3A_80 : i32
      %dma_start3A_82 = arith.constant 0 : i32
      %dma_start3A_83 = tpu.memref_slice %arg8[%add3A_81, %dma_start3A_82] : memref<80x125xi32, #tpu.memory_space<vmem>> -> memref<1x125xi32, #tpu.memory_space<vmem>>
      %dma_start3A_84 = tpu.memref_squeeze %dma_start3A_83 : memref<1x125xi32, #tpu.memory_space<vmem>> -> memref<125xi32, #tpu.memory_space<vmem>>
      %dma_start3A_85 = arith.constant 0 : i32
      %dma_start3A_86 = tpu.memref_slice %arg16[%dma_start3A_85] : memref<10000xf32, #tpu.memory_space<vmem_shared>> -> memref<10000xf32, #tpu.memory_space<vmem_shared>>
      tpu.enqueue_indirect_dma source(%arg11 : memref<125xf32, #tpu.memory_space<vmem>>) target(%dma_start3A_86 : memref<10000xf32, #tpu.memory_space<vmem_shared>>) offsets(%dma_start3A_84 : memref<125xi32, #tpu.memory_space<vmem>>) semaphore(%arg12 : memref<!tpu.dma_semaphore, #tpu.memory_space<semaphore_mem>>) {add = true}
      %mul3A_87 = arith.constant 16 : i32
      %mul3A_88 = arith.muli %scan3A_50, %mul3A_87 : i32
      %add3A_89 = arith.constant 4 : i32
      %add3A_90 = arith.addi %mul3A_88, %add3A_89 : i32
      %dma_start3A_91 = arith.constant 0 : i32
      %dma_start3A_92 = tpu.memref_slice %arg8[%add3A_90, %dma_start3A_91] : memref<80x125xi32, #tpu.memory_space<vmem>> -> memref<1x125xi32, #tpu.memory_space<vmem>>
      %dma_start3A_93 = tpu.memref_squeeze %dma_start3A_92 : memref<1x125xi32, #tpu.memory_space<vmem>> -> memref<125xi32, #tpu.memory_space<vmem>>
      %dma_start3A_94 = arith.constant 0 : i32
      %dma_start3A_95 = tpu.memref_slice %arg16[%dma_start3A_94] : memref<10000xf32, #tpu.memory_space<vmem_shared>> -> memref<10000xf32, #tpu.memory_space<vmem_shared>>
      tpu.enqueue_indirect_dma source(%arg11 : memref<125xf32, #tpu.memory_space<vmem>>) target(%dma_start3A_95 : memref<10000xf32, #tpu.memory_space<vmem_shared>>) offsets(%dma_start3A_93 : memref<125xi32, #tpu.memory_space<vmem>>) semaphore(%arg12 : memref<!tpu.dma_semaphore, #tpu.memory_space<semaphore_mem>>) {add = true}
      %mul3A_96 = arith.constant 16 : i32
      %mul3A_97 = arith.muli %scan3A_50, %mul3A_96 : i32
      %add3A_98 = arith.constant 5 : i32
      %add3A_99 = arith.addi %mul3A_97, %add3A_98 : i32
      %dma_start3A_100 = arith.constant 0 : i32
      %dma_start3A_101 = tpu.memref_slice %arg8[%add3A_99, %dma_start3A_100] : memref<80x125xi32, #tpu.memory_space<vmem>> -> memref<1x125xi32, #tpu.memory_space<vmem>>
      %dma_start3A_102 = tpu.memref_squeeze %dma_start3A_101 : memref<1x125xi32, #tpu.memory_space<vmem>> -> memref<125xi32, #tpu.memory_space<vmem>>
      %dma_start3A_103 = arith.constant 0 : i32
      %dma_start3A_104 = tpu.memref_slice %arg16[%dma_start3A_103] : memref<10000xf32, #tpu.memory_space<vmem_shared>> -> memref<10000xf32, #tpu.memory_space<vmem_shared>>
      tpu.enqueue_indirect_dma source(%arg11 : memref<125xf32, #tpu.memory_space<vmem>>) target(%dma_start3A_104 : memref<10000xf32, #tpu.memory_space<vmem_shared>>) offsets(%dma_start3A_102 : memref<125xi32, #tpu.memory_space<vmem>>) semaphore(%arg12 : memref<!tpu.dma_semaphore, #tpu.memory_space<semaphore_mem>>) {add = true}
      %mul3A_105 = arith.constant 16 : i32
      %mul3A_106 = arith.muli %scan3A_50, %mul3A_105 : i32
      %add3A_107 = arith.constant 6 : i32
      %add3A_108 = arith.addi %mul3A_106, %add3A_107 : i32
      %dma_start3A_109 = arith.constant 0 : i32
      %dma_start3A_110 = tpu.memref_slice %arg8[%add3A_108, %dma_start3A_109] : memref<80x125xi32, #tpu.memory_space<vmem>> -> memref<1x125xi32, #tpu.memory_space<vmem>>
      %dma_start3A_111 = tpu.memref_squeeze %dma_start3A_110 : memref<1x125xi32, #tpu.memory_space<vmem>> -> memref<125xi32, #tpu.memory_space<vmem>>
      %dma_start3A_112 = arith.constant 0 : i32
      %dma_start3A_113 = tpu.memref_slice %arg16[%dma_start3A_112] : memref<10000xf32, #tpu.memory_space<vmem_shared>> -> memref<10000xf32, #tpu.memory_space<vmem_shared>>
      tpu.enqueue_indirect_dma source(%arg11 : memref<125xf32, #tpu.memory_space<vmem>>) target(%dma_start3A_113 : memref<10000xf32, #tpu.memory_space<vmem_shared>>) offsets(%dma_start3A_111 : memref<125xi32, #tpu.memory_space<vmem>>) semaphore(%arg12 : memref<!tpu.dma_semaphore, #tpu.memory_space<semaphore_mem>>) {add = true}
      %mul3A_114 = arith.constant 16 : i32
      %mul3A_115 = arith.muli %scan3A_50, %mul3A_114 : i32
      %add3A_116 = arith.constant 7 : i32
      %add3A_117 = arith.addi %mul3A_115, %add3A_116 : i32
      %dma_start3A_118 = arith.constant 0 : i32
      %dma_start3A_119 = tpu.memref_slice %arg8[%add3A_117, %dma_start3A_118] : memref<80x125xi32, #tpu.memory_space<vmem>> -> memref<1x125xi32, #tpu.memory_space<vmem>>
      %dma_start3A_120 = tpu.memref_squeeze %dma_start3A_119 : memref<1x125xi32, #tpu.memory_space<vmem>> -> memref<125xi32, #tpu.memory_space<vmem>>
      %dma_start3A_121 = arith.constant 0 : i32
      %dma_start3A_122 = tpu.memref_slice %arg16[%dma_start3A_121] : memref<10000xf32, #tpu.memory_space<vmem_shared>> -> memref<10000xf32, #tpu.memory_space<vmem_shared>>
      tpu.enqueue_indirect_dma source(%arg11 : memref<125xf32, #tpu.memory_space<vmem>>) target(%dma_start3A_122 : memref<10000xf32, #tpu.memory_space<vmem_shared>>) offsets(%dma_start3A_120 : memref<125xi32, #tpu.memory_space<vmem>>) semaphore(%arg12 : memref<!tpu.dma_semaphore, #tpu.memory_space<semaphore_mem>>) {add = true}
      %mul3A_123 = arith.constant 16 : i32
      %mul3A_124 = arith.muli %scan3A_50, %mul3A_123 : i32
      %add3A_125 = arith.constant 8 : i32
      %add3A_126 = arith.addi %mul3A_124, %add3A_125 : i32
      %dma_start3A_127 = arith.constant 0 : i32
      %dma_start3A_128 = tpu.memref_slice %arg8[%add3A_126, %dma_start3A_127] : memref<80x125xi32, #tpu.memory_space<vmem>> -> memref<1x125xi32, #tpu.memory_space<vmem>>
      %dma_start3A_129 = tpu.memref_squeeze %dma_start3A_128 : memref<1x125xi32, #tpu.memory_space<vmem>> -> memref<125xi32, #tpu.memory_space<vmem>>
      %dma_start3A_130 = arith.constant 0 : i32
      %dma_start3A_131 = tpu.memref_slice %arg16[%dma_start3A_130] : memref<10000xf32, #tpu.memory_space<vmem_shared>> -> memref<10000xf32, #tpu.memory_space<vmem_shared>>
      tpu.enqueue_indirect_dma source(%arg11 : memref<125xf32, #tpu.memory_space<vmem>>) target(%dma_start3A_131 : memref<10000xf32, #tpu.memory_space<vmem_shared>>) offsets(%dma_start3A_129 : memref<125xi32, #tpu.memory_space<vmem>>) semaphore(%arg12 : memref<!tpu.dma_semaphore, #tpu.memory_space<semaphore_mem>>) {add = true}
      %mul3A_132 = arith.constant 16 : i32
      %mul3A_133 = arith.muli %scan3A_50, %mul3A_132 : i32
      %add3A_134 = arith.constant 9 : i32
      %add3A_135 = arith.addi %mul3A_133, %add3A_134 : i32
      %dma_start3A_136 = arith.constant 0 : i32
      %dma_start3A_137 = tpu.memref_slice %arg8[%add3A_135, %dma_start3A_136] : memref<80x125xi32, #tpu.memory_space<vmem>> -> memref<1x125xi32, #tpu.memory_space<vmem>>
      %dma_start3A_138 = tpu.memref_squeeze %dma_start3A_137 : memref<1x125xi32, #tpu.memory_space<vmem>> -> memref<125xi32, #tpu.memory_space<vmem>>
      %dma_start3A_139 = arith.constant 0 : i32
      %dma_start3A_140 = tpu.memref_slice %arg16[%dma_start3A_139] : memref<10000xf32, #tpu.memory_space<vmem_shared>> -> memref<10000xf32, #tpu.memory_space<vmem_shared>>
      tpu.enqueue_indirect_dma source(%arg11 : memref<125xf32, #tpu.memory_space<vmem>>) target(%dma_start3A_140 : memref<10000xf32, #tpu.memory_space<vmem_shared>>) offsets(%dma_start3A_138 : memref<125xi32, #tpu.memory_space<vmem>>) semaphore(%arg12 : memref<!tpu.dma_semaphore, #tpu.memory_space<semaphore_mem>>) {add = true}
      %mul3A_141 = arith.constant 16 : i32
      %mul3A_142 = arith.muli %scan3A_50, %mul3A_141 : i32
      %add3A_143 = arith.constant 10 : i32
      %add3A_144 = arith.addi %mul3A_142, %add3A_143 : i32
      %dma_start3A_145 = arith.constant 0 : i32
      %dma_start3A_146 = tpu.memref_slice %arg8[%add3A_144, %dma_start3A_145] : memref<80x125xi32, #tpu.memory_space<vmem>> -> memref<1x125xi32, #tpu.memory_space<vmem>>
      %dma_start3A_147 = tpu.memref_squeeze %dma_start3A_146 : memref<1x125xi32, #tpu.memory_space<vmem>> -> memref<125xi32, #tpu.memory_space<vmem>>
      %dma_start3A_148 = arith.constant 0 : i32
      %dma_start3A_149 = tpu.memref_slice %arg16[%dma_start3A_148] : memref<10000xf32, #tpu.memory_space<vmem_shared>> -> memref<10000xf32, #tpu.memory_space<vmem_shared>>
      tpu.enqueue_indirect_dma source(%arg11 : memref<125xf32, #tpu.memory_space<vmem>>) target(%dma_start3A_149 : memref<10000xf32, #tpu.memory_space<vmem_shared>>) offsets(%dma_start3A_147 : memref<125xi32, #tpu.memory_space<vmem>>) semaphore(%arg12 : memref<!tpu.dma_semaphore, #tpu.memory_space<semaphore_mem>>) {add = true}
      %mul3A_150 = arith.constant 16 : i32
      %mul3A_151 = arith.muli %scan3A_50, %mul3A_150 : i32
      %add3A_152 = arith.constant 11 : i32
      %add3A_153 = arith.addi %mul3A_151, %add3A_152 : i32
      %dma_start3A_154 = arith.constant 0 : i32
      %dma_start3A_155 = tpu.memref_slice %arg8[%add3A_153, %dma_start3A_154] : memref<80x125xi32, #tpu.memory_space<vmem>> -> memref<1x125xi32, #tpu.memory_space<vmem>>
      %dma_start3A_156 = tpu.memref_squeeze %dma_start3A_155 : memref<1x125xi32, #tpu.memory_space<vmem>> -> memref<125xi32, #tpu.memory_space<vmem>>
      %dma_start3A_157 = arith.constant 0 : i32
      %dma_start3A_158 = tpu.memref_slice %arg16[%dma_start3A_157] : memref<10000xf32, #tpu.memory_space<vmem_shared>> -> memref<10000xf32, #tpu.memory_space<vmem_shared>>
      tpu.enqueue_indirect_dma source(%arg11 : memref<125xf32, #tpu.memory_space<vmem>>) target(%dma_start3A_158 : memref<10000xf32, #tpu.memory_space<vmem_shared>>) offsets(%dma_start3A_156 : memref<125xi32, #tpu.memory_space<vmem>>) semaphore(%arg12 : memref<!tpu.dma_semaphore, #tpu.memory_space<semaphore_mem>>) {add = true}
      %mul3A_159 = arith.constant 16 : i32
      %mul3A_160 = arith.muli %scan3A_50, %mul3A_159 : i32
      %add3A_161 = arith.constant 12 : i32
      %add3A_162 = arith.addi %mul3A_160, %add3A_161 : i32
      %dma_start3A_163 = arith.constant 0 : i32
      %dma_start3A_164 = tpu.memref_slice %arg8[%add3A_162, %dma_start3A_163] : memref<80x125xi32, #tpu.memory_space<vmem>> -> memref<1x125xi32, #tpu.memory_space<vmem>>
      %dma_start3A_165 = tpu.memref_squeeze %dma_start3A_164 : memref<1x125xi32, #tpu.memory_space<vmem>> -> memref<125xi32, #tpu.memory_space<vmem>>
      %dma_start3A_166 = arith.constant 0 : i32
      %dma_start3A_167 = tpu.memref_slice %arg16[%dma_start3A_166] : memref<10000xf32, #tpu.memory_space<vmem_shared>> -> memref<10000xf32, #tpu.memory_space<vmem_shared>>
      tpu.enqueue_indirect_dma source(%arg11 : memref<125xf32, #tpu.memory_space<vmem>>) target(%dma_start3A_167 : memref<10000xf32, #tpu.memory_space<vmem_shared>>) offsets(%dma_start3A_165 : memref<125xi32, #tpu.memory_space<vmem>>) semaphore(%arg12 : memref<!tpu.dma_semaphore, #tpu.memory_space<semaphore_mem>>) {add = true}
      %mul3A_168 = arith.constant 16 : i32
      %mul3A_169 = arith.muli %scan3A_50, %mul3A_168 : i32
      %add3A_170 = arith.constant 13 : i32
      %add3A_171 = arith.addi %mul3A_169, %add3A_170 : i32
      %dma_start3A_172 = arith.constant 0 : i32
      %dma_start3A_173 = tpu.memref_slice %arg8[%add3A_171, %dma_start3A_172] : memref<80x125xi32, #tpu.memory_space<vmem>> -> memref<1x125xi32, #tpu.memory_space<vmem>>
      %dma_start3A_174 = tpu.memref_squeeze %dma_start3A_173 : memref<1x125xi32, #tpu.memory_space<vmem>> -> memref<125xi32, #tpu.memory_space<vmem>>
      %dma_start3A_175 = arith.constant 0 : i32
      %dma_start3A_176 = tpu.memref_slice %arg16[%dma_start3A_175] : memref<10000xf32, #tpu.memory_space<vmem_shared>> -> memref<10000xf32, #tpu.memory_space<vmem_shared>>
      tpu.enqueue_indirect_dma source(%arg11 : memref<125xf32, #tpu.memory_space<vmem>>) target(%dma_start3A_176 : memref<10000xf32, #tpu.memory_space<vmem_shared>>) offsets(%dma_start3A_174 : memref<125xi32, #tpu.memory_space<vmem>>) semaphore(%arg12 : memref<!tpu.dma_semaphore, #tpu.memory_space<semaphore_mem>>) {add = true}
      %mul3A_177 = arith.constant 16 : i32
      %mul3A_178 = arith.muli %scan3A_50, %mul3A_177 : i32
      %add3A_179 = arith.constant 14 : i32
      %add3A_180 = arith.addi %mul3A_178, %add3A_179 : i32
      %dma_start3A_181 = arith.constant 0 : i32
      %dma_start3A_182 = tpu.memref_slice %arg8[%add3A_180, %dma_start3A_181] : memref<80x125xi32, #tpu.memory_space<vmem>> -> memref<1x125xi32, #tpu.memory_space<vmem>>
      %dma_start3A_183 = tpu.memref_squeeze %dma_start3A_182 : memref<1x125xi32, #tpu.memory_space<vmem>> -> memref<125xi32, #tpu.memory_space<vmem>>
      %dma_start3A_184 = arith.constant 0 : i32
      %dma_start3A_185 = tpu.memref_slice %arg16[%dma_start3A_184] : memref<10000xf32, #tpu.memory_space<vmem_shared>> -> memref<10000xf32, #tpu.memory_space<vmem_shared>>
      tpu.enqueue_indirect_dma source(%arg11 : memref<125xf32, #tpu.memory_space<vmem>>) target(%dma_start3A_185 : memref<10000xf32, #tpu.memory_space<vmem_shared>>) offsets(%dma_start3A_183 : memref<125xi32, #tpu.memory_space<vmem>>) semaphore(%arg12 : memref<!tpu.dma_semaphore, #tpu.memory_space<semaphore_mem>>) {add = true}
      %mul3A_186 = arith.constant 16 : i32
      %mul3A_187 = arith.muli %scan3A_50, %mul3A_186 : i32
      %add3A_188 = arith.constant 15 : i32
      %add3A_189 = arith.addi %mul3A_187, %add3A_188 : i32
      %dma_start3A_190 = arith.constant 0 : i32
      %dma_start3A_191 = tpu.memref_slice %arg8[%add3A_189, %dma_start3A_190] : memref<80x125xi32, #tpu.memory_space<vmem>> -> memref<1x125xi32, #tpu.memory_space<vmem>>
      %dma_start3A_192 = tpu.memref_squeeze %dma_start3A_191 : memref<1x125xi32, #tpu.memory_space<vmem>> -> memref<125xi32, #tpu.memory_space<vmem>>
      %dma_start3A_193 = arith.constant 0 : i32
      %dma_start3A_194 = tpu.memref_slice %arg16[%dma_start3A_193] : memref<10000xf32, #tpu.memory_space<vmem_shared>> -> memref<10000xf32, #tpu.memory_space<vmem_shared>>
      tpu.enqueue_indirect_dma source(%arg11 : memref<125xf32, #tpu.memory_space<vmem>>) target(%dma_start3A_194 : memref<10000xf32, #tpu.memory_space<vmem_shared>>) offsets(%dma_start3A_192 : memref<125xi32, #tpu.memory_space<vmem>>) semaphore(%arg12 : memref<!tpu.dma_semaphore, #tpu.memory_space<semaphore_mem>>) {add = true}
      %dma_wait3A_195 = arith.constant 0 : i32
      %dma_wait3A_196 = arith.constant 0 : i32
      %dma_wait3A_197 = tpu.memref_slice %arg8[%dma_wait3A_195, %dma_wait3A_196] : memref<80x125xi32, #tpu.memory_space<vmem>> -> memref<1x125xi32, #tpu.memory_space<vmem>>
      %dma_wait3A_198 = tpu.memref_squeeze %dma_wait3A_197 : memref<1x125xi32, #tpu.memory_space<vmem>> -> memref<125xi32, #tpu.memory_space<vmem>>
      %dma_wait3A_199 = arith.constant 0 : i32
      %dma_wait3A_200 = tpu.memref_slice %arg16[%dma_wait3A_199] : memref<10000xf32, #tpu.memory_space<vmem_shared>> -> memref<10000xf32, #tpu.memory_space<vmem_shared>>
      tpu.wait_indirect_dma semaphore(%arg12 : memref<!tpu.dma_semaphore, #tpu.memory_space<semaphore_mem>>) src(%arg11 : memref<125xf32, #tpu.memory_space<vmem>>) dst(%dma_wait3A_200 : memref<10000xf32, #tpu.memory_space<vmem_shared>>)
      %dma_wait3A_201 = arith.constant 0 : i32
      %dma_wait3A_202 = arith.constant 0 : i32
      %dma_wait3A_203 = tpu.memref_slice %arg8[%dma_wait3A_201, %dma_wait3A_202] : memref<80x125xi32, #tpu.memory_space<vmem>> -> memref<1x125xi32, #tpu.memory_space<vmem>>
      %dma_wait3A_204 = tpu.memref_squeeze %dma_wait3A_203 : memref<1x125xi32, #tpu.memory_space<vmem>> -> memref<125xi32, #tpu.memory_space<vmem>>
      %dma_wait3A_205 = arith.constant 0 : i32
      %dma_wait3A_206 = tpu.memref_slice %arg16[%dma_wait3A_205] : memref<10000xf32, #tpu.memory_space<vmem_shared>> -> memref<10000xf32, #tpu.memory_space<vmem_shared>>
      tpu.wait_indirect_dma semaphore(%arg12 : memref<!tpu.dma_semaphore, #tpu.memory_space<semaphore_mem>>) src(%arg11 : memref<125xf32, #tpu.memory_space<vmem>>) dst(%dma_wait3A_206 : memref<10000xf32, #tpu.memory_space<vmem_shared>>)
      %dma_wait3A_207 = arith.constant 0 : i32
      %dma_wait3A_208 = arith.constant 0 : i32
      %dma_wait3A_209 = tpu.memref_slice %arg8[%dma_wait3A_207, %dma_wait3A_208] : memref<80x125xi32, #tpu.memory_space<vmem>> -> memref<1x125xi32, #tpu.memory_space<vmem>>
      %dma_wait3A_210 = tpu.memref_squeeze %dma_wait3A_209 : memref<1x125xi32, #tpu.memory_space<vmem>> -> memref<125xi32, #tpu.memory_space<vmem>>
      %dma_wait3A_211 = arith.constant 0 : i32
      %dma_wait3A_212 = tpu.memref_slice %arg16[%dma_wait3A_211] : memref<10000xf32, #tpu.memory_space<vmem_shared>> -> memref<10000xf32, #tpu.memory_space<vmem_shared>>
      tpu.wait_indirect_dma semaphore(%arg12 : memref<!tpu.dma_semaphore, #tpu.memory_space<semaphore_mem>>) src(%arg11 : memref<125xf32, #tpu.memory_space<vmem>>) dst(%dma_wait3A_212 : memref<10000xf32, #tpu.memory_space<vmem_shared>>)
      %dma_wait3A_213 = arith.constant 0 : i32
      %dma_wait3A_214 = arith.constant 0 : i32
      %dma_wait3A_215 = tpu.memref_slice %arg8[%dma_wait3A_213, %dma_wait3A_214] : memref<80x125xi32, #tpu.memory_space<vmem>> -> memref<1x125xi32, #tpu.memory_space<vmem>>
      %dma_wait3A_216 = tpu.memref_squeeze %dma_wait3A_215 : memref<1x125xi32, #tpu.memory_space<vmem>> -> memref<125xi32, #tpu.memory_space<vmem>>
      %dma_wait3A_217 = arith.constant 0 : i32
      %dma_wait3A_218 = tpu.memref_slice %arg16[%dma_wait3A_217] : memref<10000xf32, #tpu.memory_space<vmem_shared>> -> memref<10000xf32, #tpu.memory_space<vmem_shared>>
      tpu.wait_indirect_dma semaphore(%arg12 : memref<!tpu.dma_semaphore, #tpu.memory_space<semaphore_mem>>) src(%arg11 : memref<125xf32, #tpu.memory_space<vmem>>) dst(%dma_wait3A_218 : memref<10000xf32, #tpu.memory_space<vmem_shared>>)
      %dma_wait3A_219 = arith.constant 0 : i32
      %dma_wait3A_220 = arith.constant 0 : i32
      %dma_wait3A_221 = tpu.memref_slice %arg8[%dma_wait3A_219, %dma_wait3A_220] : memref<80x125xi32, #tpu.memory_space<vmem>> -> memref<1x125xi32, #tpu.memory_space<vmem>>
      %dma_wait3A_222 = tpu.memref_squeeze %dma_wait3A_221 : memref<1x125xi32, #tpu.memory_space<vmem>> -> memref<125xi32, #tpu.memory_space<vmem>>
      %dma_wait3A_223 = arith.constant 0 : i32
      %dma_wait3A_224 = tpu.memref_slice %arg16[%dma_wait3A_223] : memref<10000xf32, #tpu.memory_space<vmem_shared>> -> memref<10000xf32, #tpu.memory_space<vmem_shared>>
      tpu.wait_indirect_dma semaphore(%arg12 : memref<!tpu.dma_semaphore, #tpu.memory_space<semaphore_mem>>) src(%arg11 : memref<125xf32, #tpu.memory_space<vmem>>) dst(%dma_wait3A_224 : memref<10000xf32, #tpu.memory_space<vmem_shared>>)
      %dma_wait3A_225 = arith.constant 0 : i32
      %dma_wait3A_226 = arith.constant 0 : i32
      %dma_wait3A_227 = tpu.memref_slice %arg8[%dma_wait3A_225, %dma_wait3A_226] : memref<80x125xi32, #tpu.memory_space<vmem>> -> memref<1x125xi32, #tpu.memory_space<vmem>>
      %dma_wait3A_228 = tpu.memref_squeeze %dma_wait3A_227 : memref<1x125xi32, #tpu.memory_space<vmem>> -> memref<125xi32, #tpu.memory_space<vmem>>
      %dma_wait3A_229 = arith.constant 0 : i32
      %dma_wait3A_230 = tpu.memref_slice %arg16[%dma_wait3A_229] : memref<10000xf32, #tpu.memory_space<vmem_shared>> -> memref<10000xf32, #tpu.memory_space<vmem_shared>>
      tpu.wait_indirect_dma semaphore(%arg12 : memref<!tpu.dma_semaphore, #tpu.memory_space<semaphore_mem>>) src(%arg11 : memref<125xf32, #tpu.memory_space<vmem>>) dst(%dma_wait3A_230 : memref<10000xf32, #tpu.memory_space<vmem_shared>>)
      %dma_wait3A_231 = arith.constant 0 : i32
      %dma_wait3A_232 = arith.constant 0 : i32
      %dma_wait3A_233 = tpu.memref_slice %arg8[%dma_wait3A_231, %dma_wait3A_232] : memref<80x125xi32, #tpu.memory_space<vmem>> -> memref<1x125xi32, #tpu.memory_space<vmem>>
      %dma_wait3A_234 = tpu.memref_squeeze %dma_wait3A_233 : memref<1x125xi32, #tpu.memory_space<vmem>> -> memref<125xi32, #tpu.memory_space<vmem>>
      %dma_wait3A_235 = arith.constant 0 : i32
      %dma_wait3A_236 = tpu.memref_slice %arg16[%dma_wait3A_235] : memref<10000xf32, #tpu.memory_space<vmem_shared>> -> memref<10000xf32, #tpu.memory_space<vmem_shared>>
      tpu.wait_indirect_dma semaphore(%arg12 : memref<!tpu.dma_semaphore, #tpu.memory_space<semaphore_mem>>) src(%arg11 : memref<125xf32, #tpu.memory_space<vmem>>) dst(%dma_wait3A_236 : memref<10000xf32, #tpu.memory_space<vmem_shared>>)
      %dma_wait3A_237 = arith.constant 0 : i32
      %dma_wait3A_238 = arith.constant 0 : i32
      %dma_wait3A_239 = tpu.memref_slice %arg8[%dma_wait3A_237, %dma_wait3A_238] : memref<80x125xi32, #tpu.memory_space<vmem>> -> memref<1x125xi32, #tpu.memory_space<vmem>>
      %dma_wait3A_240 = tpu.memref_squeeze %dma_wait3A_239 : memref<1x125xi32, #tpu.memory_space<vmem>> -> memref<125xi32, #tpu.memory_space<vmem>>
      %dma_wait3A_241 = arith.constant 0 : i32
      %dma_wait3A_242 = tpu.memref_slice %arg16[%dma_wait3A_241] : memref<10000xf32, #tpu.memory_space<vmem_shared>> -> memref<10000xf32, #tpu.memory_space<vmem_shared>>
      tpu.wait_indirect_dma semaphore(%arg12 : memref<!tpu.dma_semaphore, #tpu.memory_space<semaphore_mem>>) src(%arg11 : memref<125xf32, #tpu.memory_space<vmem>>) dst(%dma_wait3A_242 : memref<10000xf32, #tpu.memory_space<vmem_shared>>)
      %dma_wait3A_243 = arith.constant 0 : i32
      %dma_wait3A_244 = arith.constant 0 : i32
      %dma_wait3A_245 = tpu.memref_slice %arg8[%dma_wait3A_243, %dma_wait3A_244] : memref<80x125xi32, #tpu.memory_space<vmem>> -> memref<1x125xi32, #tpu.memory_space<vmem>>
      %dma_wait3A_246 = tpu.memref_squeeze %dma_wait3A_245 : memref<1x125xi32, #tpu.memory_space<vmem>> -> memref<125xi32, #tpu.memory_space<vmem>>
      %dma_wait3A_247 = arith.constant 0 : i32
      %dma_wait3A_248 = tpu.memref_slice %arg16[%dma_wait3A_247] : memref<10000xf32, #tpu.memory_space<vmem_shared>> -> memref<10000xf32, #tpu.memory_space<vmem_shared>>
      tpu.wait_indirect_dma semaphore(%arg12 : memref<!tpu.dma_semaphore, #tpu.memory_space<semaphore_mem>>) src(%arg11 : memref<125xf32, #tpu.memory_space<vmem>>) dst(%dma_wait3A_248 : memref<10000xf32, #tpu.memory_space<vmem_shared>>)
      %dma_wait3A_249 = arith.constant 0 : i32
      %dma_wait3A_250 = arith.constant 0 : i32
      %dma_wait3A_251 = tpu.memref_slice %arg8[%dma_wait3A_249, %dma_wait3A_250] : memref<80x125xi32, #tpu.memory_space<vmem>> -> memref<1x125xi32, #tpu.memory_space<vmem>>
      %dma_wait3A_252 = tpu.memref_squeeze %dma_wait3A_251 : memref<1x125xi32, #tpu.memory_space<vmem>> -> memref<125xi32, #tpu.memory_space<vmem>>
      %dma_wait3A_253 = arith.constant 0 : i32
      %dma_wait3A_254 = tpu.memref_slice %arg16[%dma_wait3A_253] : memref<10000xf32, #tpu.memory_space<vmem_shared>> -> memref<10000xf32, #tpu.memory_space<vmem_shared>>
      tpu.wait_indirect_dma semaphore(%arg12 : memref<!tpu.dma_semaphore, #tpu.memory_space<semaphore_mem>>) src(%arg11 : memref<125xf32, #tpu.memory_space<vmem>>) dst(%dma_wait3A_254 : memref<10000xf32, #tpu.memory_space<vmem_shared>>)
      %dma_wait3A_255 = arith.constant 0 : i32
      %dma_wait3A_256 = arith.constant 0 : i32
      %dma_wait3A_257 = tpu.memref_slice %arg8[%dma_wait3A_255, %dma_wait3A_256] : memref<80x125xi32, #tpu.memory_space<vmem>> -> memref<1x125xi32, #tpu.memory_space<vmem>>
      %dma_wait3A_258 = tpu.memref_squeeze %dma_wait3A_257 : memref<1x125xi32, #tpu.memory_space<vmem>> -> memref<125xi32, #tpu.memory_space<vmem>>
      %dma_wait3A_259 = arith.constant 0 : i32
      %dma_wait3A_260 = tpu.memref_slice %arg16[%dma_wait3A_259] : memref<10000xf32, #tpu.memory_space<vmem_shared>> -> memref<10000xf32, #tpu.memory_space<vmem_shared>>
      tpu.wait_indirect_dma semaphore(%arg12 : memref<!tpu.dma_semaphore, #tpu.memory_space<semaphore_mem>>) src(%arg11 : memref<125xf32, #tpu.memory_space<vmem>>) dst(%dma_wait3A_260 : memref<10000xf32, #tpu.memory_space<vmem_shared>>)
      %dma_wait3A_261 = arith.constant 0 : i32
      %dma_wait3A_262 = arith.constant 0 : i32
      %dma_wait3A_263 = tpu.memref_slice %arg8[%dma_wait3A_261, %dma_wait3A_262] : memref<80x125xi32, #tpu.memory_space<vmem>> -> memref<1x125xi32, #tpu.memory_space<vmem>>
      %dma_wait3A_264 = tpu.memref_squeeze %dma_wait3A_263 : memref<1x125xi32, #tpu.memory_space<vmem>> -> memref<125xi32, #tpu.memory_space<vmem>>
      %dma_wait3A_265 = arith.constant 0 : i32
      %dma_wait3A_266 = tpu.memref_slice %arg16[%dma_wait3A_265] : memref<10000xf32, #tpu.memory_space<vmem_shared>> -> memref<10000xf32, #tpu.memory_space<vmem_shared>>
      tpu.wait_indirect_dma semaphore(%arg12 : memref<!tpu.dma_semaphore, #tpu.memory_space<semaphore_mem>>) src(%arg11 : memref<125xf32, #tpu.memory_space<vmem>>) dst(%dma_wait3A_266 : memref<10000xf32, #tpu.memory_space<vmem_shared>>)
      %dma_wait3A_267 = arith.constant 0 : i32
      %dma_wait3A_268 = arith.constant 0 : i32
      %dma_wait3A_269 = tpu.memref_slice %arg8[%dma_wait3A_267, %dma_wait3A_268] : memref<80x125xi32, #tpu.memory_space<vmem>> -> memref<1x125xi32, #tpu.memory_space<vmem>>
      %dma_wait3A_270 = tpu.memref_squeeze %dma_wait3A_269 : memref<1x125xi32, #tpu.memory_space<vmem>> -> memref<125xi32, #tpu.memory_space<vmem>>
      %dma_wait3A_271 = arith.constant 0 : i32
      %dma_wait3A_272 = tpu.memref_slice %arg16[%dma_wait3A_271] : memref<10000xf32, #tpu.memory_space<vmem_shared>> -> memref<10000xf32, #tpu.memory_space<vmem_shared>>
      tpu.wait_indirect_dma semaphore(%arg12 : memref<!tpu.dma_semaphore, #tpu.memory_space<semaphore_mem>>) src(%arg11 : memref<125xf32, #tpu.memory_space<vmem>>) dst(%dma_wait3A_272 : memref<10000xf32, #tpu.memory_space<vmem_shared>>)
      %dma_wait3A_273 = arith.constant 0 : i32
      %dma_wait3A_274 = arith.constant 0 : i32
      %dma_wait3A_275 = tpu.memref_slice %arg8[%dma_wait3A_273, %dma_wait3A_274] : memref<80x125xi32, #tpu.memory_space<vmem>> -> memref<1x125xi32, #tpu.memory_space<vmem>>
      %dma_wait3A_276 = tpu.memref_squeeze %dma_wait3A_275 : memref<1x125xi32, #tpu.memory_space<vmem>> -> memref<125xi32, #tpu.memory_space<vmem>>
      %dma_wait3A_277 = arith.constant 0 : i32
      %dma_wait3A_278 = tpu.memref_slice %arg16[%dma_wait3A_277] : memref<10000xf32, #tpu.memory_space<vmem_shared>> -> memref<10000xf32, #tpu.memory_space<vmem_shared>>
      tpu.wait_indirect_dma semaphore(%arg12 : memref<!tpu.dma_semaphore, #tpu.memory_space<semaphore_mem>>) src(%arg11 : memref<125xf32, #tpu.memory_space<vmem>>) dst(%dma_wait3A_278 : memref<10000xf32, #tpu.memory_space<vmem_shared>>)
      %dma_wait3A_279 = arith.constant 0 : i32
      %dma_wait3A_280 = arith.constant 0 : i32
      %dma_wait3A_281 = tpu.memref_slice %arg8[%dma_wait3A_279, %dma_wait3A_280] : memref<80x125xi32, #tpu.memory_space<vmem>> -> memref<1x125xi32, #tpu.memory_space<vmem>>
      %dma_wait3A_282 = tpu.memref_squeeze %dma_wait3A_281 : memref<1x125xi32, #tpu.memory_space<vmem>> -> memref<125xi32, #tpu.memory_space<vmem>>
      %dma_wait3A_283 = arith.constant 0 : i32
      %dma_wait3A_284 = tpu.memref_slice %arg16[%dma_wait3A_283] : memref<10000xf32, #tpu.memory_space<vmem_shared>> -> memref<10000xf32, #tpu.memory_space<vmem_shared>>
      tpu.wait_indirect_dma semaphore(%arg12 : memref<!tpu.dma_semaphore, #tpu.memory_space<semaphore_mem>>) src(%arg11 : memref<125xf32, #tpu.memory_space<vmem>>) dst(%dma_wait3A_284 : memref<10000xf32, #tpu.memory_space<vmem_shared>>)
      %dma_wait3A_285 = arith.constant 0 : i32
      %dma_wait3A_286 = arith.constant 0 : i32
      %dma_wait3A_287 = tpu.memref_slice %arg8[%dma_wait3A_285, %dma_wait3A_286] : memref<80x125xi32, #tpu.memory_space<vmem>> -> memref<1x125xi32, #tpu.memory_space<vmem>>
      %dma_wait3A_288 = tpu.memref_squeeze %dma_wait3A_287 : memref<1x125xi32, #tpu.memory_space<vmem>> -> memref<125xi32, #tpu.memory_space<vmem>>
      %dma_wait3A_289 = arith.constant 0 : i32
      %dma_wait3A_290 = tpu.memref_slice %arg16[%dma_wait3A_289] : memref<10000xf32, #tpu.memory_space<vmem_shared>> -> memref<10000xf32, #tpu.memory_space<vmem_shared>>
      tpu.wait_indirect_dma semaphore(%arg12 : memref<!tpu.dma_semaphore, #tpu.memory_space<semaphore_mem>>) src(%arg11 : memref<125xf32, #tpu.memory_space<vmem>>) dst(%dma_wait3A_290 : memref<10000xf32, #tpu.memory_space<vmem_shared>>)
    }
    %scan3A_37 = arith.constant 5 : i32
    %scan3A_38 = arith.constant 0 : i32
    %scan3A_39 = arith.constant 0 : i32
    %scan3A_40 = arith.constant 5 : i32
    %scan3A_41 = arith.addi %scan3A_39, %scan3A_40 : i32
    %scan3A_42 = arith.constant 1 : i32
    scf.for %scan3A_50 = %scan3A_39 to %scan3A_41 step %scan3A_42  : i32 {
      %mul3A_51 = arith.constant 16 : i32
      %mul3A_52 = arith.muli %scan3A_50, %mul3A_51 : i32
      %add3A_53 = arith.constant 0 : i32
      %add3A_54 = arith.addi %mul3A_52, %add3A_53 : i32
      %dma_start3A_55 = arith.constant 0 : i32
      %dma_start3A_56 = tpu.memref_slice %arg9[%add3A_54, %dma_start3A_55] : memref<80x125xi32, #tpu.memory_space<vmem>> -> memref<1x125xi32, #tpu.memory_space<vmem>>
      %dma_start3A_57 = tpu.memref_squeeze %dma_start3A_56 : memref<1x125xi32, #tpu.memory_space<vmem>> -> memref<125xi32, #tpu.memory_space<vmem>>
      %dma_start3A_58 = arith.constant 0 : i32
      %dma_start3A_59 = tpu.memref_slice %arg17[%dma_start3A_58] : memref<10000xf32, #tpu.memory_space<vmem_shared>> -> memref<10000xf32, #tpu.memory_space<vmem_shared>>
      tpu.enqueue_indirect_dma source(%arg11 : memref<125xf32, #tpu.memory_space<vmem>>) target(%dma_start3A_59 : memref<10000xf32, #tpu.memory_space<vmem_shared>>) offsets(%dma_start3A_57 : memref<125xi32, #tpu.memory_space<vmem>>) semaphore(%arg12 : memref<!tpu.dma_semaphore, #tpu.memory_space<semaphore_mem>>) {add = true}
      %mul3A_60 = arith.constant 16 : i32
      %mul3A_61 = arith.muli %scan3A_50, %mul3A_60 : i32
      %add3A_62 = arith.constant 1 : i32
      %add3A_63 = arith.addi %mul3A_61, %add3A_62 : i32
      %dma_start3A_64 = arith.constant 0 : i32
      %dma_start3A_65 = tpu.memref_slice %arg9[%add3A_63, %dma_start3A_64] : memref<80x125xi32, #tpu.memory_space<vmem>> -> memref<1x125xi32, #tpu.memory_space<vmem>>
      %dma_start3A_66 = tpu.memref_squeeze %dma_start3A_65 : memref<1x125xi32, #tpu.memory_space<vmem>> -> memref<125xi32, #tpu.memory_space<vmem>>
      %dma_start3A_67 = arith.constant 0 : i32
      %dma_start3A_68 = tpu.memref_slice %arg17[%dma_start3A_67] : memref<10000xf32, #tpu.memory_space<vmem_shared>> -> memref<10000xf32, #tpu.memory_space<vmem_shared>>
      tpu.enqueue_indirect_dma source(%arg11 : memref<125xf32, #tpu.memory_space<vmem>>) target(%dma_start3A_68 : memref<10000xf32, #tpu.memory_space<vmem_shared>>) offsets(%dma_start3A_66 : memref<125xi32, #tpu.memory_space<vmem>>) semaphore(%arg12 : memref<!tpu.dma_semaphore, #tpu.memory_space<semaphore_mem>>) {add = true}
      %mul3A_69 = arith.constant 16 : i32
      %mul3A_70 = arith.muli %scan3A_50, %mul3A_69 : i32
      %add3A_71 = arith.constant 2 : i32
      %add3A_72 = arith.addi %mul3A_70, %add3A_71 : i32
      %dma_start3A_73 = arith.constant 0 : i32
      %dma_start3A_74 = tpu.memref_slice %arg9[%add3A_72, %dma_start3A_73] : memref<80x125xi32, #tpu.memory_space<vmem>> -> memref<1x125xi32, #tpu.memory_space<vmem>>
      %dma_start3A_75 = tpu.memref_squeeze %dma_start3A_74 : memref<1x125xi32, #tpu.memory_space<vmem>> -> memref<125xi32, #tpu.memory_space<vmem>>
      %dma_start3A_76 = arith.constant 0 : i32
      %dma_start3A_77 = tpu.memref_slice %arg17[%dma_start3A_76] : memref<10000xf32, #tpu.memory_space<vmem_shared>> -> memref<10000xf32, #tpu.memory_space<vmem_shared>>
      tpu.enqueue_indirect_dma source(%arg11 : memref<125xf32, #tpu.memory_space<vmem>>) target(%dma_start3A_77 : memref<10000xf32, #tpu.memory_space<vmem_shared>>) offsets(%dma_start3A_75 : memref<125xi32, #tpu.memory_space<vmem>>) semaphore(%arg12 : memref<!tpu.dma_semaphore, #tpu.memory_space<semaphore_mem>>) {add = true}
      %mul3A_78 = arith.constant 16 : i32
      %mul3A_79 = arith.muli %scan3A_50, %mul3A_78 : i32
      %add3A_80 = arith.constant 3 : i32
      %add3A_81 = arith.addi %mul3A_79, %add3A_80 : i32
      %dma_start3A_82 = arith.constant 0 : i32
      %dma_start3A_83 = tpu.memref_slice %arg9[%add3A_81, %dma_start3A_82] : memref<80x125xi32, #tpu.memory_space<vmem>> -> memref<1x125xi32, #tpu.memory_space<vmem>>
      %dma_start3A_84 = tpu.memref_squeeze %dma_start3A_83 : memref<1x125xi32, #tpu.memory_space<vmem>> -> memref<125xi32, #tpu.memory_space<vmem>>
      %dma_start3A_85 = arith.constant 0 : i32
      %dma_start3A_86 = tpu.memref_slice %arg17[%dma_start3A_85] : memref<10000xf32, #tpu.memory_space<vmem_shared>> -> memref<10000xf32, #tpu.memory_space<vmem_shared>>
      tpu.enqueue_indirect_dma source(%arg11 : memref<125xf32, #tpu.memory_space<vmem>>) target(%dma_start3A_86 : memref<10000xf32, #tpu.memory_space<vmem_shared>>) offsets(%dma_start3A_84 : memref<125xi32, #tpu.memory_space<vmem>>) semaphore(%arg12 : memref<!tpu.dma_semaphore, #tpu.memory_space<semaphore_mem>>) {add = true}
      %mul3A_87 = arith.constant 16 : i32
      %mul3A_88 = arith.muli %scan3A_50, %mul3A_87 : i32
      %add3A_89 = arith.constant 4 : i32
      %add3A_90 = arith.addi %mul3A_88, %add3A_89 : i32
      %dma_start3A_91 = arith.constant 0 : i32
      %dma_start3A_92 = tpu.memref_slice %arg9[%add3A_90, %dma_start3A_91] : memref<80x125xi32, #tpu.memory_space<vmem>> -> memref<1x125xi32, #tpu.memory_space<vmem>>
      %dma_start3A_93 = tpu.memref_squeeze %dma_start3A_92 : memref<1x125xi32, #tpu.memory_space<vmem>> -> memref<125xi32, #tpu.memory_space<vmem>>
      %dma_start3A_94 = arith.constant 0 : i32
      %dma_start3A_95 = tpu.memref_slice %arg17[%dma_start3A_94] : memref<10000xf32, #tpu.memory_space<vmem_shared>> -> memref<10000xf32, #tpu.memory_space<vmem_shared>>
      tpu.enqueue_indirect_dma source(%arg11 : memref<125xf32, #tpu.memory_space<vmem>>) target(%dma_start3A_95 : memref<10000xf32, #tpu.memory_space<vmem_shared>>) offsets(%dma_start3A_93 : memref<125xi32, #tpu.memory_space<vmem>>) semaphore(%arg12 : memref<!tpu.dma_semaphore, #tpu.memory_space<semaphore_mem>>) {add = true}
      %mul3A_96 = arith.constant 16 : i32
      %mul3A_97 = arith.muli %scan3A_50, %mul3A_96 : i32
      %add3A_98 = arith.constant 5 : i32
      %add3A_99 = arith.addi %mul3A_97, %add3A_98 : i32
      %dma_start3A_100 = arith.constant 0 : i32
      %dma_start3A_101 = tpu.memref_slice %arg9[%add3A_99, %dma_start3A_100] : memref<80x125xi32, #tpu.memory_space<vmem>> -> memref<1x125xi32, #tpu.memory_space<vmem>>
      %dma_start3A_102 = tpu.memref_squeeze %dma_start3A_101 : memref<1x125xi32, #tpu.memory_space<vmem>> -> memref<125xi32, #tpu.memory_space<vmem>>
      %dma_start3A_103 = arith.constant 0 : i32
      %dma_start3A_104 = tpu.memref_slice %arg17[%dma_start3A_103] : memref<10000xf32, #tpu.memory_space<vmem_shared>> -> memref<10000xf32, #tpu.memory_space<vmem_shared>>
      tpu.enqueue_indirect_dma source(%arg11 : memref<125xf32, #tpu.memory_space<vmem>>) target(%dma_start3A_104 : memref<10000xf32, #tpu.memory_space<vmem_shared>>) offsets(%dma_start3A_102 : memref<125xi32, #tpu.memory_space<vmem>>) semaphore(%arg12 : memref<!tpu.dma_semaphore, #tpu.memory_space<semaphore_mem>>) {add = true}
      %mul3A_105 = arith.constant 16 : i32
      %mul3A_106 = arith.muli %scan3A_50, %mul3A_105 : i32
      %add3A_107 = arith.constant 6 : i32
      %add3A_108 = arith.addi %mul3A_106, %add3A_107 : i32
      %dma_start3A_109 = arith.constant 0 : i32
      %dma_start3A_110 = tpu.memref_slice %arg9[%add3A_108, %dma_start3A_109] : memref<80x125xi32, #tpu.memory_space<vmem>> -> memref<1x125xi32, #tpu.memory_space<vmem>>
      %dma_start3A_111 = tpu.memref_squeeze %dma_start3A_110 : memref<1x125xi32, #tpu.memory_space<vmem>> -> memref<125xi32, #tpu.memory_space<vmem>>
      %dma_start3A_112 = arith.constant 0 : i32
      %dma_start3A_113 = tpu.memref_slice %arg17[%dma_start3A_112] : memref<10000xf32, #tpu.memory_space<vmem_shared>> -> memref<10000xf32, #tpu.memory_space<vmem_shared>>
      tpu.enqueue_indirect_dma source(%arg11 : memref<125xf32, #tpu.memory_space<vmem>>) target(%dma_start3A_113 : memref<10000xf32, #tpu.memory_space<vmem_shared>>) offsets(%dma_start3A_111 : memref<125xi32, #tpu.memory_space<vmem>>) semaphore(%arg12 : memref<!tpu.dma_semaphore, #tpu.memory_space<semaphore_mem>>) {add = true}
      %mul3A_114 = arith.constant 16 : i32
      %mul3A_115 = arith.muli %scan3A_50, %mul3A_114 : i32
      %add3A_116 = arith.constant 7 : i32
      %add3A_117 = arith.addi %mul3A_115, %add3A_116 : i32
      %dma_start3A_118 = arith.constant 0 : i32
      %dma_start3A_119 = tpu.memref_slice %arg9[%add3A_117, %dma_start3A_118] : memref<80x125xi32, #tpu.memory_space<vmem>> -> memref<1x125xi32, #tpu.memory_space<vmem>>
      %dma_start3A_120 = tpu.memref_squeeze %dma_start3A_119 : memref<1x125xi32, #tpu.memory_space<vmem>> -> memref<125xi32, #tpu.memory_space<vmem>>
      %dma_start3A_121 = arith.constant 0 : i32
      %dma_start3A_122 = tpu.memref_slice %arg17[%dma_start3A_121] : memref<10000xf32, #tpu.memory_space<vmem_shared>> -> memref<10000xf32, #tpu.memory_space<vmem_shared>>
      tpu.enqueue_indirect_dma source(%arg11 : memref<125xf32, #tpu.memory_space<vmem>>) target(%dma_start3A_122 : memref<10000xf32, #tpu.memory_space<vmem_shared>>) offsets(%dma_start3A_120 : memref<125xi32, #tpu.memory_space<vmem>>) semaphore(%arg12 : memref<!tpu.dma_semaphore, #tpu.memory_space<semaphore_mem>>) {add = true}
      %mul3A_123 = arith.constant 16 : i32
      %mul3A_124 = arith.muli %scan3A_50, %mul3A_123 : i32
      %add3A_125 = arith.constant 8 : i32
      %add3A_126 = arith.addi %mul3A_124, %add3A_125 : i32
      %dma_start3A_127 = arith.constant 0 : i32
      %dma_start3A_128 = tpu.memref_slice %arg9[%add3A_126, %dma_start3A_127] : memref<80x125xi32, #tpu.memory_space<vmem>> -> memref<1x125xi32, #tpu.memory_space<vmem>>
      %dma_start3A_129 = tpu.memref_squeeze %dma_start3A_128 : memref<1x125xi32, #tpu.memory_space<vmem>> -> memref<125xi32, #tpu.memory_space<vmem>>
      %dma_start3A_130 = arith.constant 0 : i32
      %dma_start3A_131 = tpu.memref_slice %arg17[%dma_start3A_130] : memref<10000xf32, #tpu.memory_space<vmem_shared>> -> memref<10000xf32, #tpu.memory_space<vmem_shared>>
      tpu.enqueue_indirect_dma source(%arg11 : memref<125xf32, #tpu.memory_space<vmem>>) target(%dma_start3A_131 : memref<10000xf32, #tpu.memory_space<vmem_shared>>) offsets(%dma_start3A_129 : memref<125xi32, #tpu.memory_space<vmem>>) semaphore(%arg12 : memref<!tpu.dma_semaphore, #tpu.memory_space<semaphore_mem>>) {add = true}
      %mul3A_132 = arith.constant 16 : i32
      %mul3A_133 = arith.muli %scan3A_50, %mul3A_132 : i32
      %add3A_134 = arith.constant 9 : i32
      %add3A_135 = arith.addi %mul3A_133, %add3A_134 : i32
      %dma_start3A_136 = arith.constant 0 : i32
      %dma_start3A_137 = tpu.memref_slice %arg9[%add3A_135, %dma_start3A_136] : memref<80x125xi32, #tpu.memory_space<vmem>> -> memref<1x125xi32, #tpu.memory_space<vmem>>
      %dma_start3A_138 = tpu.memref_squeeze %dma_start3A_137 : memref<1x125xi32, #tpu.memory_space<vmem>> -> memref<125xi32, #tpu.memory_space<vmem>>
      %dma_start3A_139 = arith.constant 0 : i32
      %dma_start3A_140 = tpu.memref_slice %arg17[%dma_start3A_139] : memref<10000xf32, #tpu.memory_space<vmem_shared>> -> memref<10000xf32, #tpu.memory_space<vmem_shared>>
      tpu.enqueue_indirect_dma source(%arg11 : memref<125xf32, #tpu.memory_space<vmem>>) target(%dma_start3A_140 : memref<10000xf32, #tpu.memory_space<vmem_shared>>) offsets(%dma_start3A_138 : memref<125xi32, #tpu.memory_space<vmem>>) semaphore(%arg12 : memref<!tpu.dma_semaphore, #tpu.memory_space<semaphore_mem>>) {add = true}
      %mul3A_141 = arith.constant 16 : i32
      %mul3A_142 = arith.muli %scan3A_50, %mul3A_141 : i32
      %add3A_143 = arith.constant 10 : i32
      %add3A_144 = arith.addi %mul3A_142, %add3A_143 : i32
      %dma_start3A_145 = arith.constant 0 : i32
      %dma_start3A_146 = tpu.memref_slice %arg9[%add3A_144, %dma_start3A_145] : memref<80x125xi32, #tpu.memory_space<vmem>> -> memref<1x125xi32, #tpu.memory_space<vmem>>
      %dma_start3A_147 = tpu.memref_squeeze %dma_start3A_146 : memref<1x125xi32, #tpu.memory_space<vmem>> -> memref<125xi32, #tpu.memory_space<vmem>>
      %dma_start3A_148 = arith.constant 0 : i32
      %dma_start3A_149 = tpu.memref_slice %arg17[%dma_start3A_148] : memref<10000xf32, #tpu.memory_space<vmem_shared>> -> memref<10000xf32, #tpu.memory_space<vmem_shared>>
      tpu.enqueue_indirect_dma source(%arg11 : memref<125xf32, #tpu.memory_space<vmem>>) target(%dma_start3A_149 : memref<10000xf32, #tpu.memory_space<vmem_shared>>) offsets(%dma_start3A_147 : memref<125xi32, #tpu.memory_space<vmem>>) semaphore(%arg12 : memref<!tpu.dma_semaphore, #tpu.memory_space<semaphore_mem>>) {add = true}
      %mul3A_150 = arith.constant 16 : i32
      %mul3A_151 = arith.muli %scan3A_50, %mul3A_150 : i32
      %add3A_152 = arith.constant 11 : i32
      %add3A_153 = arith.addi %mul3A_151, %add3A_152 : i32
      %dma_start3A_154 = arith.constant 0 : i32
      %dma_start3A_155 = tpu.memref_slice %arg9[%add3A_153, %dma_start3A_154] : memref<80x125xi32, #tpu.memory_space<vmem>> -> memref<1x125xi32, #tpu.memory_space<vmem>>
      %dma_start3A_156 = tpu.memref_squeeze %dma_start3A_155 : memref<1x125xi32, #tpu.memory_space<vmem>> -> memref<125xi32, #tpu.memory_space<vmem>>
      %dma_start3A_157 = arith.constant 0 : i32
      %dma_start3A_158 = tpu.memref_slice %arg17[%dma_start3A_157] : memref<10000xf32, #tpu.memory_space<vmem_shared>> -> memref<10000xf32, #tpu.memory_space<vmem_shared>>
      tpu.enqueue_indirect_dma source(%arg11 : memref<125xf32, #tpu.memory_space<vmem>>) target(%dma_start3A_158 : memref<10000xf32, #tpu.memory_space<vmem_shared>>) offsets(%dma_start3A_156 : memref<125xi32, #tpu.memory_space<vmem>>) semaphore(%arg12 : memref<!tpu.dma_semaphore, #tpu.memory_space<semaphore_mem>>) {add = true}
      %mul3A_159 = arith.constant 16 : i32
      %mul3A_160 = arith.muli %scan3A_50, %mul3A_159 : i32
      %add3A_161 = arith.constant 12 : i32
      %add3A_162 = arith.addi %mul3A_160, %add3A_161 : i32
      %dma_start3A_163 = arith.constant 0 : i32
      %dma_start3A_164 = tpu.memref_slice %arg9[%add3A_162, %dma_start3A_163] : memref<80x125xi32, #tpu.memory_space<vmem>> -> memref<1x125xi32, #tpu.memory_space<vmem>>
      %dma_start3A_165 = tpu.memref_squeeze %dma_start3A_164 : memref<1x125xi32, #tpu.memory_space<vmem>> -> memref<125xi32, #tpu.memory_space<vmem>>
      %dma_start3A_166 = arith.constant 0 : i32
      %dma_start3A_167 = tpu.memref_slice %arg17[%dma_start3A_166] : memref<10000xf32, #tpu.memory_space<vmem_shared>> -> memref<10000xf32, #tpu.memory_space<vmem_shared>>
      tpu.enqueue_indirect_dma source(%arg11 : memref<125xf32, #tpu.memory_space<vmem>>) target(%dma_start3A_167 : memref<10000xf32, #tpu.memory_space<vmem_shared>>) offsets(%dma_start3A_165 : memref<125xi32, #tpu.memory_space<vmem>>) semaphore(%arg12 : memref<!tpu.dma_semaphore, #tpu.memory_space<semaphore_mem>>) {add = true}
      %mul3A_168 = arith.constant 16 : i32
      %mul3A_169 = arith.muli %scan3A_50, %mul3A_168 : i32
      %add3A_170 = arith.constant 13 : i32
      %add3A_171 = arith.addi %mul3A_169, %add3A_170 : i32
      %dma_start3A_172 = arith.constant 0 : i32
      %dma_start3A_173 = tpu.memref_slice %arg9[%add3A_171, %dma_start3A_172] : memref<80x125xi32, #tpu.memory_space<vmem>> -> memref<1x125xi32, #tpu.memory_space<vmem>>
      %dma_start3A_174 = tpu.memref_squeeze %dma_start3A_173 : memref<1x125xi32, #tpu.memory_space<vmem>> -> memref<125xi32, #tpu.memory_space<vmem>>
      %dma_start3A_175 = arith.constant 0 : i32
      %dma_start3A_176 = tpu.memref_slice %arg17[%dma_start3A_175] : memref<10000xf32, #tpu.memory_space<vmem_shared>> -> memref<10000xf32, #tpu.memory_space<vmem_shared>>
      tpu.enqueue_indirect_dma source(%arg11 : memref<125xf32, #tpu.memory_space<vmem>>) target(%dma_start3A_176 : memref<10000xf32, #tpu.memory_space<vmem_shared>>) offsets(%dma_start3A_174 : memref<125xi32, #tpu.memory_space<vmem>>) semaphore(%arg12 : memref<!tpu.dma_semaphore, #tpu.memory_space<semaphore_mem>>) {add = true}
      %mul3A_177 = arith.constant 16 : i32
      %mul3A_178 = arith.muli %scan3A_50, %mul3A_177 : i32
      %add3A_179 = arith.constant 14 : i32
      %add3A_180 = arith.addi %mul3A_178, %add3A_179 : i32
      %dma_start3A_181 = arith.constant 0 : i32
      %dma_start3A_182 = tpu.memref_slice %arg9[%add3A_180, %dma_start3A_181] : memref<80x125xi32, #tpu.memory_space<vmem>> -> memref<1x125xi32, #tpu.memory_space<vmem>>
      %dma_start3A_183 = tpu.memref_squeeze %dma_start3A_182 : memref<1x125xi32, #tpu.memory_space<vmem>> -> memref<125xi32, #tpu.memory_space<vmem>>
      %dma_start3A_184 = arith.constant 0 : i32
      %dma_start3A_185 = tpu.memref_slice %arg17[%dma_start3A_184] : memref<10000xf32, #tpu.memory_space<vmem_shared>> -> memref<10000xf32, #tpu.memory_space<vmem_shared>>
      tpu.enqueue_indirect_dma source(%arg11 : memref<125xf32, #tpu.memory_space<vmem>>) target(%dma_start3A_185 : memref<10000xf32, #tpu.memory_space<vmem_shared>>) offsets(%dma_start3A_183 : memref<125xi32, #tpu.memory_space<vmem>>) semaphore(%arg12 : memref<!tpu.dma_semaphore, #tpu.memory_space<semaphore_mem>>) {add = true}
      %mul3A_186 = arith.constant 16 : i32
      %mul3A_187 = arith.muli %scan3A_50, %mul3A_186 : i32
      %add3A_188 = arith.constant 15 : i32
      %add3A_189 = arith.addi %mul3A_187, %add3A_188 : i32
      %dma_start3A_190 = arith.constant 0 : i32
      %dma_start3A_191 = tpu.memref_slice %arg9[%add3A_189, %dma_start3A_190] : memref<80x125xi32, #tpu.memory_space<vmem>> -> memref<1x125xi32, #tpu.memory_space<vmem>>
      %dma_start3A_192 = tpu.memref_squeeze %dma_start3A_191 : memref<1x125xi32, #tpu.memory_space<vmem>> -> memref<125xi32, #tpu.memory_space<vmem>>
      %dma_start3A_193 = arith.constant 0 : i32
      %dma_start3A_194 = tpu.memref_slice %arg17[%dma_start3A_193] : memref<10000xf32, #tpu.memory_space<vmem_shared>> -> memref<10000xf32, #tpu.memory_space<vmem_shared>>
      tpu.enqueue_indirect_dma source(%arg11 : memref<125xf32, #tpu.memory_space<vmem>>) target(%dma_start3A_194 : memref<10000xf32, #tpu.memory_space<vmem_shared>>) offsets(%dma_start3A_192 : memref<125xi32, #tpu.memory_space<vmem>>) semaphore(%arg12 : memref<!tpu.dma_semaphore, #tpu.memory_space<semaphore_mem>>) {add = true}
      %dma_wait3A_195 = arith.constant 0 : i32
      %dma_wait3A_196 = arith.constant 0 : i32
      %dma_wait3A_197 = tpu.memref_slice %arg9[%dma_wait3A_195, %dma_wait3A_196] : memref<80x125xi32, #tpu.memory_space<vmem>> -> memref<1x125xi32, #tpu.memory_space<vmem>>
      %dma_wait3A_198 = tpu.memref_squeeze %dma_wait3A_197 : memref<1x125xi32, #tpu.memory_space<vmem>> -> memref<125xi32, #tpu.memory_space<vmem>>
      %dma_wait3A_199 = arith.constant 0 : i32
      %dma_wait3A_200 = tpu.memref_slice %arg17[%dma_wait3A_199] : memref<10000xf32, #tpu.memory_space<vmem_shared>> -> memref<10000xf32, #tpu.memory_space<vmem_shared>>
      tpu.wait_indirect_dma semaphore(%arg12 : memref<!tpu.dma_semaphore, #tpu.memory_space<semaphore_mem>>) src(%arg11 : memref<125xf32, #tpu.memory_space<vmem>>) dst(%dma_wait3A_200 : memref<10000xf32, #tpu.memory_space<vmem_shared>>)
      %dma_wait3A_201 = arith.constant 0 : i32
      %dma_wait3A_202 = arith.constant 0 : i32
      %dma_wait3A_203 = tpu.memref_slice %arg9[%dma_wait3A_201, %dma_wait3A_202] : memref<80x125xi32, #tpu.memory_space<vmem>> -> memref<1x125xi32, #tpu.memory_space<vmem>>
      %dma_wait3A_204 = tpu.memref_squeeze %dma_wait3A_203 : memref<1x125xi32, #tpu.memory_space<vmem>> -> memref<125xi32, #tpu.memory_space<vmem>>
      %dma_wait3A_205 = arith.constant 0 : i32
      %dma_wait3A_206 = tpu.memref_slice %arg17[%dma_wait3A_205] : memref<10000xf32, #tpu.memory_space<vmem_shared>> -> memref<10000xf32, #tpu.memory_space<vmem_shared>>
      tpu.wait_indirect_dma semaphore(%arg12 : memref<!tpu.dma_semaphore, #tpu.memory_space<semaphore_mem>>) src(%arg11 : memref<125xf32, #tpu.memory_space<vmem>>) dst(%dma_wait3A_206 : memref<10000xf32, #tpu.memory_space<vmem_shared>>)
      %dma_wait3A_207 = arith.constant 0 : i32
      %dma_wait3A_208 = arith.constant 0 : i32
      %dma_wait3A_209 = tpu.memref_slice %arg9[%dma_wait3A_207, %dma_wait3A_208] : memref<80x125xi32, #tpu.memory_space<vmem>> -> memref<1x125xi32, #tpu.memory_space<vmem>>
      %dma_wait3A_210 = tpu.memref_squeeze %dma_wait3A_209 : memref<1x125xi32, #tpu.memory_space<vmem>> -> memref<125xi32, #tpu.memory_space<vmem>>
      %dma_wait3A_211 = arith.constant 0 : i32
      %dma_wait3A_212 = tpu.memref_slice %arg17[%dma_wait3A_211] : memref<10000xf32, #tpu.memory_space<vmem_shared>> -> memref<10000xf32, #tpu.memory_space<vmem_shared>>
      tpu.wait_indirect_dma semaphore(%arg12 : memref<!tpu.dma_semaphore, #tpu.memory_space<semaphore_mem>>) src(%arg11 : memref<125xf32, #tpu.memory_space<vmem>>) dst(%dma_wait3A_212 : memref<10000xf32, #tpu.memory_space<vmem_shared>>)
      %dma_wait3A_213 = arith.constant 0 : i32
      %dma_wait3A_214 = arith.constant 0 : i32
      %dma_wait3A_215 = tpu.memref_slice %arg9[%dma_wait3A_213, %dma_wait3A_214] : memref<80x125xi32, #tpu.memory_space<vmem>> -> memref<1x125xi32, #tpu.memory_space<vmem>>
      %dma_wait3A_216 = tpu.memref_squeeze %dma_wait3A_215 : memref<1x125xi32, #tpu.memory_space<vmem>> -> memref<125xi32, #tpu.memory_space<vmem>>
      %dma_wait3A_217 = arith.constant 0 : i32
      %dma_wait3A_218 = tpu.memref_slice %arg17[%dma_wait3A_217] : memref<10000xf32, #tpu.memory_space<vmem_shared>> -> memref<10000xf32, #tpu.memory_space<vmem_shared>>
      tpu.wait_indirect_dma semaphore(%arg12 : memref<!tpu.dma_semaphore, #tpu.memory_space<semaphore_mem>>) src(%arg11 : memref<125xf32, #tpu.memory_space<vmem>>) dst(%dma_wait3A_218 : memref<10000xf32, #tpu.memory_space<vmem_shared>>)
      %dma_wait3A_219 = arith.constant 0 : i32
      %dma_wait3A_220 = arith.constant 0 : i32
      %dma_wait3A_221 = tpu.memref_slice %arg9[%dma_wait3A_219, %dma_wait3A_220] : memref<80x125xi32, #tpu.memory_space<vmem>> -> memref<1x125xi32, #tpu.memory_space<vmem>>
      %dma_wait3A_222 = tpu.memref_squeeze %dma_wait3A_221 : memref<1x125xi32, #tpu.memory_space<vmem>> -> memref<125xi32, #tpu.memory_space<vmem>>
      %dma_wait3A_223 = arith.constant 0 : i32
      %dma_wait3A_224 = tpu.memref_slice %arg17[%dma_wait3A_223] : memref<10000xf32, #tpu.memory_space<vmem_shared>> -> memref<10000xf32, #tpu.memory_space<vmem_shared>>
      tpu.wait_indirect_dma semaphore(%arg12 : memref<!tpu.dma_semaphore, #tpu.memory_space<semaphore_mem>>) src(%arg11 : memref<125xf32, #tpu.memory_space<vmem>>) dst(%dma_wait3A_224 : memref<10000xf32, #tpu.memory_space<vmem_shared>>)
      %dma_wait3A_225 = arith.constant 0 : i32
      %dma_wait3A_226 = arith.constant 0 : i32
      %dma_wait3A_227 = tpu.memref_slice %arg9[%dma_wait3A_225, %dma_wait3A_226] : memref<80x125xi32, #tpu.memory_space<vmem>> -> memref<1x125xi32, #tpu.memory_space<vmem>>
      %dma_wait3A_228 = tpu.memref_squeeze %dma_wait3A_227 : memref<1x125xi32, #tpu.memory_space<vmem>> -> memref<125xi32, #tpu.memory_space<vmem>>
      %dma_wait3A_229 = arith.constant 0 : i32
      %dma_wait3A_230 = tpu.memref_slice %arg17[%dma_wait3A_229] : memref<10000xf32, #tpu.memory_space<vmem_shared>> -> memref<10000xf32, #tpu.memory_space<vmem_shared>>
      tpu.wait_indirect_dma semaphore(%arg12 : memref<!tpu.dma_semaphore, #tpu.memory_space<semaphore_mem>>) src(%arg11 : memref<125xf32, #tpu.memory_space<vmem>>) dst(%dma_wait3A_230 : memref<10000xf32, #tpu.memory_space<vmem_shared>>)
      %dma_wait3A_231 = arith.constant 0 : i32
      %dma_wait3A_232 = arith.constant 0 : i32
      %dma_wait3A_233 = tpu.memref_slice %arg9[%dma_wait3A_231, %dma_wait3A_232] : memref<80x125xi32, #tpu.memory_space<vmem>> -> memref<1x125xi32, #tpu.memory_space<vmem>>
      %dma_wait3A_234 = tpu.memref_squeeze %dma_wait3A_233 : memref<1x125xi32, #tpu.memory_space<vmem>> -> memref<125xi32, #tpu.memory_space<vmem>>
      %dma_wait3A_235 = arith.constant 0 : i32
      %dma_wait3A_236 = tpu.memref_slice %arg17[%dma_wait3A_235] : memref<10000xf32, #tpu.memory_space<vmem_shared>> -> memref<10000xf32, #tpu.memory_space<vmem_shared>>
      tpu.wait_indirect_dma semaphore(%arg12 : memref<!tpu.dma_semaphore, #tpu.memory_space<semaphore_mem>>) src(%arg11 : memref<125xf32, #tpu.memory_space<vmem>>) dst(%dma_wait3A_236 : memref<10000xf32, #tpu.memory_space<vmem_shared>>)
      %dma_wait3A_237 = arith.constant 0 : i32
      %dma_wait3A_238 = arith.constant 0 : i32
      %dma_wait3A_239 = tpu.memref_slice %arg9[%dma_wait3A_237, %dma_wait3A_238] : memref<80x125xi32, #tpu.memory_space<vmem>> -> memref<1x125xi32, #tpu.memory_space<vmem>>
      %dma_wait3A_240 = tpu.memref_squeeze %dma_wait3A_239 : memref<1x125xi32, #tpu.memory_space<vmem>> -> memref<125xi32, #tpu.memory_space<vmem>>
      %dma_wait3A_241 = arith.constant 0 : i32
      %dma_wait3A_242 = tpu.memref_slice %arg17[%dma_wait3A_241] : memref<10000xf32, #tpu.memory_space<vmem_shared>> -> memref<10000xf32, #tpu.memory_space<vmem_shared>>
      tpu.wait_indirect_dma semaphore(%arg12 : memref<!tpu.dma_semaphore, #tpu.memory_space<semaphore_mem>>) src(%arg11 : memref<125xf32, #tpu.memory_space<vmem>>) dst(%dma_wait3A_242 : memref<10000xf32, #tpu.memory_space<vmem_shared>>)
      %dma_wait3A_243 = arith.constant 0 : i32
      %dma_wait3A_244 = arith.constant 0 : i32
      %dma_wait3A_245 = tpu.memref_slice %arg9[%dma_wait3A_243, %dma_wait3A_244] : memref<80x125xi32, #tpu.memory_space<vmem>> -> memref<1x125xi32, #tpu.memory_space<vmem>>
      %dma_wait3A_246 = tpu.memref_squeeze %dma_wait3A_245 : memref<1x125xi32, #tpu.memory_space<vmem>> -> memref<125xi32, #tpu.memory_space<vmem>>
      %dma_wait3A_247 = arith.constant 0 : i32
      %dma_wait3A_248 = tpu.memref_slice %arg17[%dma_wait3A_247] : memref<10000xf32, #tpu.memory_space<vmem_shared>> -> memref<10000xf32, #tpu.memory_space<vmem_shared>>
      tpu.wait_indirect_dma semaphore(%arg12 : memref<!tpu.dma_semaphore, #tpu.memory_space<semaphore_mem>>) src(%arg11 : memref<125xf32, #tpu.memory_space<vmem>>) dst(%dma_wait3A_248 : memref<10000xf32, #tpu.memory_space<vmem_shared>>)
      %dma_wait3A_249 = arith.constant 0 : i32
      %dma_wait3A_250 = arith.constant 0 : i32
      %dma_wait3A_251 = tpu.memref_slice %arg9[%dma_wait3A_249, %dma_wait3A_250] : memref<80x125xi32, #tpu.memory_space<vmem>> -> memref<1x125xi32, #tpu.memory_space<vmem>>
      %dma_wait3A_252 = tpu.memref_squeeze %dma_wait3A_251 : memref<1x125xi32, #tpu.memory_space<vmem>> -> memref<125xi32, #tpu.memory_space<vmem>>
      %dma_wait3A_253 = arith.constant 0 : i32
      %dma_wait3A_254 = tpu.memref_slice %arg17[%dma_wait3A_253] : memref<10000xf32, #tpu.memory_space<vmem_shared>> -> memref<10000xf32, #tpu.memory_space<vmem_shared>>
      tpu.wait_indirect_dma semaphore(%arg12 : memref<!tpu.dma_semaphore, #tpu.memory_space<semaphore_mem>>) src(%arg11 : memref<125xf32, #tpu.memory_space<vmem>>) dst(%dma_wait3A_254 : memref<10000xf32, #tpu.memory_space<vmem_shared>>)
      %dma_wait3A_255 = arith.constant 0 : i32
      %dma_wait3A_256 = arith.constant 0 : i32
      %dma_wait3A_257 = tpu.memref_slice %arg9[%dma_wait3A_255, %dma_wait3A_256] : memref<80x125xi32, #tpu.memory_space<vmem>> -> memref<1x125xi32, #tpu.memory_space<vmem>>
      %dma_wait3A_258 = tpu.memref_squeeze %dma_wait3A_257 : memref<1x125xi32, #tpu.memory_space<vmem>> -> memref<125xi32, #tpu.memory_space<vmem>>
      %dma_wait3A_259 = arith.constant 0 : i32
      %dma_wait3A_260 = tpu.memref_slice %arg17[%dma_wait3A_259] : memref<10000xf32, #tpu.memory_space<vmem_shared>> -> memref<10000xf32, #tpu.memory_space<vmem_shared>>
      tpu.wait_indirect_dma semaphore(%arg12 : memref<!tpu.dma_semaphore, #tpu.memory_space<semaphore_mem>>) src(%arg11 : memref<125xf32, #tpu.memory_space<vmem>>) dst(%dma_wait3A_260 : memref<10000xf32, #tpu.memory_space<vmem_shared>>)
      %dma_wait3A_261 = arith.constant 0 : i32
      %dma_wait3A_262 = arith.constant 0 : i32
      %dma_wait3A_263 = tpu.memref_slice %arg9[%dma_wait3A_261, %dma_wait3A_262] : memref<80x125xi32, #tpu.memory_space<vmem>> -> memref<1x125xi32, #tpu.memory_space<vmem>>
      %dma_wait3A_264 = tpu.memref_squeeze %dma_wait3A_263 : memref<1x125xi32, #tpu.memory_space<vmem>> -> memref<125xi32, #tpu.memory_space<vmem>>
      %dma_wait3A_265 = arith.constant 0 : i32
      %dma_wait3A_266 = tpu.memref_slice %arg17[%dma_wait3A_265] : memref<10000xf32, #tpu.memory_space<vmem_shared>> -> memref<10000xf32, #tpu.memory_space<vmem_shared>>
      tpu.wait_indirect_dma semaphore(%arg12 : memref<!tpu.dma_semaphore, #tpu.memory_space<semaphore_mem>>) src(%arg11 : memref<125xf32, #tpu.memory_space<vmem>>) dst(%dma_wait3A_266 : memref<10000xf32, #tpu.memory_space<vmem_shared>>)
      %dma_wait3A_267 = arith.constant 0 : i32
      %dma_wait3A_268 = arith.constant 0 : i32
      %dma_wait3A_269 = tpu.memref_slice %arg9[%dma_wait3A_267, %dma_wait3A_268] : memref<80x125xi32, #tpu.memory_space<vmem>> -> memref<1x125xi32, #tpu.memory_space<vmem>>
      %dma_wait3A_270 = tpu.memref_squeeze %dma_wait3A_269 : memref<1x125xi32, #tpu.memory_space<vmem>> -> memref<125xi32, #tpu.memory_space<vmem>>
      %dma_wait3A_271 = arith.constant 0 : i32
      %dma_wait3A_272 = tpu.memref_slice %arg17[%dma_wait3A_271] : memref<10000xf32, #tpu.memory_space<vmem_shared>> -> memref<10000xf32, #tpu.memory_space<vmem_shared>>
      tpu.wait_indirect_dma semaphore(%arg12 : memref<!tpu.dma_semaphore, #tpu.memory_space<semaphore_mem>>) src(%arg11 : memref<125xf32, #tpu.memory_space<vmem>>) dst(%dma_wait3A_272 : memref<10000xf32, #tpu.memory_space<vmem_shared>>)
      %dma_wait3A_273 = arith.constant 0 : i32
      %dma_wait3A_274 = arith.constant 0 : i32
      %dma_wait3A_275 = tpu.memref_slice %arg9[%dma_wait3A_273, %dma_wait3A_274] : memref<80x125xi32, #tpu.memory_space<vmem>> -> memref<1x125xi32, #tpu.memory_space<vmem>>
      %dma_wait3A_276 = tpu.memref_squeeze %dma_wait3A_275 : memref<1x125xi32, #tpu.memory_space<vmem>> -> memref<125xi32, #tpu.memory_space<vmem>>
      %dma_wait3A_277 = arith.constant 0 : i32
      %dma_wait3A_278 = tpu.memref_slice %arg17[%dma_wait3A_277] : memref<10000xf32, #tpu.memory_space<vmem_shared>> -> memref<10000xf32, #tpu.memory_space<vmem_shared>>
      tpu.wait_indirect_dma semaphore(%arg12 : memref<!tpu.dma_semaphore, #tpu.memory_space<semaphore_mem>>) src(%arg11 : memref<125xf32, #tpu.memory_space<vmem>>) dst(%dma_wait3A_278 : memref<10000xf32, #tpu.memory_space<vmem_shared>>)
      %dma_wait3A_279 = arith.constant 0 : i32
      %dma_wait3A_280 = arith.constant 0 : i32
      %dma_wait3A_281 = tpu.memref_slice %arg9[%dma_wait3A_279, %dma_wait3A_280] : memref<80x125xi32, #tpu.memory_space<vmem>> -> memref<1x125xi32, #tpu.memory_space<vmem>>
      %dma_wait3A_282 = tpu.memref_squeeze %dma_wait3A_281 : memref<1x125xi32, #tpu.memory_space<vmem>> -> memref<125xi32, #tpu.memory_space<vmem>>
      %dma_wait3A_283 = arith.constant 0 : i32
      %dma_wait3A_284 = tpu.memref_slice %arg17[%dma_wait3A_283] : memref<10000xf32, #tpu.memory_space<vmem_shared>> -> memref<10000xf32, #tpu.memory_space<vmem_shared>>
      tpu.wait_indirect_dma semaphore(%arg12 : memref<!tpu.dma_semaphore, #tpu.memory_space<semaphore_mem>>) src(%arg11 : memref<125xf32, #tpu.memory_space<vmem>>) dst(%dma_wait3A_284 : memref<10000xf32, #tpu.memory_space<vmem_shared>>)
      %dma_wait3A_285 = arith.constant 0 : i32
      %dma_wait3A_286 = arith.constant 0 : i32
      %dma_wait3A_287 = tpu.memref_slice %arg9[%dma_wait3A_285, %dma_wait3A_286] : memref<80x125xi32, #tpu.memory_space<vmem>> -> memref<1x125xi32, #tpu.memory_space<vmem>>
      %dma_wait3A_288 = tpu.memref_squeeze %dma_wait3A_287 : memref<1x125xi32, #tpu.memory_space<vmem>> -> memref<125xi32, #tpu.memory_space<vmem>>
      %dma_wait3A_289 = arith.constant 0 : i32
      %dma_wait3A_290 = tpu.memref_slice %arg17[%dma_wait3A_289] : memref<10000xf32, #tpu.memory_space<vmem_shared>> -> memref<10000xf32, #tpu.memory_space<vmem_shared>>
      tpu.wait_indirect_dma semaphore(%arg12 : memref<!tpu.dma_semaphore, #tpu.memory_space<semaphore_mem>>) src(%arg11 : memref<125xf32, #tpu.memory_space<vmem>>) dst(%dma_wait3A_290 : memref<10000xf32, #tpu.memory_space<vmem_shared>>)
    }
    %scan3A_43 = arith.constant 5 : i32
    %barrier3A_44 = arith.constant 0 : index
    tpu.barrier barrier_id(%barrier3A_44)
    %eq3A_45 = arith.constant 0 : i32
    %eq3A_46 = arith.cmpi eq, %arg1, %eq3A_45 : i32
    %convert_element_type3A_47 = arith.extui %eq3A_46 : i1 to i32
    %cond3A_48 = arith.constant 0 : i32
    %cond3A_49 = arith.cmpi ne, %convert_element_type3A_47, %cond3A_48 : i32
    scf.if %cond3A_49 {
      "tpu.region"() ({
        %run_scoped3A = tpu.sem_alloc : memref<!tpu.dma_semaphore, #tpu.memory_space<semaphore_mem>>
        tpu.enqueue_dma source(%arg16 : memref<10000xf32, #tpu.memory_space<vmem_shared>>) target(%arg10 : memref<10000xf32, #tpu.memory_space<vmem>>) target_semaphore(%run_scoped3A : memref<!tpu.dma_semaphore, #tpu.memory_space<semaphore_mem>>)
        tpu.wait_dma2 semaphore(%run_scoped3A : memref<!tpu.dma_semaphore, #tpu.memory_space<semaphore_mem>>) src(%arg16 : memref<10000xf32, #tpu.memory_space<vmem_shared>>) dst(%arg10 : memref<10000xf32, #tpu.memory_space<vmem>>)
        tpu.yield
      }) : () -> ()
      "tpu.region"() ({
        %run_scoped3A = tpu.sem_alloc : memref<!tpu.dma_semaphore, #tpu.memory_space<semaphore_mem>>
        %dma_start3A_50 = arith.constant 0 : i32
        %dma_start3A_51 = tpu.memref_slice %arg6[%arg0, %dma_start3A_50] : memref<2x10000xf32, #tpu.memory_space<hbm>> -> memref<1x10000xf32, #tpu.memory_space<hbm>>
        %dma_start3A_52 = tpu.memref_squeeze %dma_start3A_51 : memref<1x10000xf32, #tpu.memory_space<hbm>> -> memref<10000xf32, #tpu.memory_space<hbm>>
        %dma_start3A_53 = arith.constant 0 : i32
        %dma_start3A_54 = tpu.memref_slice %arg6[%arg0, %dma_start3A_53] : memref<2x10000xf32, #tpu.memory_space<hbm>> -> memref<1x10000xf32, #tpu.memory_space<hbm>>
        %dma_start3A_55 = tpu.memref_squeeze %dma_start3A_54 : memref<1x10000xf32, #tpu.memory_space<hbm>> -> memref<10000xf32, #tpu.memory_space<hbm>>
        tpu.enqueue_dma source(%arg10 : memref<10000xf32, #tpu.memory_space<vmem>>) target(%dma_start3A_55 : memref<10000xf32, #tpu.memory_space<hbm>>) target_semaphore(%run_scoped3A : memref<!tpu.dma_semaphore, #tpu.memory_space<semaphore_mem>>)
        %dma_wait3A_56 = arith.constant 0 : i32
        %dma_wait3A_57 = tpu.memref_slice %arg6[%arg0, %dma_wait3A_56] : memref<2x10000xf32, #tpu.memory_space<hbm>> -> memref<1x10000xf32, #tpu.memory_space<hbm>>
        %dma_wait3A_58 = tpu.memref_squeeze %dma_wait3A_57 : memref<1x10000xf32, #tpu.memory_space<hbm>> -> memref<10000xf32, #tpu.memory_space<hbm>>
        %dma_wait3A_59 = arith.constant 0 : i32
        %dma_wait3A_60 = tpu.memref_slice %arg6[%arg0, %dma_wait3A_59] : memref<2x10000xf32, #tpu.memory_space<hbm>> -> memref<1x10000xf32, #tpu.memory_space<hbm>>
        %dma_wait3A_61 = tpu.memref_squeeze %dma_wait3A_60 : memref<1x10000xf32, #tpu.memory_space<hbm>> -> memref<10000xf32, #tpu.memory_space<hbm>>
        tpu.wait_dma2 semaphore(%run_scoped3A : memref<!tpu.dma_semaphore, #tpu.memory_space<semaphore_mem>>) src(%arg10 : memref<10000xf32, #tpu.memory_space<vmem>>) dst(%dma_wait3A_61 : memref<10000xf32, #tpu.memory_space<hbm>>)
        tpu.yield
      }) : () -> ()
      "tpu.region"() ({
        %run_scoped3A = tpu.sem_alloc : memref<!tpu.dma_semaphore, #tpu.memory_space<semaphore_mem>>
        tpu.enqueue_dma source(%arg17 : memref<10000xf32, #tpu.memory_space<vmem_shared>>) target(%arg10 : memref<10000xf32, #tpu.memory_space<vmem>>) target_semaphore(%run_scoped3A : memref<!tpu.dma_semaphore, #tpu.memory_space<semaphore_mem>>)
        tpu.wait_dma2 semaphore(%run_scoped3A : memref<!tpu.dma_semaphore, #tpu.memory_space<semaphore_mem>>) src(%arg17 : memref<10000xf32, #tpu.memory_space<vmem_shared>>) dst(%arg10 : memref<10000xf32, #tpu.memory_space<vmem>>)
        tpu.yield
      }) : () -> ()
      "tpu.region"() ({
        %run_scoped3A = tpu.sem_alloc : memref<!tpu.dma_semaphore, #tpu.memory_space<semaphore_mem>>
        %dma_start3A_50 = arith.constant 0 : i32
        %dma_start3A_51 = tpu.memref_slice %arg7[%arg0, %dma_start3A_50] : memref<2x10000xf32, #tpu.memory_space<hbm>> -> memref<1x10000xf32, #tpu.memory_space<hbm>>
        %dma_start3A_52 = tpu.memref_squeeze %dma_start3A_51 : memref<1x10000xf32, #tpu.memory_space<hbm>> -> memref<10000xf32, #tpu.memory_space<hbm>>
        %dma_start3A_53 = arith.constant 0 : i32
        %dma_start3A_54 = tpu.memref_slice %arg7[%arg0, %dma_start3A_53] : memref<2x10000xf32, #tpu.memory_space<hbm>> -> memref<1x10000xf32, #tpu.memory_space<hbm>>
        %dma_start3A_55 = tpu.memref_squeeze %dma_start3A_54 : memref<1x10000xf32, #tpu.memory_space<hbm>> -> memref<10000xf32, #tpu.memory_space<hbm>>
        tpu.enqueue_dma source(%arg10 : memref<10000xf32, #tpu.memory_space<vmem>>) target(%dma_start3A_55 : memref<10000xf32, #tpu.memory_space<hbm>>) target_semaphore(%run_scoped3A : memref<!tpu.dma_semaphore, #tpu.memory_space<semaphore_mem>>)
        %dma_wait3A_56 = arith.constant 0 : i32
        %dma_wait3A_57 = tpu.memref_slice %arg7[%arg0, %dma_wait3A_56] : memref<2x10000xf32, #tpu.memory_space<hbm>> -> memref<1x10000xf32, #tpu.memory_space<hbm>>
        %dma_wait3A_58 = tpu.memref_squeeze %dma_wait3A_57 : memref<1x10000xf32, #tpu.memory_space<hbm>> -> memref<10000xf32, #tpu.memory_space<hbm>>
        %dma_wait3A_59 = arith.constant 0 : i32
        %dma_wait3A_60 = tpu.memref_slice %arg7[%arg0, %dma_wait3A_59] : memref<2x10000xf32, #tpu.memory_space<hbm>> -> memref<1x10000xf32, #tpu.memory_space<hbm>>
        %dma_wait3A_61 = tpu.memref_squeeze %dma_wait3A_60 : memref<1x10000xf32, #tpu.memory_space<hbm>> -> memref<10000xf32, #tpu.memory_space<hbm>>
        tpu.wait_dma2 semaphore(%run_scoped3A : memref<!tpu.dma_semaphore, #tpu.memory_space<semaphore_mem>>) src(%arg10 : memref<10000xf32, #tpu.memory_space<vmem>>) dst(%dma_wait3A_61 : memref<10000xf32, #tpu.memory_space<hbm>>)
        tpu.yield
      }) : () -> ()
    } else {
    }
    return
  }
}

#map = affine_map<(d0, d1) -> (0, 0)>
#map1 = affine_map<(d0, d1) -> (0, 0, 0)>
module attributes {stable_mosaic.version = 14 : i64} {
  func.func @_agg(%arg0: i32, %arg1: i32, %arg2: memref<10000x128xbf16, #tpu.memory_space<hbm>>, %arg3: memref<32x80x125xi32, #tpu.memory_space<hbm>>, %arg4: memref<32x80x125xi32, #tpu.memory_space<hbm>>, %arg5: memref<125x128xbf16, #tpu.memory_space<hbm>>, %arg6: memref<2x10000x128xbf16, #tpu.memory_space<hbm>>, %arg7: memref<80x125xi32, #tpu.memory_space<vmem>>, %arg8: memref<80x125xi32, #tpu.memory_space<vmem>>, %arg9: memref<125x128xbf16, #tpu.memory_space<vmem>>, %arg10: memref<125x128xbf16, #tpu.memory_space<vmem>>, %arg11: memref<125x128xbf16, #tpu.memory_space<vmem>>, %arg12: memref<125x128xbf16, #tpu.memory_space<vmem>>, %arg13: memref<125x128xbf16, #tpu.memory_space<vmem>>, %arg14: memref<125x128xbf16, #tpu.memory_space<vmem>>, %arg15: memref<125x128xbf16, #tpu.memory_space<vmem>>, %arg16: memref<125x128xbf16, #tpu.memory_space<vmem>>, %arg17: memref<!tpu.dma_semaphore, #tpu.memory_space<semaphore_mem>>, %arg18: memref<!tpu.dma_semaphore, #tpu.memory_space<semaphore_mem>>, %arg19: memref<!tpu.dma_semaphore, #tpu.memory_space<semaphore_mem>>, %arg20: memref<!tpu.dma_semaphore, #tpu.memory_space<semaphore_mem>>, %arg21: memref<!tpu.dma_semaphore, #tpu.memory_space<semaphore_mem>>, %arg22: memref<!tpu.dma_semaphore, #tpu.memory_space<semaphore_mem>>, %arg23: memref<!tpu.dma_semaphore, #tpu.memory_space<semaphore_mem>>, %arg24: memref<!tpu.dma_semaphore, #tpu.memory_space<semaphore_mem>>, %arg25: memref<!tpu.dma_semaphore, #tpu.memory_space<semaphore_mem>>, %arg26: memref<!tpu.dma_semaphore, #tpu.memory_space<semaphore_mem>>, %arg27: memref<!tpu.dma_semaphore, #tpu.memory_space<semaphore_mem>>, %arg28: memref<!tpu.dma_semaphore, #tpu.memory_space<semaphore_mem>>, %arg29: memref<!tpu.dma_semaphore, #tpu.memory_space<semaphore_mem>>, %arg30: memref<!tpu.dma_semaphore, #tpu.memory_space<semaphore_mem>>, %arg31: memref<!tpu.dma_semaphore, #tpu.memory_space<semaphore_mem>>, %arg32: memref<!tpu.dma_semaphore, #tpu.memory_space<semaphore_mem>>, %arg33: memref<10000x128xbf16, #tpu.memory_space<vmem_shared>>) attributes {dimension_semantics = [#tpu.dimension_semantics<core_parallel>, #tpu.dimension_semantics<subcore_parallel>], iteration_bounds = array<i64: 2, 16>, scalar_prefetch = 0 : i64, scratch_operands = 27 : i64, tpu.core_type = #tpu.core_type<sc_vector_subcore>, window_params = [{transform_indices = #map}, {transform_indices = #map1}, {transform_indices = #map1}, {transform_indices = #map}, {transform_indices = #map1}]} {
    %mul3A = arith.constant 16 : i32
    %mul3A_0 = arith.muli %arg0, %mul3A : i32
    %add3A = arith.addi %mul3A_0, %arg1 : i32
    %dma_start3A = arith.constant 0 : i32
    %dma_start3A_1 = arith.constant 0 : i32
    %dma_start3A_2 = tpu.memref_slice %arg3[%add3A, %dma_start3A, %dma_start3A_1] : memref<32x80x125xi32, #tpu.memory_space<hbm>> -> memref<1x80x125xi32, #tpu.memory_space<hbm>>
    %dma_start3A_3 = tpu.memref_squeeze %dma_start3A_2 : memref<1x80x125xi32, #tpu.memory_space<hbm>> -> memref<80x125xi32, #tpu.memory_space<hbm>>
    %dma_start3A_4 = arith.constant 0 : i32
    %dma_start3A_5 = arith.constant 0 : i32
    %dma_start3A_6 = tpu.memref_slice %arg3[%add3A, %dma_start3A_4, %dma_start3A_5] : memref<32x80x125xi32, #tpu.memory_space<hbm>> -> memref<1x80x125xi32, #tpu.memory_space<hbm>>
    %dma_start3A_7 = tpu.memref_squeeze %dma_start3A_6 : memref<1x80x125xi32, #tpu.memory_space<hbm>> -> memref<80x125xi32, #tpu.memory_space<hbm>>
    tpu.enqueue_dma source(%dma_start3A_7 : memref<80x125xi32, #tpu.memory_space<hbm>>) target(%arg7 : memref<80x125xi32, #tpu.memory_space<vmem>>) target_semaphore(%arg17 : memref<!tpu.dma_semaphore, #tpu.memory_space<semaphore_mem>>)
    %dma_start3A_8 = arith.constant 0 : i32
    %dma_start3A_9 = arith.constant 0 : i32
    %dma_start3A_10 = tpu.memref_slice %arg4[%add3A, %dma_start3A_8, %dma_start3A_9] : memref<32x80x125xi32, #tpu.memory_space<hbm>> -> memref<1x80x125xi32, #tpu.memory_space<hbm>>
    %dma_start3A_11 = tpu.memref_squeeze %dma_start3A_10 : memref<1x80x125xi32, #tpu.memory_space<hbm>> -> memref<80x125xi32, #tpu.memory_space<hbm>>
    %dma_start3A_12 = arith.constant 0 : i32
    %dma_start3A_13 = arith.constant 0 : i32
    %dma_start3A_14 = tpu.memref_slice %arg4[%add3A, %dma_start3A_12, %dma_start3A_13] : memref<32x80x125xi32, #tpu.memory_space<hbm>> -> memref<1x80x125xi32, #tpu.memory_space<hbm>>
    %dma_start3A_15 = tpu.memref_squeeze %dma_start3A_14 : memref<1x80x125xi32, #tpu.memory_space<hbm>> -> memref<80x125xi32, #tpu.memory_space<hbm>>
    tpu.enqueue_dma source(%dma_start3A_15 : memref<80x125xi32, #tpu.memory_space<hbm>>) target(%arg8 : memref<80x125xi32, #tpu.memory_space<vmem>>) target_semaphore(%arg18 : memref<!tpu.dma_semaphore, #tpu.memory_space<semaphore_mem>>)
    "tpu.region"() ({
      %run_scoped3A = tpu.sem_alloc : memref<!tpu.dma_semaphore, #tpu.memory_space<semaphore_mem>>
      tpu.enqueue_dma source(%arg5 : memref<125x128xbf16, #tpu.memory_space<hbm>>) target(%arg9 : memref<125x128xbf16, #tpu.memory_space<vmem>>) target_semaphore(%run_scoped3A : memref<!tpu.dma_semaphore, #tpu.memory_space<semaphore_mem>>)
      tpu.wait_dma2 semaphore(%run_scoped3A : memref<!tpu.dma_semaphore, #tpu.memory_space<semaphore_mem>>) src(%arg5 : memref<125x128xbf16, #tpu.memory_space<hbm>>) dst(%arg9 : memref<125x128xbf16, #tpu.memory_space<vmem>>)
      tpu.yield
    }) : () -> ()
    %scan3A = arith.constant 0 : i32
    %scan3A_16 = arith.constant 0 : i32
    %scan3A_17 = arith.constant 8 : i32
    %scan3A_18 = arith.addi %scan3A_16, %scan3A_17 : i32
    %scan3A_19 = arith.constant 1 : i32
    scf.for %scan3A_189 = %scan3A_16 to %scan3A_18 step %scan3A_19  : i32 {
      %mul3A_190 = arith.constant 16 : i32
      %mul3A_191 = arith.muli %mul3A_190, %scan3A_189 : i32
      %add3A_192 = arith.addi %arg1, %mul3A_191 : i32
      %lt3A = arith.constant 125 : i32
      %lt3A_193 = arith.cmpi slt, %add3A_192, %lt3A : i32
      %convert_element_type3A = arith.extui %lt3A_193 : i1 to i32
      %cond3A = arith.constant 0 : i32
      %cond3A_194 = arith.cmpi ne, %convert_element_type3A, %cond3A : i32
      scf.if %cond3A_194 {
        %mul3A_195 = arith.constant 80 : i32
        %mul3A_196 = arith.muli %add3A_192, %mul3A_195 : i32
        "tpu.region"() ({
          %run_scoped3A = tpu.sem_alloc : memref<!tpu.dma_semaphore, #tpu.memory_space<semaphore_mem>>
          %dma_start3A_197 = arith.constant 0 : i32
          %dma_start3A_198 = arith.constant 0 : i32
          %dma_start3A_199 = tpu.memref_slice %arg9[%dma_start3A_197, %dma_start3A_198] : memref<125x128xbf16, #tpu.memory_space<vmem>> -> memref<80x128xbf16, #tpu.memory_space<vmem>>
          %dma_start3A_200 = arith.constant 0 : i32
          %dma_start3A_201 = tpu.memref_slice %arg33[%mul3A_196, %dma_start3A_200] : memref<10000x128xbf16, #tpu.memory_space<vmem_shared>> -> memref<80x128xbf16, #tpu.memory_space<vmem_shared>>
          %dma_start3A_202 = arith.constant 0 : i32
          %dma_start3A_203 = tpu.memref_slice %arg33[%mul3A_196, %dma_start3A_202] : memref<10000x128xbf16, #tpu.memory_space<vmem_shared>> -> memref<80x128xbf16, #tpu.memory_space<vmem_shared>>
          %dma_start3A_204 = arith.constant 0 : i32
          %dma_start3A_205 = arith.constant 0 : i32
          %dma_start3A_206 = tpu.memref_slice %arg9[%dma_start3A_204, %dma_start3A_205] : memref<125x128xbf16, #tpu.memory_space<vmem>> -> memref<80x128xbf16, #tpu.memory_space<vmem>>
          tpu.enqueue_dma source(%dma_start3A_206 : memref<80x128xbf16, #tpu.memory_space<vmem>>) target(%dma_start3A_203 : memref<80x128xbf16, #tpu.memory_space<vmem_shared>>) target_semaphore(%run_scoped3A : memref<!tpu.dma_semaphore, #tpu.memory_space<semaphore_mem>>)
          %dma_wait3A_207 = arith.constant 0 : i32
          %dma_wait3A_208 = arith.constant 0 : i32
          %dma_wait3A_209 = tpu.memref_slice %arg9[%dma_wait3A_207, %dma_wait3A_208] : memref<125x128xbf16, #tpu.memory_space<vmem>> -> memref<80x128xbf16, #tpu.memory_space<vmem>>
          %dma_wait3A_210 = arith.constant 0 : i32
          %dma_wait3A_211 = tpu.memref_slice %arg33[%mul3A_196, %dma_wait3A_210] : memref<10000x128xbf16, #tpu.memory_space<vmem_shared>> -> memref<80x128xbf16, #tpu.memory_space<vmem_shared>>
          %dma_wait3A_212 = arith.constant 0 : i32
          %dma_wait3A_213 = tpu.memref_slice %arg33[%mul3A_196, %dma_wait3A_212] : memref<10000x128xbf16, #tpu.memory_space<vmem_shared>> -> memref<80x128xbf16, #tpu.memory_space<vmem_shared>>
          %dma_wait3A_214 = arith.constant 0 : i32
          %dma_wait3A_215 = arith.constant 0 : i32
          %dma_wait3A_216 = tpu.memref_slice %arg9[%dma_wait3A_214, %dma_wait3A_215] : memref<125x128xbf16, #tpu.memory_space<vmem>> -> memref<80x128xbf16, #tpu.memory_space<vmem>>
          tpu.wait_dma2 semaphore(%run_scoped3A : memref<!tpu.dma_semaphore, #tpu.memory_space<semaphore_mem>>) src(%dma_wait3A_216 : memref<80x128xbf16, #tpu.memory_space<vmem>>) dst(%dma_wait3A_213 : memref<80x128xbf16, #tpu.memory_space<vmem_shared>>)
          tpu.yield
        }) : () -> ()
      } else {
      }
    }
    %scan3A_20 = arith.constant 8 : i32
    %dma_wait3A = arith.constant 0 : i32
    %dma_wait3A_21 = arith.constant 0 : i32
    %dma_wait3A_22 = tpu.memref_slice %arg3[%add3A, %dma_wait3A, %dma_wait3A_21] : memref<32x80x125xi32, #tpu.memory_space<hbm>> -> memref<1x80x125xi32, #tpu.memory_space<hbm>>
    %dma_wait3A_23 = tpu.memref_squeeze %dma_wait3A_22 : memref<1x80x125xi32, #tpu.memory_space<hbm>> -> memref<80x125xi32, #tpu.memory_space<hbm>>
    %dma_wait3A_24 = arith.constant 0 : i32
    %dma_wait3A_25 = arith.constant 0 : i32
    %dma_wait3A_26 = tpu.memref_slice %arg3[%add3A, %dma_wait3A_24, %dma_wait3A_25] : memref<32x80x125xi32, #tpu.memory_space<hbm>> -> memref<1x80x125xi32, #tpu.memory_space<hbm>>
    %dma_wait3A_27 = tpu.memref_squeeze %dma_wait3A_26 : memref<1x80x125xi32, #tpu.memory_space<hbm>> -> memref<80x125xi32, #tpu.memory_space<hbm>>
    tpu.wait_dma2 semaphore(%arg17 : memref<!tpu.dma_semaphore, #tpu.memory_space<semaphore_mem>>) src(%dma_wait3A_27 : memref<80x125xi32, #tpu.memory_space<hbm>>) dst(%arg7 : memref<80x125xi32, #tpu.memory_space<vmem>>)
    %dma_wait3A_28 = arith.constant 0 : i32
    %dma_wait3A_29 = arith.constant 0 : i32
    %dma_wait3A_30 = tpu.memref_slice %arg4[%add3A, %dma_wait3A_28, %dma_wait3A_29] : memref<32x80x125xi32, #tpu.memory_space<hbm>> -> memref<1x80x125xi32, #tpu.memory_space<hbm>>
    %dma_wait3A_31 = tpu.memref_squeeze %dma_wait3A_30 : memref<1x80x125xi32, #tpu.memory_space<hbm>> -> memref<80x125xi32, #tpu.memory_space<hbm>>
    %dma_wait3A_32 = arith.constant 0 : i32
    %dma_wait3A_33 = arith.constant 0 : i32
    %dma_wait3A_34 = tpu.memref_slice %arg4[%add3A, %dma_wait3A_32, %dma_wait3A_33] : memref<32x80x125xi32, #tpu.memory_space<hbm>> -> memref<1x80x125xi32, #tpu.memory_space<hbm>>
    %dma_wait3A_35 = tpu.memref_squeeze %dma_wait3A_34 : memref<1x80x125xi32, #tpu.memory_space<hbm>> -> memref<80x125xi32, #tpu.memory_space<hbm>>
    tpu.wait_dma2 semaphore(%arg18 : memref<!tpu.dma_semaphore, #tpu.memory_space<semaphore_mem>>) src(%dma_wait3A_35 : memref<80x125xi32, #tpu.memory_space<hbm>>) dst(%arg8 : memref<80x125xi32, #tpu.memory_space<vmem>>)
    %barrier3A = arith.constant 0 : index
    tpu.barrier barrier_id(%barrier3A)
    %dma_start3A_36 = arith.constant 0 : i32
    %dma_start3A_37 = arith.constant 0 : i32
    %dma_start3A_38 = tpu.memref_slice %arg7[%dma_start3A_36, %dma_start3A_37] : memref<80x125xi32, #tpu.memory_space<vmem>> -> memref<1x125xi32, #tpu.memory_space<vmem>>
    %dma_start3A_39 = tpu.memref_squeeze %dma_start3A_38 : memref<1x125xi32, #tpu.memory_space<vmem>> -> memref<125xi32, #tpu.memory_space<vmem>>
    %dma_start3A_40 = arith.constant 0 : i32
    %dma_start3A_41 = arith.constant 0 : i32
    %dma_start3A_42 = tpu.memref_slice %arg2[%dma_start3A_40, %dma_start3A_41] : memref<10000x128xbf16, #tpu.memory_space<hbm>> -> memref<10000x128xbf16, #tpu.memory_space<hbm>>
    tpu.enqueue_indirect_dma source(%dma_start3A_42 : memref<10000x128xbf16, #tpu.memory_space<hbm>>) target(%arg9 : memref<125x128xbf16, #tpu.memory_space<vmem>>) offsets(%dma_start3A_39 : memref<125xi32, #tpu.memory_space<vmem>>) semaphore(%arg17 : memref<!tpu.dma_semaphore, #tpu.memory_space<semaphore_mem>>)
    %dma_start3A_43 = arith.constant 1 : i32
    %dma_start3A_44 = arith.constant 0 : i32
    %dma_start3A_45 = tpu.memref_slice %arg7[%dma_start3A_43, %dma_start3A_44] : memref<80x125xi32, #tpu.memory_space<vmem>> -> memref<1x125xi32, #tpu.memory_space<vmem>>
    %dma_start3A_46 = tpu.memref_squeeze %dma_start3A_45 : memref<1x125xi32, #tpu.memory_space<vmem>> -> memref<125xi32, #tpu.memory_space<vmem>>
    %dma_start3A_47 = arith.constant 0 : i32
    %dma_start3A_48 = arith.constant 0 : i32
    %dma_start3A_49 = tpu.memref_slice %arg2[%dma_start3A_47, %dma_start3A_48] : memref<10000x128xbf16, #tpu.memory_space<hbm>> -> memref<10000x128xbf16, #tpu.memory_space<hbm>>
    tpu.enqueue_indirect_dma source(%dma_start3A_49 : memref<10000x128xbf16, #tpu.memory_space<hbm>>) target(%arg10 : memref<125x128xbf16, #tpu.memory_space<vmem>>) offsets(%dma_start3A_46 : memref<125xi32, #tpu.memory_space<vmem>>) semaphore(%arg18 : memref<!tpu.dma_semaphore, #tpu.memory_space<semaphore_mem>>)
    %dma_start3A_50 = arith.constant 2 : i32
    %dma_start3A_51 = arith.constant 0 : i32
    %dma_start3A_52 = tpu.memref_slice %arg7[%dma_start3A_50, %dma_start3A_51] : memref<80x125xi32, #tpu.memory_space<vmem>> -> memref<1x125xi32, #tpu.memory_space<vmem>>
    %dma_start3A_53 = tpu.memref_squeeze %dma_start3A_52 : memref<1x125xi32, #tpu.memory_space<vmem>> -> memref<125xi32, #tpu.memory_space<vmem>>
    %dma_start3A_54 = arith.constant 0 : i32
    %dma_start3A_55 = arith.constant 0 : i32
    %dma_start3A_56 = tpu.memref_slice %arg2[%dma_start3A_54, %dma_start3A_55] : memref<10000x128xbf16, #tpu.memory_space<hbm>> -> memref<10000x128xbf16, #tpu.memory_space<hbm>>
    tpu.enqueue_indirect_dma source(%dma_start3A_56 : memref<10000x128xbf16, #tpu.memory_space<hbm>>) target(%arg11 : memref<125x128xbf16, #tpu.memory_space<vmem>>) offsets(%dma_start3A_53 : memref<125xi32, #tpu.memory_space<vmem>>) semaphore(%arg19 : memref<!tpu.dma_semaphore, #tpu.memory_space<semaphore_mem>>)
    %dma_start3A_57 = arith.constant 3 : i32
    %dma_start3A_58 = arith.constant 0 : i32
    %dma_start3A_59 = tpu.memref_slice %arg7[%dma_start3A_57, %dma_start3A_58] : memref<80x125xi32, #tpu.memory_space<vmem>> -> memref<1x125xi32, #tpu.memory_space<vmem>>
    %dma_start3A_60 = tpu.memref_squeeze %dma_start3A_59 : memref<1x125xi32, #tpu.memory_space<vmem>> -> memref<125xi32, #tpu.memory_space<vmem>>
    %dma_start3A_61 = arith.constant 0 : i32
    %dma_start3A_62 = arith.constant 0 : i32
    %dma_start3A_63 = tpu.memref_slice %arg2[%dma_start3A_61, %dma_start3A_62] : memref<10000x128xbf16, #tpu.memory_space<hbm>> -> memref<10000x128xbf16, #tpu.memory_space<hbm>>
    tpu.enqueue_indirect_dma source(%dma_start3A_63 : memref<10000x128xbf16, #tpu.memory_space<hbm>>) target(%arg12 : memref<125x128xbf16, #tpu.memory_space<vmem>>) offsets(%dma_start3A_60 : memref<125xi32, #tpu.memory_space<vmem>>) semaphore(%arg20 : memref<!tpu.dma_semaphore, #tpu.memory_space<semaphore_mem>>)
    %dma_wait3A_64 = arith.constant 0 : i32
    %dma_wait3A_65 = arith.constant 0 : i32
    %dma_wait3A_66 = tpu.memref_slice %arg7[%dma_wait3A_64, %dma_wait3A_65] : memref<80x125xi32, #tpu.memory_space<vmem>> -> memref<1x125xi32, #tpu.memory_space<vmem>>
    %dma_wait3A_67 = tpu.memref_squeeze %dma_wait3A_66 : memref<1x125xi32, #tpu.memory_space<vmem>> -> memref<125xi32, #tpu.memory_space<vmem>>
    %dma_wait3A_68 = arith.constant 0 : i32
    %dma_wait3A_69 = arith.constant 0 : i32
    %dma_wait3A_70 = tpu.memref_slice %arg2[%dma_wait3A_68, %dma_wait3A_69] : memref<10000x128xbf16, #tpu.memory_space<hbm>> -> memref<10000x128xbf16, #tpu.memory_space<hbm>>
    tpu.wait_indirect_dma semaphore(%arg17 : memref<!tpu.dma_semaphore, #tpu.memory_space<semaphore_mem>>) src(%dma_wait3A_70 : memref<10000x128xbf16, #tpu.memory_space<hbm>>) dst(%arg9 : memref<125x128xbf16, #tpu.memory_space<vmem>>)
    %dma_start3A_71 = arith.constant 0 : i32
    %dma_start3A_72 = arith.constant 0 : i32
    %dma_start3A_73 = tpu.memref_slice %arg8[%dma_start3A_71, %dma_start3A_72] : memref<80x125xi32, #tpu.memory_space<vmem>> -> memref<1x125xi32, #tpu.memory_space<vmem>>
    %dma_start3A_74 = tpu.memref_squeeze %dma_start3A_73 : memref<1x125xi32, #tpu.memory_space<vmem>> -> memref<125xi32, #tpu.memory_space<vmem>>
    %dma_start3A_75 = arith.constant 0 : i32
    %dma_start3A_76 = arith.constant 0 : i32
    %dma_start3A_77 = tpu.memref_slice %arg33[%dma_start3A_75, %dma_start3A_76] : memref<10000x128xbf16, #tpu.memory_space<vmem_shared>> -> memref<10000x128xbf16, #tpu.memory_space<vmem_shared>>
    tpu.enqueue_indirect_dma source(%arg9 : memref<125x128xbf16, #tpu.memory_space<vmem>>) target(%dma_start3A_77 : memref<10000x128xbf16, #tpu.memory_space<vmem_shared>>) offsets(%dma_start3A_74 : memref<125xi32, #tpu.memory_space<vmem>>) semaphore(%arg25 : memref<!tpu.dma_semaphore, #tpu.memory_space<semaphore_mem>>) {add = true}
    %dma_start3A_78 = arith.constant 4 : i32
    %dma_start3A_79 = arith.constant 0 : i32
    %dma_start3A_80 = tpu.memref_slice %arg7[%dma_start3A_78, %dma_start3A_79] : memref<80x125xi32, #tpu.memory_space<vmem>> -> memref<1x125xi32, #tpu.memory_space<vmem>>
    %dma_start3A_81 = tpu.memref_squeeze %dma_start3A_80 : memref<1x125xi32, #tpu.memory_space<vmem>> -> memref<125xi32, #tpu.memory_space<vmem>>
    %dma_start3A_82 = arith.constant 0 : i32
    %dma_start3A_83 = arith.constant 0 : i32
    %dma_start3A_84 = tpu.memref_slice %arg2[%dma_start3A_82, %dma_start3A_83] : memref<10000x128xbf16, #tpu.memory_space<hbm>> -> memref<10000x128xbf16, #tpu.memory_space<hbm>>
    tpu.enqueue_indirect_dma source(%dma_start3A_84 : memref<10000x128xbf16, #tpu.memory_space<hbm>>) target(%arg13 : memref<125x128xbf16, #tpu.memory_space<vmem>>) offsets(%dma_start3A_81 : memref<125xi32, #tpu.memory_space<vmem>>) semaphore(%arg21 : memref<!tpu.dma_semaphore, #tpu.memory_space<semaphore_mem>>)
    %dma_wait3A_85 = arith.constant 0 : i32
    %dma_wait3A_86 = arith.constant 0 : i32
    %dma_wait3A_87 = tpu.memref_slice %arg7[%dma_wait3A_85, %dma_wait3A_86] : memref<80x125xi32, #tpu.memory_space<vmem>> -> memref<1x125xi32, #tpu.memory_space<vmem>>
    %dma_wait3A_88 = tpu.memref_squeeze %dma_wait3A_87 : memref<1x125xi32, #tpu.memory_space<vmem>> -> memref<125xi32, #tpu.memory_space<vmem>>
    %dma_wait3A_89 = arith.constant 0 : i32
    %dma_wait3A_90 = arith.constant 0 : i32
    %dma_wait3A_91 = tpu.memref_slice %arg2[%dma_wait3A_89, %dma_wait3A_90] : memref<10000x128xbf16, #tpu.memory_space<hbm>> -> memref<10000x128xbf16, #tpu.memory_space<hbm>>
    tpu.wait_indirect_dma semaphore(%arg18 : memref<!tpu.dma_semaphore, #tpu.memory_space<semaphore_mem>>) src(%dma_wait3A_91 : memref<10000x128xbf16, #tpu.memory_space<hbm>>) dst(%arg10 : memref<125x128xbf16, #tpu.memory_space<vmem>>)
    %dma_start3A_92 = arith.constant 1 : i32
    %dma_start3A_93 = arith.constant 0 : i32
    %dma_start3A_94 = tpu.memref_slice %arg8[%dma_start3A_92, %dma_start3A_93] : memref<80x125xi32, #tpu.memory_space<vmem>> -> memref<1x125xi32, #tpu.memory_space<vmem>>
    %dma_start3A_95 = tpu.memref_squeeze %dma_start3A_94 : memref<1x125xi32, #tpu.memory_space<vmem>> -> memref<125xi32, #tpu.memory_space<vmem>>
    %dma_start3A_96 = arith.constant 0 : i32
    %dma_start3A_97 = arith.constant 0 : i32
    %dma_start3A_98 = tpu.memref_slice %arg33[%dma_start3A_96, %dma_start3A_97] : memref<10000x128xbf16, #tpu.memory_space<vmem_shared>> -> memref<10000x128xbf16, #tpu.memory_space<vmem_shared>>
    tpu.enqueue_indirect_dma source(%arg10 : memref<125x128xbf16, #tpu.memory_space<vmem>>) target(%dma_start3A_98 : memref<10000x128xbf16, #tpu.memory_space<vmem_shared>>) offsets(%dma_start3A_95 : memref<125xi32, #tpu.memory_space<vmem>>) semaphore(%arg26 : memref<!tpu.dma_semaphore, #tpu.memory_space<semaphore_mem>>) {add = true}
    %dma_start3A_99 = arith.constant 5 : i32
    %dma_start3A_100 = arith.constant 0 : i32
    %dma_start3A_101 = tpu.memref_slice %arg7[%dma_start3A_99, %dma_start3A_100] : memref<80x125xi32, #tpu.memory_space<vmem>> -> memref<1x125xi32, #tpu.memory_space<vmem>>
    %dma_start3A_102 = tpu.memref_squeeze %dma_start3A_101 : memref<1x125xi32, #tpu.memory_space<vmem>> -> memref<125xi32, #tpu.memory_space<vmem>>
    %dma_start3A_103 = arith.constant 0 : i32
    %dma_start3A_104 = arith.constant 0 : i32
    %dma_start3A_105 = tpu.memref_slice %arg2[%dma_start3A_103, %dma_start3A_104] : memref<10000x128xbf16, #tpu.memory_space<hbm>> -> memref<10000x128xbf16, #tpu.memory_space<hbm>>
    tpu.enqueue_indirect_dma source(%dma_start3A_105 : memref<10000x128xbf16, #tpu.memory_space<hbm>>) target(%arg14 : memref<125x128xbf16, #tpu.memory_space<vmem>>) offsets(%dma_start3A_102 : memref<125xi32, #tpu.memory_space<vmem>>) semaphore(%arg22 : memref<!tpu.dma_semaphore, #tpu.memory_space<semaphore_mem>>)
    %dma_wait3A_106 = arith.constant 0 : i32
    %dma_wait3A_107 = arith.constant 0 : i32
    %dma_wait3A_108 = tpu.memref_slice %arg7[%dma_wait3A_106, %dma_wait3A_107] : memref<80x125xi32, #tpu.memory_space<vmem>> -> memref<1x125xi32, #tpu.memory_space<vmem>>
    %dma_wait3A_109 = tpu.memref_squeeze %dma_wait3A_108 : memref<1x125xi32, #tpu.memory_space<vmem>> -> memref<125xi32, #tpu.memory_space<vmem>>
    %dma_wait3A_110 = arith.constant 0 : i32
    %dma_wait3A_111 = arith.constant 0 : i32
    %dma_wait3A_112 = tpu.memref_slice %arg2[%dma_wait3A_110, %dma_wait3A_111] : memref<10000x128xbf16, #tpu.memory_space<hbm>> -> memref<10000x128xbf16, #tpu.memory_space<hbm>>
    tpu.wait_indirect_dma semaphore(%arg19 : memref<!tpu.dma_semaphore, #tpu.memory_space<semaphore_mem>>) src(%dma_wait3A_112 : memref<10000x128xbf16, #tpu.memory_space<hbm>>) dst(%arg11 : memref<125x128xbf16, #tpu.memory_space<vmem>>)
    %dma_start3A_113 = arith.constant 2 : i32
    %dma_start3A_114 = arith.constant 0 : i32
    %dma_start3A_115 = tpu.memref_slice %arg8[%dma_start3A_113, %dma_start3A_114] : memref<80x125xi32, #tpu.memory_space<vmem>> -> memref<1x125xi32, #tpu.memory_space<vmem>>
    %dma_start3A_116 = tpu.memref_squeeze %dma_start3A_115 : memref<1x125xi32, #tpu.memory_space<vmem>> -> memref<125xi32, #tpu.memory_space<vmem>>
    %dma_start3A_117 = arith.constant 0 : i32
    %dma_start3A_118 = arith.constant 0 : i32
    %dma_start3A_119 = tpu.memref_slice %arg33[%dma_start3A_117, %dma_start3A_118] : memref<10000x128xbf16, #tpu.memory_space<vmem_shared>> -> memref<10000x128xbf16, #tpu.memory_space<vmem_shared>>
    tpu.enqueue_indirect_dma source(%arg11 : memref<125x128xbf16, #tpu.memory_space<vmem>>) target(%dma_start3A_119 : memref<10000x128xbf16, #tpu.memory_space<vmem_shared>>) offsets(%dma_start3A_116 : memref<125xi32, #tpu.memory_space<vmem>>) semaphore(%arg27 : memref<!tpu.dma_semaphore, #tpu.memory_space<semaphore_mem>>) {add = true}
    %dma_start3A_120 = arith.constant 6 : i32
    %dma_start3A_121 = arith.constant 0 : i32
    %dma_start3A_122 = tpu.memref_slice %arg7[%dma_start3A_120, %dma_start3A_121] : memref<80x125xi32, #tpu.memory_space<vmem>> -> memref<1x125xi32, #tpu.memory_space<vmem>>
    %dma_start3A_123 = tpu.memref_squeeze %dma_start3A_122 : memref<1x125xi32, #tpu.memory_space<vmem>> -> memref<125xi32, #tpu.memory_space<vmem>>
    %dma_start3A_124 = arith.constant 0 : i32
    %dma_start3A_125 = arith.constant 0 : i32
    %dma_start3A_126 = tpu.memref_slice %arg2[%dma_start3A_124, %dma_start3A_125] : memref<10000x128xbf16, #tpu.memory_space<hbm>> -> memref<10000x128xbf16, #tpu.memory_space<hbm>>
    tpu.enqueue_indirect_dma source(%dma_start3A_126 : memref<10000x128xbf16, #tpu.memory_space<hbm>>) target(%arg15 : memref<125x128xbf16, #tpu.memory_space<vmem>>) offsets(%dma_start3A_123 : memref<125xi32, #tpu.memory_space<vmem>>) semaphore(%arg23 : memref<!tpu.dma_semaphore, #tpu.memory_space<semaphore_mem>>)
    %dma_wait3A_127 = arith.constant 0 : i32
    %dma_wait3A_128 = arith.constant 0 : i32
    %dma_wait3A_129 = tpu.memref_slice %arg7[%dma_wait3A_127, %dma_wait3A_128] : memref<80x125xi32, #tpu.memory_space<vmem>> -> memref<1x125xi32, #tpu.memory_space<vmem>>
    %dma_wait3A_130 = tpu.memref_squeeze %dma_wait3A_129 : memref<1x125xi32, #tpu.memory_space<vmem>> -> memref<125xi32, #tpu.memory_space<vmem>>
    %dma_wait3A_131 = arith.constant 0 : i32
    %dma_wait3A_132 = arith.constant 0 : i32
    %dma_wait3A_133 = tpu.memref_slice %arg2[%dma_wait3A_131, %dma_wait3A_132] : memref<10000x128xbf16, #tpu.memory_space<hbm>> -> memref<10000x128xbf16, #tpu.memory_space<hbm>>
    tpu.wait_indirect_dma semaphore(%arg20 : memref<!tpu.dma_semaphore, #tpu.memory_space<semaphore_mem>>) src(%dma_wait3A_133 : memref<10000x128xbf16, #tpu.memory_space<hbm>>) dst(%arg12 : memref<125x128xbf16, #tpu.memory_space<vmem>>)
    %dma_start3A_134 = arith.constant 3 : i32
    %dma_start3A_135 = arith.constant 0 : i32
    %dma_start3A_136 = tpu.memref_slice %arg8[%dma_start3A_134, %dma_start3A_135] : memref<80x125xi32, #tpu.memory_space<vmem>> -> memref<1x125xi32, #tpu.memory_space<vmem>>
    %dma_start3A_137 = tpu.memref_squeeze %dma_start3A_136 : memref<1x125xi32, #tpu.memory_space<vmem>> -> memref<125xi32, #tpu.memory_space<vmem>>
    %dma_start3A_138 = arith.constant 0 : i32
    %dma_start3A_139 = arith.constant 0 : i32
    %dma_start3A_140 = tpu.memref_slice %arg33[%dma_start3A_138, %dma_start3A_139] : memref<10000x128xbf16, #tpu.memory_space<vmem_shared>> -> memref<10000x128xbf16, #tpu.memory_space<vmem_shared>>
    tpu.enqueue_indirect_dma source(%arg12 : memref<125x128xbf16, #tpu.memory_space<vmem>>) target(%dma_start3A_140 : memref<10000x128xbf16, #tpu.memory_space<vmem_shared>>) offsets(%dma_start3A_137 : memref<125xi32, #tpu.memory_space<vmem>>) semaphore(%arg28 : memref<!tpu.dma_semaphore, #tpu.memory_space<semaphore_mem>>) {add = true}
    %dma_start3A_141 = arith.constant 7 : i32
    %dma_start3A_142 = arith.constant 0 : i32
    %dma_start3A_143 = tpu.memref_slice %arg7[%dma_start3A_141, %dma_start3A_142] : memref<80x125xi32, #tpu.memory_space<vmem>> -> memref<1x125xi32, #tpu.memory_space<vmem>>
    %dma_start3A_144 = tpu.memref_squeeze %dma_start3A_143 : memref<1x125xi32, #tpu.memory_space<vmem>> -> memref<125xi32, #tpu.memory_space<vmem>>
    %dma_start3A_145 = arith.constant 0 : i32
    %dma_start3A_146 = arith.constant 0 : i32
    %dma_start3A_147 = tpu.memref_slice %arg2[%dma_start3A_145, %dma_start3A_146] : memref<10000x128xbf16, #tpu.memory_space<hbm>> -> memref<10000x128xbf16, #tpu.memory_space<hbm>>
    tpu.enqueue_indirect_dma source(%dma_start3A_147 : memref<10000x128xbf16, #tpu.memory_space<hbm>>) target(%arg16 : memref<125x128xbf16, #tpu.memory_space<vmem>>) offsets(%dma_start3A_144 : memref<125xi32, #tpu.memory_space<vmem>>) semaphore(%arg24 : memref<!tpu.dma_semaphore, #tpu.memory_space<semaphore_mem>>)
    %scan3A_148 = arith.constant 0 : i32
    %scan3A_149 = arith.constant 0 : i32
    %scan3A_150 = arith.constant 10 : i32
    %scan3A_151 = arith.addi %scan3A_149, %scan3A_150 : i32
    %scan3A_152 = arith.constant 1 : i32
    scf.for %scan3A_189 = %scan3A_149 to %scan3A_151 step %scan3A_152  : i32 {
      %mul3A_190 = arith.constant 8 : i32
      %mul3A_191 = arith.muli %scan3A_189, %mul3A_190 : i32
      %add3A_192 = arith.constant 4 : i32
      %add3A_193 = arith.addi %add3A_192, %mul3A_191 : i32
      %add3A_194 = arith.constant 0 : i32
      %add3A_195 = arith.addi %add3A_193, %add3A_194 : i32
      %lt3A = arith.constant 80 : i32
      %lt3A_196 = arith.cmpi slt, %add3A_195, %lt3A : i32
      %convert_element_type3A = arith.extui %lt3A_196 : i1 to i32
      %cond3A = arith.constant 0 : i32
      %cond3A_197 = arith.cmpi ne, %convert_element_type3A, %cond3A : i32
      scf.if %cond3A_197 {
        %dma_wait3A_275 = arith.constant 0 : i32
        %dma_wait3A_276 = arith.constant 0 : i32
        %dma_wait3A_277 = tpu.memref_slice %arg7[%dma_wait3A_275, %dma_wait3A_276] : memref<80x125xi32, #tpu.memory_space<vmem>> -> memref<1x125xi32, #tpu.memory_space<vmem>>
        %dma_wait3A_278 = tpu.memref_squeeze %dma_wait3A_277 : memref<1x125xi32, #tpu.memory_space<vmem>> -> memref<125xi32, #tpu.memory_space<vmem>>
        %dma_wait3A_279 = arith.constant 0 : i32
        %dma_wait3A_280 = arith.constant 0 : i32
        %dma_wait3A_281 = tpu.memref_slice %arg2[%dma_wait3A_279, %dma_wait3A_280] : memref<10000x128xbf16, #tpu.memory_space<hbm>> -> memref<10000x128xbf16, #tpu.memory_space<hbm>>
        tpu.wait_indirect_dma semaphore(%arg21 : memref<!tpu.dma_semaphore, #tpu.memory_space<semaphore_mem>>) src(%dma_wait3A_281 : memref<10000x128xbf16, #tpu.memory_space<hbm>>) dst(%arg13 : memref<125x128xbf16, #tpu.memory_space<vmem>>)
        %dma_start3A_282 = arith.constant 0 : i32
        %dma_start3A_283 = tpu.memref_slice %arg8[%add3A_195, %dma_start3A_282] : memref<80x125xi32, #tpu.memory_space<vmem>> -> memref<1x125xi32, #tpu.memory_space<vmem>>
        %dma_start3A_284 = tpu.memref_squeeze %dma_start3A_283 : memref<1x125xi32, #tpu.memory_space<vmem>> -> memref<125xi32, #tpu.memory_space<vmem>>
        %dma_start3A_285 = arith.constant 0 : i32
        %dma_start3A_286 = arith.constant 0 : i32
        %dma_start3A_287 = tpu.memref_slice %arg33[%dma_start3A_285, %dma_start3A_286] : memref<10000x128xbf16, #tpu.memory_space<vmem_shared>> -> memref<10000x128xbf16, #tpu.memory_space<vmem_shared>>
        tpu.enqueue_indirect_dma source(%arg13 : memref<125x128xbf16, #tpu.memory_space<vmem>>) target(%dma_start3A_287 : memref<10000x128xbf16, #tpu.memory_space<vmem_shared>>) offsets(%dma_start3A_284 : memref<125xi32, #tpu.memory_space<vmem>>) semaphore(%arg29 : memref<!tpu.dma_semaphore, #tpu.memory_space<semaphore_mem>>) {add = true}
        %dma_wait3A_288 = arith.constant 0 : i32
        %dma_wait3A_289 = arith.constant 0 : i32
        %dma_wait3A_290 = tpu.memref_slice %arg8[%dma_wait3A_288, %dma_wait3A_289] : memref<80x125xi32, #tpu.memory_space<vmem>> -> memref<1x125xi32, #tpu.memory_space<vmem>>
        %dma_wait3A_291 = tpu.memref_squeeze %dma_wait3A_290 : memref<1x125xi32, #tpu.memory_space<vmem>> -> memref<125xi32, #tpu.memory_space<vmem>>
        %dma_wait3A_292 = arith.constant 0 : i32
        %dma_wait3A_293 = arith.constant 0 : i32
        %dma_wait3A_294 = tpu.memref_slice %arg33[%dma_wait3A_292, %dma_wait3A_293] : memref<10000x128xbf16, #tpu.memory_space<vmem_shared>> -> memref<10000x128xbf16, #tpu.memory_space<vmem_shared>>
        tpu.wait_indirect_dma semaphore(%arg25 : memref<!tpu.dma_semaphore, #tpu.memory_space<semaphore_mem>>) src(%arg9 : memref<125x128xbf16, #tpu.memory_space<vmem>>) dst(%dma_wait3A_294 : memref<10000x128xbf16, #tpu.memory_space<vmem_shared>>)
        %add3A_295 = arith.constant 4 : i32
        %add3A_296 = arith.addi %add3A_195, %add3A_295 : i32
        %lt3A_297 = arith.constant 80 : i32
        %lt3A_298 = arith.cmpi slt, %add3A_296, %lt3A_297 : i32
        %convert_element_type3A_299 = arith.extui %lt3A_298 : i1 to i32
        %cond3A_300 = arith.constant 0 : i32
        %cond3A_301 = arith.cmpi ne, %convert_element_type3A_299, %cond3A_300 : i32
        scf.if %cond3A_301 {
          %add3A_302 = arith.constant 4 : i32
          %add3A_303 = arith.addi %add3A_195, %add3A_302 : i32
          %dma_start3A_304 = arith.constant 0 : i32
          %dma_start3A_305 = tpu.memref_slice %arg7[%add3A_303, %dma_start3A_304] : memref<80x125xi32, #tpu.memory_space<vmem>> -> memref<1x125xi32, #tpu.memory_space<vmem>>
          %dma_start3A_306 = tpu.memref_squeeze %dma_start3A_305 : memref<1x125xi32, #tpu.memory_space<vmem>> -> memref<125xi32, #tpu.memory_space<vmem>>
          %dma_start3A_307 = arith.constant 0 : i32
          %dma_start3A_308 = arith.constant 0 : i32
          %dma_start3A_309 = tpu.memref_slice %arg2[%dma_start3A_307, %dma_start3A_308] : memref<10000x128xbf16, #tpu.memory_space<hbm>> -> memref<10000x128xbf16, #tpu.memory_space<hbm>>
          tpu.enqueue_indirect_dma source(%dma_start3A_309 : memref<10000x128xbf16, #tpu.memory_space<hbm>>) target(%arg9 : memref<125x128xbf16, #tpu.memory_space<vmem>>) offsets(%dma_start3A_306 : memref<125xi32, #tpu.memory_space<vmem>>) semaphore(%arg17 : memref<!tpu.dma_semaphore, #tpu.memory_space<semaphore_mem>>)
        } else {
        }
      } else {
      }
      %mul3A_198 = arith.constant 8 : i32
      %mul3A_199 = arith.muli %scan3A_189, %mul3A_198 : i32
      %add3A_200 = arith.constant 4 : i32
      %add3A_201 = arith.addi %add3A_200, %mul3A_199 : i32
      %add3A_202 = arith.constant 1 : i32
      %add3A_203 = arith.addi %add3A_201, %add3A_202 : i32
      %lt3A_204 = arith.constant 80 : i32
      %lt3A_205 = arith.cmpi slt, %add3A_203, %lt3A_204 : i32
      %convert_element_type3A_206 = arith.extui %lt3A_205 : i1 to i32
      %cond3A_207 = arith.constant 0 : i32
      %cond3A_208 = arith.cmpi ne, %convert_element_type3A_206, %cond3A_207 : i32
      scf.if %cond3A_208 {
        %dma_wait3A_275 = arith.constant 0 : i32
        %dma_wait3A_276 = arith.constant 0 : i32
        %dma_wait3A_277 = tpu.memref_slice %arg7[%dma_wait3A_275, %dma_wait3A_276] : memref<80x125xi32, #tpu.memory_space<vmem>> -> memref<1x125xi32, #tpu.memory_space<vmem>>
        %dma_wait3A_278 = tpu.memref_squeeze %dma_wait3A_277 : memref<1x125xi32, #tpu.memory_space<vmem>> -> memref<125xi32, #tpu.memory_space<vmem>>
        %dma_wait3A_279 = arith.constant 0 : i32
        %dma_wait3A_280 = arith.constant 0 : i32
        %dma_wait3A_281 = tpu.memref_slice %arg2[%dma_wait3A_279, %dma_wait3A_280] : memref<10000x128xbf16, #tpu.memory_space<hbm>> -> memref<10000x128xbf16, #tpu.memory_space<hbm>>
        tpu.wait_indirect_dma semaphore(%arg22 : memref<!tpu.dma_semaphore, #tpu.memory_space<semaphore_mem>>) src(%dma_wait3A_281 : memref<10000x128xbf16, #tpu.memory_space<hbm>>) dst(%arg14 : memref<125x128xbf16, #tpu.memory_space<vmem>>)
        %dma_start3A_282 = arith.constant 0 : i32
        %dma_start3A_283 = tpu.memref_slice %arg8[%add3A_203, %dma_start3A_282] : memref<80x125xi32, #tpu.memory_space<vmem>> -> memref<1x125xi32, #tpu.memory_space<vmem>>
        %dma_start3A_284 = tpu.memref_squeeze %dma_start3A_283 : memref<1x125xi32, #tpu.memory_space<vmem>> -> memref<125xi32, #tpu.memory_space<vmem>>
        %dma_start3A_285 = arith.constant 0 : i32
        %dma_start3A_286 = arith.constant 0 : i32
        %dma_start3A_287 = tpu.memref_slice %arg33[%dma_start3A_285, %dma_start3A_286] : memref<10000x128xbf16, #tpu.memory_space<vmem_shared>> -> memref<10000x128xbf16, #tpu.memory_space<vmem_shared>>
        tpu.enqueue_indirect_dma source(%arg14 : memref<125x128xbf16, #tpu.memory_space<vmem>>) target(%dma_start3A_287 : memref<10000x128xbf16, #tpu.memory_space<vmem_shared>>) offsets(%dma_start3A_284 : memref<125xi32, #tpu.memory_space<vmem>>) semaphore(%arg30 : memref<!tpu.dma_semaphore, #tpu.memory_space<semaphore_mem>>) {add = true}
        %dma_wait3A_288 = arith.constant 0 : i32
        %dma_wait3A_289 = arith.constant 0 : i32
        %dma_wait3A_290 = tpu.memref_slice %arg8[%dma_wait3A_288, %dma_wait3A_289] : memref<80x125xi32, #tpu.memory_space<vmem>> -> memref<1x125xi32, #tpu.memory_space<vmem>>
        %dma_wait3A_291 = tpu.memref_squeeze %dma_wait3A_290 : memref<1x125xi32, #tpu.memory_space<vmem>> -> memref<125xi32, #tpu.memory_space<vmem>>
        %dma_wait3A_292 = arith.constant 0 : i32
        %dma_wait3A_293 = arith.constant 0 : i32
        %dma_wait3A_294 = tpu.memref_slice %arg33[%dma_wait3A_292, %dma_wait3A_293] : memref<10000x128xbf16, #tpu.memory_space<vmem_shared>> -> memref<10000x128xbf16, #tpu.memory_space<vmem_shared>>
        tpu.wait_indirect_dma semaphore(%arg26 : memref<!tpu.dma_semaphore, #tpu.memory_space<semaphore_mem>>) src(%arg10 : memref<125x128xbf16, #tpu.memory_space<vmem>>) dst(%dma_wait3A_294 : memref<10000x128xbf16, #tpu.memory_space<vmem_shared>>)
        %add3A_295 = arith.constant 4 : i32
        %add3A_296 = arith.addi %add3A_203, %add3A_295 : i32
        %lt3A_297 = arith.constant 80 : i32
        %lt3A_298 = arith.cmpi slt, %add3A_296, %lt3A_297 : i32
        %convert_element_type3A_299 = arith.extui %lt3A_298 : i1 to i32
        %cond3A_300 = arith.constant 0 : i32
        %cond3A_301 = arith.cmpi ne, %convert_element_type3A_299, %cond3A_300 : i32
        scf.if %cond3A_301 {
          %add3A_302 = arith.constant 4 : i32
          %add3A_303 = arith.addi %add3A_203, %add3A_302 : i32
          %dma_start3A_304 = arith.constant 0 : i32
          %dma_start3A_305 = tpu.memref_slice %arg7[%add3A_303, %dma_start3A_304] : memref<80x125xi32, #tpu.memory_space<vmem>> -> memref<1x125xi32, #tpu.memory_space<vmem>>
          %dma_start3A_306 = tpu.memref_squeeze %dma_start3A_305 : memref<1x125xi32, #tpu.memory_space<vmem>> -> memref<125xi32, #tpu.memory_space<vmem>>
          %dma_start3A_307 = arith.constant 0 : i32
          %dma_start3A_308 = arith.constant 0 : i32
          %dma_start3A_309 = tpu.memref_slice %arg2[%dma_start3A_307, %dma_start3A_308] : memref<10000x128xbf16, #tpu.memory_space<hbm>> -> memref<10000x128xbf16, #tpu.memory_space<hbm>>
          tpu.enqueue_indirect_dma source(%dma_start3A_309 : memref<10000x128xbf16, #tpu.memory_space<hbm>>) target(%arg10 : memref<125x128xbf16, #tpu.memory_space<vmem>>) offsets(%dma_start3A_306 : memref<125xi32, #tpu.memory_space<vmem>>) semaphore(%arg18 : memref<!tpu.dma_semaphore, #tpu.memory_space<semaphore_mem>>)
        } else {
        }
      } else {
      }
      %mul3A_209 = arith.constant 8 : i32
      %mul3A_210 = arith.muli %scan3A_189, %mul3A_209 : i32
      %add3A_211 = arith.constant 4 : i32
      %add3A_212 = arith.addi %add3A_211, %mul3A_210 : i32
      %add3A_213 = arith.constant 2 : i32
      %add3A_214 = arith.addi %add3A_212, %add3A_213 : i32
      %lt3A_215 = arith.constant 80 : i32
      %lt3A_216 = arith.cmpi slt, %add3A_214, %lt3A_215 : i32
      %convert_element_type3A_217 = arith.extui %lt3A_216 : i1 to i32
      %cond3A_218 = arith.constant 0 : i32
      %cond3A_219 = arith.cmpi ne, %convert_element_type3A_217, %cond3A_218 : i32
      scf.if %cond3A_219 {
        %dma_wait3A_275 = arith.constant 0 : i32
        %dma_wait3A_276 = arith.constant 0 : i32
        %dma_wait3A_277 = tpu.memref_slice %arg7[%dma_wait3A_275, %dma_wait3A_276] : memref<80x125xi32, #tpu.memory_space<vmem>> -> memref<1x125xi32, #tpu.memory_space<vmem>>
        %dma_wait3A_278 = tpu.memref_squeeze %dma_wait3A_277 : memref<1x125xi32, #tpu.memory_space<vmem>> -> memref<125xi32, #tpu.memory_space<vmem>>
        %dma_wait3A_279 = arith.constant 0 : i32
        %dma_wait3A_280 = arith.constant 0 : i32
        %dma_wait3A_281 = tpu.memref_slice %arg2[%dma_wait3A_279, %dma_wait3A_280] : memref<10000x128xbf16, #tpu.memory_space<hbm>> -> memref<10000x128xbf16, #tpu.memory_space<hbm>>
        tpu.wait_indirect_dma semaphore(%arg23 : memref<!tpu.dma_semaphore, #tpu.memory_space<semaphore_mem>>) src(%dma_wait3A_281 : memref<10000x128xbf16, #tpu.memory_space<hbm>>) dst(%arg15 : memref<125x128xbf16, #tpu.memory_space<vmem>>)
        %dma_start3A_282 = arith.constant 0 : i32
        %dma_start3A_283 = tpu.memref_slice %arg8[%add3A_214, %dma_start3A_282] : memref<80x125xi32, #tpu.memory_space<vmem>> -> memref<1x125xi32, #tpu.memory_space<vmem>>
        %dma_start3A_284 = tpu.memref_squeeze %dma_start3A_283 : memref<1x125xi32, #tpu.memory_space<vmem>> -> memref<125xi32, #tpu.memory_space<vmem>>
        %dma_start3A_285 = arith.constant 0 : i32
        %dma_start3A_286 = arith.constant 0 : i32
        %dma_start3A_287 = tpu.memref_slice %arg33[%dma_start3A_285, %dma_start3A_286] : memref<10000x128xbf16, #tpu.memory_space<vmem_shared>> -> memref<10000x128xbf16, #tpu.memory_space<vmem_shared>>
        tpu.enqueue_indirect_dma source(%arg15 : memref<125x128xbf16, #tpu.memory_space<vmem>>) target(%dma_start3A_287 : memref<10000x128xbf16, #tpu.memory_space<vmem_shared>>) offsets(%dma_start3A_284 : memref<125xi32, #tpu.memory_space<vmem>>) semaphore(%arg31 : memref<!tpu.dma_semaphore, #tpu.memory_space<semaphore_mem>>) {add = true}
        %dma_wait3A_288 = arith.constant 0 : i32
        %dma_wait3A_289 = arith.constant 0 : i32
        %dma_wait3A_290 = tpu.memref_slice %arg8[%dma_wait3A_288, %dma_wait3A_289] : memref<80x125xi32, #tpu.memory_space<vmem>> -> memref<1x125xi32, #tpu.memory_space<vmem>>
        %dma_wait3A_291 = tpu.memref_squeeze %dma_wait3A_290 : memref<1x125xi32, #tpu.memory_space<vmem>> -> memref<125xi32, #tpu.memory_space<vmem>>
        %dma_wait3A_292 = arith.constant 0 : i32
        %dma_wait3A_293 = arith.constant 0 : i32
        %dma_wait3A_294 = tpu.memref_slice %arg33[%dma_wait3A_292, %dma_wait3A_293] : memref<10000x128xbf16, #tpu.memory_space<vmem_shared>> -> memref<10000x128xbf16, #tpu.memory_space<vmem_shared>>
        tpu.wait_indirect_dma semaphore(%arg27 : memref<!tpu.dma_semaphore, #tpu.memory_space<semaphore_mem>>) src(%arg11 : memref<125x128xbf16, #tpu.memory_space<vmem>>) dst(%dma_wait3A_294 : memref<10000x128xbf16, #tpu.memory_space<vmem_shared>>)
        %add3A_295 = arith.constant 4 : i32
        %add3A_296 = arith.addi %add3A_214, %add3A_295 : i32
        %lt3A_297 = arith.constant 80 : i32
        %lt3A_298 = arith.cmpi slt, %add3A_296, %lt3A_297 : i32
        %convert_element_type3A_299 = arith.extui %lt3A_298 : i1 to i32
        %cond3A_300 = arith.constant 0 : i32
        %cond3A_301 = arith.cmpi ne, %convert_element_type3A_299, %cond3A_300 : i32
        scf.if %cond3A_301 {
          %add3A_302 = arith.constant 4 : i32
          %add3A_303 = arith.addi %add3A_214, %add3A_302 : i32
          %dma_start3A_304 = arith.constant 0 : i32
          %dma_start3A_305 = tpu.memref_slice %arg7[%add3A_303, %dma_start3A_304] : memref<80x125xi32, #tpu.memory_space<vmem>> -> memref<1x125xi32, #tpu.memory_space<vmem>>
          %dma_start3A_306 = tpu.memref_squeeze %dma_start3A_305 : memref<1x125xi32, #tpu.memory_space<vmem>> -> memref<125xi32, #tpu.memory_space<vmem>>
          %dma_start3A_307 = arith.constant 0 : i32
          %dma_start3A_308 = arith.constant 0 : i32
          %dma_start3A_309 = tpu.memref_slice %arg2[%dma_start3A_307, %dma_start3A_308] : memref<10000x128xbf16, #tpu.memory_space<hbm>> -> memref<10000x128xbf16, #tpu.memory_space<hbm>>
          tpu.enqueue_indirect_dma source(%dma_start3A_309 : memref<10000x128xbf16, #tpu.memory_space<hbm>>) target(%arg11 : memref<125x128xbf16, #tpu.memory_space<vmem>>) offsets(%dma_start3A_306 : memref<125xi32, #tpu.memory_space<vmem>>) semaphore(%arg19 : memref<!tpu.dma_semaphore, #tpu.memory_space<semaphore_mem>>)
        } else {
        }
      } else {
      }
      %mul3A_220 = arith.constant 8 : i32
      %mul3A_221 = arith.muli %scan3A_189, %mul3A_220 : i32
      %add3A_222 = arith.constant 4 : i32
      %add3A_223 = arith.addi %add3A_222, %mul3A_221 : i32
      %add3A_224 = arith.constant 3 : i32
      %add3A_225 = arith.addi %add3A_223, %add3A_224 : i32
      %lt3A_226 = arith.constant 80 : i32
      %lt3A_227 = arith.cmpi slt, %add3A_225, %lt3A_226 : i32
      %convert_element_type3A_228 = arith.extui %lt3A_227 : i1 to i32
      %cond3A_229 = arith.constant 0 : i32
      %cond3A_230 = arith.cmpi ne, %convert_element_type3A_228, %cond3A_229 : i32
      scf.if %cond3A_230 {
        %dma_wait3A_275 = arith.constant 0 : i32
        %dma_wait3A_276 = arith.constant 0 : i32
        %dma_wait3A_277 = tpu.memref_slice %arg7[%dma_wait3A_275, %dma_wait3A_276] : memref<80x125xi32, #tpu.memory_space<vmem>> -> memref<1x125xi32, #tpu.memory_space<vmem>>
        %dma_wait3A_278 = tpu.memref_squeeze %dma_wait3A_277 : memref<1x125xi32, #tpu.memory_space<vmem>> -> memref<125xi32, #tpu.memory_space<vmem>>
        %dma_wait3A_279 = arith.constant 0 : i32
        %dma_wait3A_280 = arith.constant 0 : i32
        %dma_wait3A_281 = tpu.memref_slice %arg2[%dma_wait3A_279, %dma_wait3A_280] : memref<10000x128xbf16, #tpu.memory_space<hbm>> -> memref<10000x128xbf16, #tpu.memory_space<hbm>>
        tpu.wait_indirect_dma semaphore(%arg24 : memref<!tpu.dma_semaphore, #tpu.memory_space<semaphore_mem>>) src(%dma_wait3A_281 : memref<10000x128xbf16, #tpu.memory_space<hbm>>) dst(%arg16 : memref<125x128xbf16, #tpu.memory_space<vmem>>)
        %dma_start3A_282 = arith.constant 0 : i32
        %dma_start3A_283 = tpu.memref_slice %arg8[%add3A_225, %dma_start3A_282] : memref<80x125xi32, #tpu.memory_space<vmem>> -> memref<1x125xi32, #tpu.memory_space<vmem>>
        %dma_start3A_284 = tpu.memref_squeeze %dma_start3A_283 : memref<1x125xi32, #tpu.memory_space<vmem>> -> memref<125xi32, #tpu.memory_space<vmem>>
        %dma_start3A_285 = arith.constant 0 : i32
        %dma_start3A_286 = arith.constant 0 : i32
        %dma_start3A_287 = tpu.memref_slice %arg33[%dma_start3A_285, %dma_start3A_286] : memref<10000x128xbf16, #tpu.memory_space<vmem_shared>> -> memref<10000x128xbf16, #tpu.memory_space<vmem_shared>>
        tpu.enqueue_indirect_dma source(%arg16 : memref<125x128xbf16, #tpu.memory_space<vmem>>) target(%dma_start3A_287 : memref<10000x128xbf16, #tpu.memory_space<vmem_shared>>) offsets(%dma_start3A_284 : memref<125xi32, #tpu.memory_space<vmem>>) semaphore(%arg32 : memref<!tpu.dma_semaphore, #tpu.memory_space<semaphore_mem>>) {add = true}
        %dma_wait3A_288 = arith.constant 0 : i32
        %dma_wait3A_289 = arith.constant 0 : i32
        %dma_wait3A_290 = tpu.memref_slice %arg8[%dma_wait3A_288, %dma_wait3A_289] : memref<80x125xi32, #tpu.memory_space<vmem>> -> memref<1x125xi32, #tpu.memory_space<vmem>>
        %dma_wait3A_291 = tpu.memref_squeeze %dma_wait3A_290 : memref<1x125xi32, #tpu.memory_space<vmem>> -> memref<125xi32, #tpu.memory_space<vmem>>
        %dma_wait3A_292 = arith.constant 0 : i32
        %dma_wait3A_293 = arith.constant 0 : i32
        %dma_wait3A_294 = tpu.memref_slice %arg33[%dma_wait3A_292, %dma_wait3A_293] : memref<10000x128xbf16, #tpu.memory_space<vmem_shared>> -> memref<10000x128xbf16, #tpu.memory_space<vmem_shared>>
        tpu.wait_indirect_dma semaphore(%arg28 : memref<!tpu.dma_semaphore, #tpu.memory_space<semaphore_mem>>) src(%arg12 : memref<125x128xbf16, #tpu.memory_space<vmem>>) dst(%dma_wait3A_294 : memref<10000x128xbf16, #tpu.memory_space<vmem_shared>>)
        %add3A_295 = arith.constant 4 : i32
        %add3A_296 = arith.addi %add3A_225, %add3A_295 : i32
        %lt3A_297 = arith.constant 80 : i32
        %lt3A_298 = arith.cmpi slt, %add3A_296, %lt3A_297 : i32
        %convert_element_type3A_299 = arith.extui %lt3A_298 : i1 to i32
        %cond3A_300 = arith.constant 0 : i32
        %cond3A_301 = arith.cmpi ne, %convert_element_type3A_299, %cond3A_300 : i32
        scf.if %cond3A_301 {
          %add3A_302 = arith.constant 4 : i32
          %add3A_303 = arith.addi %add3A_225, %add3A_302 : i32
          %dma_start3A_304 = arith.constant 0 : i32
          %dma_start3A_305 = tpu.memref_slice %arg7[%add3A_303, %dma_start3A_304] : memref<80x125xi32, #tpu.memory_space<vmem>> -> memref<1x125xi32, #tpu.memory_space<vmem>>
          %dma_start3A_306 = tpu.memref_squeeze %dma_start3A_305 : memref<1x125xi32, #tpu.memory_space<vmem>> -> memref<125xi32, #tpu.memory_space<vmem>>
          %dma_start3A_307 = arith.constant 0 : i32
          %dma_start3A_308 = arith.constant 0 : i32
          %dma_start3A_309 = tpu.memref_slice %arg2[%dma_start3A_307, %dma_start3A_308] : memref<10000x128xbf16, #tpu.memory_space<hbm>> -> memref<10000x128xbf16, #tpu.memory_space<hbm>>
          tpu.enqueue_indirect_dma source(%dma_start3A_309 : memref<10000x128xbf16, #tpu.memory_space<hbm>>) target(%arg12 : memref<125x128xbf16, #tpu.memory_space<vmem>>) offsets(%dma_start3A_306 : memref<125xi32, #tpu.memory_space<vmem>>) semaphore(%arg20 : memref<!tpu.dma_semaphore, #tpu.memory_space<semaphore_mem>>)
        } else {
        }
      } else {
      }
      %mul3A_231 = arith.constant 8 : i32
      %mul3A_232 = arith.muli %scan3A_189, %mul3A_231 : i32
      %add3A_233 = arith.constant 4 : i32
      %add3A_234 = arith.addi %add3A_233, %mul3A_232 : i32
      %add3A_235 = arith.constant 4 : i32
      %add3A_236 = arith.addi %add3A_234, %add3A_235 : i32
      %lt3A_237 = arith.constant 80 : i32
      %lt3A_238 = arith.cmpi slt, %add3A_236, %lt3A_237 : i32
      %convert_element_type3A_239 = arith.extui %lt3A_238 : i1 to i32
      %cond3A_240 = arith.constant 0 : i32
      %cond3A_241 = arith.cmpi ne, %convert_element_type3A_239, %cond3A_240 : i32
      scf.if %cond3A_241 {
        %dma_wait3A_275 = arith.constant 0 : i32
        %dma_wait3A_276 = arith.constant 0 : i32
        %dma_wait3A_277 = tpu.memref_slice %arg7[%dma_wait3A_275, %dma_wait3A_276] : memref<80x125xi32, #tpu.memory_space<vmem>> -> memref<1x125xi32, #tpu.memory_space<vmem>>
        %dma_wait3A_278 = tpu.memref_squeeze %dma_wait3A_277 : memref<1x125xi32, #tpu.memory_space<vmem>> -> memref<125xi32, #tpu.memory_space<vmem>>
        %dma_wait3A_279 = arith.constant 0 : i32
        %dma_wait3A_280 = arith.constant 0 : i32
        %dma_wait3A_281 = tpu.memref_slice %arg2[%dma_wait3A_279, %dma_wait3A_280] : memref<10000x128xbf16, #tpu.memory_space<hbm>> -> memref<10000x128xbf16, #tpu.memory_space<hbm>>
        tpu.wait_indirect_dma semaphore(%arg17 : memref<!tpu.dma_semaphore, #tpu.memory_space<semaphore_mem>>) src(%dma_wait3A_281 : memref<10000x128xbf16, #tpu.memory_space<hbm>>) dst(%arg9 : memref<125x128xbf16, #tpu.memory_space<vmem>>)
        %dma_start3A_282 = arith.constant 0 : i32
        %dma_start3A_283 = tpu.memref_slice %arg8[%add3A_236, %dma_start3A_282] : memref<80x125xi32, #tpu.memory_space<vmem>> -> memref<1x125xi32, #tpu.memory_space<vmem>>
        %dma_start3A_284 = tpu.memref_squeeze %dma_start3A_283 : memref<1x125xi32, #tpu.memory_space<vmem>> -> memref<125xi32, #tpu.memory_space<vmem>>
        %dma_start3A_285 = arith.constant 0 : i32
        %dma_start3A_286 = arith.constant 0 : i32
        %dma_start3A_287 = tpu.memref_slice %arg33[%dma_start3A_285, %dma_start3A_286] : memref<10000x128xbf16, #tpu.memory_space<vmem_shared>> -> memref<10000x128xbf16, #tpu.memory_space<vmem_shared>>
        tpu.enqueue_indirect_dma source(%arg9 : memref<125x128xbf16, #tpu.memory_space<vmem>>) target(%dma_start3A_287 : memref<10000x128xbf16, #tpu.memory_space<vmem_shared>>) offsets(%dma_start3A_284 : memref<125xi32, #tpu.memory_space<vmem>>) semaphore(%arg25 : memref<!tpu.dma_semaphore, #tpu.memory_space<semaphore_mem>>) {add = true}
        %dma_wait3A_288 = arith.constant 0 : i32
        %dma_wait3A_289 = arith.constant 0 : i32
        %dma_wait3A_290 = tpu.memref_slice %arg8[%dma_wait3A_288, %dma_wait3A_289] : memref<80x125xi32, #tpu.memory_space<vmem>> -> memref<1x125xi32, #tpu.memory_space<vmem>>
        %dma_wait3A_291 = tpu.memref_squeeze %dma_wait3A_290 : memref<1x125xi32, #tpu.memory_space<vmem>> -> memref<125xi32, #tpu.memory_space<vmem>>
        %dma_wait3A_292 = arith.constant 0 : i32
        %dma_wait3A_293 = arith.constant 0 : i32
        %dma_wait3A_294 = tpu.memref_slice %arg33[%dma_wait3A_292, %dma_wait3A_293] : memref<10000x128xbf16, #tpu.memory_space<vmem_shared>> -> memref<10000x128xbf16, #tpu.memory_space<vmem_shared>>
        tpu.wait_indirect_dma semaphore(%arg29 : memref<!tpu.dma_semaphore, #tpu.memory_space<semaphore_mem>>) src(%arg13 : memref<125x128xbf16, #tpu.memory_space<vmem>>) dst(%dma_wait3A_294 : memref<10000x128xbf16, #tpu.memory_space<vmem_shared>>)
        %add3A_295 = arith.constant 4 : i32
        %add3A_296 = arith.addi %add3A_236, %add3A_295 : i32
        %lt3A_297 = arith.constant 80 : i32
        %lt3A_298 = arith.cmpi slt, %add3A_296, %lt3A_297 : i32
        %convert_element_type3A_299 = arith.extui %lt3A_298 : i1 to i32
        %cond3A_300 = arith.constant 0 : i32
        %cond3A_301 = arith.cmpi ne, %convert_element_type3A_299, %cond3A_300 : i32
        scf.if %cond3A_301 {
          %add3A_302 = arith.constant 4 : i32
          %add3A_303 = arith.addi %add3A_236, %add3A_302 : i32
          %dma_start3A_304 = arith.constant 0 : i32
          %dma_start3A_305 = tpu.memref_slice %arg7[%add3A_303, %dma_start3A_304] : memref<80x125xi32, #tpu.memory_space<vmem>> -> memref<1x125xi32, #tpu.memory_space<vmem>>
          %dma_start3A_306 = tpu.memref_squeeze %dma_start3A_305 : memref<1x125xi32, #tpu.memory_space<vmem>> -> memref<125xi32, #tpu.memory_space<vmem>>
          %dma_start3A_307 = arith.constant 0 : i32
          %dma_start3A_308 = arith.constant 0 : i32
          %dma_start3A_309 = tpu.memref_slice %arg2[%dma_start3A_307, %dma_start3A_308] : memref<10000x128xbf16, #tpu.memory_space<hbm>> -> memref<10000x128xbf16, #tpu.memory_space<hbm>>
          tpu.enqueue_indirect_dma source(%dma_start3A_309 : memref<10000x128xbf16, #tpu.memory_space<hbm>>) target(%arg13 : memref<125x128xbf16, #tpu.memory_space<vmem>>) offsets(%dma_start3A_306 : memref<125xi32, #tpu.memory_space<vmem>>) semaphore(%arg21 : memref<!tpu.dma_semaphore, #tpu.memory_space<semaphore_mem>>)
        } else {
        }
      } else {
      }
      %mul3A_242 = arith.constant 8 : i32
      %mul3A_243 = arith.muli %scan3A_189, %mul3A_242 : i32
      %add3A_244 = arith.constant 4 : i32
      %add3A_245 = arith.addi %add3A_244, %mul3A_243 : i32
      %add3A_246 = arith.constant 5 : i32
      %add3A_247 = arith.addi %add3A_245, %add3A_246 : i32
      %lt3A_248 = arith.constant 80 : i32
      %lt3A_249 = arith.cmpi slt, %add3A_247, %lt3A_248 : i32
      %convert_element_type3A_250 = arith.extui %lt3A_249 : i1 to i32
      %cond3A_251 = arith.constant 0 : i32
      %cond3A_252 = arith.cmpi ne, %convert_element_type3A_250, %cond3A_251 : i32
      scf.if %cond3A_252 {
        %dma_wait3A_275 = arith.constant 0 : i32
        %dma_wait3A_276 = arith.constant 0 : i32
        %dma_wait3A_277 = tpu.memref_slice %arg7[%dma_wait3A_275, %dma_wait3A_276] : memref<80x125xi32, #tpu.memory_space<vmem>> -> memref<1x125xi32, #tpu.memory_space<vmem>>
        %dma_wait3A_278 = tpu.memref_squeeze %dma_wait3A_277 : memref<1x125xi32, #tpu.memory_space<vmem>> -> memref<125xi32, #tpu.memory_space<vmem>>
        %dma_wait3A_279 = arith.constant 0 : i32
        %dma_wait3A_280 = arith.constant 0 : i32
        %dma_wait3A_281 = tpu.memref_slice %arg2[%dma_wait3A_279, %dma_wait3A_280] : memref<10000x128xbf16, #tpu.memory_space<hbm>> -> memref<10000x128xbf16, #tpu.memory_space<hbm>>
        tpu.wait_indirect_dma semaphore(%arg18 : memref<!tpu.dma_semaphore, #tpu.memory_space<semaphore_mem>>) src(%dma_wait3A_281 : memref<10000x128xbf16, #tpu.memory_space<hbm>>) dst(%arg10 : memref<125x128xbf16, #tpu.memory_space<vmem>>)
        %dma_start3A_282 = arith.constant 0 : i32
        %dma_start3A_283 = tpu.memref_slice %arg8[%add3A_247, %dma_start3A_282] : memref<80x125xi32, #tpu.memory_space<vmem>> -> memref<1x125xi32, #tpu.memory_space<vmem>>
        %dma_start3A_284 = tpu.memref_squeeze %dma_start3A_283 : memref<1x125xi32, #tpu.memory_space<vmem>> -> memref<125xi32, #tpu.memory_space<vmem>>
        %dma_start3A_285 = arith.constant 0 : i32
        %dma_start3A_286 = arith.constant 0 : i32
        %dma_start3A_287 = tpu.memref_slice %arg33[%dma_start3A_285, %dma_start3A_286] : memref<10000x128xbf16, #tpu.memory_space<vmem_shared>> -> memref<10000x128xbf16, #tpu.memory_space<vmem_shared>>
        tpu.enqueue_indirect_dma source(%arg10 : memref<125x128xbf16, #tpu.memory_space<vmem>>) target(%dma_start3A_287 : memref<10000x128xbf16, #tpu.memory_space<vmem_shared>>) offsets(%dma_start3A_284 : memref<125xi32, #tpu.memory_space<vmem>>) semaphore(%arg26 : memref<!tpu.dma_semaphore, #tpu.memory_space<semaphore_mem>>) {add = true}
        %dma_wait3A_288 = arith.constant 0 : i32
        %dma_wait3A_289 = arith.constant 0 : i32
        %dma_wait3A_290 = tpu.memref_slice %arg8[%dma_wait3A_288, %dma_wait3A_289] : memref<80x125xi32, #tpu.memory_space<vmem>> -> memref<1x125xi32, #tpu.memory_space<vmem>>
        %dma_wait3A_291 = tpu.memref_squeeze %dma_wait3A_290 : memref<1x125xi32, #tpu.memory_space<vmem>> -> memref<125xi32, #tpu.memory_space<vmem>>
        %dma_wait3A_292 = arith.constant 0 : i32
        %dma_wait3A_293 = arith.constant 0 : i32
        %dma_wait3A_294 = tpu.memref_slice %arg33[%dma_wait3A_292, %dma_wait3A_293] : memref<10000x128xbf16, #tpu.memory_space<vmem_shared>> -> memref<10000x128xbf16, #tpu.memory_space<vmem_shared>>
        tpu.wait_indirect_dma semaphore(%arg30 : memref<!tpu.dma_semaphore, #tpu.memory_space<semaphore_mem>>) src(%arg14 : memref<125x128xbf16, #tpu.memory_space<vmem>>) dst(%dma_wait3A_294 : memref<10000x128xbf16, #tpu.memory_space<vmem_shared>>)
        %add3A_295 = arith.constant 4 : i32
        %add3A_296 = arith.addi %add3A_247, %add3A_295 : i32
        %lt3A_297 = arith.constant 80 : i32
        %lt3A_298 = arith.cmpi slt, %add3A_296, %lt3A_297 : i32
        %convert_element_type3A_299 = arith.extui %lt3A_298 : i1 to i32
        %cond3A_300 = arith.constant 0 : i32
        %cond3A_301 = arith.cmpi ne, %convert_element_type3A_299, %cond3A_300 : i32
        scf.if %cond3A_301 {
          %add3A_302 = arith.constant 4 : i32
          %add3A_303 = arith.addi %add3A_247, %add3A_302 : i32
          %dma_start3A_304 = arith.constant 0 : i32
          %dma_start3A_305 = tpu.memref_slice %arg7[%add3A_303, %dma_start3A_304] : memref<80x125xi32, #tpu.memory_space<vmem>> -> memref<1x125xi32, #tpu.memory_space<vmem>>
          %dma_start3A_306 = tpu.memref_squeeze %dma_start3A_305 : memref<1x125xi32, #tpu.memory_space<vmem>> -> memref<125xi32, #tpu.memory_space<vmem>>
          %dma_start3A_307 = arith.constant 0 : i32
          %dma_start3A_308 = arith.constant 0 : i32
          %dma_start3A_309 = tpu.memref_slice %arg2[%dma_start3A_307, %dma_start3A_308] : memref<10000x128xbf16, #tpu.memory_space<hbm>> -> memref<10000x128xbf16, #tpu.memory_space<hbm>>
          tpu.enqueue_indirect_dma source(%dma_start3A_309 : memref<10000x128xbf16, #tpu.memory_space<hbm>>) target(%arg14 : memref<125x128xbf16, #tpu.memory_space<vmem>>) offsets(%dma_start3A_306 : memref<125xi32, #tpu.memory_space<vmem>>) semaphore(%arg22 : memref<!tpu.dma_semaphore, #tpu.memory_space<semaphore_mem>>)
        } else {
        }
      } else {
      }
      %mul3A_253 = arith.constant 8 : i32
      %mul3A_254 = arith.muli %scan3A_189, %mul3A_253 : i32
      %add3A_255 = arith.constant 4 : i32
      %add3A_256 = arith.addi %add3A_255, %mul3A_254 : i32
      %add3A_257 = arith.constant 6 : i32
      %add3A_258 = arith.addi %add3A_256, %add3A_257 : i32
      %lt3A_259 = arith.constant 80 : i32
      %lt3A_260 = arith.cmpi slt, %add3A_258, %lt3A_259 : i32
      %convert_element_type3A_261 = arith.extui %lt3A_260 : i1 to i32
      %cond3A_262 = arith.constant 0 : i32
      %cond3A_263 = arith.cmpi ne, %convert_element_type3A_261, %cond3A_262 : i32
      scf.if %cond3A_263 {
        %dma_wait3A_275 = arith.constant 0 : i32
        %dma_wait3A_276 = arith.constant 0 : i32
        %dma_wait3A_277 = tpu.memref_slice %arg7[%dma_wait3A_275, %dma_wait3A_276] : memref<80x125xi32, #tpu.memory_space<vmem>> -> memref<1x125xi32, #tpu.memory_space<vmem>>
        %dma_wait3A_278 = tpu.memref_squeeze %dma_wait3A_277 : memref<1x125xi32, #tpu.memory_space<vmem>> -> memref<125xi32, #tpu.memory_space<vmem>>
        %dma_wait3A_279 = arith.constant 0 : i32
        %dma_wait3A_280 = arith.constant 0 : i32
        %dma_wait3A_281 = tpu.memref_slice %arg2[%dma_wait3A_279, %dma_wait3A_280] : memref<10000x128xbf16, #tpu.memory_space<hbm>> -> memref<10000x128xbf16, #tpu.memory_space<hbm>>
        tpu.wait_indirect_dma semaphore(%arg19 : memref<!tpu.dma_semaphore, #tpu.memory_space<semaphore_mem>>) src(%dma_wait3A_281 : memref<10000x128xbf16, #tpu.memory_space<hbm>>) dst(%arg11 : memref<125x128xbf16, #tpu.memory_space<vmem>>)
        %dma_start3A_282 = arith.constant 0 : i32
        %dma_start3A_283 = tpu.memref_slice %arg8[%add3A_258, %dma_start3A_282] : memref<80x125xi32, #tpu.memory_space<vmem>> -> memref<1x125xi32, #tpu.memory_space<vmem>>
        %dma_start3A_284 = tpu.memref_squeeze %dma_start3A_283 : memref<1x125xi32, #tpu.memory_space<vmem>> -> memref<125xi32, #tpu.memory_space<vmem>>
        %dma_start3A_285 = arith.constant 0 : i32
        %dma_start3A_286 = arith.constant 0 : i32
        %dma_start3A_287 = tpu.memref_slice %arg33[%dma_start3A_285, %dma_start3A_286] : memref<10000x128xbf16, #tpu.memory_space<vmem_shared>> -> memref<10000x128xbf16, #tpu.memory_space<vmem_shared>>
        tpu.enqueue_indirect_dma source(%arg11 : memref<125x128xbf16, #tpu.memory_space<vmem>>) target(%dma_start3A_287 : memref<10000x128xbf16, #tpu.memory_space<vmem_shared>>) offsets(%dma_start3A_284 : memref<125xi32, #tpu.memory_space<vmem>>) semaphore(%arg27 : memref<!tpu.dma_semaphore, #tpu.memory_space<semaphore_mem>>) {add = true}
        %dma_wait3A_288 = arith.constant 0 : i32
        %dma_wait3A_289 = arith.constant 0 : i32
        %dma_wait3A_290 = tpu.memref_slice %arg8[%dma_wait3A_288, %dma_wait3A_289] : memref<80x125xi32, #tpu.memory_space<vmem>> -> memref<1x125xi32, #tpu.memory_space<vmem>>
        %dma_wait3A_291 = tpu.memref_squeeze %dma_wait3A_290 : memref<1x125xi32, #tpu.memory_space<vmem>> -> memref<125xi32, #tpu.memory_space<vmem>>
        %dma_wait3A_292 = arith.constant 0 : i32
        %dma_wait3A_293 = arith.constant 0 : i32
        %dma_wait3A_294 = tpu.memref_slice %arg33[%dma_wait3A_292, %dma_wait3A_293] : memref<10000x128xbf16, #tpu.memory_space<vmem_shared>> -> memref<10000x128xbf16, #tpu.memory_space<vmem_shared>>
        tpu.wait_indirect_dma semaphore(%arg31 : memref<!tpu.dma_semaphore, #tpu.memory_space<semaphore_mem>>) src(%arg15 : memref<125x128xbf16, #tpu.memory_space<vmem>>) dst(%dma_wait3A_294 : memref<10000x128xbf16, #tpu.memory_space<vmem_shared>>)
        %add3A_295 = arith.constant 4 : i32
        %add3A_296 = arith.addi %add3A_258, %add3A_295 : i32
        %lt3A_297 = arith.constant 80 : i32
        %lt3A_298 = arith.cmpi slt, %add3A_296, %lt3A_297 : i32
        %convert_element_type3A_299 = arith.extui %lt3A_298 : i1 to i32
        %cond3A_300 = arith.constant 0 : i32
        %cond3A_301 = arith.cmpi ne, %convert_element_type3A_299, %cond3A_300 : i32
        scf.if %cond3A_301 {
          %add3A_302 = arith.constant 4 : i32
          %add3A_303 = arith.addi %add3A_258, %add3A_302 : i32
          %dma_start3A_304 = arith.constant 0 : i32
          %dma_start3A_305 = tpu.memref_slice %arg7[%add3A_303, %dma_start3A_304] : memref<80x125xi32, #tpu.memory_space<vmem>> -> memref<1x125xi32, #tpu.memory_space<vmem>>
          %dma_start3A_306 = tpu.memref_squeeze %dma_start3A_305 : memref<1x125xi32, #tpu.memory_space<vmem>> -> memref<125xi32, #tpu.memory_space<vmem>>
          %dma_start3A_307 = arith.constant 0 : i32
          %dma_start3A_308 = arith.constant 0 : i32
          %dma_start3A_309 = tpu.memref_slice %arg2[%dma_start3A_307, %dma_start3A_308] : memref<10000x128xbf16, #tpu.memory_space<hbm>> -> memref<10000x128xbf16, #tpu.memory_space<hbm>>
          tpu.enqueue_indirect_dma source(%dma_start3A_309 : memref<10000x128xbf16, #tpu.memory_space<hbm>>) target(%arg15 : memref<125x128xbf16, #tpu.memory_space<vmem>>) offsets(%dma_start3A_306 : memref<125xi32, #tpu.memory_space<vmem>>) semaphore(%arg23 : memref<!tpu.dma_semaphore, #tpu.memory_space<semaphore_mem>>)
        } else {
        }
      } else {
      }
      %mul3A_264 = arith.constant 8 : i32
      %mul3A_265 = arith.muli %scan3A_189, %mul3A_264 : i32
      %add3A_266 = arith.constant 4 : i32
      %add3A_267 = arith.addi %add3A_266, %mul3A_265 : i32
      %add3A_268 = arith.constant 7 : i32
      %add3A_269 = arith.addi %add3A_267, %add3A_268 : i32
      %lt3A_270 = arith.constant 80 : i32
      %lt3A_271 = arith.cmpi slt, %add3A_269, %lt3A_270 : i32
      %convert_element_type3A_272 = arith.extui %lt3A_271 : i1 to i32
      %cond3A_273 = arith.constant 0 : i32
      %cond3A_274 = arith.cmpi ne, %convert_element_type3A_272, %cond3A_273 : i32
      scf.if %cond3A_274 {
        %dma_wait3A_275 = arith.constant 0 : i32
        %dma_wait3A_276 = arith.constant 0 : i32
        %dma_wait3A_277 = tpu.memref_slice %arg7[%dma_wait3A_275, %dma_wait3A_276] : memref<80x125xi32, #tpu.memory_space<vmem>> -> memref<1x125xi32, #tpu.memory_space<vmem>>
        %dma_wait3A_278 = tpu.memref_squeeze %dma_wait3A_277 : memref<1x125xi32, #tpu.memory_space<vmem>> -> memref<125xi32, #tpu.memory_space<vmem>>
        %dma_wait3A_279 = arith.constant 0 : i32
        %dma_wait3A_280 = arith.constant 0 : i32
        %dma_wait3A_281 = tpu.memref_slice %arg2[%dma_wait3A_279, %dma_wait3A_280] : memref<10000x128xbf16, #tpu.memory_space<hbm>> -> memref<10000x128xbf16, #tpu.memory_space<hbm>>
        tpu.wait_indirect_dma semaphore(%arg20 : memref<!tpu.dma_semaphore, #tpu.memory_space<semaphore_mem>>) src(%dma_wait3A_281 : memref<10000x128xbf16, #tpu.memory_space<hbm>>) dst(%arg12 : memref<125x128xbf16, #tpu.memory_space<vmem>>)
        %dma_start3A_282 = arith.constant 0 : i32
        %dma_start3A_283 = tpu.memref_slice %arg8[%add3A_269, %dma_start3A_282] : memref<80x125xi32, #tpu.memory_space<vmem>> -> memref<1x125xi32, #tpu.memory_space<vmem>>
        %dma_start3A_284 = tpu.memref_squeeze %dma_start3A_283 : memref<1x125xi32, #tpu.memory_space<vmem>> -> memref<125xi32, #tpu.memory_space<vmem>>
        %dma_start3A_285 = arith.constant 0 : i32
        %dma_start3A_286 = arith.constant 0 : i32
        %dma_start3A_287 = tpu.memref_slice %arg33[%dma_start3A_285, %dma_start3A_286] : memref<10000x128xbf16, #tpu.memory_space<vmem_shared>> -> memref<10000x128xbf16, #tpu.memory_space<vmem_shared>>
        tpu.enqueue_indirect_dma source(%arg12 : memref<125x128xbf16, #tpu.memory_space<vmem>>) target(%dma_start3A_287 : memref<10000x128xbf16, #tpu.memory_space<vmem_shared>>) offsets(%dma_start3A_284 : memref<125xi32, #tpu.memory_space<vmem>>) semaphore(%arg28 : memref<!tpu.dma_semaphore, #tpu.memory_space<semaphore_mem>>) {add = true}
        %dma_wait3A_288 = arith.constant 0 : i32
        %dma_wait3A_289 = arith.constant 0 : i32
        %dma_wait3A_290 = tpu.memref_slice %arg8[%dma_wait3A_288, %dma_wait3A_289] : memref<80x125xi32, #tpu.memory_space<vmem>> -> memref<1x125xi32, #tpu.memory_space<vmem>>
        %dma_wait3A_291 = tpu.memref_squeeze %dma_wait3A_290 : memref<1x125xi32, #tpu.memory_space<vmem>> -> memref<125xi32, #tpu.memory_space<vmem>>
        %dma_wait3A_292 = arith.constant 0 : i32
        %dma_wait3A_293 = arith.constant 0 : i32
        %dma_wait3A_294 = tpu.memref_slice %arg33[%dma_wait3A_292, %dma_wait3A_293] : memref<10000x128xbf16, #tpu.memory_space<vmem_shared>> -> memref<10000x128xbf16, #tpu.memory_space<vmem_shared>>
        tpu.wait_indirect_dma semaphore(%arg32 : memref<!tpu.dma_semaphore, #tpu.memory_space<semaphore_mem>>) src(%arg16 : memref<125x128xbf16, #tpu.memory_space<vmem>>) dst(%dma_wait3A_294 : memref<10000x128xbf16, #tpu.memory_space<vmem_shared>>)
        %add3A_295 = arith.constant 4 : i32
        %add3A_296 = arith.addi %add3A_269, %add3A_295 : i32
        %lt3A_297 = arith.constant 80 : i32
        %lt3A_298 = arith.cmpi slt, %add3A_296, %lt3A_297 : i32
        %convert_element_type3A_299 = arith.extui %lt3A_298 : i1 to i32
        %cond3A_300 = arith.constant 0 : i32
        %cond3A_301 = arith.cmpi ne, %convert_element_type3A_299, %cond3A_300 : i32
        scf.if %cond3A_301 {
          %add3A_302 = arith.constant 4 : i32
          %add3A_303 = arith.addi %add3A_269, %add3A_302 : i32
          %dma_start3A_304 = arith.constant 0 : i32
          %dma_start3A_305 = tpu.memref_slice %arg7[%add3A_303, %dma_start3A_304] : memref<80x125xi32, #tpu.memory_space<vmem>> -> memref<1x125xi32, #tpu.memory_space<vmem>>
          %dma_start3A_306 = tpu.memref_squeeze %dma_start3A_305 : memref<1x125xi32, #tpu.memory_space<vmem>> -> memref<125xi32, #tpu.memory_space<vmem>>
          %dma_start3A_307 = arith.constant 0 : i32
          %dma_start3A_308 = arith.constant 0 : i32
          %dma_start3A_309 = tpu.memref_slice %arg2[%dma_start3A_307, %dma_start3A_308] : memref<10000x128xbf16, #tpu.memory_space<hbm>> -> memref<10000x128xbf16, #tpu.memory_space<hbm>>
          tpu.enqueue_indirect_dma source(%dma_start3A_309 : memref<10000x128xbf16, #tpu.memory_space<hbm>>) target(%arg16 : memref<125x128xbf16, #tpu.memory_space<vmem>>) offsets(%dma_start3A_306 : memref<125xi32, #tpu.memory_space<vmem>>) semaphore(%arg24 : memref<!tpu.dma_semaphore, #tpu.memory_space<semaphore_mem>>)
        } else {
        }
      } else {
      }
    }
    %scan3A_153 = arith.constant 10 : i32
    %dma_wait3A_154 = arith.constant 0 : i32
    %dma_wait3A_155 = arith.constant 0 : i32
    %dma_wait3A_156 = tpu.memref_slice %arg8[%dma_wait3A_154, %dma_wait3A_155] : memref<80x125xi32, #tpu.memory_space<vmem>> -> memref<1x125xi32, #tpu.memory_space<vmem>>
    %dma_wait3A_157 = tpu.memref_squeeze %dma_wait3A_156 : memref<1x125xi32, #tpu.memory_space<vmem>> -> memref<125xi32, #tpu.memory_space<vmem>>
    %dma_wait3A_158 = arith.constant 0 : i32
    %dma_wait3A_159 = arith.constant 0 : i32
    %dma_wait3A_160 = tpu.memref_slice %arg33[%dma_wait3A_158, %dma_wait3A_159] : memref<10000x128xbf16, #tpu.memory_space<vmem_shared>> -> memref<10000x128xbf16, #tpu.memory_space<vmem_shared>>
    tpu.wait_indirect_dma semaphore(%arg29 : memref<!tpu.dma_semaphore, #tpu.memory_space<semaphore_mem>>) src(%arg13 : memref<125x128xbf16, #tpu.memory_space<vmem>>) dst(%dma_wait3A_160 : memref<10000x128xbf16, #tpu.memory_space<vmem_shared>>)
    %dma_wait3A_161 = arith.constant 0 : i32
    %dma_wait3A_162 = arith.constant 0 : i32
    %dma_wait3A_163 = tpu.memref_slice %arg8[%dma_wait3A_161, %dma_wait3A_162] : memref<80x125xi32, #tpu.memory_space<vmem>> -> memref<1x125xi32, #tpu.memory_space<vmem>>
    %dma_wait3A_164 = tpu.memref_squeeze %dma_wait3A_163 : memref<1x125xi32, #tpu.memory_space<vmem>> -> memref<125xi32, #tpu.memory_space<vmem>>
    %dma_wait3A_165 = arith.constant 0 : i32
    %dma_wait3A_166 = arith.constant 0 : i32
    %dma_wait3A_167 = tpu.memref_slice %arg33[%dma_wait3A_165, %dma_wait3A_166] : memref<10000x128xbf16, #tpu.memory_space<vmem_shared>> -> memref<10000x128xbf16, #tpu.memory_space<vmem_shared>>
    tpu.wait_indirect_dma semaphore(%arg30 : memref<!tpu.dma_semaphore, #tpu.memory_space<semaphore_mem>>) src(%arg14 : memref<125x128xbf16, #tpu.memory_space<vmem>>) dst(%dma_wait3A_167 : memref<10000x128xbf16, #tpu.memory_space<vmem_shared>>)
    %dma_wait3A_168 = arith.constant 0 : i32
    %dma_wait3A_169 = arith.constant 0 : i32
    %dma_wait3A_170 = tpu.memref_slice %arg8[%dma_wait3A_168, %dma_wait3A_169] : memref<80x125xi32, #tpu.memory_space<vmem>> -> memref<1x125xi32, #tpu.memory_space<vmem>>
    %dma_wait3A_171 = tpu.memref_squeeze %dma_wait3A_170 : memref<1x125xi32, #tpu.memory_space<vmem>> -> memref<125xi32, #tpu.memory_space<vmem>>
    %dma_wait3A_172 = arith.constant 0 : i32
    %dma_wait3A_173 = arith.constant 0 : i32
    %dma_wait3A_174 = tpu.memref_slice %arg33[%dma_wait3A_172, %dma_wait3A_173] : memref<10000x128xbf16, #tpu.memory_space<vmem_shared>> -> memref<10000x128xbf16, #tpu.memory_space<vmem_shared>>
    tpu.wait_indirect_dma semaphore(%arg31 : memref<!tpu.dma_semaphore, #tpu.memory_space<semaphore_mem>>) src(%arg15 : memref<125x128xbf16, #tpu.memory_space<vmem>>) dst(%dma_wait3A_174 : memref<10000x128xbf16, #tpu.memory_space<vmem_shared>>)
    %dma_wait3A_175 = arith.constant 0 : i32
    %dma_wait3A_176 = arith.constant 0 : i32
    %dma_wait3A_177 = tpu.memref_slice %arg8[%dma_wait3A_175, %dma_wait3A_176] : memref<80x125xi32, #tpu.memory_space<vmem>> -> memref<1x125xi32, #tpu.memory_space<vmem>>
    %dma_wait3A_178 = tpu.memref_squeeze %dma_wait3A_177 : memref<1x125xi32, #tpu.memory_space<vmem>> -> memref<125xi32, #tpu.memory_space<vmem>>
    %dma_wait3A_179 = arith.constant 0 : i32
    %dma_wait3A_180 = arith.constant 0 : i32
    %dma_wait3A_181 = tpu.memref_slice %arg33[%dma_wait3A_179, %dma_wait3A_180] : memref<10000x128xbf16, #tpu.memory_space<vmem_shared>> -> memref<10000x128xbf16, #tpu.memory_space<vmem_shared>>
    tpu.wait_indirect_dma semaphore(%arg32 : memref<!tpu.dma_semaphore, #tpu.memory_space<semaphore_mem>>) src(%arg16 : memref<125x128xbf16, #tpu.memory_space<vmem>>) dst(%dma_wait3A_181 : memref<10000x128xbf16, #tpu.memory_space<vmem_shared>>)
    %barrier3A_182 = arith.constant 0 : index
    tpu.barrier barrier_id(%barrier3A_182)
    %scan3A_183 = arith.constant 0 : i32
    %scan3A_184 = arith.constant 0 : i32
    %scan3A_185 = arith.constant 8 : i32
    %scan3A_186 = arith.addi %scan3A_184, %scan3A_185 : i32
    %scan3A_187 = arith.constant 1 : i32
    scf.for %scan3A_189 = %scan3A_184 to %scan3A_186 step %scan3A_187  : i32 {
      %mul3A_190 = arith.constant 16 : i32
      %mul3A_191 = arith.muli %mul3A_190, %scan3A_189 : i32
      %add3A_192 = arith.addi %arg1, %mul3A_191 : i32
      %lt3A = arith.constant 125 : i32
      %lt3A_193 = arith.cmpi slt, %add3A_192, %lt3A : i32
      %convert_element_type3A = arith.extui %lt3A_193 : i1 to i32
      %cond3A = arith.constant 0 : i32
      %cond3A_194 = arith.cmpi ne, %convert_element_type3A, %cond3A : i32
      scf.if %cond3A_194 {
        %mul3A_195 = arith.constant 80 : i32
        %mul3A_196 = arith.muli %add3A_192, %mul3A_195 : i32
        "tpu.region"() ({
          %run_scoped3A = tpu.sem_alloc : memref<!tpu.dma_semaphore, #tpu.memory_space<semaphore_mem>>
          %dma_start3A_199 = arith.constant 0 : i32
          %dma_start3A_200 = arith.constant 0 : i32
          %dma_start3A_201 = tpu.memref_slice %arg9[%dma_start3A_199, %dma_start3A_200] : memref<125x128xbf16, #tpu.memory_space<vmem>> -> memref<80x128xbf16, #tpu.memory_space<vmem>>
          %dma_start3A_202 = arith.constant 0 : i32
          %dma_start3A_203 = tpu.memref_slice %arg33[%mul3A_196, %dma_start3A_202] : memref<10000x128xbf16, #tpu.memory_space<vmem_shared>> -> memref<80x128xbf16, #tpu.memory_space<vmem_shared>>
          %dma_start3A_204 = arith.constant 0 : i32
          %dma_start3A_205 = arith.constant 0 : i32
          %dma_start3A_206 = tpu.memref_slice %arg9[%dma_start3A_204, %dma_start3A_205] : memref<125x128xbf16, #tpu.memory_space<vmem>> -> memref<80x128xbf16, #tpu.memory_space<vmem>>
          %dma_start3A_207 = arith.constant 0 : i32
          %dma_start3A_208 = tpu.memref_slice %arg33[%mul3A_196, %dma_start3A_207] : memref<10000x128xbf16, #tpu.memory_space<vmem_shared>> -> memref<80x128xbf16, #tpu.memory_space<vmem_shared>>
          tpu.enqueue_dma source(%dma_start3A_208 : memref<80x128xbf16, #tpu.memory_space<vmem_shared>>) target(%dma_start3A_206 : memref<80x128xbf16, #tpu.memory_space<vmem>>) target_semaphore(%run_scoped3A : memref<!tpu.dma_semaphore, #tpu.memory_space<semaphore_mem>>)
          %dma_wait3A_209 = arith.constant 0 : i32
          %dma_wait3A_210 = arith.constant 0 : i32
          %dma_wait3A_211 = tpu.memref_slice %arg9[%dma_wait3A_209, %dma_wait3A_210] : memref<125x128xbf16, #tpu.memory_space<vmem>> -> memref<80x128xbf16, #tpu.memory_space<vmem>>
          %dma_wait3A_212 = arith.constant 0 : i32
          %dma_wait3A_213 = tpu.memref_slice %arg33[%mul3A_196, %dma_wait3A_212] : memref<10000x128xbf16, #tpu.memory_space<vmem_shared>> -> memref<80x128xbf16, #tpu.memory_space<vmem_shared>>
          %dma_wait3A_214 = arith.constant 0 : i32
          %dma_wait3A_215 = arith.constant 0 : i32
          %dma_wait3A_216 = tpu.memref_slice %arg9[%dma_wait3A_214, %dma_wait3A_215] : memref<125x128xbf16, #tpu.memory_space<vmem>> -> memref<80x128xbf16, #tpu.memory_space<vmem>>
          %dma_wait3A_217 = arith.constant 0 : i32
          %dma_wait3A_218 = tpu.memref_slice %arg33[%mul3A_196, %dma_wait3A_217] : memref<10000x128xbf16, #tpu.memory_space<vmem_shared>> -> memref<80x128xbf16, #tpu.memory_space<vmem_shared>>
          tpu.wait_dma2 semaphore(%run_scoped3A : memref<!tpu.dma_semaphore, #tpu.memory_space<semaphore_mem>>) src(%dma_wait3A_218 : memref<80x128xbf16, #tpu.memory_space<vmem_shared>>) dst(%dma_wait3A_216 : memref<80x128xbf16, #tpu.memory_space<vmem>>)
          tpu.yield
        }) : () -> ()
        %mul3A_197 = arith.constant 80 : i32
        %mul3A_198 = arith.muli %add3A_192, %mul3A_197 : i32
        "tpu.region"() ({
          %run_scoped3A = tpu.sem_alloc : memref<!tpu.dma_semaphore, #tpu.memory_space<semaphore_mem>>
          %dma_start3A_199 = arith.constant 0 : i32
          %dma_start3A_200 = arith.constant 0 : i32
          %dma_start3A_201 = tpu.memref_slice %arg9[%dma_start3A_199, %dma_start3A_200] : memref<125x128xbf16, #tpu.memory_space<vmem>> -> memref<80x128xbf16, #tpu.memory_space<vmem>>
          %dma_start3A_202 = arith.constant 0 : i32
          %dma_start3A_203 = tpu.memref_slice %arg6[%arg0, %mul3A_198, %dma_start3A_202] : memref<2x10000x128xbf16, #tpu.memory_space<hbm>> -> memref<1x80x128xbf16, #tpu.memory_space<hbm>>
          %dma_start3A_204 = tpu.memref_squeeze %dma_start3A_203 : memref<1x80x128xbf16, #tpu.memory_space<hbm>> -> memref<80x128xbf16, #tpu.memory_space<hbm>>
          %dma_start3A_205 = arith.constant 0 : i32
          %dma_start3A_206 = tpu.memref_slice %arg6[%arg0, %mul3A_198, %dma_start3A_205] : memref<2x10000x128xbf16, #tpu.memory_space<hbm>> -> memref<1x80x128xbf16, #tpu.memory_space<hbm>>
          %dma_start3A_207 = tpu.memref_squeeze %dma_start3A_206 : memref<1x80x128xbf16, #tpu.memory_space<hbm>> -> memref<80x128xbf16, #tpu.memory_space<hbm>>
          %dma_start3A_208 = arith.constant 0 : i32
          %dma_start3A_209 = arith.constant 0 : i32
          %dma_start3A_210 = tpu.memref_slice %arg9[%dma_start3A_208, %dma_start3A_209] : memref<125x128xbf16, #tpu.memory_space<vmem>> -> memref<80x128xbf16, #tpu.memory_space<vmem>>
          tpu.enqueue_dma source(%dma_start3A_210 : memref<80x128xbf16, #tpu.memory_space<vmem>>) target(%dma_start3A_207 : memref<80x128xbf16, #tpu.memory_space<hbm>>) target_semaphore(%run_scoped3A : memref<!tpu.dma_semaphore, #tpu.memory_space<semaphore_mem>>)
          %dma_wait3A_211 = arith.constant 0 : i32
          %dma_wait3A_212 = arith.constant 0 : i32
          %dma_wait3A_213 = tpu.memref_slice %arg9[%dma_wait3A_211, %dma_wait3A_212] : memref<125x128xbf16, #tpu.memory_space<vmem>> -> memref<80x128xbf16, #tpu.memory_space<vmem>>
          %dma_wait3A_214 = arith.constant 0 : i32
          %dma_wait3A_215 = tpu.memref_slice %arg6[%arg0, %mul3A_198, %dma_wait3A_214] : memref<2x10000x128xbf16, #tpu.memory_space<hbm>> -> memref<1x80x128xbf16, #tpu.memory_space<hbm>>
          %dma_wait3A_216 = tpu.memref_squeeze %dma_wait3A_215 : memref<1x80x128xbf16, #tpu.memory_space<hbm>> -> memref<80x128xbf16, #tpu.memory_space<hbm>>
          %dma_wait3A_217 = arith.constant 0 : i32
          %dma_wait3A_218 = tpu.memref_slice %arg6[%arg0, %mul3A_198, %dma_wait3A_217] : memref<2x10000x128xbf16, #tpu.memory_space<hbm>> -> memref<1x80x128xbf16, #tpu.memory_space<hbm>>
          %dma_wait3A_219 = tpu.memref_squeeze %dma_wait3A_218 : memref<1x80x128xbf16, #tpu.memory_space<hbm>> -> memref<80x128xbf16, #tpu.memory_space<hbm>>
          %dma_wait3A_220 = arith.constant 0 : i32
          %dma_wait3A_221 = arith.constant 0 : i32
          %dma_wait3A_222 = tpu.memref_slice %arg9[%dma_wait3A_220, %dma_wait3A_221] : memref<125x128xbf16, #tpu.memory_space<vmem>> -> memref<80x128xbf16, #tpu.memory_space<vmem>>
          tpu.wait_dma2 semaphore(%run_scoped3A : memref<!tpu.dma_semaphore, #tpu.memory_space<semaphore_mem>>) src(%dma_wait3A_222 : memref<80x128xbf16, #tpu.memory_space<vmem>>) dst(%dma_wait3A_219 : memref<80x128xbf16, #tpu.memory_space<hbm>>)
          tpu.yield
        }) : () -> ()
      } else {
      }
    }
    %scan3A_188 = arith.constant 8 : i32
    return
  }
}

#map = affine_map<(d0, d1) -> (0, 0)>
#map1 = affine_map<(d0, d1) -> (0, 0, 0)>
module attributes {stable_mosaic.version = 14 : i64} {
  func.func @_agg(%arg0: i32, %arg1: i32, %arg2: memref<10000x64xbf16, #tpu.memory_space<hbm>>, %arg3: memref<32x80x125xi32, #tpu.memory_space<hbm>>, %arg4: memref<32x80x125xi32, #tpu.memory_space<hbm>>, %arg5: memref<125x64xbf16, #tpu.memory_space<hbm>>, %arg6: memref<2x10000x64xbf16, #tpu.memory_space<hbm>>, %arg7: memref<80x125xi32, #tpu.memory_space<vmem>>, %arg8: memref<80x125xi32, #tpu.memory_space<vmem>>, %arg9: memref<125x64xbf16, #tpu.memory_space<vmem>>, %arg10: memref<125x64xbf16, #tpu.memory_space<vmem>>, %arg11: memref<125x64xbf16, #tpu.memory_space<vmem>>, %arg12: memref<125x64xbf16, #tpu.memory_space<vmem>>, %arg13: memref<125x64xbf16, #tpu.memory_space<vmem>>, %arg14: memref<125x64xbf16, #tpu.memory_space<vmem>>, %arg15: memref<125x64xbf16, #tpu.memory_space<vmem>>, %arg16: memref<125x64xbf16, #tpu.memory_space<vmem>>, %arg17: memref<!tpu.dma_semaphore, #tpu.memory_space<semaphore_mem>>, %arg18: memref<!tpu.dma_semaphore, #tpu.memory_space<semaphore_mem>>, %arg19: memref<!tpu.dma_semaphore, #tpu.memory_space<semaphore_mem>>, %arg20: memref<!tpu.dma_semaphore, #tpu.memory_space<semaphore_mem>>, %arg21: memref<!tpu.dma_semaphore, #tpu.memory_space<semaphore_mem>>, %arg22: memref<!tpu.dma_semaphore, #tpu.memory_space<semaphore_mem>>, %arg23: memref<!tpu.dma_semaphore, #tpu.memory_space<semaphore_mem>>, %arg24: memref<!tpu.dma_semaphore, #tpu.memory_space<semaphore_mem>>, %arg25: memref<!tpu.dma_semaphore, #tpu.memory_space<semaphore_mem>>, %arg26: memref<!tpu.dma_semaphore, #tpu.memory_space<semaphore_mem>>, %arg27: memref<!tpu.dma_semaphore, #tpu.memory_space<semaphore_mem>>, %arg28: memref<!tpu.dma_semaphore, #tpu.memory_space<semaphore_mem>>, %arg29: memref<!tpu.dma_semaphore, #tpu.memory_space<semaphore_mem>>, %arg30: memref<!tpu.dma_semaphore, #tpu.memory_space<semaphore_mem>>, %arg31: memref<!tpu.dma_semaphore, #tpu.memory_space<semaphore_mem>>, %arg32: memref<!tpu.dma_semaphore, #tpu.memory_space<semaphore_mem>>, %arg33: memref<10000x64xbf16, #tpu.memory_space<vmem_shared>>) attributes {dimension_semantics = [#tpu.dimension_semantics<core_parallel>, #tpu.dimension_semantics<subcore_parallel>], iteration_bounds = array<i64: 2, 16>, scalar_prefetch = 0 : i64, scratch_operands = 27 : i64, tpu.core_type = #tpu.core_type<sc_vector_subcore>, window_params = [{transform_indices = #map}, {transform_indices = #map1}, {transform_indices = #map1}, {transform_indices = #map}, {transform_indices = #map1}]} {
    %mul3A = arith.constant 16 : i32
    %mul3A_0 = arith.muli %arg0, %mul3A : i32
    %add3A = arith.addi %mul3A_0, %arg1 : i32
    %dma_start3A = arith.constant 0 : i32
    %dma_start3A_1 = arith.constant 0 : i32
    %dma_start3A_2 = tpu.memref_slice %arg3[%add3A, %dma_start3A, %dma_start3A_1] : memref<32x80x125xi32, #tpu.memory_space<hbm>> -> memref<1x80x125xi32, #tpu.memory_space<hbm>>
    %dma_start3A_3 = tpu.memref_squeeze %dma_start3A_2 : memref<1x80x125xi32, #tpu.memory_space<hbm>> -> memref<80x125xi32, #tpu.memory_space<hbm>>
    %dma_start3A_4 = arith.constant 0 : i32
    %dma_start3A_5 = arith.constant 0 : i32
    %dma_start3A_6 = tpu.memref_slice %arg3[%add3A, %dma_start3A_4, %dma_start3A_5] : memref<32x80x125xi32, #tpu.memory_space<hbm>> -> memref<1x80x125xi32, #tpu.memory_space<hbm>>
    %dma_start3A_7 = tpu.memref_squeeze %dma_start3A_6 : memref<1x80x125xi32, #tpu.memory_space<hbm>> -> memref<80x125xi32, #tpu.memory_space<hbm>>
    tpu.enqueue_dma source(%dma_start3A_7 : memref<80x125xi32, #tpu.memory_space<hbm>>) target(%arg7 : memref<80x125xi32, #tpu.memory_space<vmem>>) target_semaphore(%arg17 : memref<!tpu.dma_semaphore, #tpu.memory_space<semaphore_mem>>)
    %dma_start3A_8 = arith.constant 0 : i32
    %dma_start3A_9 = arith.constant 0 : i32
    %dma_start3A_10 = tpu.memref_slice %arg4[%add3A, %dma_start3A_8, %dma_start3A_9] : memref<32x80x125xi32, #tpu.memory_space<hbm>> -> memref<1x80x125xi32, #tpu.memory_space<hbm>>
    %dma_start3A_11 = tpu.memref_squeeze %dma_start3A_10 : memref<1x80x125xi32, #tpu.memory_space<hbm>> -> memref<80x125xi32, #tpu.memory_space<hbm>>
    %dma_start3A_12 = arith.constant 0 : i32
    %dma_start3A_13 = arith.constant 0 : i32
    %dma_start3A_14 = tpu.memref_slice %arg4[%add3A, %dma_start3A_12, %dma_start3A_13] : memref<32x80x125xi32, #tpu.memory_space<hbm>> -> memref<1x80x125xi32, #tpu.memory_space<hbm>>
    %dma_start3A_15 = tpu.memref_squeeze %dma_start3A_14 : memref<1x80x125xi32, #tpu.memory_space<hbm>> -> memref<80x125xi32, #tpu.memory_space<hbm>>
    tpu.enqueue_dma source(%dma_start3A_15 : memref<80x125xi32, #tpu.memory_space<hbm>>) target(%arg8 : memref<80x125xi32, #tpu.memory_space<vmem>>) target_semaphore(%arg18 : memref<!tpu.dma_semaphore, #tpu.memory_space<semaphore_mem>>)
    "tpu.region"() ({
      %run_scoped3A = tpu.sem_alloc : memref<!tpu.dma_semaphore, #tpu.memory_space<semaphore_mem>>
      tpu.enqueue_dma source(%arg5 : memref<125x64xbf16, #tpu.memory_space<hbm>>) target(%arg9 : memref<125x64xbf16, #tpu.memory_space<vmem>>) target_semaphore(%run_scoped3A : memref<!tpu.dma_semaphore, #tpu.memory_space<semaphore_mem>>)
      tpu.wait_dma2 semaphore(%run_scoped3A : memref<!tpu.dma_semaphore, #tpu.memory_space<semaphore_mem>>) src(%arg5 : memref<125x64xbf16, #tpu.memory_space<hbm>>) dst(%arg9 : memref<125x64xbf16, #tpu.memory_space<vmem>>)
      tpu.yield
    }) : () -> ()
    %scan3A = arith.constant 0 : i32
    %scan3A_16 = arith.constant 0 : i32
    %scan3A_17 = arith.constant 8 : i32
    %scan3A_18 = arith.addi %scan3A_16, %scan3A_17 : i32
    %scan3A_19 = arith.constant 1 : i32
    scf.for %scan3A_189 = %scan3A_16 to %scan3A_18 step %scan3A_19  : i32 {
      %mul3A_190 = arith.constant 16 : i32
      %mul3A_191 = arith.muli %mul3A_190, %scan3A_189 : i32
      %add3A_192 = arith.addi %arg1, %mul3A_191 : i32
      %lt3A = arith.constant 125 : i32
      %lt3A_193 = arith.cmpi slt, %add3A_192, %lt3A : i32
      %convert_element_type3A = arith.extui %lt3A_193 : i1 to i32
      %cond3A = arith.constant 0 : i32
      %cond3A_194 = arith.cmpi ne, %convert_element_type3A, %cond3A : i32
      scf.if %cond3A_194 {
        %mul3A_195 = arith.constant 80 : i32
        %mul3A_196 = arith.muli %add3A_192, %mul3A_195 : i32
        "tpu.region"() ({
          %run_scoped3A = tpu.sem_alloc : memref<!tpu.dma_semaphore, #tpu.memory_space<semaphore_mem>>
          %dma_start3A_197 = arith.constant 0 : i32
          %dma_start3A_198 = arith.constant 0 : i32
          %dma_start3A_199 = tpu.memref_slice %arg9[%dma_start3A_197, %dma_start3A_198] : memref<125x64xbf16, #tpu.memory_space<vmem>> -> memref<80x64xbf16, #tpu.memory_space<vmem>>
          %dma_start3A_200 = arith.constant 0 : i32
          %dma_start3A_201 = tpu.memref_slice %arg33[%mul3A_196, %dma_start3A_200] : memref<10000x64xbf16, #tpu.memory_space<vmem_shared>> -> memref<80x64xbf16, #tpu.memory_space<vmem_shared>>
          %dma_start3A_202 = arith.constant 0 : i32
          %dma_start3A_203 = tpu.memref_slice %arg33[%mul3A_196, %dma_start3A_202] : memref<10000x64xbf16, #tpu.memory_space<vmem_shared>> -> memref<80x64xbf16, #tpu.memory_space<vmem_shared>>
          %dma_start3A_204 = arith.constant 0 : i32
          %dma_start3A_205 = arith.constant 0 : i32
          %dma_start3A_206 = tpu.memref_slice %arg9[%dma_start3A_204, %dma_start3A_205] : memref<125x64xbf16, #tpu.memory_space<vmem>> -> memref<80x64xbf16, #tpu.memory_space<vmem>>
          tpu.enqueue_dma source(%dma_start3A_206 : memref<80x64xbf16, #tpu.memory_space<vmem>>) target(%dma_start3A_203 : memref<80x64xbf16, #tpu.memory_space<vmem_shared>>) target_semaphore(%run_scoped3A : memref<!tpu.dma_semaphore, #tpu.memory_space<semaphore_mem>>)
          %dma_wait3A_207 = arith.constant 0 : i32
          %dma_wait3A_208 = arith.constant 0 : i32
          %dma_wait3A_209 = tpu.memref_slice %arg9[%dma_wait3A_207, %dma_wait3A_208] : memref<125x64xbf16, #tpu.memory_space<vmem>> -> memref<80x64xbf16, #tpu.memory_space<vmem>>
          %dma_wait3A_210 = arith.constant 0 : i32
          %dma_wait3A_211 = tpu.memref_slice %arg33[%mul3A_196, %dma_wait3A_210] : memref<10000x64xbf16, #tpu.memory_space<vmem_shared>> -> memref<80x64xbf16, #tpu.memory_space<vmem_shared>>
          %dma_wait3A_212 = arith.constant 0 : i32
          %dma_wait3A_213 = tpu.memref_slice %arg33[%mul3A_196, %dma_wait3A_212] : memref<10000x64xbf16, #tpu.memory_space<vmem_shared>> -> memref<80x64xbf16, #tpu.memory_space<vmem_shared>>
          %dma_wait3A_214 = arith.constant 0 : i32
          %dma_wait3A_215 = arith.constant 0 : i32
          %dma_wait3A_216 = tpu.memref_slice %arg9[%dma_wait3A_214, %dma_wait3A_215] : memref<125x64xbf16, #tpu.memory_space<vmem>> -> memref<80x64xbf16, #tpu.memory_space<vmem>>
          tpu.wait_dma2 semaphore(%run_scoped3A : memref<!tpu.dma_semaphore, #tpu.memory_space<semaphore_mem>>) src(%dma_wait3A_216 : memref<80x64xbf16, #tpu.memory_space<vmem>>) dst(%dma_wait3A_213 : memref<80x64xbf16, #tpu.memory_space<vmem_shared>>)
          tpu.yield
        }) : () -> ()
      } else {
      }
    }
    %scan3A_20 = arith.constant 8 : i32
    %dma_wait3A = arith.constant 0 : i32
    %dma_wait3A_21 = arith.constant 0 : i32
    %dma_wait3A_22 = tpu.memref_slice %arg3[%add3A, %dma_wait3A, %dma_wait3A_21] : memref<32x80x125xi32, #tpu.memory_space<hbm>> -> memref<1x80x125xi32, #tpu.memory_space<hbm>>
    %dma_wait3A_23 = tpu.memref_squeeze %dma_wait3A_22 : memref<1x80x125xi32, #tpu.memory_space<hbm>> -> memref<80x125xi32, #tpu.memory_space<hbm>>
    %dma_wait3A_24 = arith.constant 0 : i32
    %dma_wait3A_25 = arith.constant 0 : i32
    %dma_wait3A_26 = tpu.memref_slice %arg3[%add3A, %dma_wait3A_24, %dma_wait3A_25] : memref<32x80x125xi32, #tpu.memory_space<hbm>> -> memref<1x80x125xi32, #tpu.memory_space<hbm>>
    %dma_wait3A_27 = tpu.memref_squeeze %dma_wait3A_26 : memref<1x80x125xi32, #tpu.memory_space<hbm>> -> memref<80x125xi32, #tpu.memory_space<hbm>>
    tpu.wait_dma2 semaphore(%arg17 : memref<!tpu.dma_semaphore, #tpu.memory_space<semaphore_mem>>) src(%dma_wait3A_27 : memref<80x125xi32, #tpu.memory_space<hbm>>) dst(%arg7 : memref<80x125xi32, #tpu.memory_space<vmem>>)
    %dma_wait3A_28 = arith.constant 0 : i32
    %dma_wait3A_29 = arith.constant 0 : i32
    %dma_wait3A_30 = tpu.memref_slice %arg4[%add3A, %dma_wait3A_28, %dma_wait3A_29] : memref<32x80x125xi32, #tpu.memory_space<hbm>> -> memref<1x80x125xi32, #tpu.memory_space<hbm>>
    %dma_wait3A_31 = tpu.memref_squeeze %dma_wait3A_30 : memref<1x80x125xi32, #tpu.memory_space<hbm>> -> memref<80x125xi32, #tpu.memory_space<hbm>>
    %dma_wait3A_32 = arith.constant 0 : i32
    %dma_wait3A_33 = arith.constant 0 : i32
    %dma_wait3A_34 = tpu.memref_slice %arg4[%add3A, %dma_wait3A_32, %dma_wait3A_33] : memref<32x80x125xi32, #tpu.memory_space<hbm>> -> memref<1x80x125xi32, #tpu.memory_space<hbm>>
    %dma_wait3A_35 = tpu.memref_squeeze %dma_wait3A_34 : memref<1x80x125xi32, #tpu.memory_space<hbm>> -> memref<80x125xi32, #tpu.memory_space<hbm>>
    tpu.wait_dma2 semaphore(%arg18 : memref<!tpu.dma_semaphore, #tpu.memory_space<semaphore_mem>>) src(%dma_wait3A_35 : memref<80x125xi32, #tpu.memory_space<hbm>>) dst(%arg8 : memref<80x125xi32, #tpu.memory_space<vmem>>)
    %barrier3A = arith.constant 0 : index
    tpu.barrier barrier_id(%barrier3A)
    %dma_start3A_36 = arith.constant 0 : i32
    %dma_start3A_37 = arith.constant 0 : i32
    %dma_start3A_38 = tpu.memref_slice %arg7[%dma_start3A_36, %dma_start3A_37] : memref<80x125xi32, #tpu.memory_space<vmem>> -> memref<1x125xi32, #tpu.memory_space<vmem>>
    %dma_start3A_39 = tpu.memref_squeeze %dma_start3A_38 : memref<1x125xi32, #tpu.memory_space<vmem>> -> memref<125xi32, #tpu.memory_space<vmem>>
    %dma_start3A_40 = arith.constant 0 : i32
    %dma_start3A_41 = arith.constant 0 : i32
    %dma_start3A_42 = tpu.memref_slice %arg2[%dma_start3A_40, %dma_start3A_41] : memref<10000x64xbf16, #tpu.memory_space<hbm>> -> memref<10000x64xbf16, #tpu.memory_space<hbm>>
    tpu.enqueue_indirect_dma source(%dma_start3A_42 : memref<10000x64xbf16, #tpu.memory_space<hbm>>) target(%arg9 : memref<125x64xbf16, #tpu.memory_space<vmem>>) offsets(%dma_start3A_39 : memref<125xi32, #tpu.memory_space<vmem>>) semaphore(%arg17 : memref<!tpu.dma_semaphore, #tpu.memory_space<semaphore_mem>>)
    %dma_start3A_43 = arith.constant 1 : i32
    %dma_start3A_44 = arith.constant 0 : i32
    %dma_start3A_45 = tpu.memref_slice %arg7[%dma_start3A_43, %dma_start3A_44] : memref<80x125xi32, #tpu.memory_space<vmem>> -> memref<1x125xi32, #tpu.memory_space<vmem>>
    %dma_start3A_46 = tpu.memref_squeeze %dma_start3A_45 : memref<1x125xi32, #tpu.memory_space<vmem>> -> memref<125xi32, #tpu.memory_space<vmem>>
    %dma_start3A_47 = arith.constant 0 : i32
    %dma_start3A_48 = arith.constant 0 : i32
    %dma_start3A_49 = tpu.memref_slice %arg2[%dma_start3A_47, %dma_start3A_48] : memref<10000x64xbf16, #tpu.memory_space<hbm>> -> memref<10000x64xbf16, #tpu.memory_space<hbm>>
    tpu.enqueue_indirect_dma source(%dma_start3A_49 : memref<10000x64xbf16, #tpu.memory_space<hbm>>) target(%arg10 : memref<125x64xbf16, #tpu.memory_space<vmem>>) offsets(%dma_start3A_46 : memref<125xi32, #tpu.memory_space<vmem>>) semaphore(%arg18 : memref<!tpu.dma_semaphore, #tpu.memory_space<semaphore_mem>>)
    %dma_start3A_50 = arith.constant 2 : i32
    %dma_start3A_51 = arith.constant 0 : i32
    %dma_start3A_52 = tpu.memref_slice %arg7[%dma_start3A_50, %dma_start3A_51] : memref<80x125xi32, #tpu.memory_space<vmem>> -> memref<1x125xi32, #tpu.memory_space<vmem>>
    %dma_start3A_53 = tpu.memref_squeeze %dma_start3A_52 : memref<1x125xi32, #tpu.memory_space<vmem>> -> memref<125xi32, #tpu.memory_space<vmem>>
    %dma_start3A_54 = arith.constant 0 : i32
    %dma_start3A_55 = arith.constant 0 : i32
    %dma_start3A_56 = tpu.memref_slice %arg2[%dma_start3A_54, %dma_start3A_55] : memref<10000x64xbf16, #tpu.memory_space<hbm>> -> memref<10000x64xbf16, #tpu.memory_space<hbm>>
    tpu.enqueue_indirect_dma source(%dma_start3A_56 : memref<10000x64xbf16, #tpu.memory_space<hbm>>) target(%arg11 : memref<125x64xbf16, #tpu.memory_space<vmem>>) offsets(%dma_start3A_53 : memref<125xi32, #tpu.memory_space<vmem>>) semaphore(%arg19 : memref<!tpu.dma_semaphore, #tpu.memory_space<semaphore_mem>>)
    %dma_start3A_57 = arith.constant 3 : i32
    %dma_start3A_58 = arith.constant 0 : i32
    %dma_start3A_59 = tpu.memref_slice %arg7[%dma_start3A_57, %dma_start3A_58] : memref<80x125xi32, #tpu.memory_space<vmem>> -> memref<1x125xi32, #tpu.memory_space<vmem>>
    %dma_start3A_60 = tpu.memref_squeeze %dma_start3A_59 : memref<1x125xi32, #tpu.memory_space<vmem>> -> memref<125xi32, #tpu.memory_space<vmem>>
    %dma_start3A_61 = arith.constant 0 : i32
    %dma_start3A_62 = arith.constant 0 : i32
    %dma_start3A_63 = tpu.memref_slice %arg2[%dma_start3A_61, %dma_start3A_62] : memref<10000x64xbf16, #tpu.memory_space<hbm>> -> memref<10000x64xbf16, #tpu.memory_space<hbm>>
    tpu.enqueue_indirect_dma source(%dma_start3A_63 : memref<10000x64xbf16, #tpu.memory_space<hbm>>) target(%arg12 : memref<125x64xbf16, #tpu.memory_space<vmem>>) offsets(%dma_start3A_60 : memref<125xi32, #tpu.memory_space<vmem>>) semaphore(%arg20 : memref<!tpu.dma_semaphore, #tpu.memory_space<semaphore_mem>>)
    %dma_wait3A_64 = arith.constant 0 : i32
    %dma_wait3A_65 = arith.constant 0 : i32
    %dma_wait3A_66 = tpu.memref_slice %arg7[%dma_wait3A_64, %dma_wait3A_65] : memref<80x125xi32, #tpu.memory_space<vmem>> -> memref<1x125xi32, #tpu.memory_space<vmem>>
    %dma_wait3A_67 = tpu.memref_squeeze %dma_wait3A_66 : memref<1x125xi32, #tpu.memory_space<vmem>> -> memref<125xi32, #tpu.memory_space<vmem>>
    %dma_wait3A_68 = arith.constant 0 : i32
    %dma_wait3A_69 = arith.constant 0 : i32
    %dma_wait3A_70 = tpu.memref_slice %arg2[%dma_wait3A_68, %dma_wait3A_69] : memref<10000x64xbf16, #tpu.memory_space<hbm>> -> memref<10000x64xbf16, #tpu.memory_space<hbm>>
    tpu.wait_indirect_dma semaphore(%arg17 : memref<!tpu.dma_semaphore, #tpu.memory_space<semaphore_mem>>) src(%dma_wait3A_70 : memref<10000x64xbf16, #tpu.memory_space<hbm>>) dst(%arg9 : memref<125x64xbf16, #tpu.memory_space<vmem>>)
    %dma_start3A_71 = arith.constant 0 : i32
    %dma_start3A_72 = arith.constant 0 : i32
    %dma_start3A_73 = tpu.memref_slice %arg8[%dma_start3A_71, %dma_start3A_72] : memref<80x125xi32, #tpu.memory_space<vmem>> -> memref<1x125xi32, #tpu.memory_space<vmem>>
    %dma_start3A_74 = tpu.memref_squeeze %dma_start3A_73 : memref<1x125xi32, #tpu.memory_space<vmem>> -> memref<125xi32, #tpu.memory_space<vmem>>
    %dma_start3A_75 = arith.constant 0 : i32
    %dma_start3A_76 = arith.constant 0 : i32
    %dma_start3A_77 = tpu.memref_slice %arg33[%dma_start3A_75, %dma_start3A_76] : memref<10000x64xbf16, #tpu.memory_space<vmem_shared>> -> memref<10000x64xbf16, #tpu.memory_space<vmem_shared>>
    tpu.enqueue_indirect_dma source(%arg9 : memref<125x64xbf16, #tpu.memory_space<vmem>>) target(%dma_start3A_77 : memref<10000x64xbf16, #tpu.memory_space<vmem_shared>>) offsets(%dma_start3A_74 : memref<125xi32, #tpu.memory_space<vmem>>) semaphore(%arg25 : memref<!tpu.dma_semaphore, #tpu.memory_space<semaphore_mem>>) {add = true}
    %dma_start3A_78 = arith.constant 4 : i32
    %dma_start3A_79 = arith.constant 0 : i32
    %dma_start3A_80 = tpu.memref_slice %arg7[%dma_start3A_78, %dma_start3A_79] : memref<80x125xi32, #tpu.memory_space<vmem>> -> memref<1x125xi32, #tpu.memory_space<vmem>>
    %dma_start3A_81 = tpu.memref_squeeze %dma_start3A_80 : memref<1x125xi32, #tpu.memory_space<vmem>> -> memref<125xi32, #tpu.memory_space<vmem>>
    %dma_start3A_82 = arith.constant 0 : i32
    %dma_start3A_83 = arith.constant 0 : i32
    %dma_start3A_84 = tpu.memref_slice %arg2[%dma_start3A_82, %dma_start3A_83] : memref<10000x64xbf16, #tpu.memory_space<hbm>> -> memref<10000x64xbf16, #tpu.memory_space<hbm>>
    tpu.enqueue_indirect_dma source(%dma_start3A_84 : memref<10000x64xbf16, #tpu.memory_space<hbm>>) target(%arg13 : memref<125x64xbf16, #tpu.memory_space<vmem>>) offsets(%dma_start3A_81 : memref<125xi32, #tpu.memory_space<vmem>>) semaphore(%arg21 : memref<!tpu.dma_semaphore, #tpu.memory_space<semaphore_mem>>)
    %dma_wait3A_85 = arith.constant 0 : i32
    %dma_wait3A_86 = arith.constant 0 : i32
    %dma_wait3A_87 = tpu.memref_slice %arg7[%dma_wait3A_85, %dma_wait3A_86] : memref<80x125xi32, #tpu.memory_space<vmem>> -> memref<1x125xi32, #tpu.memory_space<vmem>>
    %dma_wait3A_88 = tpu.memref_squeeze %dma_wait3A_87 : memref<1x125xi32, #tpu.memory_space<vmem>> -> memref<125xi32, #tpu.memory_space<vmem>>
    %dma_wait3A_89 = arith.constant 0 : i32
    %dma_wait3A_90 = arith.constant 0 : i32
    %dma_wait3A_91 = tpu.memref_slice %arg2[%dma_wait3A_89, %dma_wait3A_90] : memref<10000x64xbf16, #tpu.memory_space<hbm>> -> memref<10000x64xbf16, #tpu.memory_space<hbm>>
    tpu.wait_indirect_dma semaphore(%arg18 : memref<!tpu.dma_semaphore, #tpu.memory_space<semaphore_mem>>) src(%dma_wait3A_91 : memref<10000x64xbf16, #tpu.memory_space<hbm>>) dst(%arg10 : memref<125x64xbf16, #tpu.memory_space<vmem>>)
    %dma_start3A_92 = arith.constant 1 : i32
    %dma_start3A_93 = arith.constant 0 : i32
    %dma_start3A_94 = tpu.memref_slice %arg8[%dma_start3A_92, %dma_start3A_93] : memref<80x125xi32, #tpu.memory_space<vmem>> -> memref<1x125xi32, #tpu.memory_space<vmem>>
    %dma_start3A_95 = tpu.memref_squeeze %dma_start3A_94 : memref<1x125xi32, #tpu.memory_space<vmem>> -> memref<125xi32, #tpu.memory_space<vmem>>
    %dma_start3A_96 = arith.constant 0 : i32
    %dma_start3A_97 = arith.constant 0 : i32
    %dma_start3A_98 = tpu.memref_slice %arg33[%dma_start3A_96, %dma_start3A_97] : memref<10000x64xbf16, #tpu.memory_space<vmem_shared>> -> memref<10000x64xbf16, #tpu.memory_space<vmem_shared>>
    tpu.enqueue_indirect_dma source(%arg10 : memref<125x64xbf16, #tpu.memory_space<vmem>>) target(%dma_start3A_98 : memref<10000x64xbf16, #tpu.memory_space<vmem_shared>>) offsets(%dma_start3A_95 : memref<125xi32, #tpu.memory_space<vmem>>) semaphore(%arg26 : memref<!tpu.dma_semaphore, #tpu.memory_space<semaphore_mem>>) {add = true}
    %dma_start3A_99 = arith.constant 5 : i32
    %dma_start3A_100 = arith.constant 0 : i32
    %dma_start3A_101 = tpu.memref_slice %arg7[%dma_start3A_99, %dma_start3A_100] : memref<80x125xi32, #tpu.memory_space<vmem>> -> memref<1x125xi32, #tpu.memory_space<vmem>>
    %dma_start3A_102 = tpu.memref_squeeze %dma_start3A_101 : memref<1x125xi32, #tpu.memory_space<vmem>> -> memref<125xi32, #tpu.memory_space<vmem>>
    %dma_start3A_103 = arith.constant 0 : i32
    %dma_start3A_104 = arith.constant 0 : i32
    %dma_start3A_105 = tpu.memref_slice %arg2[%dma_start3A_103, %dma_start3A_104] : memref<10000x64xbf16, #tpu.memory_space<hbm>> -> memref<10000x64xbf16, #tpu.memory_space<hbm>>
    tpu.enqueue_indirect_dma source(%dma_start3A_105 : memref<10000x64xbf16, #tpu.memory_space<hbm>>) target(%arg14 : memref<125x64xbf16, #tpu.memory_space<vmem>>) offsets(%dma_start3A_102 : memref<125xi32, #tpu.memory_space<vmem>>) semaphore(%arg22 : memref<!tpu.dma_semaphore, #tpu.memory_space<semaphore_mem>>)
    %dma_wait3A_106 = arith.constant 0 : i32
    %dma_wait3A_107 = arith.constant 0 : i32
    %dma_wait3A_108 = tpu.memref_slice %arg7[%dma_wait3A_106, %dma_wait3A_107] : memref<80x125xi32, #tpu.memory_space<vmem>> -> memref<1x125xi32, #tpu.memory_space<vmem>>
    %dma_wait3A_109 = tpu.memref_squeeze %dma_wait3A_108 : memref<1x125xi32, #tpu.memory_space<vmem>> -> memref<125xi32, #tpu.memory_space<vmem>>
    %dma_wait3A_110 = arith.constant 0 : i32
    %dma_wait3A_111 = arith.constant 0 : i32
    %dma_wait3A_112 = tpu.memref_slice %arg2[%dma_wait3A_110, %dma_wait3A_111] : memref<10000x64xbf16, #tpu.memory_space<hbm>> -> memref<10000x64xbf16, #tpu.memory_space<hbm>>
    tpu.wait_indirect_dma semaphore(%arg19 : memref<!tpu.dma_semaphore, #tpu.memory_space<semaphore_mem>>) src(%dma_wait3A_112 : memref<10000x64xbf16, #tpu.memory_space<hbm>>) dst(%arg11 : memref<125x64xbf16, #tpu.memory_space<vmem>>)
    %dma_start3A_113 = arith.constant 2 : i32
    %dma_start3A_114 = arith.constant 0 : i32
    %dma_start3A_115 = tpu.memref_slice %arg8[%dma_start3A_113, %dma_start3A_114] : memref<80x125xi32, #tpu.memory_space<vmem>> -> memref<1x125xi32, #tpu.memory_space<vmem>>
    %dma_start3A_116 = tpu.memref_squeeze %dma_start3A_115 : memref<1x125xi32, #tpu.memory_space<vmem>> -> memref<125xi32, #tpu.memory_space<vmem>>
    %dma_start3A_117 = arith.constant 0 : i32
    %dma_start3A_118 = arith.constant 0 : i32
    %dma_start3A_119 = tpu.memref_slice %arg33[%dma_start3A_117, %dma_start3A_118] : memref<10000x64xbf16, #tpu.memory_space<vmem_shared>> -> memref<10000x64xbf16, #tpu.memory_space<vmem_shared>>
    tpu.enqueue_indirect_dma source(%arg11 : memref<125x64xbf16, #tpu.memory_space<vmem>>) target(%dma_start3A_119 : memref<10000x64xbf16, #tpu.memory_space<vmem_shared>>) offsets(%dma_start3A_116 : memref<125xi32, #tpu.memory_space<vmem>>) semaphore(%arg27 : memref<!tpu.dma_semaphore, #tpu.memory_space<semaphore_mem>>) {add = true}
    %dma_start3A_120 = arith.constant 6 : i32
    %dma_start3A_121 = arith.constant 0 : i32
    %dma_start3A_122 = tpu.memref_slice %arg7[%dma_start3A_120, %dma_start3A_121] : memref<80x125xi32, #tpu.memory_space<vmem>> -> memref<1x125xi32, #tpu.memory_space<vmem>>
    %dma_start3A_123 = tpu.memref_squeeze %dma_start3A_122 : memref<1x125xi32, #tpu.memory_space<vmem>> -> memref<125xi32, #tpu.memory_space<vmem>>
    %dma_start3A_124 = arith.constant 0 : i32
    %dma_start3A_125 = arith.constant 0 : i32
    %dma_start3A_126 = tpu.memref_slice %arg2[%dma_start3A_124, %dma_start3A_125] : memref<10000x64xbf16, #tpu.memory_space<hbm>> -> memref<10000x64xbf16, #tpu.memory_space<hbm>>
    tpu.enqueue_indirect_dma source(%dma_start3A_126 : memref<10000x64xbf16, #tpu.memory_space<hbm>>) target(%arg15 : memref<125x64xbf16, #tpu.memory_space<vmem>>) offsets(%dma_start3A_123 : memref<125xi32, #tpu.memory_space<vmem>>) semaphore(%arg23 : memref<!tpu.dma_semaphore, #tpu.memory_space<semaphore_mem>>)
    %dma_wait3A_127 = arith.constant 0 : i32
    %dma_wait3A_128 = arith.constant 0 : i32
    %dma_wait3A_129 = tpu.memref_slice %arg7[%dma_wait3A_127, %dma_wait3A_128] : memref<80x125xi32, #tpu.memory_space<vmem>> -> memref<1x125xi32, #tpu.memory_space<vmem>>
    %dma_wait3A_130 = tpu.memref_squeeze %dma_wait3A_129 : memref<1x125xi32, #tpu.memory_space<vmem>> -> memref<125xi32, #tpu.memory_space<vmem>>
    %dma_wait3A_131 = arith.constant 0 : i32
    %dma_wait3A_132 = arith.constant 0 : i32
    %dma_wait3A_133 = tpu.memref_slice %arg2[%dma_wait3A_131, %dma_wait3A_132] : memref<10000x64xbf16, #tpu.memory_space<hbm>> -> memref<10000x64xbf16, #tpu.memory_space<hbm>>
    tpu.wait_indirect_dma semaphore(%arg20 : memref<!tpu.dma_semaphore, #tpu.memory_space<semaphore_mem>>) src(%dma_wait3A_133 : memref<10000x64xbf16, #tpu.memory_space<hbm>>) dst(%arg12 : memref<125x64xbf16, #tpu.memory_space<vmem>>)
    %dma_start3A_134 = arith.constant 3 : i32
    %dma_start3A_135 = arith.constant 0 : i32
    %dma_start3A_136 = tpu.memref_slice %arg8[%dma_start3A_134, %dma_start3A_135] : memref<80x125xi32, #tpu.memory_space<vmem>> -> memref<1x125xi32, #tpu.memory_space<vmem>>
    %dma_start3A_137 = tpu.memref_squeeze %dma_start3A_136 : memref<1x125xi32, #tpu.memory_space<vmem>> -> memref<125xi32, #tpu.memory_space<vmem>>
    %dma_start3A_138 = arith.constant 0 : i32
    %dma_start3A_139 = arith.constant 0 : i32
    %dma_start3A_140 = tpu.memref_slice %arg33[%dma_start3A_138, %dma_start3A_139] : memref<10000x64xbf16, #tpu.memory_space<vmem_shared>> -> memref<10000x64xbf16, #tpu.memory_space<vmem_shared>>
    tpu.enqueue_indirect_dma source(%arg12 : memref<125x64xbf16, #tpu.memory_space<vmem>>) target(%dma_start3A_140 : memref<10000x64xbf16, #tpu.memory_space<vmem_shared>>) offsets(%dma_start3A_137 : memref<125xi32, #tpu.memory_space<vmem>>) semaphore(%arg28 : memref<!tpu.dma_semaphore, #tpu.memory_space<semaphore_mem>>) {add = true}
    %dma_start3A_141 = arith.constant 7 : i32
    %dma_start3A_142 = arith.constant 0 : i32
    %dma_start3A_143 = tpu.memref_slice %arg7[%dma_start3A_141, %dma_start3A_142] : memref<80x125xi32, #tpu.memory_space<vmem>> -> memref<1x125xi32, #tpu.memory_space<vmem>>
    %dma_start3A_144 = tpu.memref_squeeze %dma_start3A_143 : memref<1x125xi32, #tpu.memory_space<vmem>> -> memref<125xi32, #tpu.memory_space<vmem>>
    %dma_start3A_145 = arith.constant 0 : i32
    %dma_start3A_146 = arith.constant 0 : i32
    %dma_start3A_147 = tpu.memref_slice %arg2[%dma_start3A_145, %dma_start3A_146] : memref<10000x64xbf16, #tpu.memory_space<hbm>> -> memref<10000x64xbf16, #tpu.memory_space<hbm>>
    tpu.enqueue_indirect_dma source(%dma_start3A_147 : memref<10000x64xbf16, #tpu.memory_space<hbm>>) target(%arg16 : memref<125x64xbf16, #tpu.memory_space<vmem>>) offsets(%dma_start3A_144 : memref<125xi32, #tpu.memory_space<vmem>>) semaphore(%arg24 : memref<!tpu.dma_semaphore, #tpu.memory_space<semaphore_mem>>)
    %scan3A_148 = arith.constant 0 : i32
    %scan3A_149 = arith.constant 0 : i32
    %scan3A_150 = arith.constant 10 : i32
    %scan3A_151 = arith.addi %scan3A_149, %scan3A_150 : i32
    %scan3A_152 = arith.constant 1 : i32
    scf.for %scan3A_189 = %scan3A_149 to %scan3A_151 step %scan3A_152  : i32 {
      %mul3A_190 = arith.constant 8 : i32
      %mul3A_191 = arith.muli %scan3A_189, %mul3A_190 : i32
      %add3A_192 = arith.constant 4 : i32
      %add3A_193 = arith.addi %add3A_192, %mul3A_191 : i32
      %add3A_194 = arith.constant 0 : i32
      %add3A_195 = arith.addi %add3A_193, %add3A_194 : i32
      %lt3A = arith.constant 80 : i32
      %lt3A_196 = arith.cmpi slt, %add3A_195, %lt3A : i32
      %convert_element_type3A = arith.extui %lt3A_196 : i1 to i32
      %cond3A = arith.constant 0 : i32
      %cond3A_197 = arith.cmpi ne, %convert_element_type3A, %cond3A : i32
      scf.if %cond3A_197 {
        %dma_wait3A_275 = arith.constant 0 : i32
        %dma_wait3A_276 = arith.constant 0 : i32
        %dma_wait3A_277 = tpu.memref_slice %arg7[%dma_wait3A_275, %dma_wait3A_276] : memref<80x125xi32, #tpu.memory_space<vmem>> -> memref<1x125xi32, #tpu.memory_space<vmem>>
        %dma_wait3A_278 = tpu.memref_squeeze %dma_wait3A_277 : memref<1x125xi32, #tpu.memory_space<vmem>> -> memref<125xi32, #tpu.memory_space<vmem>>
        %dma_wait3A_279 = arith.constant 0 : i32
        %dma_wait3A_280 = arith.constant 0 : i32
        %dma_wait3A_281 = tpu.memref_slice %arg2[%dma_wait3A_279, %dma_wait3A_280] : memref<10000x64xbf16, #tpu.memory_space<hbm>> -> memref<10000x64xbf16, #tpu.memory_space<hbm>>
        tpu.wait_indirect_dma semaphore(%arg21 : memref<!tpu.dma_semaphore, #tpu.memory_space<semaphore_mem>>) src(%dma_wait3A_281 : memref<10000x64xbf16, #tpu.memory_space<hbm>>) dst(%arg13 : memref<125x64xbf16, #tpu.memory_space<vmem>>)
        %dma_start3A_282 = arith.constant 0 : i32
        %dma_start3A_283 = tpu.memref_slice %arg8[%add3A_195, %dma_start3A_282] : memref<80x125xi32, #tpu.memory_space<vmem>> -> memref<1x125xi32, #tpu.memory_space<vmem>>
        %dma_start3A_284 = tpu.memref_squeeze %dma_start3A_283 : memref<1x125xi32, #tpu.memory_space<vmem>> -> memref<125xi32, #tpu.memory_space<vmem>>
        %dma_start3A_285 = arith.constant 0 : i32
        %dma_start3A_286 = arith.constant 0 : i32
        %dma_start3A_287 = tpu.memref_slice %arg33[%dma_start3A_285, %dma_start3A_286] : memref<10000x64xbf16, #tpu.memory_space<vmem_shared>> -> memref<10000x64xbf16, #tpu.memory_space<vmem_shared>>
        tpu.enqueue_indirect_dma source(%arg13 : memref<125x64xbf16, #tpu.memory_space<vmem>>) target(%dma_start3A_287 : memref<10000x64xbf16, #tpu.memory_space<vmem_shared>>) offsets(%dma_start3A_284 : memref<125xi32, #tpu.memory_space<vmem>>) semaphore(%arg29 : memref<!tpu.dma_semaphore, #tpu.memory_space<semaphore_mem>>) {add = true}
        %dma_wait3A_288 = arith.constant 0 : i32
        %dma_wait3A_289 = arith.constant 0 : i32
        %dma_wait3A_290 = tpu.memref_slice %arg8[%dma_wait3A_288, %dma_wait3A_289] : memref<80x125xi32, #tpu.memory_space<vmem>> -> memref<1x125xi32, #tpu.memory_space<vmem>>
        %dma_wait3A_291 = tpu.memref_squeeze %dma_wait3A_290 : memref<1x125xi32, #tpu.memory_space<vmem>> -> memref<125xi32, #tpu.memory_space<vmem>>
        %dma_wait3A_292 = arith.constant 0 : i32
        %dma_wait3A_293 = arith.constant 0 : i32
        %dma_wait3A_294 = tpu.memref_slice %arg33[%dma_wait3A_292, %dma_wait3A_293] : memref<10000x64xbf16, #tpu.memory_space<vmem_shared>> -> memref<10000x64xbf16, #tpu.memory_space<vmem_shared>>
        tpu.wait_indirect_dma semaphore(%arg25 : memref<!tpu.dma_semaphore, #tpu.memory_space<semaphore_mem>>) src(%arg9 : memref<125x64xbf16, #tpu.memory_space<vmem>>) dst(%dma_wait3A_294 : memref<10000x64xbf16, #tpu.memory_space<vmem_shared>>)
        %add3A_295 = arith.constant 4 : i32
        %add3A_296 = arith.addi %add3A_195, %add3A_295 : i32
        %lt3A_297 = arith.constant 80 : i32
        %lt3A_298 = arith.cmpi slt, %add3A_296, %lt3A_297 : i32
        %convert_element_type3A_299 = arith.extui %lt3A_298 : i1 to i32
        %cond3A_300 = arith.constant 0 : i32
        %cond3A_301 = arith.cmpi ne, %convert_element_type3A_299, %cond3A_300 : i32
        scf.if %cond3A_301 {
          %add3A_302 = arith.constant 4 : i32
          %add3A_303 = arith.addi %add3A_195, %add3A_302 : i32
          %dma_start3A_304 = arith.constant 0 : i32
          %dma_start3A_305 = tpu.memref_slice %arg7[%add3A_303, %dma_start3A_304] : memref<80x125xi32, #tpu.memory_space<vmem>> -> memref<1x125xi32, #tpu.memory_space<vmem>>
          %dma_start3A_306 = tpu.memref_squeeze %dma_start3A_305 : memref<1x125xi32, #tpu.memory_space<vmem>> -> memref<125xi32, #tpu.memory_space<vmem>>
          %dma_start3A_307 = arith.constant 0 : i32
          %dma_start3A_308 = arith.constant 0 : i32
          %dma_start3A_309 = tpu.memref_slice %arg2[%dma_start3A_307, %dma_start3A_308] : memref<10000x64xbf16, #tpu.memory_space<hbm>> -> memref<10000x64xbf16, #tpu.memory_space<hbm>>
          tpu.enqueue_indirect_dma source(%dma_start3A_309 : memref<10000x64xbf16, #tpu.memory_space<hbm>>) target(%arg9 : memref<125x64xbf16, #tpu.memory_space<vmem>>) offsets(%dma_start3A_306 : memref<125xi32, #tpu.memory_space<vmem>>) semaphore(%arg17 : memref<!tpu.dma_semaphore, #tpu.memory_space<semaphore_mem>>)
        } else {
        }
      } else {
      }
      %mul3A_198 = arith.constant 8 : i32
      %mul3A_199 = arith.muli %scan3A_189, %mul3A_198 : i32
      %add3A_200 = arith.constant 4 : i32
      %add3A_201 = arith.addi %add3A_200, %mul3A_199 : i32
      %add3A_202 = arith.constant 1 : i32
      %add3A_203 = arith.addi %add3A_201, %add3A_202 : i32
      %lt3A_204 = arith.constant 80 : i32
      %lt3A_205 = arith.cmpi slt, %add3A_203, %lt3A_204 : i32
      %convert_element_type3A_206 = arith.extui %lt3A_205 : i1 to i32
      %cond3A_207 = arith.constant 0 : i32
      %cond3A_208 = arith.cmpi ne, %convert_element_type3A_206, %cond3A_207 : i32
      scf.if %cond3A_208 {
        %dma_wait3A_275 = arith.constant 0 : i32
        %dma_wait3A_276 = arith.constant 0 : i32
        %dma_wait3A_277 = tpu.memref_slice %arg7[%dma_wait3A_275, %dma_wait3A_276] : memref<80x125xi32, #tpu.memory_space<vmem>> -> memref<1x125xi32, #tpu.memory_space<vmem>>
        %dma_wait3A_278 = tpu.memref_squeeze %dma_wait3A_277 : memref<1x125xi32, #tpu.memory_space<vmem>> -> memref<125xi32, #tpu.memory_space<vmem>>
        %dma_wait3A_279 = arith.constant 0 : i32
        %dma_wait3A_280 = arith.constant 0 : i32
        %dma_wait3A_281 = tpu.memref_slice %arg2[%dma_wait3A_279, %dma_wait3A_280] : memref<10000x64xbf16, #tpu.memory_space<hbm>> -> memref<10000x64xbf16, #tpu.memory_space<hbm>>
        tpu.wait_indirect_dma semaphore(%arg22 : memref<!tpu.dma_semaphore, #tpu.memory_space<semaphore_mem>>) src(%dma_wait3A_281 : memref<10000x64xbf16, #tpu.memory_space<hbm>>) dst(%arg14 : memref<125x64xbf16, #tpu.memory_space<vmem>>)
        %dma_start3A_282 = arith.constant 0 : i32
        %dma_start3A_283 = tpu.memref_slice %arg8[%add3A_203, %dma_start3A_282] : memref<80x125xi32, #tpu.memory_space<vmem>> -> memref<1x125xi32, #tpu.memory_space<vmem>>
        %dma_start3A_284 = tpu.memref_squeeze %dma_start3A_283 : memref<1x125xi32, #tpu.memory_space<vmem>> -> memref<125xi32, #tpu.memory_space<vmem>>
        %dma_start3A_285 = arith.constant 0 : i32
        %dma_start3A_286 = arith.constant 0 : i32
        %dma_start3A_287 = tpu.memref_slice %arg33[%dma_start3A_285, %dma_start3A_286] : memref<10000x64xbf16, #tpu.memory_space<vmem_shared>> -> memref<10000x64xbf16, #tpu.memory_space<vmem_shared>>
        tpu.enqueue_indirect_dma source(%arg14 : memref<125x64xbf16, #tpu.memory_space<vmem>>) target(%dma_start3A_287 : memref<10000x64xbf16, #tpu.memory_space<vmem_shared>>) offsets(%dma_start3A_284 : memref<125xi32, #tpu.memory_space<vmem>>) semaphore(%arg30 : memref<!tpu.dma_semaphore, #tpu.memory_space<semaphore_mem>>) {add = true}
        %dma_wait3A_288 = arith.constant 0 : i32
        %dma_wait3A_289 = arith.constant 0 : i32
        %dma_wait3A_290 = tpu.memref_slice %arg8[%dma_wait3A_288, %dma_wait3A_289] : memref<80x125xi32, #tpu.memory_space<vmem>> -> memref<1x125xi32, #tpu.memory_space<vmem>>
        %dma_wait3A_291 = tpu.memref_squeeze %dma_wait3A_290 : memref<1x125xi32, #tpu.memory_space<vmem>> -> memref<125xi32, #tpu.memory_space<vmem>>
        %dma_wait3A_292 = arith.constant 0 : i32
        %dma_wait3A_293 = arith.constant 0 : i32
        %dma_wait3A_294 = tpu.memref_slice %arg33[%dma_wait3A_292, %dma_wait3A_293] : memref<10000x64xbf16, #tpu.memory_space<vmem_shared>> -> memref<10000x64xbf16, #tpu.memory_space<vmem_shared>>
        tpu.wait_indirect_dma semaphore(%arg26 : memref<!tpu.dma_semaphore, #tpu.memory_space<semaphore_mem>>) src(%arg10 : memref<125x64xbf16, #tpu.memory_space<vmem>>) dst(%dma_wait3A_294 : memref<10000x64xbf16, #tpu.memory_space<vmem_shared>>)
        %add3A_295 = arith.constant 4 : i32
        %add3A_296 = arith.addi %add3A_203, %add3A_295 : i32
        %lt3A_297 = arith.constant 80 : i32
        %lt3A_298 = arith.cmpi slt, %add3A_296, %lt3A_297 : i32
        %convert_element_type3A_299 = arith.extui %lt3A_298 : i1 to i32
        %cond3A_300 = arith.constant 0 : i32
        %cond3A_301 = arith.cmpi ne, %convert_element_type3A_299, %cond3A_300 : i32
        scf.if %cond3A_301 {
          %add3A_302 = arith.constant 4 : i32
          %add3A_303 = arith.addi %add3A_203, %add3A_302 : i32
          %dma_start3A_304 = arith.constant 0 : i32
          %dma_start3A_305 = tpu.memref_slice %arg7[%add3A_303, %dma_start3A_304] : memref<80x125xi32, #tpu.memory_space<vmem>> -> memref<1x125xi32, #tpu.memory_space<vmem>>
          %dma_start3A_306 = tpu.memref_squeeze %dma_start3A_305 : memref<1x125xi32, #tpu.memory_space<vmem>> -> memref<125xi32, #tpu.memory_space<vmem>>
          %dma_start3A_307 = arith.constant 0 : i32
          %dma_start3A_308 = arith.constant 0 : i32
          %dma_start3A_309 = tpu.memref_slice %arg2[%dma_start3A_307, %dma_start3A_308] : memref<10000x64xbf16, #tpu.memory_space<hbm>> -> memref<10000x64xbf16, #tpu.memory_space<hbm>>
          tpu.enqueue_indirect_dma source(%dma_start3A_309 : memref<10000x64xbf16, #tpu.memory_space<hbm>>) target(%arg10 : memref<125x64xbf16, #tpu.memory_space<vmem>>) offsets(%dma_start3A_306 : memref<125xi32, #tpu.memory_space<vmem>>) semaphore(%arg18 : memref<!tpu.dma_semaphore, #tpu.memory_space<semaphore_mem>>)
        } else {
        }
      } else {
      }
      %mul3A_209 = arith.constant 8 : i32
      %mul3A_210 = arith.muli %scan3A_189, %mul3A_209 : i32
      %add3A_211 = arith.constant 4 : i32
      %add3A_212 = arith.addi %add3A_211, %mul3A_210 : i32
      %add3A_213 = arith.constant 2 : i32
      %add3A_214 = arith.addi %add3A_212, %add3A_213 : i32
      %lt3A_215 = arith.constant 80 : i32
      %lt3A_216 = arith.cmpi slt, %add3A_214, %lt3A_215 : i32
      %convert_element_type3A_217 = arith.extui %lt3A_216 : i1 to i32
      %cond3A_218 = arith.constant 0 : i32
      %cond3A_219 = arith.cmpi ne, %convert_element_type3A_217, %cond3A_218 : i32
      scf.if %cond3A_219 {
        %dma_wait3A_275 = arith.constant 0 : i32
        %dma_wait3A_276 = arith.constant 0 : i32
        %dma_wait3A_277 = tpu.memref_slice %arg7[%dma_wait3A_275, %dma_wait3A_276] : memref<80x125xi32, #tpu.memory_space<vmem>> -> memref<1x125xi32, #tpu.memory_space<vmem>>
        %dma_wait3A_278 = tpu.memref_squeeze %dma_wait3A_277 : memref<1x125xi32, #tpu.memory_space<vmem>> -> memref<125xi32, #tpu.memory_space<vmem>>
        %dma_wait3A_279 = arith.constant 0 : i32
        %dma_wait3A_280 = arith.constant 0 : i32
        %dma_wait3A_281 = tpu.memref_slice %arg2[%dma_wait3A_279, %dma_wait3A_280] : memref<10000x64xbf16, #tpu.memory_space<hbm>> -> memref<10000x64xbf16, #tpu.memory_space<hbm>>
        tpu.wait_indirect_dma semaphore(%arg23 : memref<!tpu.dma_semaphore, #tpu.memory_space<semaphore_mem>>) src(%dma_wait3A_281 : memref<10000x64xbf16, #tpu.memory_space<hbm>>) dst(%arg15 : memref<125x64xbf16, #tpu.memory_space<vmem>>)
        %dma_start3A_282 = arith.constant 0 : i32
        %dma_start3A_283 = tpu.memref_slice %arg8[%add3A_214, %dma_start3A_282] : memref<80x125xi32, #tpu.memory_space<vmem>> -> memref<1x125xi32, #tpu.memory_space<vmem>>
        %dma_start3A_284 = tpu.memref_squeeze %dma_start3A_283 : memref<1x125xi32, #tpu.memory_space<vmem>> -> memref<125xi32, #tpu.memory_space<vmem>>
        %dma_start3A_285 = arith.constant 0 : i32
        %dma_start3A_286 = arith.constant 0 : i32
        %dma_start3A_287 = tpu.memref_slice %arg33[%dma_start3A_285, %dma_start3A_286] : memref<10000x64xbf16, #tpu.memory_space<vmem_shared>> -> memref<10000x64xbf16, #tpu.memory_space<vmem_shared>>
        tpu.enqueue_indirect_dma source(%arg15 : memref<125x64xbf16, #tpu.memory_space<vmem>>) target(%dma_start3A_287 : memref<10000x64xbf16, #tpu.memory_space<vmem_shared>>) offsets(%dma_start3A_284 : memref<125xi32, #tpu.memory_space<vmem>>) semaphore(%arg31 : memref<!tpu.dma_semaphore, #tpu.memory_space<semaphore_mem>>) {add = true}
        %dma_wait3A_288 = arith.constant 0 : i32
        %dma_wait3A_289 = arith.constant 0 : i32
        %dma_wait3A_290 = tpu.memref_slice %arg8[%dma_wait3A_288, %dma_wait3A_289] : memref<80x125xi32, #tpu.memory_space<vmem>> -> memref<1x125xi32, #tpu.memory_space<vmem>>
        %dma_wait3A_291 = tpu.memref_squeeze %dma_wait3A_290 : memref<1x125xi32, #tpu.memory_space<vmem>> -> memref<125xi32, #tpu.memory_space<vmem>>
        %dma_wait3A_292 = arith.constant 0 : i32
        %dma_wait3A_293 = arith.constant 0 : i32
        %dma_wait3A_294 = tpu.memref_slice %arg33[%dma_wait3A_292, %dma_wait3A_293] : memref<10000x64xbf16, #tpu.memory_space<vmem_shared>> -> memref<10000x64xbf16, #tpu.memory_space<vmem_shared>>
        tpu.wait_indirect_dma semaphore(%arg27 : memref<!tpu.dma_semaphore, #tpu.memory_space<semaphore_mem>>) src(%arg11 : memref<125x64xbf16, #tpu.memory_space<vmem>>) dst(%dma_wait3A_294 : memref<10000x64xbf16, #tpu.memory_space<vmem_shared>>)
        %add3A_295 = arith.constant 4 : i32
        %add3A_296 = arith.addi %add3A_214, %add3A_295 : i32
        %lt3A_297 = arith.constant 80 : i32
        %lt3A_298 = arith.cmpi slt, %add3A_296, %lt3A_297 : i32
        %convert_element_type3A_299 = arith.extui %lt3A_298 : i1 to i32
        %cond3A_300 = arith.constant 0 : i32
        %cond3A_301 = arith.cmpi ne, %convert_element_type3A_299, %cond3A_300 : i32
        scf.if %cond3A_301 {
          %add3A_302 = arith.constant 4 : i32
          %add3A_303 = arith.addi %add3A_214, %add3A_302 : i32
          %dma_start3A_304 = arith.constant 0 : i32
          %dma_start3A_305 = tpu.memref_slice %arg7[%add3A_303, %dma_start3A_304] : memref<80x125xi32, #tpu.memory_space<vmem>> -> memref<1x125xi32, #tpu.memory_space<vmem>>
          %dma_start3A_306 = tpu.memref_squeeze %dma_start3A_305 : memref<1x125xi32, #tpu.memory_space<vmem>> -> memref<125xi32, #tpu.memory_space<vmem>>
          %dma_start3A_307 = arith.constant 0 : i32
          %dma_start3A_308 = arith.constant 0 : i32
          %dma_start3A_309 = tpu.memref_slice %arg2[%dma_start3A_307, %dma_start3A_308] : memref<10000x64xbf16, #tpu.memory_space<hbm>> -> memref<10000x64xbf16, #tpu.memory_space<hbm>>
          tpu.enqueue_indirect_dma source(%dma_start3A_309 : memref<10000x64xbf16, #tpu.memory_space<hbm>>) target(%arg11 : memref<125x64xbf16, #tpu.memory_space<vmem>>) offsets(%dma_start3A_306 : memref<125xi32, #tpu.memory_space<vmem>>) semaphore(%arg19 : memref<!tpu.dma_semaphore, #tpu.memory_space<semaphore_mem>>)
        } else {
        }
      } else {
      }
      %mul3A_220 = arith.constant 8 : i32
      %mul3A_221 = arith.muli %scan3A_189, %mul3A_220 : i32
      %add3A_222 = arith.constant 4 : i32
      %add3A_223 = arith.addi %add3A_222, %mul3A_221 : i32
      %add3A_224 = arith.constant 3 : i32
      %add3A_225 = arith.addi %add3A_223, %add3A_224 : i32
      %lt3A_226 = arith.constant 80 : i32
      %lt3A_227 = arith.cmpi slt, %add3A_225, %lt3A_226 : i32
      %convert_element_type3A_228 = arith.extui %lt3A_227 : i1 to i32
      %cond3A_229 = arith.constant 0 : i32
      %cond3A_230 = arith.cmpi ne, %convert_element_type3A_228, %cond3A_229 : i32
      scf.if %cond3A_230 {
        %dma_wait3A_275 = arith.constant 0 : i32
        %dma_wait3A_276 = arith.constant 0 : i32
        %dma_wait3A_277 = tpu.memref_slice %arg7[%dma_wait3A_275, %dma_wait3A_276] : memref<80x125xi32, #tpu.memory_space<vmem>> -> memref<1x125xi32, #tpu.memory_space<vmem>>
        %dma_wait3A_278 = tpu.memref_squeeze %dma_wait3A_277 : memref<1x125xi32, #tpu.memory_space<vmem>> -> memref<125xi32, #tpu.memory_space<vmem>>
        %dma_wait3A_279 = arith.constant 0 : i32
        %dma_wait3A_280 = arith.constant 0 : i32
        %dma_wait3A_281 = tpu.memref_slice %arg2[%dma_wait3A_279, %dma_wait3A_280] : memref<10000x64xbf16, #tpu.memory_space<hbm>> -> memref<10000x64xbf16, #tpu.memory_space<hbm>>
        tpu.wait_indirect_dma semaphore(%arg24 : memref<!tpu.dma_semaphore, #tpu.memory_space<semaphore_mem>>) src(%dma_wait3A_281 : memref<10000x64xbf16, #tpu.memory_space<hbm>>) dst(%arg16 : memref<125x64xbf16, #tpu.memory_space<vmem>>)
        %dma_start3A_282 = arith.constant 0 : i32
        %dma_start3A_283 = tpu.memref_slice %arg8[%add3A_225, %dma_start3A_282] : memref<80x125xi32, #tpu.memory_space<vmem>> -> memref<1x125xi32, #tpu.memory_space<vmem>>
        %dma_start3A_284 = tpu.memref_squeeze %dma_start3A_283 : memref<1x125xi32, #tpu.memory_space<vmem>> -> memref<125xi32, #tpu.memory_space<vmem>>
        %dma_start3A_285 = arith.constant 0 : i32
        %dma_start3A_286 = arith.constant 0 : i32
        %dma_start3A_287 = tpu.memref_slice %arg33[%dma_start3A_285, %dma_start3A_286] : memref<10000x64xbf16, #tpu.memory_space<vmem_shared>> -> memref<10000x64xbf16, #tpu.memory_space<vmem_shared>>
        tpu.enqueue_indirect_dma source(%arg16 : memref<125x64xbf16, #tpu.memory_space<vmem>>) target(%dma_start3A_287 : memref<10000x64xbf16, #tpu.memory_space<vmem_shared>>) offsets(%dma_start3A_284 : memref<125xi32, #tpu.memory_space<vmem>>) semaphore(%arg32 : memref<!tpu.dma_semaphore, #tpu.memory_space<semaphore_mem>>) {add = true}
        %dma_wait3A_288 = arith.constant 0 : i32
        %dma_wait3A_289 = arith.constant 0 : i32
        %dma_wait3A_290 = tpu.memref_slice %arg8[%dma_wait3A_288, %dma_wait3A_289] : memref<80x125xi32, #tpu.memory_space<vmem>> -> memref<1x125xi32, #tpu.memory_space<vmem>>
        %dma_wait3A_291 = tpu.memref_squeeze %dma_wait3A_290 : memref<1x125xi32, #tpu.memory_space<vmem>> -> memref<125xi32, #tpu.memory_space<vmem>>
        %dma_wait3A_292 = arith.constant 0 : i32
        %dma_wait3A_293 = arith.constant 0 : i32
        %dma_wait3A_294 = tpu.memref_slice %arg33[%dma_wait3A_292, %dma_wait3A_293] : memref<10000x64xbf16, #tpu.memory_space<vmem_shared>> -> memref<10000x64xbf16, #tpu.memory_space<vmem_shared>>
        tpu.wait_indirect_dma semaphore(%arg28 : memref<!tpu.dma_semaphore, #tpu.memory_space<semaphore_mem>>) src(%arg12 : memref<125x64xbf16, #tpu.memory_space<vmem>>) dst(%dma_wait3A_294 : memref<10000x64xbf16, #tpu.memory_space<vmem_shared>>)
        %add3A_295 = arith.constant 4 : i32
        %add3A_296 = arith.addi %add3A_225, %add3A_295 : i32
        %lt3A_297 = arith.constant 80 : i32
        %lt3A_298 = arith.cmpi slt, %add3A_296, %lt3A_297 : i32
        %convert_element_type3A_299 = arith.extui %lt3A_298 : i1 to i32
        %cond3A_300 = arith.constant 0 : i32
        %cond3A_301 = arith.cmpi ne, %convert_element_type3A_299, %cond3A_300 : i32
        scf.if %cond3A_301 {
          %add3A_302 = arith.constant 4 : i32
          %add3A_303 = arith.addi %add3A_225, %add3A_302 : i32
          %dma_start3A_304 = arith.constant 0 : i32
          %dma_start3A_305 = tpu.memref_slice %arg7[%add3A_303, %dma_start3A_304] : memref<80x125xi32, #tpu.memory_space<vmem>> -> memref<1x125xi32, #tpu.memory_space<vmem>>
          %dma_start3A_306 = tpu.memref_squeeze %dma_start3A_305 : memref<1x125xi32, #tpu.memory_space<vmem>> -> memref<125xi32, #tpu.memory_space<vmem>>
          %dma_start3A_307 = arith.constant 0 : i32
          %dma_start3A_308 = arith.constant 0 : i32
          %dma_start3A_309 = tpu.memref_slice %arg2[%dma_start3A_307, %dma_start3A_308] : memref<10000x64xbf16, #tpu.memory_space<hbm>> -> memref<10000x64xbf16, #tpu.memory_space<hbm>>
          tpu.enqueue_indirect_dma source(%dma_start3A_309 : memref<10000x64xbf16, #tpu.memory_space<hbm>>) target(%arg12 : memref<125x64xbf16, #tpu.memory_space<vmem>>) offsets(%dma_start3A_306 : memref<125xi32, #tpu.memory_space<vmem>>) semaphore(%arg20 : memref<!tpu.dma_semaphore, #tpu.memory_space<semaphore_mem>>)
        } else {
        }
      } else {
      }
      %mul3A_231 = arith.constant 8 : i32
      %mul3A_232 = arith.muli %scan3A_189, %mul3A_231 : i32
      %add3A_233 = arith.constant 4 : i32
      %add3A_234 = arith.addi %add3A_233, %mul3A_232 : i32
      %add3A_235 = arith.constant 4 : i32
      %add3A_236 = arith.addi %add3A_234, %add3A_235 : i32
      %lt3A_237 = arith.constant 80 : i32
      %lt3A_238 = arith.cmpi slt, %add3A_236, %lt3A_237 : i32
      %convert_element_type3A_239 = arith.extui %lt3A_238 : i1 to i32
      %cond3A_240 = arith.constant 0 : i32
      %cond3A_241 = arith.cmpi ne, %convert_element_type3A_239, %cond3A_240 : i32
      scf.if %cond3A_241 {
        %dma_wait3A_275 = arith.constant 0 : i32
        %dma_wait3A_276 = arith.constant 0 : i32
        %dma_wait3A_277 = tpu.memref_slice %arg7[%dma_wait3A_275, %dma_wait3A_276] : memref<80x125xi32, #tpu.memory_space<vmem>> -> memref<1x125xi32, #tpu.memory_space<vmem>>
        %dma_wait3A_278 = tpu.memref_squeeze %dma_wait3A_277 : memref<1x125xi32, #tpu.memory_space<vmem>> -> memref<125xi32, #tpu.memory_space<vmem>>
        %dma_wait3A_279 = arith.constant 0 : i32
        %dma_wait3A_280 = arith.constant 0 : i32
        %dma_wait3A_281 = tpu.memref_slice %arg2[%dma_wait3A_279, %dma_wait3A_280] : memref<10000x64xbf16, #tpu.memory_space<hbm>> -> memref<10000x64xbf16, #tpu.memory_space<hbm>>
        tpu.wait_indirect_dma semaphore(%arg17 : memref<!tpu.dma_semaphore, #tpu.memory_space<semaphore_mem>>) src(%dma_wait3A_281 : memref<10000x64xbf16, #tpu.memory_space<hbm>>) dst(%arg9 : memref<125x64xbf16, #tpu.memory_space<vmem>>)
        %dma_start3A_282 = arith.constant 0 : i32
        %dma_start3A_283 = tpu.memref_slice %arg8[%add3A_236, %dma_start3A_282] : memref<80x125xi32, #tpu.memory_space<vmem>> -> memref<1x125xi32, #tpu.memory_space<vmem>>
        %dma_start3A_284 = tpu.memref_squeeze %dma_start3A_283 : memref<1x125xi32, #tpu.memory_space<vmem>> -> memref<125xi32, #tpu.memory_space<vmem>>
        %dma_start3A_285 = arith.constant 0 : i32
        %dma_start3A_286 = arith.constant 0 : i32
        %dma_start3A_287 = tpu.memref_slice %arg33[%dma_start3A_285, %dma_start3A_286] : memref<10000x64xbf16, #tpu.memory_space<vmem_shared>> -> memref<10000x64xbf16, #tpu.memory_space<vmem_shared>>
        tpu.enqueue_indirect_dma source(%arg9 : memref<125x64xbf16, #tpu.memory_space<vmem>>) target(%dma_start3A_287 : memref<10000x64xbf16, #tpu.memory_space<vmem_shared>>) offsets(%dma_start3A_284 : memref<125xi32, #tpu.memory_space<vmem>>) semaphore(%arg25 : memref<!tpu.dma_semaphore, #tpu.memory_space<semaphore_mem>>) {add = true}
        %dma_wait3A_288 = arith.constant 0 : i32
        %dma_wait3A_289 = arith.constant 0 : i32
        %dma_wait3A_290 = tpu.memref_slice %arg8[%dma_wait3A_288, %dma_wait3A_289] : memref<80x125xi32, #tpu.memory_space<vmem>> -> memref<1x125xi32, #tpu.memory_space<vmem>>
        %dma_wait3A_291 = tpu.memref_squeeze %dma_wait3A_290 : memref<1x125xi32, #tpu.memory_space<vmem>> -> memref<125xi32, #tpu.memory_space<vmem>>
        %dma_wait3A_292 = arith.constant 0 : i32
        %dma_wait3A_293 = arith.constant 0 : i32
        %dma_wait3A_294 = tpu.memref_slice %arg33[%dma_wait3A_292, %dma_wait3A_293] : memref<10000x64xbf16, #tpu.memory_space<vmem_shared>> -> memref<10000x64xbf16, #tpu.memory_space<vmem_shared>>
        tpu.wait_indirect_dma semaphore(%arg29 : memref<!tpu.dma_semaphore, #tpu.memory_space<semaphore_mem>>) src(%arg13 : memref<125x64xbf16, #tpu.memory_space<vmem>>) dst(%dma_wait3A_294 : memref<10000x64xbf16, #tpu.memory_space<vmem_shared>>)
        %add3A_295 = arith.constant 4 : i32
        %add3A_296 = arith.addi %add3A_236, %add3A_295 : i32
        %lt3A_297 = arith.constant 80 : i32
        %lt3A_298 = arith.cmpi slt, %add3A_296, %lt3A_297 : i32
        %convert_element_type3A_299 = arith.extui %lt3A_298 : i1 to i32
        %cond3A_300 = arith.constant 0 : i32
        %cond3A_301 = arith.cmpi ne, %convert_element_type3A_299, %cond3A_300 : i32
        scf.if %cond3A_301 {
          %add3A_302 = arith.constant 4 : i32
          %add3A_303 = arith.addi %add3A_236, %add3A_302 : i32
          %dma_start3A_304 = arith.constant 0 : i32
          %dma_start3A_305 = tpu.memref_slice %arg7[%add3A_303, %dma_start3A_304] : memref<80x125xi32, #tpu.memory_space<vmem>> -> memref<1x125xi32, #tpu.memory_space<vmem>>
          %dma_start3A_306 = tpu.memref_squeeze %dma_start3A_305 : memref<1x125xi32, #tpu.memory_space<vmem>> -> memref<125xi32, #tpu.memory_space<vmem>>
          %dma_start3A_307 = arith.constant 0 : i32
          %dma_start3A_308 = arith.constant 0 : i32
          %dma_start3A_309 = tpu.memref_slice %arg2[%dma_start3A_307, %dma_start3A_308] : memref<10000x64xbf16, #tpu.memory_space<hbm>> -> memref<10000x64xbf16, #tpu.memory_space<hbm>>
          tpu.enqueue_indirect_dma source(%dma_start3A_309 : memref<10000x64xbf16, #tpu.memory_space<hbm>>) target(%arg13 : memref<125x64xbf16, #tpu.memory_space<vmem>>) offsets(%dma_start3A_306 : memref<125xi32, #tpu.memory_space<vmem>>) semaphore(%arg21 : memref<!tpu.dma_semaphore, #tpu.memory_space<semaphore_mem>>)
        } else {
        }
      } else {
      }
      %mul3A_242 = arith.constant 8 : i32
      %mul3A_243 = arith.muli %scan3A_189, %mul3A_242 : i32
      %add3A_244 = arith.constant 4 : i32
      %add3A_245 = arith.addi %add3A_244, %mul3A_243 : i32
      %add3A_246 = arith.constant 5 : i32
      %add3A_247 = arith.addi %add3A_245, %add3A_246 : i32
      %lt3A_248 = arith.constant 80 : i32
      %lt3A_249 = arith.cmpi slt, %add3A_247, %lt3A_248 : i32
      %convert_element_type3A_250 = arith.extui %lt3A_249 : i1 to i32
      %cond3A_251 = arith.constant 0 : i32
      %cond3A_252 = arith.cmpi ne, %convert_element_type3A_250, %cond3A_251 : i32
      scf.if %cond3A_252 {
        %dma_wait3A_275 = arith.constant 0 : i32
        %dma_wait3A_276 = arith.constant 0 : i32
        %dma_wait3A_277 = tpu.memref_slice %arg7[%dma_wait3A_275, %dma_wait3A_276] : memref<80x125xi32, #tpu.memory_space<vmem>> -> memref<1x125xi32, #tpu.memory_space<vmem>>
        %dma_wait3A_278 = tpu.memref_squeeze %dma_wait3A_277 : memref<1x125xi32, #tpu.memory_space<vmem>> -> memref<125xi32, #tpu.memory_space<vmem>>
        %dma_wait3A_279 = arith.constant 0 : i32
        %dma_wait3A_280 = arith.constant 0 : i32
        %dma_wait3A_281 = tpu.memref_slice %arg2[%dma_wait3A_279, %dma_wait3A_280] : memref<10000x64xbf16, #tpu.memory_space<hbm>> -> memref<10000x64xbf16, #tpu.memory_space<hbm>>
        tpu.wait_indirect_dma semaphore(%arg18 : memref<!tpu.dma_semaphore, #tpu.memory_space<semaphore_mem>>) src(%dma_wait3A_281 : memref<10000x64xbf16, #tpu.memory_space<hbm>>) dst(%arg10 : memref<125x64xbf16, #tpu.memory_space<vmem>>)
        %dma_start3A_282 = arith.constant 0 : i32
        %dma_start3A_283 = tpu.memref_slice %arg8[%add3A_247, %dma_start3A_282] : memref<80x125xi32, #tpu.memory_space<vmem>> -> memref<1x125xi32, #tpu.memory_space<vmem>>
        %dma_start3A_284 = tpu.memref_squeeze %dma_start3A_283 : memref<1x125xi32, #tpu.memory_space<vmem>> -> memref<125xi32, #tpu.memory_space<vmem>>
        %dma_start3A_285 = arith.constant 0 : i32
        %dma_start3A_286 = arith.constant 0 : i32
        %dma_start3A_287 = tpu.memref_slice %arg33[%dma_start3A_285, %dma_start3A_286] : memref<10000x64xbf16, #tpu.memory_space<vmem_shared>> -> memref<10000x64xbf16, #tpu.memory_space<vmem_shared>>
        tpu.enqueue_indirect_dma source(%arg10 : memref<125x64xbf16, #tpu.memory_space<vmem>>) target(%dma_start3A_287 : memref<10000x64xbf16, #tpu.memory_space<vmem_shared>>) offsets(%dma_start3A_284 : memref<125xi32, #tpu.memory_space<vmem>>) semaphore(%arg26 : memref<!tpu.dma_semaphore, #tpu.memory_space<semaphore_mem>>) {add = true}
        %dma_wait3A_288 = arith.constant 0 : i32
        %dma_wait3A_289 = arith.constant 0 : i32
        %dma_wait3A_290 = tpu.memref_slice %arg8[%dma_wait3A_288, %dma_wait3A_289] : memref<80x125xi32, #tpu.memory_space<vmem>> -> memref<1x125xi32, #tpu.memory_space<vmem>>
        %dma_wait3A_291 = tpu.memref_squeeze %dma_wait3A_290 : memref<1x125xi32, #tpu.memory_space<vmem>> -> memref<125xi32, #tpu.memory_space<vmem>>
        %dma_wait3A_292 = arith.constant 0 : i32
        %dma_wait3A_293 = arith.constant 0 : i32
        %dma_wait3A_294 = tpu.memref_slice %arg33[%dma_wait3A_292, %dma_wait3A_293] : memref<10000x64xbf16, #tpu.memory_space<vmem_shared>> -> memref<10000x64xbf16, #tpu.memory_space<vmem_shared>>
        tpu.wait_indirect_dma semaphore(%arg30 : memref<!tpu.dma_semaphore, #tpu.memory_space<semaphore_mem>>) src(%arg14 : memref<125x64xbf16, #tpu.memory_space<vmem>>) dst(%dma_wait3A_294 : memref<10000x64xbf16, #tpu.memory_space<vmem_shared>>)
        %add3A_295 = arith.constant 4 : i32
        %add3A_296 = arith.addi %add3A_247, %add3A_295 : i32
        %lt3A_297 = arith.constant 80 : i32
        %lt3A_298 = arith.cmpi slt, %add3A_296, %lt3A_297 : i32
        %convert_element_type3A_299 = arith.extui %lt3A_298 : i1 to i32
        %cond3A_300 = arith.constant 0 : i32
        %cond3A_301 = arith.cmpi ne, %convert_element_type3A_299, %cond3A_300 : i32
        scf.if %cond3A_301 {
          %add3A_302 = arith.constant 4 : i32
          %add3A_303 = arith.addi %add3A_247, %add3A_302 : i32
          %dma_start3A_304 = arith.constant 0 : i32
          %dma_start3A_305 = tpu.memref_slice %arg7[%add3A_303, %dma_start3A_304] : memref<80x125xi32, #tpu.memory_space<vmem>> -> memref<1x125xi32, #tpu.memory_space<vmem>>
          %dma_start3A_306 = tpu.memref_squeeze %dma_start3A_305 : memref<1x125xi32, #tpu.memory_space<vmem>> -> memref<125xi32, #tpu.memory_space<vmem>>
          %dma_start3A_307 = arith.constant 0 : i32
          %dma_start3A_308 = arith.constant 0 : i32
          %dma_start3A_309 = tpu.memref_slice %arg2[%dma_start3A_307, %dma_start3A_308] : memref<10000x64xbf16, #tpu.memory_space<hbm>> -> memref<10000x64xbf16, #tpu.memory_space<hbm>>
          tpu.enqueue_indirect_dma source(%dma_start3A_309 : memref<10000x64xbf16, #tpu.memory_space<hbm>>) target(%arg14 : memref<125x64xbf16, #tpu.memory_space<vmem>>) offsets(%dma_start3A_306 : memref<125xi32, #tpu.memory_space<vmem>>) semaphore(%arg22 : memref<!tpu.dma_semaphore, #tpu.memory_space<semaphore_mem>>)
        } else {
        }
      } else {
      }
      %mul3A_253 = arith.constant 8 : i32
      %mul3A_254 = arith.muli %scan3A_189, %mul3A_253 : i32
      %add3A_255 = arith.constant 4 : i32
      %add3A_256 = arith.addi %add3A_255, %mul3A_254 : i32
      %add3A_257 = arith.constant 6 : i32
      %add3A_258 = arith.addi %add3A_256, %add3A_257 : i32
      %lt3A_259 = arith.constant 80 : i32
      %lt3A_260 = arith.cmpi slt, %add3A_258, %lt3A_259 : i32
      %convert_element_type3A_261 = arith.extui %lt3A_260 : i1 to i32
      %cond3A_262 = arith.constant 0 : i32
      %cond3A_263 = arith.cmpi ne, %convert_element_type3A_261, %cond3A_262 : i32
      scf.if %cond3A_263 {
        %dma_wait3A_275 = arith.constant 0 : i32
        %dma_wait3A_276 = arith.constant 0 : i32
        %dma_wait3A_277 = tpu.memref_slice %arg7[%dma_wait3A_275, %dma_wait3A_276] : memref<80x125xi32, #tpu.memory_space<vmem>> -> memref<1x125xi32, #tpu.memory_space<vmem>>
        %dma_wait3A_278 = tpu.memref_squeeze %dma_wait3A_277 : memref<1x125xi32, #tpu.memory_space<vmem>> -> memref<125xi32, #tpu.memory_space<vmem>>
        %dma_wait3A_279 = arith.constant 0 : i32
        %dma_wait3A_280 = arith.constant 0 : i32
        %dma_wait3A_281 = tpu.memref_slice %arg2[%dma_wait3A_279, %dma_wait3A_280] : memref<10000x64xbf16, #tpu.memory_space<hbm>> -> memref<10000x64xbf16, #tpu.memory_space<hbm>>
        tpu.wait_indirect_dma semaphore(%arg19 : memref<!tpu.dma_semaphore, #tpu.memory_space<semaphore_mem>>) src(%dma_wait3A_281 : memref<10000x64xbf16, #tpu.memory_space<hbm>>) dst(%arg11 : memref<125x64xbf16, #tpu.memory_space<vmem>>)
        %dma_start3A_282 = arith.constant 0 : i32
        %dma_start3A_283 = tpu.memref_slice %arg8[%add3A_258, %dma_start3A_282] : memref<80x125xi32, #tpu.memory_space<vmem>> -> memref<1x125xi32, #tpu.memory_space<vmem>>
        %dma_start3A_284 = tpu.memref_squeeze %dma_start3A_283 : memref<1x125xi32, #tpu.memory_space<vmem>> -> memref<125xi32, #tpu.memory_space<vmem>>
        %dma_start3A_285 = arith.constant 0 : i32
        %dma_start3A_286 = arith.constant 0 : i32
        %dma_start3A_287 = tpu.memref_slice %arg33[%dma_start3A_285, %dma_start3A_286] : memref<10000x64xbf16, #tpu.memory_space<vmem_shared>> -> memref<10000x64xbf16, #tpu.memory_space<vmem_shared>>
        tpu.enqueue_indirect_dma source(%arg11 : memref<125x64xbf16, #tpu.memory_space<vmem>>) target(%dma_start3A_287 : memref<10000x64xbf16, #tpu.memory_space<vmem_shared>>) offsets(%dma_start3A_284 : memref<125xi32, #tpu.memory_space<vmem>>) semaphore(%arg27 : memref<!tpu.dma_semaphore, #tpu.memory_space<semaphore_mem>>) {add = true}
        %dma_wait3A_288 = arith.constant 0 : i32
        %dma_wait3A_289 = arith.constant 0 : i32
        %dma_wait3A_290 = tpu.memref_slice %arg8[%dma_wait3A_288, %dma_wait3A_289] : memref<80x125xi32, #tpu.memory_space<vmem>> -> memref<1x125xi32, #tpu.memory_space<vmem>>
        %dma_wait3A_291 = tpu.memref_squeeze %dma_wait3A_290 : memref<1x125xi32, #tpu.memory_space<vmem>> -> memref<125xi32, #tpu.memory_space<vmem>>
        %dma_wait3A_292 = arith.constant 0 : i32
        %dma_wait3A_293 = arith.constant 0 : i32
        %dma_wait3A_294 = tpu.memref_slice %arg33[%dma_wait3A_292, %dma_wait3A_293] : memref<10000x64xbf16, #tpu.memory_space<vmem_shared>> -> memref<10000x64xbf16, #tpu.memory_space<vmem_shared>>
        tpu.wait_indirect_dma semaphore(%arg31 : memref<!tpu.dma_semaphore, #tpu.memory_space<semaphore_mem>>) src(%arg15 : memref<125x64xbf16, #tpu.memory_space<vmem>>) dst(%dma_wait3A_294 : memref<10000x64xbf16, #tpu.memory_space<vmem_shared>>)
        %add3A_295 = arith.constant 4 : i32
        %add3A_296 = arith.addi %add3A_258, %add3A_295 : i32
        %lt3A_297 = arith.constant 80 : i32
        %lt3A_298 = arith.cmpi slt, %add3A_296, %lt3A_297 : i32
        %convert_element_type3A_299 = arith.extui %lt3A_298 : i1 to i32
        %cond3A_300 = arith.constant 0 : i32
        %cond3A_301 = arith.cmpi ne, %convert_element_type3A_299, %cond3A_300 : i32
        scf.if %cond3A_301 {
          %add3A_302 = arith.constant 4 : i32
          %add3A_303 = arith.addi %add3A_258, %add3A_302 : i32
          %dma_start3A_304 = arith.constant 0 : i32
          %dma_start3A_305 = tpu.memref_slice %arg7[%add3A_303, %dma_start3A_304] : memref<80x125xi32, #tpu.memory_space<vmem>> -> memref<1x125xi32, #tpu.memory_space<vmem>>
          %dma_start3A_306 = tpu.memref_squeeze %dma_start3A_305 : memref<1x125xi32, #tpu.memory_space<vmem>> -> memref<125xi32, #tpu.memory_space<vmem>>
          %dma_start3A_307 = arith.constant 0 : i32
          %dma_start3A_308 = arith.constant 0 : i32
          %dma_start3A_309 = tpu.memref_slice %arg2[%dma_start3A_307, %dma_start3A_308] : memref<10000x64xbf16, #tpu.memory_space<hbm>> -> memref<10000x64xbf16, #tpu.memory_space<hbm>>
          tpu.enqueue_indirect_dma source(%dma_start3A_309 : memref<10000x64xbf16, #tpu.memory_space<hbm>>) target(%arg15 : memref<125x64xbf16, #tpu.memory_space<vmem>>) offsets(%dma_start3A_306 : memref<125xi32, #tpu.memory_space<vmem>>) semaphore(%arg23 : memref<!tpu.dma_semaphore, #tpu.memory_space<semaphore_mem>>)
        } else {
        }
      } else {
      }
      %mul3A_264 = arith.constant 8 : i32
      %mul3A_265 = arith.muli %scan3A_189, %mul3A_264 : i32
      %add3A_266 = arith.constant 4 : i32
      %add3A_267 = arith.addi %add3A_266, %mul3A_265 : i32
      %add3A_268 = arith.constant 7 : i32
      %add3A_269 = arith.addi %add3A_267, %add3A_268 : i32
      %lt3A_270 = arith.constant 80 : i32
      %lt3A_271 = arith.cmpi slt, %add3A_269, %lt3A_270 : i32
      %convert_element_type3A_272 = arith.extui %lt3A_271 : i1 to i32
      %cond3A_273 = arith.constant 0 : i32
      %cond3A_274 = arith.cmpi ne, %convert_element_type3A_272, %cond3A_273 : i32
      scf.if %cond3A_274 {
        %dma_wait3A_275 = arith.constant 0 : i32
        %dma_wait3A_276 = arith.constant 0 : i32
        %dma_wait3A_277 = tpu.memref_slice %arg7[%dma_wait3A_275, %dma_wait3A_276] : memref<80x125xi32, #tpu.memory_space<vmem>> -> memref<1x125xi32, #tpu.memory_space<vmem>>
        %dma_wait3A_278 = tpu.memref_squeeze %dma_wait3A_277 : memref<1x125xi32, #tpu.memory_space<vmem>> -> memref<125xi32, #tpu.memory_space<vmem>>
        %dma_wait3A_279 = arith.constant 0 : i32
        %dma_wait3A_280 = arith.constant 0 : i32
        %dma_wait3A_281 = tpu.memref_slice %arg2[%dma_wait3A_279, %dma_wait3A_280] : memref<10000x64xbf16, #tpu.memory_space<hbm>> -> memref<10000x64xbf16, #tpu.memory_space<hbm>>
        tpu.wait_indirect_dma semaphore(%arg20 : memref<!tpu.dma_semaphore, #tpu.memory_space<semaphore_mem>>) src(%dma_wait3A_281 : memref<10000x64xbf16, #tpu.memory_space<hbm>>) dst(%arg12 : memref<125x64xbf16, #tpu.memory_space<vmem>>)
        %dma_start3A_282 = arith.constant 0 : i32
        %dma_start3A_283 = tpu.memref_slice %arg8[%add3A_269, %dma_start3A_282] : memref<80x125xi32, #tpu.memory_space<vmem>> -> memref<1x125xi32, #tpu.memory_space<vmem>>
        %dma_start3A_284 = tpu.memref_squeeze %dma_start3A_283 : memref<1x125xi32, #tpu.memory_space<vmem>> -> memref<125xi32, #tpu.memory_space<vmem>>
        %dma_start3A_285 = arith.constant 0 : i32
        %dma_start3A_286 = arith.constant 0 : i32
        %dma_start3A_287 = tpu.memref_slice %arg33[%dma_start3A_285, %dma_start3A_286] : memref<10000x64xbf16, #tpu.memory_space<vmem_shared>> -> memref<10000x64xbf16, #tpu.memory_space<vmem_shared>>
        tpu.enqueue_indirect_dma source(%arg12 : memref<125x64xbf16, #tpu.memory_space<vmem>>) target(%dma_start3A_287 : memref<10000x64xbf16, #tpu.memory_space<vmem_shared>>) offsets(%dma_start3A_284 : memref<125xi32, #tpu.memory_space<vmem>>) semaphore(%arg28 : memref<!tpu.dma_semaphore, #tpu.memory_space<semaphore_mem>>) {add = true}
        %dma_wait3A_288 = arith.constant 0 : i32
        %dma_wait3A_289 = arith.constant 0 : i32
        %dma_wait3A_290 = tpu.memref_slice %arg8[%dma_wait3A_288, %dma_wait3A_289] : memref<80x125xi32, #tpu.memory_space<vmem>> -> memref<1x125xi32, #tpu.memory_space<vmem>>
        %dma_wait3A_291 = tpu.memref_squeeze %dma_wait3A_290 : memref<1x125xi32, #tpu.memory_space<vmem>> -> memref<125xi32, #tpu.memory_space<vmem>>
        %dma_wait3A_292 = arith.constant 0 : i32
        %dma_wait3A_293 = arith.constant 0 : i32
        %dma_wait3A_294 = tpu.memref_slice %arg33[%dma_wait3A_292, %dma_wait3A_293] : memref<10000x64xbf16, #tpu.memory_space<vmem_shared>> -> memref<10000x64xbf16, #tpu.memory_space<vmem_shared>>
        tpu.wait_indirect_dma semaphore(%arg32 : memref<!tpu.dma_semaphore, #tpu.memory_space<semaphore_mem>>) src(%arg16 : memref<125x64xbf16, #tpu.memory_space<vmem>>) dst(%dma_wait3A_294 : memref<10000x64xbf16, #tpu.memory_space<vmem_shared>>)
        %add3A_295 = arith.constant 4 : i32
        %add3A_296 = arith.addi %add3A_269, %add3A_295 : i32
        %lt3A_297 = arith.constant 80 : i32
        %lt3A_298 = arith.cmpi slt, %add3A_296, %lt3A_297 : i32
        %convert_element_type3A_299 = arith.extui %lt3A_298 : i1 to i32
        %cond3A_300 = arith.constant 0 : i32
        %cond3A_301 = arith.cmpi ne, %convert_element_type3A_299, %cond3A_300 : i32
        scf.if %cond3A_301 {
          %add3A_302 = arith.constant 4 : i32
          %add3A_303 = arith.addi %add3A_269, %add3A_302 : i32
          %dma_start3A_304 = arith.constant 0 : i32
          %dma_start3A_305 = tpu.memref_slice %arg7[%add3A_303, %dma_start3A_304] : memref<80x125xi32, #tpu.memory_space<vmem>> -> memref<1x125xi32, #tpu.memory_space<vmem>>
          %dma_start3A_306 = tpu.memref_squeeze %dma_start3A_305 : memref<1x125xi32, #tpu.memory_space<vmem>> -> memref<125xi32, #tpu.memory_space<vmem>>
          %dma_start3A_307 = arith.constant 0 : i32
          %dma_start3A_308 = arith.constant 0 : i32
          %dma_start3A_309 = tpu.memref_slice %arg2[%dma_start3A_307, %dma_start3A_308] : memref<10000x64xbf16, #tpu.memory_space<hbm>> -> memref<10000x64xbf16, #tpu.memory_space<hbm>>
          tpu.enqueue_indirect_dma source(%dma_start3A_309 : memref<10000x64xbf16, #tpu.memory_space<hbm>>) target(%arg16 : memref<125x64xbf16, #tpu.memory_space<vmem>>) offsets(%dma_start3A_306 : memref<125xi32, #tpu.memory_space<vmem>>) semaphore(%arg24 : memref<!tpu.dma_semaphore, #tpu.memory_space<semaphore_mem>>)
        } else {
        }
      } else {
      }
    }
    %scan3A_153 = arith.constant 10 : i32
    %dma_wait3A_154 = arith.constant 0 : i32
    %dma_wait3A_155 = arith.constant 0 : i32
    %dma_wait3A_156 = tpu.memref_slice %arg8[%dma_wait3A_154, %dma_wait3A_155] : memref<80x125xi32, #tpu.memory_space<vmem>> -> memref<1x125xi32, #tpu.memory_space<vmem>>
    %dma_wait3A_157 = tpu.memref_squeeze %dma_wait3A_156 : memref<1x125xi32, #tpu.memory_space<vmem>> -> memref<125xi32, #tpu.memory_space<vmem>>
    %dma_wait3A_158 = arith.constant 0 : i32
    %dma_wait3A_159 = arith.constant 0 : i32
    %dma_wait3A_160 = tpu.memref_slice %arg33[%dma_wait3A_158, %dma_wait3A_159] : memref<10000x64xbf16, #tpu.memory_space<vmem_shared>> -> memref<10000x64xbf16, #tpu.memory_space<vmem_shared>>
    tpu.wait_indirect_dma semaphore(%arg29 : memref<!tpu.dma_semaphore, #tpu.memory_space<semaphore_mem>>) src(%arg13 : memref<125x64xbf16, #tpu.memory_space<vmem>>) dst(%dma_wait3A_160 : memref<10000x64xbf16, #tpu.memory_space<vmem_shared>>)
    %dma_wait3A_161 = arith.constant 0 : i32
    %dma_wait3A_162 = arith.constant 0 : i32
    %dma_wait3A_163 = tpu.memref_slice %arg8[%dma_wait3A_161, %dma_wait3A_162] : memref<80x125xi32, #tpu.memory_space<vmem>> -> memref<1x125xi32, #tpu.memory_space<vmem>>
    %dma_wait3A_164 = tpu.memref_squeeze %dma_wait3A_163 : memref<1x125xi32, #tpu.memory_space<vmem>> -> memref<125xi32, #tpu.memory_space<vmem>>
    %dma_wait3A_165 = arith.constant 0 : i32
    %dma_wait3A_166 = arith.constant 0 : i32
    %dma_wait3A_167 = tpu.memref_slice %arg33[%dma_wait3A_165, %dma_wait3A_166] : memref<10000x64xbf16, #tpu.memory_space<vmem_shared>> -> memref<10000x64xbf16, #tpu.memory_space<vmem_shared>>
    tpu.wait_indirect_dma semaphore(%arg30 : memref<!tpu.dma_semaphore, #tpu.memory_space<semaphore_mem>>) src(%arg14 : memref<125x64xbf16, #tpu.memory_space<vmem>>) dst(%dma_wait3A_167 : memref<10000x64xbf16, #tpu.memory_space<vmem_shared>>)
    %dma_wait3A_168 = arith.constant 0 : i32
    %dma_wait3A_169 = arith.constant 0 : i32
    %dma_wait3A_170 = tpu.memref_slice %arg8[%dma_wait3A_168, %dma_wait3A_169] : memref<80x125xi32, #tpu.memory_space<vmem>> -> memref<1x125xi32, #tpu.memory_space<vmem>>
    %dma_wait3A_171 = tpu.memref_squeeze %dma_wait3A_170 : memref<1x125xi32, #tpu.memory_space<vmem>> -> memref<125xi32, #tpu.memory_space<vmem>>
    %dma_wait3A_172 = arith.constant 0 : i32
    %dma_wait3A_173 = arith.constant 0 : i32
    %dma_wait3A_174 = tpu.memref_slice %arg33[%dma_wait3A_172, %dma_wait3A_173] : memref<10000x64xbf16, #tpu.memory_space<vmem_shared>> -> memref<10000x64xbf16, #tpu.memory_space<vmem_shared>>
    tpu.wait_indirect_dma semaphore(%arg31 : memref<!tpu.dma_semaphore, #tpu.memory_space<semaphore_mem>>) src(%arg15 : memref<125x64xbf16, #tpu.memory_space<vmem>>) dst(%dma_wait3A_174 : memref<10000x64xbf16, #tpu.memory_space<vmem_shared>>)
    %dma_wait3A_175 = arith.constant 0 : i32
    %dma_wait3A_176 = arith.constant 0 : i32
    %dma_wait3A_177 = tpu.memref_slice %arg8[%dma_wait3A_175, %dma_wait3A_176] : memref<80x125xi32, #tpu.memory_space<vmem>> -> memref<1x125xi32, #tpu.memory_space<vmem>>
    %dma_wait3A_178 = tpu.memref_squeeze %dma_wait3A_177 : memref<1x125xi32, #tpu.memory_space<vmem>> -> memref<125xi32, #tpu.memory_space<vmem>>
    %dma_wait3A_179 = arith.constant 0 : i32
    %dma_wait3A_180 = arith.constant 0 : i32
    %dma_wait3A_181 = tpu.memref_slice %arg33[%dma_wait3A_179, %dma_wait3A_180] : memref<10000x64xbf16, #tpu.memory_space<vmem_shared>> -> memref<10000x64xbf16, #tpu.memory_space<vmem_shared>>
    tpu.wait_indirect_dma semaphore(%arg32 : memref<!tpu.dma_semaphore, #tpu.memory_space<semaphore_mem>>) src(%arg16 : memref<125x64xbf16, #tpu.memory_space<vmem>>) dst(%dma_wait3A_181 : memref<10000x64xbf16, #tpu.memory_space<vmem_shared>>)
    %barrier3A_182 = arith.constant 0 : index
    tpu.barrier barrier_id(%barrier3A_182)
    %scan3A_183 = arith.constant 0 : i32
    %scan3A_184 = arith.constant 0 : i32
    %scan3A_185 = arith.constant 8 : i32
    %scan3A_186 = arith.addi %scan3A_184, %scan3A_185 : i32
    %scan3A_187 = arith.constant 1 : i32
    scf.for %scan3A_189 = %scan3A_184 to %scan3A_186 step %scan3A_187  : i32 {
      %mul3A_190 = arith.constant 16 : i32
      %mul3A_191 = arith.muli %mul3A_190, %scan3A_189 : i32
      %add3A_192 = arith.addi %arg1, %mul3A_191 : i32
      %lt3A = arith.constant 125 : i32
      %lt3A_193 = arith.cmpi slt, %add3A_192, %lt3A : i32
      %convert_element_type3A = arith.extui %lt3A_193 : i1 to i32
      %cond3A = arith.constant 0 : i32
      %cond3A_194 = arith.cmpi ne, %convert_element_type3A, %cond3A : i32
      scf.if %cond3A_194 {
        %mul3A_195 = arith.constant 80 : i32
        %mul3A_196 = arith.muli %add3A_192, %mul3A_195 : i32
        "tpu.region"() ({
          %run_scoped3A = tpu.sem_alloc : memref<!tpu.dma_semaphore, #tpu.memory_space<semaphore_mem>>
          %dma_start3A_199 = arith.constant 0 : i32
          %dma_start3A_200 = arith.constant 0 : i32
          %dma_start3A_201 = tpu.memref_slice %arg9[%dma_start3A_199, %dma_start3A_200] : memref<125x64xbf16, #tpu.memory_space<vmem>> -> memref<80x64xbf16, #tpu.memory_space<vmem>>
          %dma_start3A_202 = arith.constant 0 : i32
          %dma_start3A_203 = tpu.memref_slice %arg33[%mul3A_196, %dma_start3A_202] : memref<10000x64xbf16, #tpu.memory_space<vmem_shared>> -> memref<80x64xbf16, #tpu.memory_space<vmem_shared>>
          %dma_start3A_204 = arith.constant 0 : i32
          %dma_start3A_205 = arith.constant 0 : i32
          %dma_start3A_206 = tpu.memref_slice %arg9[%dma_start3A_204, %dma_start3A_205] : memref<125x64xbf16, #tpu.memory_space<vmem>> -> memref<80x64xbf16, #tpu.memory_space<vmem>>
          %dma_start3A_207 = arith.constant 0 : i32
          %dma_start3A_208 = tpu.memref_slice %arg33[%mul3A_196, %dma_start3A_207] : memref<10000x64xbf16, #tpu.memory_space<vmem_shared>> -> memref<80x64xbf16, #tpu.memory_space<vmem_shared>>
          tpu.enqueue_dma source(%dma_start3A_208 : memref<80x64xbf16, #tpu.memory_space<vmem_shared>>) target(%dma_start3A_206 : memref<80x64xbf16, #tpu.memory_space<vmem>>) target_semaphore(%run_scoped3A : memref<!tpu.dma_semaphore, #tpu.memory_space<semaphore_mem>>)
          %dma_wait3A_209 = arith.constant 0 : i32
          %dma_wait3A_210 = arith.constant 0 : i32
          %dma_wait3A_211 = tpu.memref_slice %arg9[%dma_wait3A_209, %dma_wait3A_210] : memref<125x64xbf16, #tpu.memory_space<vmem>> -> memref<80x64xbf16, #tpu.memory_space<vmem>>
          %dma_wait3A_212 = arith.constant 0 : i32
          %dma_wait3A_213 = tpu.memref_slice %arg33[%mul3A_196, %dma_wait3A_212] : memref<10000x64xbf16, #tpu.memory_space<vmem_shared>> -> memref<80x64xbf16, #tpu.memory_space<vmem_shared>>
          %dma_wait3A_214 = arith.constant 0 : i32
          %dma_wait3A_215 = arith.constant 0 : i32
          %dma_wait3A_216 = tpu.memref_slice %arg9[%dma_wait3A_214, %dma_wait3A_215] : memref<125x64xbf16, #tpu.memory_space<vmem>> -> memref<80x64xbf16, #tpu.memory_space<vmem>>
          %dma_wait3A_217 = arith.constant 0 : i32
          %dma_wait3A_218 = tpu.memref_slice %arg33[%mul3A_196, %dma_wait3A_217] : memref<10000x64xbf16, #tpu.memory_space<vmem_shared>> -> memref<80x64xbf16, #tpu.memory_space<vmem_shared>>
          tpu.wait_dma2 semaphore(%run_scoped3A : memref<!tpu.dma_semaphore, #tpu.memory_space<semaphore_mem>>) src(%dma_wait3A_218 : memref<80x64xbf16, #tpu.memory_space<vmem_shared>>) dst(%dma_wait3A_216 : memref<80x64xbf16, #tpu.memory_space<vmem>>)
          tpu.yield
        }) : () -> ()
        %mul3A_197 = arith.constant 80 : i32
        %mul3A_198 = arith.muli %add3A_192, %mul3A_197 : i32
        "tpu.region"() ({
          %run_scoped3A = tpu.sem_alloc : memref<!tpu.dma_semaphore, #tpu.memory_space<semaphore_mem>>
          %dma_start3A_199 = arith.constant 0 : i32
          %dma_start3A_200 = arith.constant 0 : i32
          %dma_start3A_201 = tpu.memref_slice %arg9[%dma_start3A_199, %dma_start3A_200] : memref<125x64xbf16, #tpu.memory_space<vmem>> -> memref<80x64xbf16, #tpu.memory_space<vmem>>
          %dma_start3A_202 = arith.constant 0 : i32
          %dma_start3A_203 = tpu.memref_slice %arg6[%arg0, %mul3A_198, %dma_start3A_202] : memref<2x10000x64xbf16, #tpu.memory_space<hbm>> -> memref<1x80x64xbf16, #tpu.memory_space<hbm>>
          %dma_start3A_204 = tpu.memref_squeeze %dma_start3A_203 : memref<1x80x64xbf16, #tpu.memory_space<hbm>> -> memref<80x64xbf16, #tpu.memory_space<hbm>>
          %dma_start3A_205 = arith.constant 0 : i32
          %dma_start3A_206 = tpu.memref_slice %arg6[%arg0, %mul3A_198, %dma_start3A_205] : memref<2x10000x64xbf16, #tpu.memory_space<hbm>> -> memref<1x80x64xbf16, #tpu.memory_space<hbm>>
          %dma_start3A_207 = tpu.memref_squeeze %dma_start3A_206 : memref<1x80x64xbf16, #tpu.memory_space<hbm>> -> memref<80x64xbf16, #tpu.memory_space<hbm>>
          %dma_start3A_208 = arith.constant 0 : i32
          %dma_start3A_209 = arith.constant 0 : i32
          %dma_start3A_210 = tpu.memref_slice %arg9[%dma_start3A_208, %dma_start3A_209] : memref<125x64xbf16, #tpu.memory_space<vmem>> -> memref<80x64xbf16, #tpu.memory_space<vmem>>
          tpu.enqueue_dma source(%dma_start3A_210 : memref<80x64xbf16, #tpu.memory_space<vmem>>) target(%dma_start3A_207 : memref<80x64xbf16, #tpu.memory_space<hbm>>) target_semaphore(%run_scoped3A : memref<!tpu.dma_semaphore, #tpu.memory_space<semaphore_mem>>)
          %dma_wait3A_211 = arith.constant 0 : i32
          %dma_wait3A_212 = arith.constant 0 : i32
          %dma_wait3A_213 = tpu.memref_slice %arg9[%dma_wait3A_211, %dma_wait3A_212] : memref<125x64xbf16, #tpu.memory_space<vmem>> -> memref<80x64xbf16, #tpu.memory_space<vmem>>
          %dma_wait3A_214 = arith.constant 0 : i32
          %dma_wait3A_215 = tpu.memref_slice %arg6[%arg0, %mul3A_198, %dma_wait3A_214] : memref<2x10000x64xbf16, #tpu.memory_space<hbm>> -> memref<1x80x64xbf16, #tpu.memory_space<hbm>>
          %dma_wait3A_216 = tpu.memref_squeeze %dma_wait3A_215 : memref<1x80x64xbf16, #tpu.memory_space<hbm>> -> memref<80x64xbf16, #tpu.memory_space<hbm>>
          %dma_wait3A_217 = arith.constant 0 : i32
          %dma_wait3A_218 = tpu.memref_slice %arg6[%arg0, %mul3A_198, %dma_wait3A_217] : memref<2x10000x64xbf16, #tpu.memory_space<hbm>> -> memref<1x80x64xbf16, #tpu.memory_space<hbm>>
          %dma_wait3A_219 = tpu.memref_squeeze %dma_wait3A_218 : memref<1x80x64xbf16, #tpu.memory_space<hbm>> -> memref<80x64xbf16, #tpu.memory_space<hbm>>
          %dma_wait3A_220 = arith.constant 0 : i32
          %dma_wait3A_221 = arith.constant 0 : i32
          %dma_wait3A_222 = tpu.memref_slice %arg9[%dma_wait3A_220, %dma_wait3A_221] : memref<125x64xbf16, #tpu.memory_space<vmem>> -> memref<80x64xbf16, #tpu.memory_space<vmem>>
          tpu.wait_dma2 semaphore(%run_scoped3A : memref<!tpu.dma_semaphore, #tpu.memory_space<semaphore_mem>>) src(%dma_wait3A_222 : memref<80x64xbf16, #tpu.memory_space<vmem>>) dst(%dma_wait3A_219 : memref<80x64xbf16, #tpu.memory_space<hbm>>)
          tpu.yield
        }) : () -> ()
      } else {
      }
    }
    %scan3A_188 = arith.constant 8 : i32
    return
  }
}

module attributes {stable_mosaic.version = 14 : i64} {
  func.func @body(%arg0: i32, %arg1: memref<2000x1xf32, #tpu.memory_space<vmem>>, %arg2: memref<2000x1xf32, #tpu.memory_space<vmem>>, %arg3: memref<2000x1xf32, #tpu.memory_space<vmem>>, %arg4: memref<2000x1xf32, #tpu.memory_space<vmem>>, %arg5: memref<2000x128xf32, #tpu.memory_space<vmem>>, %arg6: memref<128x64xf32, #tpu.memory_space<vmem>>, %arg7: memref<2000x128xbf16, #tpu.memory_space<vmem>>, %arg8: memref<2000x64xbf16, #tpu.memory_space<vmem>>) attributes {dimension_semantics = [#tpu.dimension_semantics<arbitrary>], iteration_bounds = array<i64: 5>, scalar_prefetch = 0 : i64, scratch_operands = 0 : i64, tpu.core_type = #tpu.core_type<tc>, window_params = [{transform_indices = @transform_0, window_bounds = array<i64: 2000, 1>}, {transform_indices = @transform_1, window_bounds = array<i64: 2000, 1>}, {transform_indices = @transform_2, window_bounds = array<i64: 2000, 1>}, {transform_indices = @transform_3, window_bounds = array<i64: 2000, 1>}, {transform_indices = @transform_4, window_bounds = array<i64: 2000, 128>}, {pipeline_mode = #tpu.pipeline_mode<synchronous>, transform_indices = @transform_5, window_bounds = array<i64: 128, 64>}, {transform_indices = @transform_6, window_bounds = array<i64: 2000, 128>}, {transform_indices = @transform_7, window_bounds = array<i64: 2000, 64>}]} {
    %get3A = arith.constant 0 : index
    %get3A_0 = arith.constant 0 : index
    %get3A_1 = vector.load %arg1[%get3A, %get3A_0] : memref<2000x1xf32, #tpu.memory_space<vmem>>, vector<2000x1xf32>
    %get3A_2 = arith.constant 0 : index
    %get3A_3 = arith.constant 0 : index
    %get3A_4 = vector.load %arg2[%get3A_2, %get3A_3] : memref<2000x1xf32, #tpu.memory_space<vmem>>, vector<2000x1xf32>
    %add3A = arith.addf %get3A_1, %get3A_4 : vector<2000x1xf32>
    %add3A_5 = arith.constant 1.000000e+00 : f32
    %add3A_6 = vector.broadcast %add3A_5 : f32 to vector<2000x1xf32>
    %add3A_7 = arith.addf %add3A, %add3A_6 : vector<2000x1xf32>
    %rsqrt3A = math.rsqrt %add3A_7 : vector<2000x1xf32>
    %get3A_8 = arith.constant 0 : index
    %get3A_9 = arith.constant 0 : index
    %get3A_10 = vector.load %arg5[%get3A_8, %get3A_9] : memref<2000x128xf32, #tpu.memory_space<vmem>>, vector<2000x128xf32>
    %mul3A = vector.broadcast %rsqrt3A : vector<2000x1xf32> to vector<2000x128xf32>
    %mul3A_11 = arith.mulf %mul3A, %get3A_10 : vector<2000x128xf32>
    %convert_element_type3A = arith.truncf %mul3A_11 : vector<2000x128xf32> to vector<2000x128xbf16>
    %swap3A = arith.constant 0 : index
    %swap3A_12 = arith.constant 0 : index
    %swap3A_13 = vector.load %arg7[%swap3A, %swap3A_12] : memref<2000x128xbf16, #tpu.memory_space<vmem>>, vector<2000x128xbf16>
    tpu.vector_store %arg7[%swap3A, %swap3A_12], %convert_element_type3A {strides = array<i32>} : memref<2000x128xbf16, #tpu.memory_space<vmem>>, vector<2000x128xbf16>,
    %get3A_14 = arith.constant 0 : index
    %get3A_15 = arith.constant 0 : index
    %get3A_16 = vector.load %arg3[%get3A_14, %get3A_15] : memref<2000x1xf32, #tpu.memory_space<vmem>>, vector<2000x1xf32>
    %get3A_17 = arith.constant 0 : index
    %get3A_18 = arith.constant 0 : index
    %get3A_19 = vector.load %arg4[%get3A_17, %get3A_18] : memref<2000x1xf32, #tpu.memory_space<vmem>>, vector<2000x1xf32>
    %add3A_20 = arith.addf %get3A_16, %get3A_19 : vector<2000x1xf32>
    %add3A_21 = arith.constant 1.000000e+00 : f32
    %add3A_22 = vector.broadcast %add3A_21 : f32 to vector<2000x1xf32>
    %add3A_23 = arith.addf %add3A_20, %add3A_22 : vector<2000x1xf32>
    %rsqrt3A_24 = math.rsqrt %add3A_23 : vector<2000x1xf32>
    %get3A_25 = arith.constant 0 : index
    %get3A_26 = arith.constant 0 : index
    %get3A_27 = vector.load %arg5[%get3A_25, %get3A_26] : memref<2000x128xf32, #tpu.memory_space<vmem>>, vector<2000x128xf32>
    %get3A_28 = arith.constant 0 : index
    %get3A_29 = arith.constant 0 : index
    %get3A_30 = vector.load %arg6[%get3A_28, %get3A_29] : memref<128x64xf32, #tpu.memory_space<vmem>>, vector<128x64xf32>
    %dot_general3A = arith.constant dense<0.000000e+00> : vector<2000x64xf32>
    %dot_general3A_31 = tpu.matmul %get3A_27, %get3A_30, %dot_general3A {dimension_numbers = #tpu.dot_dimension_numbers<[1], [0], [0], [1], [0, 0, 1, 1], [], []>, transpose_lhs_hint = false} : vector<2000x128xf32>, vector<128x64xf32>, vector<2000x64xf32> -> vector<2000x64xf32>
    %mul3A_32 = vector.broadcast %rsqrt3A_24 : vector<2000x1xf32> to vector<2000x64xf32>
    %mul3A_33 = arith.mulf %mul3A_32, %dot_general3A_31 : vector<2000x64xf32>
    %convert_element_type3A_34 = arith.truncf %mul3A_33 : vector<2000x64xf32> to vector<2000x64xbf16>
    %swap3A_35 = arith.constant 0 : index
    %swap3A_36 = arith.constant 0 : index
    %swap3A_37 = vector.load %arg8[%swap3A_35, %swap3A_36] : memref<2000x64xbf16, #tpu.memory_space<vmem>>, vector<2000x64xbf16>
    tpu.vector_store %arg8[%swap3A_35, %swap3A_36], %convert_element_type3A_34 {strides = array<i32>} : memref<2000x64xbf16, #tpu.memory_space<vmem>>, vector<2000x64xbf16>,
    return
  }
  func.func @transform_0(%arg0: i32) -> (i32, i32) {
    %c0_i32 = arith.constant 0 : i32
    %c0_i32_0 = arith.constant 0 : i32
    return %arg0, %c0_i32 : i32, i32
  }
  func.func @transform_1(%arg0: i32) -> (i32, i32) {
    %c0_i32 = arith.constant 0 : i32
    %c0_i32_0 = arith.constant 0 : i32
    return %arg0, %c0_i32 : i32, i32
  }
  func.func @transform_2(%arg0: i32) -> (i32, i32) {
    %c0_i32 = arith.constant 0 : i32
    %c0_i32_0 = arith.constant 0 : i32
    return %arg0, %c0_i32 : i32, i32
  }
  func.func @transform_3(%arg0: i32) -> (i32, i32) {
    %c0_i32 = arith.constant 0 : i32
    %c0_i32_0 = arith.constant 0 : i32
    return %arg0, %c0_i32 : i32, i32
  }
  func.func @transform_4(%arg0: i32) -> (i32, i32) {
    %c0_i32 = arith.constant 0 : i32
    %c0_i32_0 = arith.constant 0 : i32
    return %arg0, %c0_i32 : i32, i32
  }
  func.func @transform_5(%arg0: i32) -> (i32, i32) {
    %c0_i32 = arith.constant 0 : i32
    %c0_i32_0 = arith.constant 0 : i32
    %c0_i32_1 = arith.constant 0 : i32
    return %c0_i32, %c0_i32_0 : i32, i32
  }
  func.func @transform_6(%arg0: i32) -> (i32, i32) {
    %c0_i32 = arith.constant 0 : i32
    %c0_i32_0 = arith.constant 0 : i32
    return %arg0, %c0_i32 : i32, i32
  }
  func.func @transform_7(%arg0: i32) -> (i32, i32) {
    %c0_i32 = arith.constant 0 : i32
    %c0_i32_0 = arith.constant 0 : i32
    return %arg0, %c0_i32 : i32, i32
  }
}

module attributes {stable_mosaic.version = 14 : i64} {
  func.func @body(%arg0: i32, %arg1: memref<2000x128xbf16, #tpu.memory_space<vmem>>, %arg2: memref<2000x128xbf16, #tpu.memory_space<vmem>>, %arg3: memref<2000x128xbf16, #tpu.memory_space<vmem>>, %arg4: memref<2000x1xf32, #tpu.memory_space<vmem>>, %arg5: memref<2000x1xf32, #tpu.memory_space<vmem>>, %arg6: memref<128x256xf32, #tpu.memory_space<vmem>>, %arg7: memref<1x256xf32, #tpu.memory_space<vmem>>, %arg8: memref<2000x64xbf16, #tpu.memory_space<vmem>>, %arg9: memref<2000x64xbf16, #tpu.memory_space<vmem>>, %arg10: memref<2000x64xbf16, #tpu.memory_space<vmem>>, %arg11: memref<2000x1xf32, #tpu.memory_space<vmem>>, %arg12: memref<2000x1xf32, #tpu.memory_space<vmem>>, %arg13: memref<1x64xf32, #tpu.memory_space<vmem>>, %arg14: memref<2000x256xf32, #tpu.memory_space<vmem>>, %arg15: memref<2000x64xbf16, #tpu.memory_space<vmem>>) attributes {dimension_semantics = [#tpu.dimension_semantics<arbitrary>], iteration_bounds = array<i64: 5>, scalar_prefetch = 0 : i64, scratch_operands = 0 : i64, tpu.core_type = #tpu.core_type<tc>, window_params = [{transform_indices = @transform_0, window_bounds = array<i64: 2000, 128>}, {transform_indices = @transform_1, window_bounds = array<i64: 2000, 128>}, {transform_indices = @transform_2, window_bounds = array<i64: 2000, 128>}, {transform_indices = @transform_3, window_bounds = array<i64: 2000, 1>}, {transform_indices = @transform_4, window_bounds = array<i64: 2000, 1>}, {pipeline_mode = #tpu.pipeline_mode<synchronous>, transform_indices = @transform_5, window_bounds = array<i64: 128, 256>}, {pipeline_mode = #tpu.pipeline_mode<synchronous>, transform_indices = @transform_6, window_bounds = array<i64: 1, 256>}, {transform_indices = @transform_7, window_bounds = array<i64: 2000, 64>}, {transform_indices = @transform_8, window_bounds = array<i64: 2000, 64>}, {transform_indices = @transform_9, window_bounds = array<i64: 2000, 64>}, {transform_indices = @transform_10, window_bounds = array<i64: 2000, 1>}, {transform_indices = @transform_11, window_bounds = array<i64: 2000, 1>}, {pipeline_mode = #tpu.pipeline_mode<synchronous>, transform_indices = @transform_12, window_bounds = array<i64: 1, 64>}, {transform_indices = @transform_13, window_bounds = array<i64: 2000, 256>}, {transform_indices = @transform_14, window_bounds = array<i64: 2000, 64>}]} {
    %get3A = arith.constant 0 : index
    %get3A_0 = arith.constant 0 : index
    %get3A_1 = vector.load %arg4[%get3A, %get3A_0] : memref<2000x1xf32, #tpu.memory_space<vmem>>, vector<2000x1xf32>
    %get3A_2 = arith.constant 0 : index
    %get3A_3 = arith.constant 0 : index
    %get3A_4 = vector.load %arg5[%get3A_2, %get3A_3] : memref<2000x1xf32, #tpu.memory_space<vmem>>, vector<2000x1xf32>
    %add3A = arith.addf %get3A_1, %get3A_4 : vector<2000x1xf32>
    %add3A_5 = arith.constant 1.000000e+00 : f32
    %add3A_6 = vector.broadcast %add3A_5 : f32 to vector<2000x1xf32>
    %add3A_7 = arith.addf %add3A, %add3A_6 : vector<2000x1xf32>
    %rsqrt3A = math.rsqrt %add3A_7 : vector<2000x1xf32>
    %get3A_8 = arith.constant 0 : index
    %get3A_9 = arith.constant 0 : index
    %get3A_10 = vector.load %arg1[%get3A_8, %get3A_9] : memref<2000x128xbf16, #tpu.memory_space<vmem>>, vector<2000x128xbf16>
    %convert_element_type3A = arith.extf %get3A_10 : vector<2000x128xbf16> to vector<2000x128xf32>
    %get3A_11 = arith.constant 0 : index
    %get3A_12 = arith.constant 0 : index
    %get3A_13 = vector.load %arg2[%get3A_11, %get3A_12] : memref<2000x128xbf16, #tpu.memory_space<vmem>>, vector<2000x128xbf16>
    %convert_element_type3A_14 = arith.extf %get3A_13 : vector<2000x128xbf16> to vector<2000x128xf32>
    %add3A_15 = arith.addf %convert_element_type3A, %convert_element_type3A_14 : vector<2000x128xf32>
    %get3A_16 = arith.constant 0 : index
    %get3A_17 = arith.constant 0 : index
    %get3A_18 = vector.load %arg3[%get3A_16, %get3A_17] : memref<2000x128xbf16, #tpu.memory_space<vmem>>, vector<2000x128xbf16>
    %convert_element_type3A_19 = arith.extf %get3A_18 : vector<2000x128xbf16> to vector<2000x128xf32>
    %add3A_20 = arith.addf %add3A_15, %convert_element_type3A_19 : vector<2000x128xf32>
    %mul3A = vector.broadcast %rsqrt3A : vector<2000x1xf32> to vector<2000x128xf32>
    %mul3A_21 = arith.mulf %mul3A, %add3A_20 : vector<2000x128xf32>
    %get3A_22 = arith.constant 0 : index
    %get3A_23 = arith.constant 0 : index
    %get3A_24 = vector.load %arg6[%get3A_22, %get3A_23] : memref<128x256xf32, #tpu.memory_space<vmem>>, vector<128x256xf32>
    %dot_general3A = arith.constant dense<0.000000e+00> : vector<2000x256xf32>
    %dot_general3A_25 = tpu.matmul %mul3A_21, %get3A_24, %dot_general3A {dimension_numbers = #tpu.dot_dimension_numbers<[1], [0], [0], [1], [0, 0, 1, 1], [], []>, transpose_lhs_hint = false} : vector<2000x128xf32>, vector<128x256xf32>, vector<2000x256xf32> -> vector<2000x256xf32>
    %get3A_26 = arith.constant 0 : index
    %get3A_27 = arith.constant 0 : index
    %get3A_28 = vector.load %arg7[%get3A_26, %get3A_27] : memref<1x256xf32, #tpu.memory_space<vmem>>, vector<1x256xf32>
    %add3A_29 = vector.broadcast %get3A_28 : vector<1x256xf32> to vector<2000x256xf32>
    %add3A_30 = arith.addf %dot_general3A_25, %add3A_29 : vector<2000x256xf32>
    %max3A = arith.constant 0.000000e+00 : f32
    %max3A_31 = vector.broadcast %max3A : f32 to vector<2000x256xf32>
    %max3A_32 = arith.maximumf %add3A_30, %max3A_31 : vector<2000x256xf32>
    %swap3A = arith.constant 0 : index
    %swap3A_33 = arith.constant 0 : index
    %swap3A_34 = vector.load %arg14[%swap3A, %swap3A_33] : memref<2000x256xf32, #tpu.memory_space<vmem>>, vector<2000x256xf32>
    tpu.vector_store %arg14[%swap3A, %swap3A_33], %max3A_32 {strides = array<i32>} : memref<2000x256xf32, #tpu.memory_space<vmem>>, vector<2000x256xf32>,
    %get3A_35 = arith.constant 0 : index
    %get3A_36 = arith.constant 0 : index
    %get3A_37 = vector.load %arg11[%get3A_35, %get3A_36] : memref<2000x1xf32, #tpu.memory_space<vmem>>, vector<2000x1xf32>
    %get3A_38 = arith.constant 0 : index
    %get3A_39 = arith.constant 0 : index
    %get3A_40 = vector.load %arg12[%get3A_38, %get3A_39] : memref<2000x1xf32, #tpu.memory_space<vmem>>, vector<2000x1xf32>
    %add3A_41 = arith.addf %get3A_37, %get3A_40 : vector<2000x1xf32>
    %add3A_42 = arith.constant 1.000000e+00 : f32
    %add3A_43 = vector.broadcast %add3A_42 : f32 to vector<2000x1xf32>
    %add3A_44 = arith.addf %add3A_41, %add3A_43 : vector<2000x1xf32>
    %rsqrt3A_45 = math.rsqrt %add3A_44 : vector<2000x1xf32>
    %get3A_46 = arith.constant 0 : index
    %get3A_47 = arith.constant 0 : index
    %get3A_48 = vector.load %arg8[%get3A_46, %get3A_47] : memref<2000x64xbf16, #tpu.memory_space<vmem>>, vector<2000x64xbf16>
    %convert_element_type3A_49 = arith.extf %get3A_48 : vector<2000x64xbf16> to vector<2000x64xf32>
    %get3A_50 = arith.constant 0 : index
    %get3A_51 = arith.constant 0 : index
    %get3A_52 = vector.load %arg9[%get3A_50, %get3A_51] : memref<2000x64xbf16, #tpu.memory_space<vmem>>, vector<2000x64xbf16>
    %convert_element_type3A_53 = arith.extf %get3A_52 : vector<2000x64xbf16> to vector<2000x64xf32>
    %add3A_54 = arith.addf %convert_element_type3A_49, %convert_element_type3A_53 : vector<2000x64xf32>
    %get3A_55 = arith.constant 0 : index
    %get3A_56 = arith.constant 0 : index
    %get3A_57 = vector.load %arg10[%get3A_55, %get3A_56] : memref<2000x64xbf16, #tpu.memory_space<vmem>>, vector<2000x64xbf16>
    %convert_element_type3A_58 = arith.extf %get3A_57 : vector<2000x64xbf16> to vector<2000x64xf32>
    %add3A_59 = arith.addf %add3A_54, %convert_element_type3A_58 : vector<2000x64xf32>
    %mul3A_60 = vector.broadcast %rsqrt3A_45 : vector<2000x1xf32> to vector<2000x64xf32>
    %mul3A_61 = arith.mulf %mul3A_60, %add3A_59 : vector<2000x64xf32>
    %get3A_62 = arith.constant 0 : index
    %get3A_63 = arith.constant 0 : index
    %get3A_64 = vector.load %arg13[%get3A_62, %get3A_63] : memref<1x64xf32, #tpu.memory_space<vmem>>, vector<1x64xf32>
    %add3A_65 = vector.broadcast %get3A_64 : vector<1x64xf32> to vector<2000x64xf32>
    %add3A_66 = arith.addf %mul3A_61, %add3A_65 : vector<2000x64xf32>
    %mul3A_67 = vector.broadcast %rsqrt3A_45 : vector<2000x1xf32> to vector<2000x64xf32>
    %mul3A_68 = arith.mulf %mul3A_67, %add3A_66 : vector<2000x64xf32>
    %convert_element_type3A_69 = arith.truncf %mul3A_68 : vector<2000x64xf32> to vector<2000x64xbf16>
    %swap3A_70 = arith.constant 0 : index
    %swap3A_71 = arith.constant 0 : index
    %swap3A_72 = vector.load %arg15[%swap3A_70, %swap3A_71] : memref<2000x64xbf16, #tpu.memory_space<vmem>>, vector<2000x64xbf16>
    tpu.vector_store %arg15[%swap3A_70, %swap3A_71], %convert_element_type3A_69 {strides = array<i32>} : memref<2000x64xbf16, #tpu.memory_space<vmem>>, vector<2000x64xbf16>,
    return
  }
  func.func @transform_0(%arg0: i32) -> (i32, i32) {
    %c0_i32 = arith.constant 0 : i32
    %c0_i32_0 = arith.constant 0 : i32
    return %arg0, %c0_i32 : i32, i32
  }
  func.func @transform_1(%arg0: i32) -> (i32, i32) {
    %c0_i32 = arith.constant 0 : i32
    %c0_i32_0 = arith.constant 0 : i32
    return %arg0, %c0_i32 : i32, i32
  }
  func.func @transform_2(%arg0: i32) -> (i32, i32) {
    %c0_i32 = arith.constant 0 : i32
    %c0_i32_0 = arith.constant 0 : i32
    return %arg0, %c0_i32 : i32, i32
  }
  func.func @transform_3(%arg0: i32) -> (i32, i32) {
    %c0_i32 = arith.constant 0 : i32
    %c0_i32_0 = arith.constant 0 : i32
    return %arg0, %c0_i32 : i32, i32
  }
  func.func @transform_4(%arg0: i32) -> (i32, i32) {
    %c0_i32 = arith.constant 0 : i32
    %c0_i32_0 = arith.constant 0 : i32
    return %arg0, %c0_i32 : i32, i32
  }
  func.func @transform_5(%arg0: i32) -> (i32, i32) {
    %c0_i32 = arith.constant 0 : i32
    %c0_i32_0 = arith.constant 0 : i32
    %c0_i32_1 = arith.constant 0 : i32
    return %c0_i32, %c0_i32_0 : i32, i32
  }
  func.func @transform_6(%arg0: i32) -> (i32, i32) {
    %c0_i32 = arith.constant 0 : i32
    %c0_i32_0 = arith.constant 0 : i32
    %c0_i32_1 = arith.constant 0 : i32
    return %c0_i32, %c0_i32_0 : i32, i32
  }
  func.func @transform_7(%arg0: i32) -> (i32, i32) {
    %c0_i32 = arith.constant 0 : i32
    %c0_i32_0 = arith.constant 0 : i32
    return %arg0, %c0_i32 : i32, i32
  }
  func.func @transform_8(%arg0: i32) -> (i32, i32) {
    %c0_i32 = arith.constant 0 : i32
    %c0_i32_0 = arith.constant 0 : i32
    return %arg0, %c0_i32 : i32, i32
  }
  func.func @transform_9(%arg0: i32) -> (i32, i32) {
    %c0_i32 = arith.constant 0 : i32
    %c0_i32_0 = arith.constant 0 : i32
    return %arg0, %c0_i32 : i32, i32
  }
  func.func @transform_10(%arg0: i32) -> (i32, i32) {
    %c0_i32 = arith.constant 0 : i32
    %c0_i32_0 = arith.constant 0 : i32
    return %arg0, %c0_i32 : i32, i32
  }
  func.func @transform_11(%arg0: i32) -> (i32, i32) {
    %c0_i32 = arith.constant 0 : i32
    %c0_i32_0 = arith.constant 0 : i32
    return %arg0, %c0_i32 : i32, i32
  }
  func.func @transform_12(%arg0: i32) -> (i32, i32) {
    %c0_i32 = arith.constant 0 : i32
    %c0_i32_0 = arith.constant 0 : i32
    %c0_i32_1 = arith.constant 0 : i32
    return %c0_i32, %c0_i32_0 : i32, i32
  }
  func.func @transform_13(%arg0: i32) -> (i32, i32) {
    %c0_i32 = arith.constant 0 : i32
    %c0_i32_0 = arith.constant 0 : i32
    return %arg0, %c0_i32 : i32, i32
  }
  func.func @transform_14(%arg0: i32) -> (i32, i32) {
    %c0_i32 = arith.constant 0 : i32
    %c0_i32_0 = arith.constant 0 : i32
    return %arg0, %c0_i32 : i32, i32
  }
}

module attributes {stable_mosaic.version = 14 : i64} {
  func.func @body(%arg0: i32, %arg1: memref<2000x64xbf16, #tpu.memory_space<vmem>>, %arg2: memref<2000x64xbf16, #tpu.memory_space<vmem>>, %arg3: memref<2000x64xbf16, #tpu.memory_space<vmem>>, %arg4: memref<2000x1xf32, #tpu.memory_space<vmem>>, %arg5: memref<2000x1xf32, #tpu.memory_space<vmem>>, %arg6: memref<64x256xf32, #tpu.memory_space<vmem>>, %arg7: memref<1x256xf32, #tpu.memory_space<vmem>>, %arg8: memref<2000x256xf32, #tpu.memory_space<vmem>>, %arg9: memref<256x16xf32, #tpu.memory_space<vmem>>, %arg10: memref<1x16xf32, #tpu.memory_space<vmem>>, %arg11: memref<2000x16xf32, #tpu.memory_space<vmem>>) attributes {dimension_semantics = [#tpu.dimension_semantics<arbitrary>], iteration_bounds = array<i64: 5>, scalar_prefetch = 0 : i64, scratch_operands = 0 : i64, tpu.core_type = #tpu.core_type<tc>, window_params = [{transform_indices = @transform_0, window_bounds = array<i64: 2000, 64>}, {transform_indices = @transform_1, window_bounds = array<i64: 2000, 64>}, {transform_indices = @transform_2, window_bounds = array<i64: 2000, 64>}, {transform_indices = @transform_3, window_bounds = array<i64: 2000, 1>}, {transform_indices = @transform_4, window_bounds = array<i64: 2000, 1>}, {pipeline_mode = #tpu.pipeline_mode<synchronous>, transform_indices = @transform_5, window_bounds = array<i64: 64, 256>}, {pipeline_mode = #tpu.pipeline_mode<synchronous>, transform_indices = @transform_6, window_bounds = array<i64: 1, 256>}, {transform_indices = @transform_7, window_bounds = array<i64: 2000, 256>}, {pipeline_mode = #tpu.pipeline_mode<synchronous>, transform_indices = @transform_8, window_bounds = array<i64: 256, 16>}, {pipeline_mode = #tpu.pipeline_mode<synchronous>, transform_indices = @transform_9, window_bounds = array<i64: 1, 16>}, {transform_indices = @transform_10, window_bounds = array<i64: 2000, 16>}]} {
    %get3A = arith.constant 0 : index
    %get3A_0 = arith.constant 0 : index
    %get3A_1 = vector.load %arg4[%get3A, %get3A_0] : memref<2000x1xf32, #tpu.memory_space<vmem>>, vector<2000x1xf32>
    %get3A_2 = arith.constant 0 : index
    %get3A_3 = arith.constant 0 : index
    %get3A_4 = vector.load %arg5[%get3A_2, %get3A_3] : memref<2000x1xf32, #tpu.memory_space<vmem>>, vector<2000x1xf32>
    %add3A = arith.addf %get3A_1, %get3A_4 : vector<2000x1xf32>
    %add3A_5 = arith.constant 1.000000e+00 : f32
    %add3A_6 = vector.broadcast %add3A_5 : f32 to vector<2000x1xf32>
    %add3A_7 = arith.addf %add3A, %add3A_6 : vector<2000x1xf32>
    %rsqrt3A = math.rsqrt %add3A_7 : vector<2000x1xf32>
    %get3A_8 = arith.constant 0 : index
    %get3A_9 = arith.constant 0 : index
    %get3A_10 = vector.load %arg1[%get3A_8, %get3A_9] : memref<2000x64xbf16, #tpu.memory_space<vmem>>, vector<2000x64xbf16>
    %convert_element_type3A = arith.extf %get3A_10 : vector<2000x64xbf16> to vector<2000x64xf32>
    %get3A_11 = arith.constant 0 : index
    %get3A_12 = arith.constant 0 : index
    %get3A_13 = vector.load %arg2[%get3A_11, %get3A_12] : memref<2000x64xbf16, #tpu.memory_space<vmem>>, vector<2000x64xbf16>
    %convert_element_type3A_14 = arith.extf %get3A_13 : vector<2000x64xbf16> to vector<2000x64xf32>
    %add3A_15 = arith.addf %convert_element_type3A, %convert_element_type3A_14 : vector<2000x64xf32>
    %get3A_16 = arith.constant 0 : index
    %get3A_17 = arith.constant 0 : index
    %get3A_18 = vector.load %arg3[%get3A_16, %get3A_17] : memref<2000x64xbf16, #tpu.memory_space<vmem>>, vector<2000x64xbf16>
    %convert_element_type3A_19 = arith.extf %get3A_18 : vector<2000x64xbf16> to vector<2000x64xf32>
    %add3A_20 = arith.addf %add3A_15, %convert_element_type3A_19 : vector<2000x64xf32>
    %mul3A = vector.broadcast %rsqrt3A : vector<2000x1xf32> to vector<2000x64xf32>
    %mul3A_21 = arith.mulf %mul3A, %add3A_20 : vector<2000x64xf32>
    %get3A_22 = arith.constant 0 : index
    %get3A_23 = arith.constant 0 : index
    %get3A_24 = vector.load %arg6[%get3A_22, %get3A_23] : memref<64x256xf32, #tpu.memory_space<vmem>>, vector<64x256xf32>
    %dot_general3A = arith.constant dense<0.000000e+00> : vector<2000x256xf32>
    %dot_general3A_25 = tpu.matmul %mul3A_21, %get3A_24, %dot_general3A {dimension_numbers = #tpu.dot_dimension_numbers<[1], [0], [0], [1], [0, 0, 1, 1], [], []>, transpose_lhs_hint = false} : vector<2000x64xf32>, vector<64x256xf32>, vector<2000x256xf32> -> vector<2000x256xf32>
    %get3A_26 = arith.constant 0 : index
    %get3A_27 = arith.constant 0 : index
    %get3A_28 = vector.load %arg7[%get3A_26, %get3A_27] : memref<1x256xf32, #tpu.memory_space<vmem>>, vector<1x256xf32>
    %add3A_29 = vector.broadcast %get3A_28 : vector<1x256xf32> to vector<2000x256xf32>
    %add3A_30 = arith.addf %dot_general3A_25, %add3A_29 : vector<2000x256xf32>
    %max3A = arith.constant 0.000000e+00 : f32
    %max3A_31 = vector.broadcast %max3A : f32 to vector<2000x256xf32>
    %max3A_32 = arith.maximumf %add3A_30, %max3A_31 : vector<2000x256xf32>
    %get3A_33 = arith.constant 0 : index
    %get3A_34 = arith.constant 0 : index
    %get3A_35 = vector.load %arg8[%get3A_33, %get3A_34] : memref<2000x256xf32, #tpu.memory_space<vmem>>, vector<2000x256xf32>
    %add3A_36 = arith.addf %get3A_35, %max3A_32 : vector<2000x256xf32>
    %get3A_37 = arith.constant 0 : index
    %get3A_38 = arith.constant 0 : index
    %get3A_39 = vector.load %arg9[%get3A_37, %get3A_38] : memref<256x16xf32, #tpu.memory_space<vmem>>, vector<256x16xf32>
    %dot_general3A_40 = arith.constant dense<0.000000e+00> : vector<2000x16xf32>
    %dot_general3A_41 = tpu.matmul %add3A_36, %get3A_39, %dot_general3A_40 {dimension_numbers = #tpu.dot_dimension_numbers<[1], [0], [0], [1], [0, 0, 1, 1], [], []>, transpose_lhs_hint = false} : vector<2000x256xf32>, vector<256x16xf32>, vector<2000x16xf32> -> vector<2000x16xf32>
    %get3A_42 = arith.constant 0 : index
    %get3A_43 = arith.constant 0 : index
    %get3A_44 = vector.load %arg10[%get3A_42, %get3A_43] : memref<1x16xf32, #tpu.memory_space<vmem>>, vector<1x16xf32>
    %add3A_45 = vector.broadcast %get3A_44 : vector<1x16xf32> to vector<2000x16xf32>
    %add3A_46 = arith.addf %dot_general3A_41, %add3A_45 : vector<2000x16xf32>
    %swap3A = arith.constant 0 : index
    %swap3A_47 = arith.constant 0 : index
    %swap3A_48 = vector.load %arg11[%swap3A, %swap3A_47] : memref<2000x16xf32, #tpu.memory_space<vmem>>, vector<2000x16xf32>
    tpu.vector_store %arg11[%swap3A, %swap3A_47], %add3A_46 {strides = array<i32>} : memref<2000x16xf32, #tpu.memory_space<vmem>>, vector<2000x16xf32>,
    return
  }
  func.func @transform_0(%arg0: i32) -> (i32, i32) {
    %c0_i32 = arith.constant 0 : i32
    %c0_i32_0 = arith.constant 0 : i32
    return %arg0, %c0_i32 : i32, i32
  }
  func.func @transform_1(%arg0: i32) -> (i32, i32) {
    %c0_i32 = arith.constant 0 : i32
    %c0_i32_0 = arith.constant 0 : i32
    return %arg0, %c0_i32 : i32, i32
  }
  func.func @transform_2(%arg0: i32) -> (i32, i32) {
    %c0_i32 = arith.constant 0 : i32
    %c0_i32_0 = arith.constant 0 : i32
    return %arg0, %c0_i32 : i32, i32
  }
  func.func @transform_3(%arg0: i32) -> (i32, i32) {
    %c0_i32 = arith.constant 0 : i32
    %c0_i32_0 = arith.constant 0 : i32
    return %arg0, %c0_i32 : i32, i32
  }
  func.func @transform_4(%arg0: i32) -> (i32, i32) {
    %c0_i32 = arith.constant 0 : i32
    %c0_i32_0 = arith.constant 0 : i32
    return %arg0, %c0_i32 : i32, i32
  }
  func.func @transform_5(%arg0: i32) -> (i32, i32) {
    %c0_i32 = arith.constant 0 : i32
    %c0_i32_0 = arith.constant 0 : i32
    %c0_i32_1 = arith.constant 0 : i32
    return %c0_i32, %c0_i32_0 : i32, i32
  }
  func.func @transform_6(%arg0: i32) -> (i32, i32) {
    %c0_i32 = arith.constant 0 : i32
    %c0_i32_0 = arith.constant 0 : i32
    %c0_i32_1 = arith.constant 0 : i32
    return %c0_i32, %c0_i32_0 : i32, i32
  }
  func.func @transform_7(%arg0: i32) -> (i32, i32) {
    %c0_i32 = arith.constant 0 : i32
    %c0_i32_0 = arith.constant 0 : i32
    return %arg0, %c0_i32 : i32, i32
  }
  func.func @transform_8(%arg0: i32) -> (i32, i32) {
    %c0_i32 = arith.constant 0 : i32
    %c0_i32_0 = arith.constant 0 : i32
    %c0_i32_1 = arith.constant 0 : i32
    return %c0_i32, %c0_i32_0 : i32, i32
  }
  func.func @transform_9(%arg0: i32) -> (i32, i32) {
    %c0_i32 = arith.constant 0 : i32
    %c0_i32_0 = arith.constant 0 : i32
    %c0_i32_1 = arith.constant 0 : i32
    return %c0_i32, %c0_i32_0 : i32, i32
  }
  func.func @transform_10(%arg0: i32) -> (i32, i32) {
    %c0_i32 = arith.constant 0 : i32
    %c0_i32_0 = arith.constant 0 : i32
    return %arg0, %c0_i32 : i32, i32
  }
}

</mosaic_0001>

<sc_bundles>
// kernel: kernel.12.cloned.1.call-start
scs
__scs_entry_jumppad:
0x0: {  	(pc) =	sbr.rel $0x88, $3  }
0x1: {  	(tag) =	ssettag $0x0;
	lr =	simm.s32 $0x1  }
0x2: {  	[smem:$0x3F96] =	sst lr;
	_ =	strace $0xD0000000  }
0x3: {  	_ = 	snop  }
0x4: {  	_ = 	snop  }
0x5: {  	_ = 	snop  }
0x6: {  	_ = 	snop  }
0x7: {  	_ = 	snop  }
__scs_overlays_trampoline_lowered:
0x8: {  	[smem:$0x3FA5] =	sst s0  }
0x9: {  	[smem:$0x3FA6] =	sst s1  }
0xa: {  	[smem:$0x3FA7] =	sst s2  }
0xb: {  	[smem:$0x3FA8] =	sst s3  }
0xc: {  	[smem:$0x3FA9] =	sst s4  }
0xd: {  	[smem:$0x3FAA] =	sst s5  }
0xe: {  	[smem:$0x3FAB] =	sst s6  }
0xf: {  	[smem:$0x3FAC] =	sst s7  }
0x10: {  	[smem:$0x3FAD] =	sst s8  }
0x11: {  	[smem:$0x3FAE] =	sst s9;
	s0 =	simm.s32 @!p0 $0x0  }
0x12: {  	s1 =	sld [smem:$0x3F94];
	s0 =	simm.s32 @p0 $0x1  }
0x13: {  	[smem:$0x3FAF] =	sst s0;
	s0 =	simm.s32 @!p1 $0x0  }
0x14: {  	s2 =	sld [smem:$0x3F93];
	s0 =	simm.s32 @p1 $0x1  }
0x15: {  	[smem:$0x3FB0] =	sst s0;
	s0 =	simm.s32 @!p2 $0x0  }
0x16: {  	s3 =	sld [smem:$0x3FDB];
	s0 =	simm.s32 @p2 $0x1  }
0x17: {  	s4 =	simm.s32 $0x1BF5;
	[smem:$0x3FB2] =	sst s0  }
0x18: {  	s0 =	sld [smem:$0x3F95];
	_ =	swait.ge [sflag:s4], $0x0  }
0x19: {  	s7 =	sld [smem:$0x3F96]  }
0x1a: {  	s8 =	sadd.s32 $0xFFFFE003, lr  }
0x1b: {  	s9 =	sadd.s32 $0xFFFFFEF7, lr;
	s5 =	simm.s32 $0xFFFFFFFF;
	p2 =	slt.u32 s8, $0xFFFFF086  }
0x1c: {  	p1 =	slt.u32 s9, $0xF7A;
	s5 =	simm.s32 @!p2 $0x0  }
0x1d: {  	s5 =	simm.s32 @p1 $0x1;
	p0 =	seq.s32 s7, s2  }
0x1e: {  	s7 =	smul.u32 @!p0 $0xF7A, s2;
	p2 =	seq.s32 @!p0 s5, $0x0  }
0x1f: {  	s9 =	smul.u32 $0xF7A, s1;
	s8 =	simm.s32 @!p0 $0x1BF5;
	p2 =	por !p2, p0  }
0x20: {  	[sflag:s8] =	ssyncset.s32 @!p0 $0xFFFFF086;
	s6 =	sadd.s32 @!p0 s3, s7;
	s7 =	simm.s32 @!p0 $0x108  }
0x21: {  	s3 =	sadd.s32 s3, s9;
	s6 =	sadd.s32 @!p0 $0x88, s6;
	s7 =	simm.s32 @p2 $0x1082  }
0x22: {  	[simem:s7], [sflag:s8] =	dma.local @!p0 [hbm:s6], $0xF7A  }
0x23: {  	s9 =	sor.u32 $0xD0000000, s2;
	s6 =	simm.s32 $0x108;
	_ =	swait.ge @!p0 [sflag:s8], $0x0  }
0x24: {  	s3 =	sadd.s32 $0x88, s3;
	s6 =	simm.s32 @!p1 $0x1082;
	[sflag:s4] =	ssyncset.s32 $0xFFFFF086  }
0x25: {  	[simem:s6], [sflag:s4] =	dma.local [hbm:s3], $0xF7A  }
0x26: {  	[smem:$0x3F96] =	sst s1;
	(tag) =	ssettag s2;
	_ =	strace s9  }
0x27: {  	s1 =	sld [smem:$0x3FA6]  }
0x28: {  	s2 =	sld [smem:$0x3FA7]  }
0x29: {  	s4 =	sld [smem:$0x3FA9]  }
0x2a: {  	p0 =	seq.s32 s5, $0x0;
	s5 =	sld [smem:$0x3FAA]  }
0x2b: {  	s6 =	sld [smem:$0x3FAB]  }
0x2c: {  	s7 =	sld [smem:$0x3FAC]  }
0x2d: {  	s3 =	simm.s32 $0x108;
	s8 =	sld [smem:$0x3FAD]  }
0x2e: {  	s3 =	simm.s32 @!p0 $0x1082;
	s9 =	sld [smem:$0x3FAE]  }
0x2f: {  	lr =	sadd.s32 s0, s3;
	s0 =	sld [smem:$0x3FA5]  }
0x30: {  	s3 =	sld [smem:$0x3FA8]  }
0x31: {  	[smem:$0x3FB1] =	sst s10  }
0x32: {  	s10 =	sld [smem:$0x3FAF];
	_ =	sdelay $0x3  }
0x33: {  	p0 =	seq.s32 s10, $0x1;
	s10 =	sld [smem:$0x3FB1];
	_ =	sdelay $0x3  }
0x34: {  	[smem:$0x3FB1] =	sst s10  }
0x35: {  	s10 =	sld [smem:$0x3FB0];
	_ =	sdelay $0x3  }
0x36: {  	p1 =	seq.s32 s10, $0x1;
	s10 =	sld [smem:$0x3FB1];
	_ =	sdelay $0x3  }
0x37: {  	[smem:$0x3FB1] =	sst s10  }
0x38: {  	s10 =	sld [smem:$0x3FB2]  }
0x39: {  	_ = 	snop;
	(pc) =	sbr.ind lr, $3  }
0x3a: {  	_ = 	snop  }
0x3b: {  	_ = 	snop  }
0x3c: {  	p2 =	seq.s32 s10, $0x1;
	s10 =	sld [smem:$0x3FB1]  }
0x3d: {  	_ =	shalt  }
0x3e: {  	_ =	shalt  }
0x3f: {  	_ =	shalt  }
0x40: {  	_ =	shalt  }
0x41: {  	_ =	shalt  }
0x42: {  	_ =	shalt  }
0x43: {  	_ =	shalt  }
0x44: {  	_ =	shalt  }
0x45: {  	_ =	shalt  }
0x46: {  	_ =	shalt  }
0x47: {  	_ =	shalt  }
0x48: {  	_ =	shalt  }
0x49: {  	_ =	shalt  }
0x4a: {  	_ =	shalt  }
0x4b: {  	_ =	shalt  }
0x4c: {  	_ =	shalt  }
0x4d: {  	_ =	shalt  }
0x4e: {  	_ =	shalt  }
0x4f: {  	_ =	shalt  }
0x50: {  	_ =	shalt  }
0x51: {  	_ =	shalt  }
0x52: {  	_ =	shalt  }
0x53: {  	_ =	shalt  }
0x54: {  	_ =	shalt  }
0x55: {  	_ =	shalt  }
0x56: {  	_ =	shalt  }
0x57: {  	_ =	shalt  }
0x58: {  	_ =	shalt  }
0x59: {  	_ =	shalt  }
0x5a: {  	_ =	shalt  }
0x5b: {  	_ =	shalt  }
0x5c: {  	_ =	shalt  }
0x5d: {  	_ =	shalt  }
0x5e: {  	_ =	shalt  }
0x5f: {  	_ =	shalt  }
0x60: {  	_ =	shalt  }
0x61: {  	_ =	shalt  }
0x62: {  	_ =	shalt  }
0x63: {  	_ =	shalt  }
0x64: {  	_ =	shalt  }
0x65: {  	_ =	shalt  }
0x66: {  	_ =	shalt  }
0x67: {  	_ =	shalt  }
0x68: {  	_ =	shalt  }
0x69: {  	_ =	shalt  }
0x6a: {  	_ =	shalt  }
0x6b: {  	_ =	shalt  }
0x6c: {  	_ =	shalt  }
0x6d: {  	_ =	shalt  }
0x6e: {  	_ =	shalt  }
0x6f: {  	_ =	shalt  }
0x70: {  	_ =	shalt  }
0x71: {  	_ =	shalt  }
0x72: {  	_ =	shalt  }
0x73: {  	_ =	shalt  }
0x74: {  	_ =	shalt  }
0x75: {  	_ =	shalt  }
0x76: {  	_ =	shalt  }
0x77: {  	_ =	shalt  }
0x78: {  	_ =	shalt  }
0x79: {  	_ =	shalt  }
0x7a: {  	_ =	shalt  }
0x7b: {  	_ =	shalt  }
0x7c: {  	_ =	shalt  }
0x7d: {  	_ =	shalt  }
0x7e: {  	_ =	shalt  }
0x7f: {  	_ =	shalt  }
0x80: {  	_ =	shalt  }
0x81: {  	_ =	shalt  }
0x82: {  	_ =	shalt  }
0x83: {  	_ =	shalt  }
0x84: {  	_ =	shalt  }
0x85: {  	_ =	shalt  }
0x86: {  	_ =	shalt  }
0x87: {  	_ =	shalt  }
.Lfunc_end0:
.L_simem_size_0:
called_computation.1_lowered:
.L_overlay_start_0:
0x88: {  	s2 =	sld [smem:$0x3FD9]  }
0x89: {  	s3 =	sld [smem:$0x3FFE];
	_ =	sdelay $0x1  }
0x8a: {  	s1 =	srdreg.scid  }
0x8b: {  	s0 =	sand.u32 $0x1, s1  }
0x8c: {  	s17 =	sshll.u32 s0, $0xA;
	s2 =	sadd.s32 s3, s2  }
0x8d: {  	s2 =	sadd.s32 s2, s17  }
0x8e: {  	[smem:$0x3FBD] =	sst s2  }
0x8f: {  	_ = 	snop  }
0x90: {  	s18 =	sld [smem:$0x3FD0];
	(tm) =	ssettm $0x1  }
0x91: {  	s19 =	sld [smem:$0x3FFB];
	_ =	sdelay $0x3  }
0x92: {  	_ =	strace s19  }
0x93: {  	s2 =	sld [smem:$0x3FFC];
	_ =	sdelay $0x3  }
0x94: {  	_ =	strace s2  }
0x95: {  	s2 =	sld [smem:$0x3FFD];
	_ =	sdelay $0x3  }
0x96: {  	_ =	strace s2  }
0x97: {  	_ =	strace $0x8FFFFFFF  }
0x98: {  	s20 =	sld [smem:$0x3FDB];
	_ =	sdelay $0x1  }
0x99: {  	s4 =	simm.s32 $_scs_section_size  }
0x9a: {  	s5 =	simm.s32 $_size__tile_overlayer_lowered;
	s6 =	simm.s32 $_tile_overlayer_lowered  }
0x9b: {  	s7 =	simm.s32 $0x1BFF;
	s21 =	sshll.u32 s6, $0x1;
	s4 =	sadd.s32 s4, s20  }
0x9c: {  	s22 =	simm.s32 $0x0;
	s5 =	sshll.u32 s5, $0x1;
	s6 =	sadd.s32 s21, s4  }
0x9d: {  	[timem:s22], [sflag:s7] =	dma.local [hbm:s6], s5  }
0x9e: {  	_ =	swait.ge [sflag:s7], s5  }
0x9f: {  	s5 =	ssub.s32 $0x0, s5;
	[sflag:s7] =	ssyncset.done $0x0  }
0xa0: {  	[sflag:s7] =	ssyncadd.s32 s5;
	_ =	sdelay $0x1  }
0xa1: {  	s23 =	simm.s32 $0x1B8B  }
0xa2: {  	_ =	swait.ge [sflag:s23], $0x1  }
0xa3: {  	[sflag:s23] =	ssyncset.done $0x0  }
0xa4: {  	[sflag:s23] =	ssyncadd.s32 $0xFFFFFFFF  }
0xa5: {  	s5 =	sld [smem:$0x0]  }
0xa6: {  	s6 =	sand.u32 $0xFFFFFFFE, s1  }
0xa7: {  	p0 =	sne.s32 s1, s6  }
0xa8: {  	s6 =	sshll.u32 @p0 s6, $0xE  }
0xa9: {  	s6 =	sadd.s32 @p0 $0x11B8D, s6;
	s7 =	sshll.u32 @p0 s5, $0x11  }
0xaa: {  	s6 =	sor.u32 @p0 s7, s6  }
0xab: {  	[sflag:s6] =	ssyncadd.remote.s32 @p0 $0x1;
	_ =	sdelay $0x1  }
0xac: {  	s6 =	simm.s32 @p0 $0x1B8D  }
0xad: {  	_ =	swait.eq @p0 [sflag:s6], $0x1  }
0xae: {  	[sflag:s6] =	ssyncadd.s32 @p0 $0xFFFFFFFF  }
0xaf: {  	s7 =	sshll.u32 @!p0 s1, $0xE  }
0xb0: {  	s7 =	sor.u32 @!p0 $0x4000, s7;
	s6 =	simm.s32 @!p0 $0x1B8D  }
0xb1: {  	s5 =	sshll.u32 @!p0 s5, $0x11;
	s7 =	sadd.s32 @!p0 $0x11B8D, s7;
	_ =	swait.eq @!p0 [sflag:s6], $0x1  }
0xb2: {  	s5 =	sor.u32 @!p0 s5, s7;
	[sflag:s6] =	ssyncadd.s32 @!p0 $0xFFFFFFFF  }
0xb3: {  	s25 =	simm.s32 $0x1B8E;
	s24 =	sld [smem:$0x3FFE];
	[sflag:s5] =	ssyncadd.remote.s32 @!p0 $0x1  }
0xb4: {  	s26 =	simm.s32 $execute0_lowered;
	[smem:$0x3FD2] =	sst s25  }
0xb5: {  	s6 =	sshll.u32 s26, $0x1;
	_ =	strace $0x8000004C;
	[dreg:$0x1] =	wrdreg $0xFFFFFFFF  }
0xb6: {  	s28 =	simm.s32 $_size_execute0_lowered;
	s4 =	sadd.s32 s4, s6;
	[dreg:$0x0] =	wrdreg $0x0  }
0xb7: {  	s6 =	sshll.u32 s28, $0x1;
	[dreg:$0x2] =	wrdreg s4  }
0xb8: {  	[dreg:$0x3] =	wrdreg s6  }
0xb9: {  	[dreg:$0x4] =	wrdreg $0xC0  }
0xba: {  	_ =	task [dreg:s22], $0x5FFFF  }
0xbb: {  	[dreg:$0x1] =	wrdreg $0xFFFFFFFF  }
0xbc: {  	[dreg:$0x0] =	wrdreg $0x60  }
0xbd: {  	[dreg:$0x2] =	wrdreg s24  }
0xbe: {  	[dreg:$0x3] =	wrdreg s18  }
0xbf: {  	[dreg:$0x4] =	wrdreg $0x14A000  }
0xc0: {  	[dreg:$0x5] =	wrdreg $0x9  }
0xc1: {  	_ =	task.clear_ibuf [dreg:s22], $0x6FFFF;
	_ =	strace $0x9000004C  }
0xc2: {  	s29 =	simm.s32 $0x9;
	_ =	strace $0x8000004E  }
0xc3: {  	_ =	swait.ge [sflag:s29], $0x1  }
0xc4: {  	[sflag:s29] =	ssyncadd.s32 $0xFFFFFFFF  }
0xc5: {  	_ =	strace $0x9000004E  }
0xc6: {  	_ =	sfence  }
0xc7: {  	s30 =	sld [smem:$0x0];
	_ =	sdelay $0x2  }
0xc8: {  	s31 =	sshll.u32 s1, $0xD;
	s1 =	sshrl.u32 s1, $0x2  }
0xc9: {  	s4 =	sand.u32 $0x4000, s31;
	s1 =	sadd.s32 s1, s30  }
0xca: {  	s0 =	sor.u32 s4, s0;
	s1 =	sshll.u32 s1, $0x11  }
0xcb: {  	s0 =	sor.u32 s1, s0  }
0xcc: {  	s0 =	sadd.s32 $0x8F2B, s0  }
0xcd: {  	[sflag:s0] =	ssyncadd.remote.s32 $0x1  }
0xce: {  	_ =	sfence.sel $0xFFFF  }
0xcf: {  	[dreg:$0x0] =	wrdreg $0xFFFFFFFF;
	(pc) =	sbr.abs _section_cstart, $3  }
0xd0: {  	[dreg:$0x1] =	wrdreg $0xFFFFFFFF  }
0xd1: {  	_ =	task.clear_ibuf [dreg:s22], $0x2FFFF;
	_ =	strace $0x9FFFFFFF  }
0xd2: {  	(tm) =	ssettm $0x7FFFFFFF  }
0xd3: {  	_ =	shalt  }
tec
execute0_lowered:
.L_overlay_start_1:
0x0: {  	(tag) =	ssettag $0x1  }
0x1: {  	s0 =	srdreg.scid  }
0x2: {  	s1 =	rddreg [dreg:$0x0];
	s23 =	stileid.u32  }
0x3: {  	s31 =	simm.s32 $0x0;
	s28 =	simm.s32 $0xE;
	s29 =	simm.s32 $0xF  }
0x4: {  	s30 =	simm.s32 $0x10;
	s0 =	sand.u32 $0x1, s0;
	[smem:$0x7FF] =	sst s31  }
0x5: {  	s8 =	sadd.s32 $0x10E000, s1;
	s11 =	sor.u32 $0x10, s23;
	s12 =	sor.u32 $0x20, s23  }
0x6: {  	s14 =	sor.u32 $0x30, s23;
	s17 =	sor.u32 $0x60, s23;
	s10 =	smul.u32 $0x138800, s0  }
0x7: {  	s2 =	sshll.u32 s0, $0x4;
	s3 =	ssub.s32 $0x2, s0;
	s0 =	smul.u32 $0x2800, s23  }
0x8: {  	s15 =	sor.u32 $0x40, s23;
	s21 =	smul.u32 $0x2800, s17;
	s2 =	sor.u32 s23, s2  }
0x9: {  	s16 =	sor.u32 $0x50, s23;
	s18 =	sor.u32 $0x70, s23;
	s7 =	smul.u32 $0x500, s2  }
0xa: {  	p0 =	sgt.u32 s18, $0x7C;
	s22 =	sshrl.u32 s3, $0x1;
	s2 =	smul.u32 $0x2800, s11  }
0xb: {  	s9 =	ssub.s32 s3, s22;
	s24 =	sadd.s32 s10, s0;
	s3 =	smul.u32 $0x2800, s12  }
0xc: {  	s0 =	sshrl.u32 s0, $0x1;
	s4 =	sshrl.u32 s24, $0x4;
	s9 =	smax.u32 s9, $0x1  }
0xd: {  	s4 =	sadd.s32 s8, s4;
	s5 =	sadd.s32 s10, s2;
	s6 =	sadd.s32 s10, s3  }
0xe: {  	s7 =	sadd.s32 s7, s1;
	[dreg:$0x4] =	wrdreg s4;
	s4 =	smul.u32 $0x2800, s14  }
0xf: {  	s13 =	sshrl.u32 s5, $0x4;
	s5 =	smul.u32 $0x2800, s15;
	s19 =	sshrl.u32 s6, $0x4  }
0x10: {  	s6 =	smul.u32 $0x2800, s16;
	s13 =	sadd.s32 s8, s13;
	s25 =	sadd.s32 s8, s19  }
0x11: {  	s20 =	sadd.s32 s10, s4;
	[dreg:$0x5] =	wrdreg s13;
	s22 =	sadd.s32 s10, s5  }
0x12: {  	s24 =	sadd.s32 s10, s6;
	s19 =	sshrl.u32 s22, $0x4;
	s22 =	smul.u32 $0x2800, s18  }
0x13: {  	s26 =	sshrl.u32 s20, $0x4;
	s20 =	sshrl.u32 s24, $0x4;
	s24 =	smul.u32 $0x5000, s11  }
0x14: {  	[dreg:$0x6] =	wrdreg s25;
	s11 =	smul.u32 $0x5000, s12;
	s13 =	sadd.s32 s8, s26  }
0x15: {  	s12 =	smul.u32 $0x5000, s14;
	s25 =	sadd.s32 s8, s19;
	[dreg:$0x7] =	wrdreg s13  }
0x16: {  	s26 =	sadd.s32 s8, s20;
	s19 =	sadd.s32 s10, s21;
	[dreg:$0x8] =	wrdreg s25  }
0x17: {  	[dreg:$0x9] =	wrdreg s26;
	s10 =	sadd.s32 s10, s22;
	s26 =	smul.u32 $0x5000, s23  }
0x18: {  	s13 =	sshrl.u32 s19, $0x4;
	s25 =	sadd.s32 $0xF0600, s7;
	s19 =	smul.u32 $0x5000, s15  }
0x19: {  	s7 =	sadd.s32 $0x3600, s7;
	s23 =	smul.u32 $0x5000, s16;
	s15 =	sshrl.u32 s2, $0x1  }
0x1a: {  	s20 =	sshrl.u32 s10, $0x4;
	s10 =	rddreg [dreg:$0x2];
	s13 =	sadd.s32 s8, s13  }
0x1b: {  	s2 =	simm.s32 $0x5000;
	[dreg:$0xa] =	wrdreg s13;
	s8 =	sadd.s32 s8, s20  }
0x1c: {  	s13 =	sadd.s32 $0xFA600, s1;
	s1 =	sshrl.u32 s26, $0x2;
	s20 =	sshrl.u32 s12, $0x2  }
0x1d: {  	s26 =	smul.u32 $0x5000, s18;
	s0 =	sadd.s32 s0, s10;
	[dreg:$0xb] =	wrdreg s8  }
0x1e: {  	s16 =	sadd.s32 s15, s10;
	_ =	strace $0x8000004D;
	[dreg:$0xc] =	wrdreg s25  }
0x1f: {  	s18 =	sshrl.u32 s4, $0x1;
	s4 =	simm.s32 $0x1;
	[dreg:$0xd] =	wrdreg s7  }
0x20: {  	s8 =	sshrl.u32 s24, $0x2;
	s1 =	sadd.s32 s1, s10;
	[dreg:$0xe] =	wrdreg s9  }
0x21: {  	s24 =	sadd.s32 s20, s10;
	[dreg:$0xf] =	wrdreg s1;
	s14 =	sadd.s32 s8, s10  }
0x22: {  	s7 =	sshrl.u32 s11, $0x2;
	[dreg:$0x12] =	wrdreg s24;
	s25 =	smul.u32 $0x5000, s17  }
0x23: {  	s1 =	sshrl.u32 s19, $0x2;
	s11 =	sshrl.u32 s23, $0x2;
	[dreg:$0x17] =	wrdreg s0  }
0x24: {  	[dreg:$0x18] =	wrdreg s16;
	s17 =	sshrl.u32 s3, $0x1;
	s19 =	sshrl.u32 s5, $0x1  }
0x25: {  	s23 =	sshrl.u32 s6, $0x1;
	s24 =	sshrl.u32 s21, $0x1;
	s3 =	simm.s32 $0x11  }
0x26: {  	s5 =	simm.s32 $0x2;
	s6 =	simm.s32 $0x7D;
	s16 =	simm.s32 $0x3  }
0x27: {  	s21 =	simm.s32 $0x9;
	s8 =	simm.s32 $0x0;
	[dreg:$0x10] =	wrdreg s14  }
0x28: {  	s7 =	sadd.s32 s7, s10;
	s1 =	sadd.s32 s1, s10;
	s14 =	sshrl.u32 s26, $0x2  }
0x29: {  	s0 =	sadd.s32 s17, s10;
	s20 =	sadd.s32 s19, s10;
	[dreg:$0x11] =	wrdreg s7  }
0x2a: {  	s17 =	simm.s32 $0x10B80;
	s19 =	simm.s32 $0x12AC0;
	[dreg:$0x13] =	wrdreg s1  }
0x2b: {  	s7 =	sshrl.u32 s25, $0x2;
	s1 =	sadd.s32 s11, s10;
	[dreg:$0x19] =	wrdreg s0  }
0x2c: {  	s0 =	sadd.s32 s18, s10;
	[dreg:$0x1b] =	wrdreg s20;
	s25 =	sshrl.u32 s22, $0x1  }
0x2d: {  	s11 =	simm.s32 $0x8E80;
	s18 =	simm.s32 $0x4;
	s20 =	simm.s32 $0x5  }
0x2e: {  	s22 =	simm.s32 $0x7;
	[dreg:$0x14] =	wrdreg s1;
	s12 =	sadd.s32 s7, s10  }
0x2f: {  	s1 =	sadd.s32 s14, s10;
	[dreg:$0x1a] =	wrdreg s0;
	s0 =	sadd.s32 s23, s10  }
.Ltmp0:
0x30: {  	s26 =	sadd.s32 s25, s10;
	[dreg:$0x15] =	wrdreg s12;
	(pc) =	sbr.rel .LBB2_1-.Ltmp0, $4  }
0x31: {  	s7 =	simm.s32 $0x6F40;
	s14 =	simm.s32 $0xCD00;
	[dreg:$0x16] =	wrdreg s1  }
0x32: {  	s23 =	simm.s32 $0xB;
	s25 =	simm.s32 $0xC;
	[dreg:$0x1c] =	wrdreg s0  }
0x33: {  	s0 =	sadd.s32 s24, s10;
	[dreg:$0x1e] =	wrdreg s26;
	s12 =	simm.s32 $0xADC0  }
0x34: {  	s24 =	simm.s32 $0x8;
	s26 =	simm.s32 $0xD;
	[dreg:$0x1d] =	wrdreg s0  }
.LBB2_4:
0x35: {  	_ =	swait.ge [sflag:s24], $0x1F40  }
0x36: {  	[sflag:s24] =	ssyncset.done $0x0  }
0x37: {  	[sflag:s24] =	ssyncadd.s32 $0xFFFFE0C0  }
0x38: {  	[spmem:s10] =	stream.indirect.scatter.add.bf16 [tilespmem:s19], [sflag:$0x10], $0x40, s1, s6, $0xb8;
	[tilespmem:$0x1E640] =	vst v63  }
0x39: {  	_ =	swait.ge [sflag:s25], $0x1F40  }
0x3a: {  	[sflag:s25] =	ssyncset.done $0x0  }
0x3b: {  	[sflag:s25] =	ssyncadd.s32 $0xFFFFE0C0  }
0x3c: {  	_ =	swait.ge [sflag:s26], $0x1F40  }
0x3d: {  	[sflag:s26] =	ssyncset.done $0x0  }
0x3e: {  	[sflag:s26] =	ssyncadd.s32 $0xFFFFE0C0  }
0x3f: {  	_ =	swait.ge [sflag:s28], $0x1F40  }
0x40: {  	[sflag:s28] =	ssyncset.done $0x0  }
0x41: {  	[sflag:s28] =	ssyncadd.s32 $0xFFFFE0C0  }
0x42: {  	_ =	swait.ge [sflag:s29], $0x1F40  }
0x43: {  	[sflag:s29] =	ssyncset.done $0x0  }
0x44: {  	[sflag:s29] =	ssyncadd.s32 $0xFFFFE0C0  }
0x45: {  	_ =	swait.ge [sflag:s30], $0x1F40  }
0x46: {  	[sflag:s30] =	ssyncset.done $0x0  }
0x47: {  	[sflag:s30] =	ssyncadd.s32 $0xFFFFE0C0  }
0x48: {  	[bflag:$0x0] =	sbarrier.arrive $0xFFFF  }
0x49: {  	s1 =	simm.s32 $0x12;
	s0 =	rddreg [dreg:$0x17]  }
0x4a: {  	[tilespmem:s2], [sflag:$0x12] =	stream.linear.gather [spmem:s0], $0x1400, $0x38;
	[tilespmem:$0x1E640] =	vst v63  }
0x4b: {  	_ =	swait.ge [sflag:s1], $0x1400  }
0x4c: {  	[sflag:s1] =	ssyncset.done $0x0  }
0x4d: {  	s31 =	simm.s32 $0x0;
	s8 =	rddreg [dreg:$0x4];
	[sflag:s1] =	ssyncadd.s32 $0xFFFFEC00  }
0x4e: {  	[hbm4b:s8+s31] =	stream.linear.scatter [tilespmem:s2], [sflag:$0x11], $0x1400, $0x38;
	[tilespmem:$0x1E640] =	vst v63  }
0x4f: {  	_ =	swait.ge [sflag:s3], $0x1400  }
0x50: {  	[sflag:s3] =	ssyncset.done $0x0  }
0x51: {  	s9 =	rddreg [dreg:$0x18];
	[sflag:s3] =	ssyncadd.s32 $0xFFFFEC00  }
0x52: {  	[tilespmem:s2], [sflag:$0x12] =	stream.linear.gather [spmem:s9], $0x1400, $0x38;
	[tilespmem:$0x1E640] =	vst v63  }
0x53: {  	_ =	swait.ge [sflag:s1], $0x1400  }
0x54: {  	[sflag:s1] =	ssyncset.done $0x0  }
0x55: {  	s15 =	rddreg [dreg:$0x5];
	[sflag:s1] =	ssyncadd.s32 $0xFFFFEC00  }
0x56: {  	[hbm4b:s15+s31] =	stream.linear.scatter [tilespmem:s2], [sflag:$0x11], $0x1400, $0x38;
	[tilespmem:$0x1E640] =	vst v63  }
0x57: {  	_ =	swait.ge [sflag:s3], $0x1400  }
0x58: {  	[sflag:s3] =	ssyncset.done $0x0  }
0x59: {  	s8 =	rddreg [dreg:$0x19];
	[sflag:s3] =	ssyncadd.s32 $0xFFFFEC00  }
0x5a: {  	[tilespmem:s2], [sflag:$0x12] =	stream.linear.gather [spmem:s8], $0x1400, $0x38;
	[tilespmem:$0x1E640] =	vst v63  }
0x5b: {  	_ =	swait.ge [sflag:s1], $0x1400  }
0x5c: {  	[sflag:s1] =	ssyncset.done $0x0  }
0x5d: {  	s9 =	rddreg [dreg:$0x6];
	[sflag:s1] =	ssyncadd.s32 $0xFFFFEC00  }
0x5e: {  	[hbm4b:s9+s31] =	stream.linear.scatter [tilespmem:s2], [sflag:$0x11], $0x1400, $0x38;
	[tilespmem:$0x1E640] =	vst v63  }
0x5f: {  	_ =	swait.ge [sflag:s3], $0x1400  }
0x60: {  	[sflag:s3] =	ssyncset.done $0x0  }
0x61: {  	s15 =	rddreg [dreg:$0x1a];
	[sflag:s3] =	ssyncadd.s32 $0xFFFFEC00  }
0x62: {  	[tilespmem:s2], [sflag:$0x12] =	stream.linear.gather [spmem:s15], $0x1400, $0x38;
	[tilespmem:$0x1E640] =	vst v63  }
0x63: {  	_ =	swait.ge [sflag:s1], $0x1400  }
0x64: {  	[sflag:s1] =	ssyncset.done $0x0  }
0x65: {  	s8 =	rddreg [dreg:$0x7];
	[sflag:s1] =	ssyncadd.s32 $0xFFFFEC00  }
0x66: {  	[hbm4b:s8+s31] =	stream.linear.scatter [tilespmem:s2], [sflag:$0x11], $0x1400, $0x38;
	[tilespmem:$0x1E640] =	vst v63  }
0x67: {  	_ =	swait.ge [sflag:s3], $0x1400  }
0x68: {  	[sflag:s3] =	ssyncset.done $0x0  }
0x69: {  	s9 =	rddreg [dreg:$0x1b];
	[sflag:s3] =	ssyncadd.s32 $0xFFFFEC00  }
0x6a: {  	[tilespmem:s2], [sflag:$0x12] =	stream.linear.gather [spmem:s9], $0x1400, $0x38;
	[tilespmem:$0x1E640] =	vst v63  }
0x6b: {  	_ =	swait.ge [sflag:s1], $0x1400  }
0x6c: {  	[sflag:s1] =	ssyncset.done $0x0  }
0x6d: {  	s15 =	rddreg [dreg:$0x8];
	[sflag:s1] =	ssyncadd.s32 $0xFFFFEC00  }
0x6e: {  	[hbm4b:s15+s31] =	stream.linear.scatter [tilespmem:s2], [sflag:$0x11], $0x1400, $0x38;
	[tilespmem:$0x1E640] =	vst v63  }
0x6f: {  	_ =	swait.ge [sflag:s3], $0x1400  }
0x70: {  	[sflag:s3] =	ssyncset.done $0x0  }
0x71: {  	s8 =	rddreg [dreg:$0x1c];
	[sflag:s3] =	ssyncadd.s32 $0xFFFFEC00  }
0x72: {  	[tilespmem:s2], [sflag:$0x12] =	stream.linear.gather [spmem:s8], $0x1400, $0x38;
	[tilespmem:$0x1E640] =	vst v63  }
0x73: {  	_ =	swait.ge [sflag:s1], $0x1400  }
0x74: {  	[sflag:s1] =	ssyncset.done $0x0  }
0x75: {  	s9 =	rddreg [dreg:$0x9];
	[sflag:s1] =	ssyncadd.s32 $0xFFFFEC00  }
0x76: {  	[hbm4b:s9+s31] =	stream.linear.scatter [tilespmem:s2], [sflag:$0x11], $0x1400, $0x38;
	[tilespmem:$0x1E640] =	vst v63  }
0x77: {  	_ =	swait.ge [sflag:s3], $0x1400  }
0x78: {  	[sflag:s3] =	ssyncset.done $0x0  }
0x79: {  	s15 =	rddreg [dreg:$0x1d];
	[sflag:s3] =	ssyncadd.s32 $0xFFFFEC00  }
0x7a: {  	[tilespmem:s2], [sflag:$0x12] =	stream.linear.gather [spmem:s15], $0x1400, $0x38;
	[tilespmem:$0x1E640] =	vst v63  }
0x7b: {  	_ =	swait.ge [sflag:s1], $0x1400  }
0x7c: {  	[sflag:s1] =	ssyncset.done $0x0  }
0x7d: {  	s8 =	rddreg [dreg:$0xa];
	[sflag:s1] =	ssyncadd.s32 $0xFFFFEC00  }
0x7e: {  	[hbm4b:s8+s31] =	stream.linear.scatter [tilespmem:s2], [sflag:$0x11], $0x1400, $0x38;
	[tilespmem:$0x1E640] =	vst v63  }
0x7f: {  	_ =	swait.ge [sflag:s3], $0x1400  }
0x80: {  	[sflag:s3] =	ssyncset.done $0x0  }
0x81: {  	s0 =	simm.s32 @!p0 $0x5000;
	s1 =	rddreg [dreg:$0x1e];
	[sflag:s3] =	ssyncadd.s32 $0xFFFFEC00  }
0x82: {  	[tilespmem:s0], [sflag:$0x12] =	stream.linear.gather @!p0 [spmem:s1], $0x1400, $0x38;
	[tilespmem:$0x1E640] =	vst v63  }
0x83: {  	s1 =	simm.s32 @!p0 $0x12  }
0x84: {  	_ =	swait.ge @!p0 [sflag:s1], $0x1400  }
0x85: {  	[sflag:s1] =	ssyncset.done @!p0 $0x0  }
0x86: {  	s8 =	rddreg [dreg:$0xb];
	[sflag:s1] =	ssyncadd.s32 @!p0 $0xFFFFEC00;
	s1 =	simm.s32 @!p0 $0x0  }
0x87: {  	[hbm4b:s8+s1] =	stream.linear.scatter @!p0 [tilespmem:s0], [sflag:$0x11], $0x1400, $0x38;
	[tilespmem:$0x1E640] =	vst v63  }
0x88: {  	s0 =	simm.s32 @!p0 $0x11  }
0x89: {  	_ =	swait.ge @!p0 [sflag:s0], $0x1400  }
0x8a: {  	s9 =	rddreg [dreg:$0x1f]  }
0x8b: {  	s15 =	rddreg [dreg:$0xe];
	s8 =	sadd.s32 $0x1, s9  }
0x8c: {  	p1 =	sne.s32 s8, s15  }
.Ltmp1:
0x8d: {  	_ = 	snop;
	(pc) =	sbr.rel @!p1 .LBB2_5-.Ltmp1, $3  }
0x8e: {  	_ =	sdelay $0x1  }
0x8f: {  	[sflag:s0] =	ssyncset.done @!p0 $0x0  }
0x90: {  	[sflag:s0] =	ssyncadd.s32 @!p0 $0xFFFFEC00  }
.LBB2_1:
0x91: {  	[dreg:$0x1f] =	wrdreg s8  }
0x92: {  	s0 =	rddreg [dreg:$0xc]  }
0x93: {  	[tilespmem:s31], [sflag:$0x1] =	stream.linear.gather [hbm4b:s0+s31], $0x2800, $0x38;
	[tilespmem:$0x1E640] =	vst v63  }
0x94: {  	s15 =	rddreg [dreg:$0xd];
	s8 =	simm.s32 $0x2800  }
0x95: {  	[tilespmem:s8], [sflag:$0x2] =	stream.linear.gather [hbm4b:s15+s31], $0x2800, $0x38;
	[tilespmem:$0x1E640] =	vst v63  }
0x96: {  	s1 =	rddreg [dreg:$0x1]  }
0x97: {  	[tilespmem:s2], [sflag:$0x11] =	stream.linear.gather [hbm4b:s1+s31], $0x1F40, $0x38;
	[tilespmem:$0x1E640] =	vst v63  }
0x98: {  	_ =	swait.ge [sflag:s3], $0x1F40  }
0x99: {  	[sflag:s3] =	ssyncset.done $0x0  }
0x9a: {  	s9 =	rddreg [dreg:$0xf];
	[sflag:s3] =	ssyncadd.s32 $0xFFFFE0C0  }
0x9b: {  	[spmem:s9] =	stream.linear.scatter [tilespmem:s2], [sflag:$0x11], $0x1400, $0x38;
	[tilespmem:$0x1E640] =	vst v63  }
0x9c: {  	_ =	swait.ge [sflag:s3], $0x1400  }
0x9d: {  	[sflag:s3] =	ssyncset.done $0x0  }
0x9e: {  	s15 =	rddreg [dreg:$0x10];
	[sflag:s3] =	ssyncadd.s32 $0xFFFFEC00  }
0x9f: {  	[spmem:s15] =	stream.linear.scatter [tilespmem:s2], [sflag:$0x11], $0x1400, $0x38;
	[tilespmem:$0x1E640] =	vst v63  }
0xa0: {  	_ =	swait.ge [sflag:s3], $0x1400  }
0xa1: {  	[sflag:s3] =	ssyncset.done $0x0  }
0xa2: {  	s1 =	rddreg [dreg:$0x11];
	[sflag:s3] =	ssyncadd.s32 $0xFFFFEC00  }
0xa3: {  	[spmem:s1] =	stream.linear.scatter [tilespmem:s2], [sflag:$0x11], $0x1400, $0x38;
	[tilespmem:$0x1E640] =	vst v63  }
0xa4: {  	_ =	swait.ge [sflag:s3], $0x1400  }
0xa5: {  	[sflag:s3] =	ssyncset.done $0x0  }
0xa6: {  	s9 =	rddreg [dreg:$0x12];
	[sflag:s3] =	ssyncadd.s32 $0xFFFFEC00  }
0xa7: {  	[spmem:s9] =	stream.linear.scatter [tilespmem:s2], [sflag:$0x11], $0x1400, $0x38;
	[tilespmem:$0x1E640] =	vst v63  }
0xa8: {  	_ =	swait.ge [sflag:s3], $0x1400  }
0xa9: {  	[sflag:s3] =	ssyncset.done $0x0  }
0xaa: {  	s15 =	rddreg [dreg:$0x13];
	[sflag:s3] =	ssyncadd.s32 $0xFFFFEC00  }
0xab: {  	[spmem:s15] =	stream.linear.scatter [tilespmem:s2], [sflag:$0x11], $0x1400, $0x38;
	[tilespmem:$0x1E640] =	vst v63  }
0xac: {  	_ =	swait.ge [sflag:s3], $0x1400  }
0xad: {  	[sflag:s3] =	ssyncset.done $0x0  }
0xae: {  	s1 =	rddreg [dreg:$0x14];
	[sflag:s3] =	ssyncadd.s32 $0xFFFFEC00  }
0xaf: {  	[spmem:s1] =	stream.linear.scatter [tilespmem:s2], [sflag:$0x11], $0x1400, $0x38;
	[tilespmem:$0x1E640] =	vst v63  }
0xb0: {  	_ =	swait.ge [sflag:s3], $0x1400  }
0xb1: {  	[sflag:s3] =	ssyncset.done $0x0  }
0xb2: {  	s9 =	rddreg [dreg:$0x15];
	[sflag:s3] =	ssyncadd.s32 $0xFFFFEC00  }
0xb3: {  	[spmem:s9] =	stream.linear.scatter [tilespmem:s2], [sflag:$0x11], $0x1400, $0x38;
	[tilespmem:$0x1E640] =	vst v63  }
0xb4: {  	_ =	swait.ge [sflag:s3], $0x1400  }
0xb5: {  	[sflag:s3] =	ssyncset.done $0x0  }
0xb6: {  	s0 =	simm.s32 @!p0 $0x5000;
	s1 =	rddreg [dreg:$0x16];
	[sflag:s3] =	ssyncadd.s32 $0xFFFFEC00  }
0xb7: {  	[spmem:s1] =	stream.linear.scatter @!p0 [tilespmem:s0], [sflag:$0x11], $0x1400, $0x38;
	[tilespmem:$0x1E640] =	vst v63  }
0xb8: {  	s0 =	simm.s32 @!p0 $0x11  }
0xb9: {  	_ =	swait.ge @!p0 [sflag:s0], $0x1400  }
0xba: {  	[sflag:s0] =	ssyncset.done @!p0 $0x0  }
0xbb: {  	[sflag:s0] =	ssyncadd.s32 @!p0 $0xFFFFEC00  }
0xbc: {  	_ =	swait.ge [sflag:s4], $0x2800  }
0xbd: {  	[sflag:s4] =	ssyncset.done $0x0  }
0xbe: {  	[sflag:s4] =	ssyncadd.s32 $0xFFFFD800  }
0xbf: {  	_ =	swait.ge [sflag:s5], $0x2800  }
0xc0: {  	[sflag:s5] =	ssyncset.done $0x0  }
0xc1: {  	[sflag:s5] =	ssyncadd.s32 $0xFFFFD800  }
0xc2: {  	[bflag:$0x0] =	sbarrier.arrive $0xFFFF  }
0xc3: {  	[tilespmem:s2], [sflag:$0x1] =	stream.indirect.gather [hbm4b:s13+s6], $0x40, s31, s6, $0xb8;
	[tilespmem:$0x1E640] =	vst v63  }
0xc4: {  	s15 =	simm.s32 $0x80  }
0xc5: {  	[tilespmem:s7], [sflag:$0x2] =	stream.indirect.gather [hbm4b:s13+s6], $0x40, s15, s6, $0xb8;
	[tilespmem:$0x1E640] =	vst v63  }
0xc6: {  	s31 =	simm.s32 $0x100  }
0xc7: {  	[tilespmem:s11], [sflag:$0x3] =	stream.indirect.gather [hbm4b:s13+s6], $0x40, s31, s6, $0xb8;
	[tilespmem:$0x1E640] =	vst v63  }
0xc8: {  	s1 =	simm.s32 $0x180  }
0xc9: {  	[tilespmem:s12], [sflag:$0x4] =	stream.indirect.gather [hbm4b:s13+s6], $0x40, s1, s6, $0xb8;
	[tilespmem:$0x1E640] =	vst v63  }
0xca: {  	_ =	swait.ge [sflag:s4], $0x1F40  }
0xcb: {  	[sflag:s4] =	ssyncset.done $0x0  }
0xcc: {  	[sflag:s4] =	ssyncadd.s32 $0xFFFFE0C0  }
0xcd: {  	[spmem:s10] =	stream.indirect.scatter.add.bf16 [tilespmem:s2], [sflag:$0x9], $0x40, s8, s6, $0xb8;
	[tilespmem:$0x1E640] =	vst v63  }
0xce: {  	s8 =	simm.s32 $0x200  }
0xcf: {  	[tilespmem:s14], [sflag:$0x5] =	stream.indirect.gather [hbm4b:s13+s6], $0x40, s8, s6, $0xb8;
	[tilespmem:$0x1E640] =	vst v63  }
0xd0: {  	_ =	swait.ge [sflag:s5], $0x1F40  }
0xd1: {  	[sflag:s5] =	ssyncset.done $0x0  }
0xd2: {  	s9 =	simm.s32 $0x2880;
	[sflag:s5] =	ssyncadd.s32 $0xFFFFE0C0  }
0xd3: {  	[spmem:s10] =	stream.indirect.scatter.add.bf16 [tilespmem:s7], [sflag:$0xA], $0x40, s9, s6, $0xb8;
	[tilespmem:$0x1E640] =	vst v63  }
0xd4: {  	s15 =	simm.s32 $0x280;
	s31 =	simm.s32 $0xEC40  }
0xd5: {  	[tilespmem:s31], [sflag:$0x6] =	stream.indirect.gather [hbm4b:s13+s6], $0x40, s15, s6, $0xb8;
	[tilespmem:$0x1E640] =	vst v63  }
0xd6: {  	_ =	swait.ge [sflag:s16], $0x1F40  }
0xd7: {  	[sflag:s16] =	ssyncset.done $0x0  }
0xd8: {  	s8 =	simm.s32 $0x2900;
	[sflag:s16] =	ssyncadd.s32 $0xFFFFE0C0  }
0xd9: {  	[spmem:s10] =	stream.indirect.scatter.add.bf16 [tilespmem:s11], [sflag:$0xB], $0x40, s8, s6, $0xb8;
	[tilespmem:$0x1E640] =	vst v63  }
0xda: {  	s9 =	simm.s32 $0x300  }
0xdb: {  	[tilespmem:s17], [sflag:$0x7] =	stream.indirect.gather [hbm4b:s13+s6], $0x40, s9, s6, $0xb8;
	[tilespmem:$0x1E640] =	vst v63  }
0xdc: {  	_ =	swait.ge [sflag:s18], $0x1F40  }
0xdd: {  	[sflag:s18] =	ssyncset.done $0x0  }
0xde: {  	s15 =	simm.s32 $0x2980;
	[sflag:s18] =	ssyncadd.s32 $0xFFFFE0C0  }
0xdf: {  	[spmem:s10] =	stream.indirect.scatter.add.bf16 [tilespmem:s12], [sflag:$0xC], $0x40, s15, s6, $0xb8;
	[tilespmem:$0x1E640] =	vst v63  }
0xe0: {  	s31 =	simm.s32 $0x380;
	s8 =	simm.s32 $0x0  }
0xe1: {  	[tilespmem:s19], [sflag:$0x8] =	stream.indirect.gather [hbm4b:s13+s6], $0x40, s31, s6, $0xb8;
	[tilespmem:$0x1E640] =	vst v63  }
.LBB2_2:
0xe2: {  	_ =	swait.ge [sflag:s20], $0x1F40  }
0xe3: {  	s0 =	sshra.s32 s8, $0x2;
	[sflag:s20] =	ssyncset.done $0x0  }
0xe4: {  	s1 =	sadd.s32 $0x2A00, s0;
	[sflag:s20] =	ssyncadd.s32 $0xFFFFE0C0  }
0xe5: {  	[spmem:s10] =	stream.indirect.scatter.add.bf16 [tilespmem:s14], [sflag:$0xD], $0x40, s1, s6, $0xb8;
	[tilespmem:$0x1E640] =	vst v63  }
0xe6: {  	_ =	swait.ge [sflag:s21], $0x1F40  }
0xe7: {  	p1 =	seq.s32 s8, $0x9000;
	[sflag:s21] =	ssyncset.done $0x0  }
0xe8: {  	s1 =	simm.s32 @p1 $0x6;
	[sflag:s21] =	ssyncadd.s32 $0xFFFFE0C0  }
0xe9: {  	_ =	swait.ge @p1 [sflag:s1], $0x1F40  }
0xea: {  	[sflag:s1] =	ssyncset.done @p1 $0x0  }
0xeb: {  	[sflag:s1] =	ssyncadd.s32 @p1 $0xFFFFE0C0;
	s1 =	sshra.s32 @p1 s8, $0x2  }
0xec: {  	s31 =	simm.s32 @p1 $0x7D;
	s9 =	simm.s32 @p1 $0xEC40;
	s1 =	sadd.s32 @p1 $0x2A80, s1  }
0xed: {  	[spmem:s10] =	stream.indirect.scatter.add.bf16 @p1 [tilespmem:s9], [sflag:$0xE], $0x40, s1, s31, $0xb8;
	[tilespmem:$0x1E640] =	vst v63  }
0xee: {  	s1 =	simm.s32 @p1 $0xA  }
0xef: {  	_ =	swait.ge @p1 [sflag:s1], $0x1F40  }
0xf0: {  	[sflag:s1] =	ssyncset.done @p1 $0x0  }
0xf1: {  	[sflag:s1] =	ssyncadd.s32 @p1 $0xFFFFE0C0;
	s1 =	sshra.s32 @!p1 s8, $0x2  }
0xf2: {  	s15 =	simm.s32 @!p1 $0x5000;
	s31 =	simm.s32 @!p1 $0x7D;
	s9 =	sadd.s32 @!p1 $0x400, s1  }
0xf3: {  	[tilespmem:s15], [sflag:$0x1] =	stream.indirect.gather @!p1 [hbm4b:s13+s31], $0x40, s9, s31, $0xb8;
	[tilespmem:$0x1E640] =	vst v63  }
0xf4: {  	s9 =	simm.s32 @!p1 $0x6  }
0xf5: {  	_ =	swait.ge @!p1 [sflag:s9], $0x1F40  }
0xf6: {  	[sflag:s9] =	ssyncset.done @!p1 $0x0  }
0xf7: {  	s15 =	simm.s32 @!p1 $0xEC40;
	[sflag:s9] =	ssyncadd.s32 @!p1 $0xFFFFE0C0;
	s9 =	sadd.s32 @!p1 $0x2A80, s1  }
0xf8: {  	[spmem:s10] =	stream.indirect.scatter.add.bf16 @!p1 [tilespmem:s15], [sflag:$0xE], $0x40, s9, s31, $0xb8;
	[tilespmem:$0x1E640] =	vst v63  }
0xf9: {  	s9 =	simm.s32 @!p1 $0xA  }
0xfa: {  	_ =	swait.ge @!p1 [sflag:s9], $0x1F40  }
0xfb: {  	[sflag:s9] =	ssyncset.done @!p1 $0x0  }
0xfc: {  	s1 =	sadd.s32 @!p1 $0x480, s1;
	[sflag:s9] =	ssyncadd.s32 @!p1 $0xFFFFE0C0;
	s9 =	simm.s32 @!p1 $0x6F40  }
0xfd: {  	[tilespmem:s9], [sflag:$0x2] =	stream.indirect.gather @!p1 [hbm4b:s13+s31], $0x40, s1, s31, $0xb8;
	[tilespmem:$0x1E640] =	vst v63  }
0xfe: {  	_ =	swait.ge [sflag:s22], $0x1F40  }
0xff: {  	[sflag:s22] =	ssyncset.done $0x0  }
.Ltmp2:
0x100: {  	s31 =	sadd.s32 $0x2B00, s0;
	[sflag:s22] =	ssyncadd.s32 $0xFFFFE0C0;
	(pc) =	sbr.rel @p1 .LBB2_4-.Ltmp2, $4  }
0x101: {  	[spmem:s10] =	stream.indirect.scatter.add.bf16 [tilespmem:s17], [sflag:$0xF], $0x40, s31, s6, $0xb8;
	[tilespmem:$0x1E640] =	vst v63  }
0x102: {  	_ =	swait.ge [sflag:s23], $0x1F40  }
0x103: {  	[sflag:s23] =	ssyncset.done $0x0  }
0x104: {  	s1 =	sadd.s32 $0x2B80, s0;
	[sflag:s23] =	ssyncadd.s32 $0xFFFFE0C0  }
0x105: {  	s9 =	sadd.s32 $0x500, s0  }
0x106: {  	[tilespmem:s11], [sflag:$0x3] =	stream.indirect.gather [hbm4b:s13+s6], $0x40, s9, s6, $0xb8;
	[tilespmem:$0x1E640] =	vst v63  }
0x107: {  	_ =	swait.ge [sflag:s24], $0x1F40  }
0x108: {  	[sflag:s24] =	ssyncset.done $0x0  }
0x109: {  	[sflag:s24] =	ssyncadd.s32 $0xFFFFE0C0  }
0x10a: {  	[spmem:s10] =	stream.indirect.scatter.add.bf16 [tilespmem:s19], [sflag:$0x10], $0x40, s1, s6, $0xb8;
	[tilespmem:$0x1E640] =	vst v63  }
0x10b: {  	_ =	swait.ge [sflag:s25], $0x1F40  }
0x10c: {  	[sflag:s25] =	ssyncset.done $0x0  }
0x10d: {  	s31 =	sadd.s32 $0x580, s0;
	[sflag:s25] =	ssyncadd.s32 $0xFFFFE0C0  }
0x10e: {  	[tilespmem:s12], [sflag:$0x4] =	stream.indirect.gather [hbm4b:s13+s6], $0x40, s31, s6, $0xb8;
	[tilespmem:$0x1E640] =	vst v63  }
0x10f: {  	_ =	swait.ge [sflag:s4], $0x1F40  }
0x110: {  	[sflag:s4] =	ssyncset.done $0x0  }
0x111: {  	s9 =	sadd.s32 $0x2C00, s0;
	[sflag:s4] =	ssyncadd.s32 $0xFFFFE0C0  }
0x112: {  	[spmem:s10] =	stream.indirect.scatter.add.bf16 [tilespmem:s2], [sflag:$0x9], $0x40, s9, s6, $0xb8;
	[tilespmem:$0x1E640] =	vst v63  }
0x113: {  	_ =	swait.ge [sflag:s26], $0x1F40  }
0x114: {  	[sflag:s26] =	ssyncset.done $0x0  }
0x115: {  	s15 =	sadd.s32 $0x600, s0;
	[sflag:s26] =	ssyncadd.s32 $0xFFFFE0C0  }
0x116: {  	[tilespmem:s14], [sflag:$0x5] =	stream.indirect.gather [hbm4b:s13+s6], $0x40, s15, s6, $0xb8;
	[tilespmem:$0x1E640] =	vst v63  }
0x117: {  	_ =	swait.ge [sflag:s5], $0x1F40  }
0x118: {  	[sflag:s5] =	ssyncset.done $0x0  }
0x119: {  	s31 =	sadd.s32 $0x2C80, s0;
	[sflag:s5] =	ssyncadd.s32 $0xFFFFE0C0  }
0x11a: {  	[spmem:s10] =	stream.indirect.scatter.add.bf16 [tilespmem:s7], [sflag:$0xA], $0x40, s31, s6, $0xb8;
	[tilespmem:$0x1E640] =	vst v63  }
0x11b: {  	_ =	swait.ge [sflag:s28], $0x1F40  }
0x11c: {  	[sflag:s28] =	ssyncset.done $0x0  }
0x11d: {  	s9 =	sadd.s32 $0x680, s0;
	s15 =	simm.s32 $0xEC40;
	[sflag:s28] =	ssyncadd.s32 $0xFFFFE0C0  }
0x11e: {  	[tilespmem:s15], [sflag:$0x6] =	stream.indirect.gather [hbm4b:s13+s6], $0x40, s9, s6, $0xb8;
	[tilespmem:$0x1E640] =	vst v63  }
0x11f: {  	_ =	swait.ge [sflag:s16], $0x1F40  }
0x120: {  	[sflag:s16] =	ssyncset.done $0x0  }
0x121: {  	s31 =	sadd.s32 $0x2D00, s0;
	[sflag:s16] =	ssyncadd.s32 $0xFFFFE0C0  }
0x122: {  	[spmem:s10] =	stream.indirect.scatter.add.bf16 [tilespmem:s11], [sflag:$0xB], $0x40, s31, s6, $0xb8;
	[tilespmem:$0x1E640] =	vst v63  }
0x123: {  	_ =	swait.ge [sflag:s29], $0x1F40  }
0x124: {  	[sflag:s29] =	ssyncset.done $0x0  }
0x125: {  	s9 =	sadd.s32 $0x700, s0;
	[sflag:s29] =	ssyncadd.s32 $0xFFFFE0C0  }
0x126: {  	[tilespmem:s17], [sflag:$0x7] =	stream.indirect.gather [hbm4b:s13+s6], $0x40, s9, s6, $0xb8;
	[tilespmem:$0x1E640] =	vst v63  }
0x127: {  	_ =	swait.ge [sflag:s18], $0x1F40  }
0x128: {  	[sflag:s18] =	ssyncset.done $0x0  }
0x129: {  	s15 =	sadd.s32 $0x2D80, s0;
	[sflag:s18] =	ssyncadd.s32 $0xFFFFE0C0  }
0x12a: {  	[spmem:s10] =	stream.indirect.scatter.add.bf16 [tilespmem:s12], [sflag:$0xC], $0x40, s15, s6, $0xb8;
	[tilespmem:$0x1E640] =	vst v63  }
.Ltmp3:
0x12b: {  	_ = 	snop;
	(pc) =	sbr.rel .LBB2_2-.Ltmp3, $4  }
0x12c: {  	_ =	swait.ge [sflag:s30], $0x1F40  }
0x12d: {  	[sflag:s30] =	ssyncset.done $0x0  }
0x12e: {  	s8 =	sadd.s32 $0x1000, s8;
	s31 =	sadd.s32 $0x780, s0;
	[sflag:s30] =	ssyncadd.s32 $0xFFFFE0C0  }
0x12f: {  	[tilespmem:s19], [sflag:$0x8] =	stream.indirect.gather [hbm4b:s13+s6], $0x40, s31, s6, $0xb8;
	[tilespmem:$0x1E640] =	vst v63  }
.LBB2_5:
0x130: {  	_ =	sfence.sel $0x180000  }
0x131: {  	[bflag:$0x0] =	sbarrier.arrive $0xFFFF  }
0x132: {  	_ =	strace $0x9000004D  }
0x133: {  	s0 =	stileid.u32;
	[bflag:$0x2] =	sbarrier.arrive $0xFFFF  }
0x134: {  	p0 =	sne.s32 s0, $0x0;
	s0 =	rddreg [dreg:$0x3]  }
0x135: {  	s0 =	sadd.s32 @!p0 $0x100000, s0  }
0x136: {  	[sflag:s0] =	ssyncadd.tile.s32 @!p0 $0x1;
	_ =	shalt  }
.Lfunc_end2:
_tile_overlayer_lowered:
.L_overlay_start_2:
0x137: {  	(tag) =	ssettag $0x2  }
0x138: {  	s0 =	rddreg [dreg:$0x0];
	s2 =	stileid.u32  }
0x139: {  	s1 =	rddreg [dreg:$0x1];
	p0 =	sne.s32 s2, $0x0  }
0x13a: {  	s3 =	rddreg [dreg:$0x2];
	[bflag:$0x3] =	sbarrier.arrive $0xFFFF;
	s2 =	simm.s32 @!p0 $0x1C11  }
0x13b: {  	[timem:s3], [sflag:s2] =	dma.local @!p0 [hbm:s0], s1  }
0x13c: {  	s0 =	simm.s32 @!p0 $0x11  }
0x13d: {  	_ =	swait.ge @!p0 [sflag:s0], s1  }
0x13e: {  	s1 =	ssub.s32 @!p0 $0x0, s1;
	[sflag:s0] =	ssyncset.done @!p0 $0x0  }
0x13f: {  	[sflag:s0] =	ssyncadd.s32 @!p0 s1  }
0x140: {  	[bflag:$0x3] =	sbarrier.arrive $0xFFFF  }
0x141: {  	_ =	shalt  }

// kernel: kernel.15.cloned.1.call-start
scs
__scs_entry_jumppad:
0x0: {  	(pc) =	sbr.rel $0x88, $3  }
0x1: {  	(tag) =	ssettag $0x0;
	lr =	simm.s32 $0x1  }
0x2: {  	[smem:$0x3F96] =	sst lr;
	_ =	strace $0xD0000000  }
0x3: {  	_ = 	snop  }
0x4: {  	_ = 	snop  }
0x5: {  	_ = 	snop  }
0x6: {  	_ = 	snop  }
0x7: {  	_ = 	snop  }
__scs_overlays_trampoline_lowered:
0x8: {  	[smem:$0x3FA5] =	sst s0  }
0x9: {  	[smem:$0x3FA6] =	sst s1  }
0xa: {  	[smem:$0x3FA7] =	sst s2  }
0xb: {  	[smem:$0x3FA8] =	sst s3  }
0xc: {  	[smem:$0x3FA9] =	sst s4  }
0xd: {  	[smem:$0x3FAA] =	sst s5  }
0xe: {  	[smem:$0x3FAB] =	sst s6  }
0xf: {  	[smem:$0x3FAC] =	sst s7  }
0x10: {  	[smem:$0x3FAD] =	sst s8  }
0x11: {  	[smem:$0x3FAE] =	sst s9;
	s0 =	simm.s32 @!p0 $0x0  }
0x12: {  	s1 =	sld [smem:$0x3F94];
	s0 =	simm.s32 @p0 $0x1  }
0x13: {  	[smem:$0x3FAF] =	sst s0;
	s0 =	simm.s32 @!p1 $0x0  }
0x14: {  	s2 =	sld [smem:$0x3F93];
	s0 =	simm.s32 @p1 $0x1  }
0x15: {  	[smem:$0x3FB0] =	sst s0;
	s0 =	simm.s32 @!p2 $0x0  }
0x16: {  	s3 =	sld [smem:$0x3FDB];
	s0 =	simm.s32 @p2 $0x1  }
0x17: {  	s4 =	simm.s32 $0x1BF5;
	[smem:$0x3FB2] =	sst s0  }
0x18: {  	s0 =	sld [smem:$0x3F95];
	_ =	swait.ge [sflag:s4], $0x0  }
0x19: {  	s7 =	sld [smem:$0x3F96]  }
0x1a: {  	s8 =	sadd.s32 $0xFFFFE003, lr  }
0x1b: {  	s9 =	sadd.s32 $0xFFFFFEF7, lr;
	s5 =	simm.s32 $0xFFFFFFFF;
	p2 =	slt.u32 s8, $0xFFFFF086  }
0x1c: {  	p1 =	slt.u32 s9, $0xF7A;
	s5 =	simm.s32 @!p2 $0x0  }
0x1d: {  	s5 =	simm.s32 @p1 $0x1;
	p0 =	seq.s32 s7, s2  }
0x1e: {  	s7 =	smul.u32 @!p0 $0xF7A, s2;
	p2 =	seq.s32 @!p0 s5, $0x0  }
0x1f: {  	s9 =	smul.u32 $0xF7A, s1;
	s8 =	simm.s32 @!p0 $0x1BF5;
	p2 =	por !p2, p0  }
0x20: {  	[sflag:s8] =	ssyncset.s32 @!p0 $0xFFFFF086;
	s6 =	sadd.s32 @!p0 s3, s7;
	s7 =	simm.s32 @!p0 $0x108  }
0x21: {  	s3 =	sadd.s32 s3, s9;
	s6 =	sadd.s32 @!p0 $0x88, s6;
	s7 =	simm.s32 @p2 $0x1082  }
0x22: {  	[simem:s7], [sflag:s8] =	dma.local @!p0 [hbm:s6], $0xF7A  }
0x23: {  	s9 =	sor.u32 $0xD0000000, s2;
	s6 =	simm.s32 $0x108;
	_ =	swait.ge @!p0 [sflag:s8], $0x0  }
0x24: {  	s3 =	sadd.s32 $0x88, s3;
	s6 =	simm.s32 @!p1 $0x1082;
	[sflag:s4] =	ssyncset.s32 $0xFFFFF086  }
0x25: {  	[simem:s6], [sflag:s4] =	dma.local [hbm:s3], $0xF7A  }
0x26: {  	[smem:$0x3F96] =	sst s1;
	(tag) =	ssettag s2;
	_ =	strace s9  }
0x27: {  	s1 =	sld [smem:$0x3FA6]  }
0x28: {  	s2 =	sld [smem:$0x3FA7]  }
0x29: {  	s4 =	sld [smem:$0x3FA9]  }
0x2a: {  	p0 =	seq.s32 s5, $0x0;
	s5 =	sld [smem:$0x3FAA]  }
0x2b: {  	s6 =	sld [smem:$0x3FAB]  }
0x2c: {  	s7 =	sld [smem:$0x3FAC]  }
0x2d: {  	s3 =	simm.s32 $0x108;
	s8 =	sld [smem:$0x3FAD]  }
0x2e: {  	s3 =	simm.s32 @!p0 $0x1082;
	s9 =	sld [smem:$0x3FAE]  }
0x2f: {  	lr =	sadd.s32 s0, s3;
	s0 =	sld [smem:$0x3FA5]  }
0x30: {  	s3 =	sld [smem:$0x3FA8]  }
0x31: {  	[smem:$0x3FB1] =	sst s10  }
0x32: {  	s10 =	sld [smem:$0x3FAF];
	_ =	sdelay $0x3  }
0x33: {  	p0 =	seq.s32 s10, $0x1;
	s10 =	sld [smem:$0x3FB1];
	_ =	sdelay $0x3  }
0x34: {  	[smem:$0x3FB1] =	sst s10  }
0x35: {  	s10 =	sld [smem:$0x3FB0];
	_ =	sdelay $0x3  }
0x36: {  	p1 =	seq.s32 s10, $0x1;
	s10 =	sld [smem:$0x3FB1];
	_ =	sdelay $0x3  }
0x37: {  	[smem:$0x3FB1] =	sst s10  }
0x38: {  	s10 =	sld [smem:$0x3FB2]  }
0x39: {  	_ = 	snop;
	(pc) =	sbr.ind lr, $3  }
0x3a: {  	_ = 	snop  }
0x3b: {  	_ = 	snop  }
0x3c: {  	p2 =	seq.s32 s10, $0x1;
	s10 =	sld [smem:$0x3FB1]  }
0x3d: {  	_ =	shalt  }
0x3e: {  	_ =	shalt  }
0x3f: {  	_ =	shalt  }
0x40: {  	_ =	shalt  }
0x41: {  	_ =	shalt  }
0x42: {  	_ =	shalt  }
0x43: {  	_ =	shalt  }
0x44: {  	_ =	shalt  }
0x45: {  	_ =	shalt  }
0x46: {  	_ =	shalt  }
0x47: {  	_ =	shalt  }
0x48: {  	_ =	shalt  }
0x49: {  	_ =	shalt  }
0x4a: {  	_ =	shalt  }
0x4b: {  	_ =	shalt  }
0x4c: {  	_ =	shalt  }
0x4d: {  	_ =	shalt  }
0x4e: {  	_ =	shalt  }
0x4f: {  	_ =	shalt  }
0x50: {  	_ =	shalt  }
0x51: {  	_ =	shalt  }
0x52: {  	_ =	shalt  }
0x53: {  	_ =	shalt  }
0x54: {  	_ =	shalt  }
0x55: {  	_ =	shalt  }
0x56: {  	_ =	shalt  }
0x57: {  	_ =	shalt  }
0x58: {  	_ =	shalt  }
0x59: {  	_ =	shalt  }
0x5a: {  	_ =	shalt  }
0x5b: {  	_ =	shalt  }
0x5c: {  	_ =	shalt  }
0x5d: {  	_ =	shalt  }
0x5e: {  	_ =	shalt  }
0x5f: {  	_ =	shalt  }
0x60: {  	_ =	shalt  }
0x61: {  	_ =	shalt  }
0x62: {  	_ =	shalt  }
0x63: {  	_ =	shalt  }
0x64: {  	_ =	shalt  }
0x65: {  	_ =	shalt  }
0x66: {  	_ =	shalt  }
0x67: {  	_ =	shalt  }
0x68: {  	_ =	shalt  }
0x69: {  	_ =	shalt  }
0x6a: {  	_ =	shalt  }
0x6b: {  	_ =	shalt  }
0x6c: {  	_ =	shalt  }
0x6d: {  	_ =	shalt  }
0x6e: {  	_ =	shalt  }
0x6f: {  	_ =	shalt  }
0x70: {  	_ =	shalt  }
0x71: {  	_ =	shalt  }
0x72: {  	_ =	shalt  }
0x73: {  	_ =	shalt  }
0x74: {  	_ =	shalt  }
0x75: {  	_ =	shalt  }
0x76: {  	_ =	shalt  }
0x77: {  	_ =	shalt  }
0x78: {  	_ =	shalt  }
0x79: {  	_ =	shalt  }
0x7a: {  	_ =	shalt  }
0x7b: {  	_ =	shalt  }
0x7c: {  	_ =	shalt  }
0x7d: {  	_ =	shalt  }
0x7e: {  	_ =	shalt  }
0x7f: {  	_ =	shalt  }
0x80: {  	_ =	shalt  }
0x81: {  	_ =	shalt  }
0x82: {  	_ =	shalt  }
0x83: {  	_ =	shalt  }
0x84: {  	_ =	shalt  }
0x85: {  	_ =	shalt  }
0x86: {  	_ =	shalt  }
0x87: {  	_ =	shalt  }
.Lfunc_end0:
.L_simem_size_0:
called_computation.2_lowered:
.L_overlay_start_0:
0x88: {  	s2 =	sld [smem:$0x3FD9]  }
0x89: {  	s3 =	sld [smem:$0x3FFE];
	_ =	sdelay $0x1  }
0x8a: {  	s1 =	srdreg.scid  }
0x8b: {  	s0 =	sand.u32 $0x1, s1  }
0x8c: {  	s16 =	sshll.u32 s0, $0xA;
	s2 =	sadd.s32 s3, s2  }
0x8d: {  	s2 =	sadd.s32 s2, s16  }
0x8e: {  	[smem:$0x3FBD] =	sst s2  }
0x8f: {  	_ = 	snop  }
0x90: {  	(tm) =	ssettm $0x1  }
0x91: {  	s17 =	sld [smem:$0x3FFB];
	_ =	sdelay $0x3  }
0x92: {  	_ =	strace s17  }
0x93: {  	s2 =	sld [smem:$0x3FFC];
	_ =	sdelay $0x3  }
0x94: {  	_ =	strace s2  }
0x95: {  	s2 =	sld [smem:$0x3FFD];
	_ =	sdelay $0x3  }
0x96: {  	_ =	strace s2  }
0x97: {  	_ =	strace $0x8FFFFFFF  }
0x98: {  	s18 =	sld [smem:$0x3FDB];
	_ =	sdelay $0x1  }
0x99: {  	s19 =	simm.s32 $_scs_section_size  }
0x9a: {  	s4 =	simm.s32 $_size__tile_overlayer_lowered;
	s5 =	simm.s32 $_tile_overlayer_lowered  }
0x9b: {  	s22 =	simm.s32 $0x1BFF;
	s21 =	sshll.u32 s5, $0x1;
	s2 =	sadd.s32 s19, s18  }
0x9c: {  	s6 =	simm.s32 $0x0;
	s20 =	sshll.u32 s4, $0x1;
	s4 =	sadd.s32 s21, s2  }
0x9d: {  	[timem:s6], [sflag:s22] =	dma.local [hbm:s4], s20  }
0x9e: {  	_ =	swait.ge [sflag:s22], s20  }
0x9f: {  	s3 =	ssub.s32 $0x0, s20;
	[sflag:s22] =	ssyncset.done $0x0  }
0xa0: {  	[sflag:s22] =	ssyncadd.s32 s3;
	_ =	sdelay $0x1  }
0xa1: {  	s23 =	simm.s32 $0x1B8B  }
0xa2: {  	_ =	swait.ge [sflag:s23], $0x1  }
0xa3: {  	[sflag:s23] =	ssyncset.done $0x0  }
0xa4: {  	s25 =	simm.s32 $0x1B8E;
	s24 =	sld [smem:$0x3FFE];
	[sflag:s23] =	ssyncadd.s32 $0xFFFFFFFF  }
0xa5: {  	s26 =	simm.s32 $execute0_lowered;
	[smem:$0x3FD2] =	sst s25  }
0xa6: {  	s4 =	sshll.u32 s26, $0x1;
	_ =	strace $0x80000049;
	[dreg:$0x1] =	wrdreg $0xFFFFFFFF  }
0xa7: {  	s28 =	simm.s32 $_size_execute0_lowered;
	s2 =	sadd.s32 s2, s4;
	[dreg:$0x0] =	wrdreg $0x0  }
0xa8: {  	s4 =	sshll.u32 s28, $0x1;
	[dreg:$0x2] =	wrdreg s2  }
0xa9: {  	[dreg:$0x3] =	wrdreg s4  }
0xaa: {  	[dreg:$0x4] =	wrdreg $0xC0  }
0xab: {  	_ =	task [dreg:s6], $0x5FFFF  }
0xac: {  	[dreg:$0x1] =	wrdreg $0xFFFFFFFF  }
0xad: {  	[dreg:$0x0] =	wrdreg $0x60  }
0xae: {  	[dreg:$0x2] =	wrdreg s24  }
0xaf: {  	[dreg:$0x3] =	wrdreg $0xCD000  }
0xb0: {  	[dreg:$0x4] =	wrdreg $0xA  }
0xb1: {  	_ =	task.clear_ibuf [dreg:s6], $0x5FFFF;
	_ =	strace $0x90000049  }
0xb2: {  	s29 =	simm.s32 $0xA;
	_ =	strace $0x8000004B  }
0xb3: {  	_ =	swait.ge [sflag:s29], $0x1  }
0xb4: {  	[sflag:s29] =	ssyncadd.s32 $0xFFFFFFFF  }
0xb5: {  	_ =	strace $0x9000004B  }
0xb6: {  	_ =	sfence  }
0xb7: {  	s30 =	sld [smem:$0x0];
	_ =	sdelay $0x2  }
0xb8: {  	s31 =	sshll.u32 s1, $0xD;
	s1 =	sshrl.u32 s1, $0x2  }
0xb9: {  	s3 =	sand.u32 $0x4000, s31;
	s1 =	sadd.s32 s1, s30  }
0xba: {  	s0 =	sor.u32 s3, s0;
	s1 =	sshll.u32 s1, $0x11  }
0xbb: {  	s0 =	sor.u32 s1, s0  }
0xbc: {  	s0 =	sadd.s32 $0x8F2B, s0  }
0xbd: {  	[sflag:s0] =	ssyncadd.remote.s32 $0x1  }
0xbe: {  	_ =	sfence.sel $0xFFFF  }
0xbf: {  	[dreg:$0x0] =	wrdreg $0xFFFFFFFF;
	(pc) =	sbr.abs _section_cstart, $3  }
0xc0: {  	[dreg:$0x1] =	wrdreg $0xFFFFFFFF  }
0xc1: {  	_ =	task.clear_ibuf [dreg:s6], $0x2FFFF;
	_ =	strace $0x9FFFFFFF  }
0xc2: {  	(tm) =	ssettm $0x7FFFFFFF  }
0xc3: {  	_ =	shalt  }
tec
execute0_lowered:
.L_overlay_start_1:
0x0: {  	(tag) =	ssettag $0x1  }
0x1: {  	s0 =	srdreg.scid;
	s1 =	rddreg [dreg:$0x0]  }
0x2: {  	s23 =	stileid.u32;
	s31 =	simm.s32 $0x0;
	s28 =	simm.s32 $0xE  }
0x3: {  	s29 =	simm.s32 $0xF;
	s30 =	simm.s32 $0x10;
	s0 =	sand.u32 $0x1, s0  }
0x4: {  	[smem:$0x7FF] =	sst s31;
	s8 =	sadd.s32 $0xDCC00, s1;
	s11 =	sor.u32 $0x10, s23  }
0x5: {  	s13 =	sor.u32 $0x20, s23;
	s14 =	sor.u32 $0x30, s23;
	s15 =	sor.u32 $0x40, s23  }
0x6: {  	s16 =	sor.u32 $0x50, s23;
	s17 =	sor.u32 $0x60, s23;
	s9 =	smul.u32 $0x9C400, s0  }
0x7: {  	s2 =	sshll.u32 s0, $0x4;
	s3 =	ssub.s32 $0x2, s0;
	s0 =	smul.u32 $0x1400, s23  }
0x8: {  	s18 =	sor.u32 $0x70, s23;
	s21 =	smul.u32 $0x1400, s17;
	s2 =	sor.u32 s23, s2  }
0x9: {  	p0 =	sgt.u32 s18, $0x7C;
	s22 =	sshrl.u32 s3, $0x1;
	s7 =	smul.u32 $0x500, s2  }
0xa: {  	s10 =	ssub.s32 s3, s22;
	s24 =	sadd.s32 s9, s0;
	s2 =	smul.u32 $0x1400, s11  }
0xb: {  	s3 =	smul.u32 $0x1400, s13;
	s0 =	sshrl.u32 s0, $0x1;
	s4 =	sshrl.u32 s24, $0x4  }
0xc: {  	s10 =	smax.u32 s10, $0x1;
	s4 =	sadd.s32 s8, s4;
	s5 =	sadd.s32 s9, s2  }
0xd: {  	s6 =	sadd.s32 s9, s3;
	[dreg:$0x3] =	wrdreg s4;
	s4 =	smul.u32 $0x1400, s14  }
0xe: {  	s7 =	sadd.s32 s7, s1;
	s12 =	sshrl.u32 s5, $0x4;
	s5 =	smul.u32 $0x1400, s15  }
0xf: {  	s19 =	sshrl.u32 s6, $0x4;
	s6 =	smul.u32 $0x1400, s16;
	s12 =	sadd.s32 s8, s12  }
0x10: {  	s25 =	sadd.s32 s8, s19;
	s20 =	sadd.s32 s9, s4;
	[dreg:$0x4] =	wrdreg s12  }
0x11: {  	[dreg:$0x5] =	wrdreg s25;
	s22 =	sadd.s32 s9, s5;
	s24 =	sadd.s32 s9, s6  }
0x12: {  	s26 =	sshrl.u32 s20, $0x4;
	s19 =	sshrl.u32 s22, $0x4;
	s22 =	smul.u32 $0x1400, s18  }
0x13: {  	s20 =	sshrl.u32 s24, $0x4;
	s24 =	smul.u32 $0x2800, s11;
	s12 =	sadd.s32 s8, s26  }
0x14: {  	s11 =	smul.u32 $0x2800, s13;
	s25 =	sadd.s32 s8, s19;
	[dreg:$0x6] =	wrdreg s12  }
0x15: {  	s13 =	smul.u32 $0x2800, s14;
	s26 =	sadd.s32 s8, s20;
	[dreg:$0x7] =	wrdreg s25  }
0x16: {  	s19 =	sadd.s32 s9, s21;
	[dreg:$0x8] =	wrdreg s26;
	s20 =	sadd.s32 s9, s22  }
0x17: {  	s9 =	rddreg [dreg:$0x1];
	s12 =	sshrl.u32 s19, $0x4;
	s26 =	smul.u32 $0x2800, s23  }
0x18: {  	s25 =	sadd.s32 $0x22800, s7;
	s7 =	sadd.s32 $0x18800, s7;
	s23 =	smul.u32 $0x2800, s16  }
0x19: {  	s19 =	sshrl.u32 s20, $0x4;
	s12 =	sadd.s32 s8, s12;
	s20 =	sshrl.u32 s13, $0x2  }
0x1a: {  	s0 =	sadd.s32 s0, s9;
	[dreg:$0x9] =	wrdreg s12;
	s8 =	sadd.s32 s8, s19  }
0x1b: {  	s12 =	sadd.s32 $0xD600, s1;
	s1 =	sadd.s32 $0x2C800, s1;
	[dreg:$0xa] =	wrdreg s8  }
0x1c: {  	s19 =	smul.u32 $0x2800, s15;
	_ =	strace $0x8000004A;
	[dreg:$0xb] =	wrdreg s1  }
0x1d: {  	s15 =	sshrl.u32 s2, $0x1;
	s2 =	simm.s32 $0x0;
	[dreg:$0xc] =	wrdreg s25  }
0x1e: {  	s8 =	sshrl.u32 s24, $0x2;
	s24 =	sadd.s32 s20, s9;
	[dreg:$0xd] =	wrdreg s7  }
0x1f: {  	s16 =	sadd.s32 s15, s9;
	[dreg:$0xe] =	wrdreg s10;
	s1 =	sshrl.u32 s26, $0x2  }
0x20: {  	s14 =	sadd.s32 s8, s9;
	[dreg:$0x12] =	wrdreg s24;
	s25 =	smul.u32 $0x2800, s17  }
0x21: {  	s7 =	sshrl.u32 s11, $0x2;
	s26 =	smul.u32 $0x2800, s18;
	[dreg:$0x17] =	wrdreg s0  }
0x22: {  	s11 =	sshrl.u32 s23, $0x2;
	[dreg:$0x18] =	wrdreg s16;
	s17 =	sshrl.u32 s3, $0x1  }
0x23: {  	s18 =	sshrl.u32 s4, $0x1;
	s23 =	sshrl.u32 s6, $0x1;
	s24 =	sshrl.u32 s21, $0x1  }
0x24: {  	s3 =	simm.s32 $0x5000;
	s4 =	simm.s32 $0x11;
	s6 =	simm.s32 $0x2  }
0x25: {  	s8 =	simm.s32 $0x7D;
	s10 =	simm.s32 $0x5FA0;
	s16 =	simm.s32 $0x3  }
0x26: {  	s21 =	simm.s32 $0x9;
	s1 =	sadd.s32 s1, s9;
	[dreg:$0x10] =	wrdreg s14  }
0x27: {  	s7 =	sadd.s32 s7, s9;
	s0 =	sadd.s32 s17, s9;
	[dreg:$0xf] =	wrdreg s1  }
0x28: {  	s17 =	simm.s32 $0xADC0;
	[dreg:$0x11] =	wrdreg s7;
	s1 =	sshrl.u32 s19, $0x2  }
0x29: {  	s7 =	sshrl.u32 s25, $0x2;
	s14 =	sshrl.u32 s26, $0x2;
	[dreg:$0x19] =	wrdreg s0  }
0x2a: {  	s19 =	sshrl.u32 s5, $0x1;
	s0 =	sadd.s32 s18, s9;
	s25 =	sshrl.u32 s22, $0x1  }
0x2b: {  	s5 =	simm.s32 $0x1;
	s18 =	simm.s32 $0x4;
	s22 =	simm.s32 $0x7  }
0x2c: {  	s1 =	sadd.s32 s1, s9;
	s13 =	sadd.s32 s7, s9;
	[dreg:$0x1a] =	wrdreg s0  }
0x2d: {  	s20 =	sadd.s32 s19, s9;
	s0 =	sadd.s32 s23, s9;
	[dreg:$0x13] =	wrdreg s1  }
0x2e: {  	s26 =	sadd.s32 s25, s9;
	s19 =	simm.s32 $0xBD60;
	[dreg:$0x15] =	wrdreg s13  }
0x2f: {  	s23 =	simm.s32 $0xB;
	s25 =	simm.s32 $0xC;
	[dreg:$0x1b] =	wrdreg s20  }
.Ltmp0:
0x30: {  	s1 =	sadd.s32 s11, s9;
	[dreg:$0x1c] =	wrdreg s0;
	(pc) =	sbr.rel .LBB2_1-.Ltmp0, $4  }
0x31: {  	s0 =	sadd.s32 s24, s9;
	[dreg:$0x1e] =	wrdreg s26;
	s11 =	simm.s32 $0x6F40  }
0x32: {  	s13 =	simm.s32 $0x7EE0;
	s20 =	simm.s32 $0x5;
	[dreg:$0x14] =	wrdreg s1  }
0x33: {  	s24 =	simm.s32 $0x8;
	s1 =	sadd.s32 s14, s9;
	[dreg:$0x1d] =	wrdreg s0  }
0x34: {  	s26 =	simm.s32 $0xD;
	s14 =	simm.s32 $0x8E80;
	[dreg:$0x16] =	wrdreg s1  }
.LBB2_4:
0x35: {  	_ =	swait.ge [sflag:s24], $0xFA0  }
0x36: {  	[sflag:s24] =	ssyncset.done $0x0  }
0x37: {  	[sflag:s24] =	ssyncadd.s32 $0xFFFFF060  }
0x38: {  	[spmem:s9] =	stream.indirect.scatter.add.bf16 [tilespmem:s19], [sflag:$0x10], $0x20, s1, s8, $0xb8;
	[tilespmem:$0x11B20] =	vst v63  }
0x39: {  	_ =	swait.ge [sflag:s25], $0xFA0  }
0x3a: {  	[sflag:s25] =	ssyncset.done $0x0  }
0x3b: {  	[sflag:s25] =	ssyncadd.s32 $0xFFFFF060  }
0x3c: {  	_ =	swait.ge [sflag:s26], $0xFA0  }
0x3d: {  	[sflag:s26] =	ssyncset.done $0x0  }
0x3e: {  	[sflag:s26] =	ssyncadd.s32 $0xFFFFF060  }
0x3f: {  	_ =	swait.ge [sflag:s28], $0xFA0  }
0x40: {  	[sflag:s28] =	ssyncset.done $0x0  }
0x41: {  	[sflag:s28] =	ssyncadd.s32 $0xFFFFF060  }
0x42: {  	_ =	swait.ge [sflag:s29], $0xFA0  }
0x43: {  	[sflag:s29] =	ssyncset.done $0x0  }
0x44: {  	[sflag:s29] =	ssyncadd.s32 $0xFFFFF060  }
0x45: {  	_ =	swait.ge [sflag:s30], $0xFA0  }
0x46: {  	[sflag:s30] =	ssyncset.done $0x0  }
0x47: {  	[sflag:s30] =	ssyncadd.s32 $0xFFFFF060  }
0x48: {  	[bflag:$0x0] =	sbarrier.arrive $0xFFFF  }
0x49: {  	s1 =	simm.s32 $0x12;
	s0 =	rddreg [dreg:$0x17]  }
0x4a: {  	[tilespmem:s3], [sflag:$0x12] =	stream.linear.gather [spmem:s0], $0xA00, $0x38;
	[tilespmem:$0x11B20] =	vst v63  }
0x4b: {  	_ =	swait.ge [sflag:s1], $0xA00  }
0x4c: {  	[sflag:s1] =	ssyncset.done $0x0  }
0x4d: {  	s31 =	simm.s32 $0x0;
	s2 =	rddreg [dreg:$0x3];
	[sflag:s1] =	ssyncadd.s32 $0xFFFFF600  }
0x4e: {  	[hbm4b:s2+s31] =	stream.linear.scatter [tilespmem:s3], [sflag:$0x11], $0xA00, $0x38;
	[tilespmem:$0x11B20] =	vst v63  }
0x4f: {  	_ =	swait.ge [sflag:s4], $0xA00  }
0x50: {  	[sflag:s4] =	ssyncset.done $0x0  }
0x51: {  	s7 =	rddreg [dreg:$0x18];
	[sflag:s4] =	ssyncadd.s32 $0xFFFFF600  }
0x52: {  	[tilespmem:s3], [sflag:$0x12] =	stream.linear.gather [spmem:s7], $0xA00, $0x38;
	[tilespmem:$0x11B20] =	vst v63  }
0x53: {  	_ =	swait.ge [sflag:s1], $0xA00  }
0x54: {  	[sflag:s1] =	ssyncset.done $0x0  }
0x55: {  	s15 =	rddreg [dreg:$0x4];
	[sflag:s1] =	ssyncadd.s32 $0xFFFFF600  }
0x56: {  	[hbm4b:s15+s31] =	stream.linear.scatter [tilespmem:s3], [sflag:$0x11], $0xA00, $0x38;
	[tilespmem:$0x11B20] =	vst v63  }
0x57: {  	_ =	swait.ge [sflag:s4], $0xA00  }
0x58: {  	[sflag:s4] =	ssyncset.done $0x0  }
0x59: {  	s2 =	rddreg [dreg:$0x19];
	[sflag:s4] =	ssyncadd.s32 $0xFFFFF600  }
0x5a: {  	[tilespmem:s3], [sflag:$0x12] =	stream.linear.gather [spmem:s2], $0xA00, $0x38;
	[tilespmem:$0x11B20] =	vst v63  }
0x5b: {  	_ =	swait.ge [sflag:s1], $0xA00  }
0x5c: {  	[sflag:s1] =	ssyncset.done $0x0  }
0x5d: {  	s7 =	rddreg [dreg:$0x5];
	[sflag:s1] =	ssyncadd.s32 $0xFFFFF600  }
0x5e: {  	[hbm4b:s7+s31] =	stream.linear.scatter [tilespmem:s3], [sflag:$0x11], $0xA00, $0x38;
	[tilespmem:$0x11B20] =	vst v63  }
0x5f: {  	_ =	swait.ge [sflag:s4], $0xA00  }
0x60: {  	[sflag:s4] =	ssyncset.done $0x0  }
0x61: {  	s15 =	rddreg [dreg:$0x1a];
	[sflag:s4] =	ssyncadd.s32 $0xFFFFF600  }
0x62: {  	[tilespmem:s3], [sflag:$0x12] =	stream.linear.gather [spmem:s15], $0xA00, $0x38;
	[tilespmem:$0x11B20] =	vst v63  }
0x63: {  	_ =	swait.ge [sflag:s1], $0xA00  }
0x64: {  	[sflag:s1] =	ssyncset.done $0x0  }
0x65: {  	s2 =	rddreg [dreg:$0x6];
	[sflag:s1] =	ssyncadd.s32 $0xFFFFF600  }
0x66: {  	[hbm4b:s2+s31] =	stream.linear.scatter [tilespmem:s3], [sflag:$0x11], $0xA00, $0x38;
	[tilespmem:$0x11B20] =	vst v63  }
0x67: {  	_ =	swait.ge [sflag:s4], $0xA00  }
0x68: {  	[sflag:s4] =	ssyncset.done $0x0  }
0x69: {  	s7 =	rddreg [dreg:$0x1b];
	[sflag:s4] =	ssyncadd.s32 $0xFFFFF600  }
0x6a: {  	[tilespmem:s3], [sflag:$0x12] =	stream.linear.gather [spmem:s7], $0xA00, $0x38;
	[tilespmem:$0x11B20] =	vst v63  }
0x6b: {  	_ =	swait.ge [sflag:s1], $0xA00  }
0x6c: {  	[sflag:s1] =	ssyncset.done $0x0  }
0x6d: {  	s15 =	rddreg [dreg:$0x7];
	[sflag:s1] =	ssyncadd.s32 $0xFFFFF600  }
0x6e: {  	[hbm4b:s15+s31] =	stream.linear.scatter [tilespmem:s3], [sflag:$0x11], $0xA00, $0x38;
	[tilespmem:$0x11B20] =	vst v63  }
0x6f: {  	_ =	swait.ge [sflag:s4], $0xA00  }
0x70: {  	[sflag:s4] =	ssyncset.done $0x0  }
0x71: {  	s2 =	rddreg [dreg:$0x1c];
	[sflag:s4] =	ssyncadd.s32 $0xFFFFF600  }
0x72: {  	[tilespmem:s3], [sflag:$0x12] =	stream.linear.gather [spmem:s2], $0xA00, $0x38;
	[tilespmem:$0x11B20] =	vst v63  }
0x73: {  	_ =	swait.ge [sflag:s1], $0xA00  }
0x74: {  	[sflag:s1] =	ssyncset.done $0x0  }
0x75: {  	s7 =	rddreg [dreg:$0x8];
	[sflag:s1] =	ssyncadd.s32 $0xFFFFF600  }
0x76: {  	[hbm4b:s7+s31] =	stream.linear.scatter [tilespmem:s3], [sflag:$0x11], $0xA00, $0x38;
	[tilespmem:$0x11B20] =	vst v63  }
0x77: {  	_ =	swait.ge [sflag:s4], $0xA00  }
0x78: {  	[sflag:s4] =	ssyncset.done $0x0  }
0x79: {  	s15 =	rddreg [dreg:$0x1d];
	[sflag:s4] =	ssyncadd.s32 $0xFFFFF600  }
0x7a: {  	[tilespmem:s3], [sflag:$0x12] =	stream.linear.gather [spmem:s15], $0xA00, $0x38;
	[tilespmem:$0x11B20] =	vst v63  }
0x7b: {  	_ =	swait.ge [sflag:s1], $0xA00  }
0x7c: {  	[sflag:s1] =	ssyncset.done $0x0  }
0x7d: {  	s2 =	rddreg [dreg:$0x9];
	[sflag:s1] =	ssyncadd.s32 $0xFFFFF600  }
0x7e: {  	[hbm4b:s2+s31] =	stream.linear.scatter [tilespmem:s3], [sflag:$0x11], $0xA00, $0x38;
	[tilespmem:$0x11B20] =	vst v63  }
0x7f: {  	_ =	swait.ge [sflag:s4], $0xA00  }
0x80: {  	[sflag:s4] =	ssyncset.done $0x0  }
0x81: {  	s0 =	simm.s32 @!p0 $0x5000;
	s1 =	rddreg [dreg:$0x1e];
	[sflag:s4] =	ssyncadd.s32 $0xFFFFF600  }
0x82: {  	[tilespmem:s0], [sflag:$0x12] =	stream.linear.gather @!p0 [spmem:s1], $0xA00, $0x38;
	[tilespmem:$0x11B20] =	vst v63  }
0x83: {  	s1 =	simm.s32 @!p0 $0x12  }
0x84: {  	_ =	swait.ge @!p0 [sflag:s1], $0xA00  }
0x85: {  	[sflag:s1] =	ssyncset.done @!p0 $0x0  }
0x86: {  	s2 =	rddreg [dreg:$0xa];
	[sflag:s1] =	ssyncadd.s32 @!p0 $0xFFFFF600;
	s1 =	simm.s32 @!p0 $0x0  }
0x87: {  	[hbm4b:s2+s1] =	stream.linear.scatter @!p0 [tilespmem:s0], [sflag:$0x11], $0xA00, $0x38;
	[tilespmem:$0x11B20] =	vst v63  }
0x88: {  	s0 =	simm.s32 @!p0 $0x11  }
0x89: {  	_ =	swait.ge @!p0 [sflag:s0], $0xA00  }
0x8a: {  	s7 =	rddreg [dreg:$0x1f]  }
0x8b: {  	s15 =	rddreg [dreg:$0xe];
	s2 =	sadd.s32 $0x1, s7  }
0x8c: {  	p1 =	sne.s32 s2, s15  }
.Ltmp1:
0x8d: {  	_ = 	snop;
	(pc) =	sbr.rel @!p1 .LBB2_5-.Ltmp1, $3  }
0x8e: {  	_ =	sdelay $0x1  }
0x8f: {  	[sflag:s0] =	ssyncset.done @!p0 $0x0  }
0x90: {  	[sflag:s0] =	ssyncadd.s32 @!p0 $0xFFFFF600  }
.LBB2_1:
0x91: {  	[dreg:$0x1f] =	wrdreg s2  }
0x92: {  	s0 =	rddreg [dreg:$0xc]  }
0x93: {  	[tilespmem:s31], [sflag:$0x1] =	stream.linear.gather [hbm4b:s0+s31], $0x2800, $0x38;
	[tilespmem:$0x11B20] =	vst v63  }
0x94: {  	s15 =	rddreg [dreg:$0xd];
	s2 =	simm.s32 $0x2800  }
0x95: {  	[tilespmem:s2], [sflag:$0x2] =	stream.linear.gather [hbm4b:s15+s31], $0x2800, $0x38;
	[tilespmem:$0x11B20] =	vst v63  }
0x96: {  	s1 =	rddreg [dreg:$0xb]  }
0x97: {  	[tilespmem:s3], [sflag:$0x11] =	stream.linear.gather [hbm4b:s1+s31], $0xFA0, $0x38;
	[tilespmem:$0x11B20] =	vst v63  }
0x98: {  	_ =	swait.ge [sflag:s4], $0xFA0  }
0x99: {  	[sflag:s4] =	ssyncset.done $0x0  }
0x9a: {  	s7 =	rddreg [dreg:$0xf];
	[sflag:s4] =	ssyncadd.s32 $0xFFFFF060  }
0x9b: {  	[spmem:s7] =	stream.linear.scatter [tilespmem:s3], [sflag:$0x11], $0xA00, $0x38;
	[tilespmem:$0x11B20] =	vst v63  }
0x9c: {  	_ =	swait.ge [sflag:s4], $0xA00  }
0x9d: {  	[sflag:s4] =	ssyncset.done $0x0  }
0x9e: {  	s15 =	rddreg [dreg:$0x10];
	[sflag:s4] =	ssyncadd.s32 $0xFFFFF600  }
0x9f: {  	[spmem:s15] =	stream.linear.scatter [tilespmem:s3], [sflag:$0x11], $0xA00, $0x38;
	[tilespmem:$0x11B20] =	vst v63  }
0xa0: {  	_ =	swait.ge [sflag:s4], $0xA00  }
0xa1: {  	[sflag:s4] =	ssyncset.done $0x0  }
0xa2: {  	s1 =	rddreg [dreg:$0x11];
	[sflag:s4] =	ssyncadd.s32 $0xFFFFF600  }
0xa3: {  	[spmem:s1] =	stream.linear.scatter [tilespmem:s3], [sflag:$0x11], $0xA00, $0x38;
	[tilespmem:$0x11B20] =	vst v63  }
0xa4: {  	_ =	swait.ge [sflag:s4], $0xA00  }
0xa5: {  	[sflag:s4] =	ssyncset.done $0x0  }
0xa6: {  	s7 =	rddreg [dreg:$0x12];
	[sflag:s4] =	ssyncadd.s32 $0xFFFFF600  }
0xa7: {  	[spmem:s7] =	stream.linear.scatter [tilespmem:s3], [sflag:$0x11], $0xA00, $0x38;
	[tilespmem:$0x11B20] =	vst v63  }
0xa8: {  	_ =	swait.ge [sflag:s4], $0xA00  }
0xa9: {  	[sflag:s4] =	ssyncset.done $0x0  }
0xaa: {  	s15 =	rddreg [dreg:$0x13];
	[sflag:s4] =	ssyncadd.s32 $0xFFFFF600  }
0xab: {  	[spmem:s15] =	stream.linear.scatter [tilespmem:s3], [sflag:$0x11], $0xA00, $0x38;
	[tilespmem:$0x11B20] =	vst v63  }
0xac: {  	_ =	swait.ge [sflag:s4], $0xA00  }
0xad: {  	[sflag:s4] =	ssyncset.done $0x0  }
0xae: {  	s1 =	rddreg [dreg:$0x14];
	[sflag:s4] =	ssyncadd.s32 $0xFFFFF600  }
0xaf: {  	[spmem:s1] =	stream.linear.scatter [tilespmem:s3], [sflag:$0x11], $0xA00, $0x38;
	[tilespmem:$0x11B20] =	vst v63  }
0xb0: {  	_ =	swait.ge [sflag:s4], $0xA00  }
0xb1: {  	[sflag:s4] =	ssyncset.done $0x0  }
0xb2: {  	s7 =	rddreg [dreg:$0x15];
	[sflag:s4] =	ssyncadd.s32 $0xFFFFF600  }
0xb3: {  	[spmem:s7] =	stream.linear.scatter [tilespmem:s3], [sflag:$0x11], $0xA00, $0x38;
	[tilespmem:$0x11B20] =	vst v63  }
0xb4: {  	_ =	swait.ge [sflag:s4], $0xA00  }
0xb5: {  	[sflag:s4] =	ssyncset.done $0x0  }
0xb6: {  	s0 =	simm.s32 @!p0 $0x5000;
	s1 =	rddreg [dreg:$0x16];
	[sflag:s4] =	ssyncadd.s32 $0xFFFFF600  }
0xb7: {  	[spmem:s1] =	stream.linear.scatter @!p0 [tilespmem:s0], [sflag:$0x11], $0xA00, $0x38;
	[tilespmem:$0x11B20] =	vst v63  }
0xb8: {  	s0 =	simm.s32 @!p0 $0x11  }
0xb9: {  	_ =	swait.ge @!p0 [sflag:s0], $0xA00  }
0xba: {  	[sflag:s0] =	ssyncset.done @!p0 $0x0  }
0xbb: {  	[sflag:s0] =	ssyncadd.s32 @!p0 $0xFFFFF600  }
0xbc: {  	_ =	swait.ge [sflag:s5], $0x2800  }
0xbd: {  	[sflag:s5] =	ssyncset.done $0x0  }
0xbe: {  	[sflag:s5] =	ssyncadd.s32 $0xFFFFD800  }
0xbf: {  	_ =	swait.ge [sflag:s6], $0x2800  }
0xc0: {  	[sflag:s6] =	ssyncset.done $0x0  }
0xc1: {  	[sflag:s6] =	ssyncadd.s32 $0xFFFFD800  }
0xc2: {  	[bflag:$0x0] =	sbarrier.arrive $0xFFFF  }
0xc3: {  	[tilespmem:s3], [sflag:$0x1] =	stream.indirect.gather [hbm4b:s12+s8], $0x20, s31, s8, $0xb8;
	[tilespmem:$0x11B20] =	vst v63  }
0xc4: {  	s15 =	simm.s32 $0x80  }
0xc5: {  	[tilespmem:s10], [sflag:$0x2] =	stream.indirect.gather [hbm4b:s12+s8], $0x20, s15, s8, $0xb8;
	[tilespmem:$0x11B20] =	vst v63  }
0xc6: {  	s31 =	simm.s32 $0x100  }
0xc7: {  	[tilespmem:s11], [sflag:$0x3] =	stream.indirect.gather [hbm4b:s12+s8], $0x20, s31, s8, $0xb8;
	[tilespmem:$0x11B20] =	vst v63  }
0xc8: {  	s1 =	simm.s32 $0x180  }
0xc9: {  	[tilespmem:s13], [sflag:$0x4] =	stream.indirect.gather [hbm4b:s12+s8], $0x20, s1, s8, $0xb8;
	[tilespmem:$0x11B20] =	vst v63  }
0xca: {  	_ =	swait.ge [sflag:s5], $0xFA0  }
0xcb: {  	[sflag:s5] =	ssyncset.done $0x0  }
0xcc: {  	[sflag:s5] =	ssyncadd.s32 $0xFFFFF060  }
0xcd: {  	[spmem:s9] =	stream.indirect.scatter.add.bf16 [tilespmem:s3], [sflag:$0x9], $0x20, s2, s8, $0xb8;
	[tilespmem:$0x11B20] =	vst v63  }
0xce: {  	s2 =	simm.s32 $0x200  }
0xcf: {  	[tilespmem:s14], [sflag:$0x5] =	stream.indirect.gather [hbm4b:s12+s8], $0x20, s2, s8, $0xb8;
	[tilespmem:$0x11B20] =	vst v63  }
0xd0: {  	_ =	swait.ge [sflag:s6], $0xFA0  }
0xd1: {  	[sflag:s6] =	ssyncset.done $0x0  }
0xd2: {  	s7 =	simm.s32 $0x2880;
	[sflag:s6] =	ssyncadd.s32 $0xFFFFF060  }
0xd3: {  	[spmem:s9] =	stream.indirect.scatter.add.bf16 [tilespmem:s10], [sflag:$0xA], $0x20, s7, s8, $0xb8;
	[tilespmem:$0x11B20] =	vst v63  }
0xd4: {  	s15 =	simm.s32 $0x280;
	s31 =	simm.s32 $0x9E20  }
0xd5: {  	[tilespmem:s31], [sflag:$0x6] =	stream.indirect.gather [hbm4b:s12+s8], $0x20, s15, s8, $0xb8;
	[tilespmem:$0x11B20] =	vst v63  }
0xd6: {  	_ =	swait.ge [sflag:s16], $0xFA0  }
0xd7: {  	[sflag:s16] =	ssyncset.done $0x0  }
0xd8: {  	s2 =	simm.s32 $0x2900;
	[sflag:s16] =	ssyncadd.s32 $0xFFFFF060  }
0xd9: {  	[spmem:s9] =	stream.indirect.scatter.add.bf16 [tilespmem:s11], [sflag:$0xB], $0x20, s2, s8, $0xb8;
	[tilespmem:$0x11B20] =	vst v63  }
0xda: {  	s7 =	simm.s32 $0x300  }
0xdb: {  	[tilespmem:s17], [sflag:$0x7] =	stream.indirect.gather [hbm4b:s12+s8], $0x20, s7, s8, $0xb8;
	[tilespmem:$0x11B20] =	vst v63  }
0xdc: {  	_ =	swait.ge [sflag:s18], $0xFA0  }
0xdd: {  	[sflag:s18] =	ssyncset.done $0x0  }
0xde: {  	s15 =	simm.s32 $0x2980;
	[sflag:s18] =	ssyncadd.s32 $0xFFFFF060  }
0xdf: {  	[spmem:s9] =	stream.indirect.scatter.add.bf16 [tilespmem:s13], [sflag:$0xC], $0x20, s15, s8, $0xb8;
	[tilespmem:$0x11B20] =	vst v63  }
0xe0: {  	s31 =	simm.s32 $0x380;
	s7 =	simm.s32 $0x0  }
0xe1: {  	[tilespmem:s19], [sflag:$0x8] =	stream.indirect.gather [hbm4b:s12+s8], $0x20, s31, s8, $0xb8;
	[tilespmem:$0x11B20] =	vst v63  }
.LBB2_2:
0xe2: {  	_ =	swait.ge [sflag:s20], $0xFA0  }
0xe3: {  	s0 =	sshra.s32 s7, $0x2;
	[sflag:s20] =	ssyncset.done $0x0  }
0xe4: {  	s1 =	sadd.s32 $0x2A00, s0;
	[sflag:s20] =	ssyncadd.s32 $0xFFFFF060  }
0xe5: {  	[spmem:s9] =	stream.indirect.scatter.add.bf16 [tilespmem:s14], [sflag:$0xD], $0x20, s1, s8, $0xb8;
	[tilespmem:$0x11B20] =	vst v63  }
0xe6: {  	_ =	swait.ge [sflag:s21], $0xFA0  }
0xe7: {  	p1 =	seq.s32 s7, $0x9000;
	[sflag:s21] =	ssyncset.done $0x0  }
0xe8: {  	s1 =	simm.s32 @p1 $0x6;
	[sflag:s21] =	ssyncadd.s32 $0xFFFFF060  }
0xe9: {  	_ =	swait.ge @p1 [sflag:s1], $0xFA0  }
0xea: {  	[sflag:s1] =	ssyncset.done @p1 $0x0  }
0xeb: {  	[sflag:s1] =	ssyncadd.s32 @p1 $0xFFFFF060;
	s1 =	sshra.s32 @p1 s7, $0x2  }
0xec: {  	s31 =	simm.s32 @p1 $0x7D;
	s2 =	simm.s32 @p1 $0x9E20;
	s1 =	sadd.s32 @p1 $0x2A80, s1  }
0xed: {  	[spmem:s9] =	stream.indirect.scatter.add.bf16 @p1 [tilespmem:s2], [sflag:$0xE], $0x20, s1, s31, $0xb8;
	[tilespmem:$0x11B20] =	vst v63  }
0xee: {  	s1 =	simm.s32 @p1 $0xA  }
0xef: {  	_ =	swait.ge @p1 [sflag:s1], $0xFA0  }
0xf0: {  	[sflag:s1] =	ssyncset.done @p1 $0x0  }
0xf1: {  	[sflag:s1] =	ssyncadd.s32 @p1 $0xFFFFF060;
	s1 =	sshra.s32 @!p1 s7, $0x2  }
0xf2: {  	s15 =	simm.s32 @!p1 $0x5000;
	s31 =	simm.s32 @!p1 $0x7D;
	s2 =	sadd.s32 @!p1 $0x400, s1  }
0xf3: {  	[tilespmem:s15], [sflag:$0x1] =	stream.indirect.gather @!p1 [hbm4b:s12+s31], $0x20, s2, s31, $0xb8;
	[tilespmem:$0x11B20] =	vst v63  }
0xf4: {  	s2 =	simm.s32 @!p1 $0x6  }
0xf5: {  	_ =	swait.ge @!p1 [sflag:s2], $0xFA0  }
0xf6: {  	[sflag:s2] =	ssyncset.done @!p1 $0x0  }
0xf7: {  	s15 =	simm.s32 @!p1 $0x9E20;
	[sflag:s2] =	ssyncadd.s32 @!p1 $0xFFFFF060;
	s2 =	sadd.s32 @!p1 $0x2A80, s1  }
0xf8: {  	[spmem:s9] =	stream.indirect.scatter.add.bf16 @!p1 [tilespmem:s15], [sflag:$0xE], $0x20, s2, s31, $0xb8;
	[tilespmem:$0x11B20] =	vst v63  }
0xf9: {  	s2 =	simm.s32 @!p1 $0xA  }
0xfa: {  	_ =	swait.ge @!p1 [sflag:s2], $0xFA0  }
0xfb: {  	[sflag:s2] =	ssyncset.done @!p1 $0x0  }
0xfc: {  	s1 =	sadd.s32 @!p1 $0x480, s1;
	[sflag:s2] =	ssyncadd.s32 @!p1 $0xFFFFF060;
	s2 =	simm.s32 @!p1 $0x5FA0  }
0xfd: {  	[tilespmem:s2], [sflag:$0x2] =	stream.indirect.gather @!p1 [hbm4b:s12+s31], $0x20, s1, s31, $0xb8;
	[tilespmem:$0x11B20] =	vst v63  }
0xfe: {  	_ =	swait.ge [sflag:s22], $0xFA0  }
0xff: {  	[sflag:s22] =	ssyncset.done $0x0  }
.Ltmp2:
0x100: {  	s31 =	sadd.s32 $0x2B00, s0;
	[sflag:s22] =	ssyncadd.s32 $0xFFFFF060;
	(pc) =	sbr.rel @p1 .LBB2_4-.Ltmp2, $4  }
0x101: {  	[spmem:s9] =	stream.indirect.scatter.add.bf16 [tilespmem:s17], [sflag:$0xF], $0x20, s31, s8, $0xb8;
	[tilespmem:$0x11B20] =	vst v63  }
0x102: {  	_ =	swait.ge [sflag:s23], $0xFA0  }
0x103: {  	[sflag:s23] =	ssyncset.done $0x0  }
0x104: {  	s1 =	sadd.s32 $0x2B80, s0;
	[sflag:s23] =	ssyncadd.s32 $0xFFFFF060  }
0x105: {  	s2 =	sadd.s32 $0x500, s0  }
0x106: {  	[tilespmem:s11], [sflag:$0x3] =	stream.indirect.gather [hbm4b:s12+s8], $0x20, s2, s8, $0xb8;
	[tilespmem:$0x11B20] =	vst v63  }
0x107: {  	_ =	swait.ge [sflag:s24], $0xFA0  }
0x108: {  	[sflag:s24] =	ssyncset.done $0x0  }
0x109: {  	[sflag:s24] =	ssyncadd.s32 $0xFFFFF060  }
0x10a: {  	[spmem:s9] =	stream.indirect.scatter.add.bf16 [tilespmem:s19], [sflag:$0x10], $0x20, s1, s8, $0xb8;
	[tilespmem:$0x11B20] =	vst v63  }
0x10b: {  	_ =	swait.ge [sflag:s25], $0xFA0  }
0x10c: {  	[sflag:s25] =	ssyncset.done $0x0  }
0x10d: {  	s31 =	sadd.s32 $0x580, s0;
	[sflag:s25] =	ssyncadd.s32 $0xFFFFF060  }
0x10e: {  	[tilespmem:s13], [sflag:$0x4] =	stream.indirect.gather [hbm4b:s12+s8], $0x20, s31, s8, $0xb8;
	[tilespmem:$0x11B20] =	vst v63  }
0x10f: {  	_ =	swait.ge [sflag:s5], $0xFA0  }
0x110: {  	[sflag:s5] =	ssyncset.done $0x0  }
0x111: {  	s2 =	sadd.s32 $0x2C00, s0;
	[sflag:s5] =	ssyncadd.s32 $0xFFFFF060  }
0x112: {  	[spmem:s9] =	stream.indirect.scatter.add.bf16 [tilespmem:s3], [sflag:$0x9], $0x20, s2, s8, $0xb8;
	[tilespmem:$0x11B20] =	vst v63  }
0x113: {  	_ =	swait.ge [sflag:s26], $0xFA0  }
0x114: {  	[sflag:s26] =	ssyncset.done $0x0  }
0x115: {  	s15 =	sadd.s32 $0x600, s0;
	[sflag:s26] =	ssyncadd.s32 $0xFFFFF060  }
0x116: {  	[tilespmem:s14], [sflag:$0x5] =	stream.indirect.gather [hbm4b:s12+s8], $0x20, s15, s8, $0xb8;
	[tilespmem:$0x11B20] =	vst v63  }
0x117: {  	_ =	swait.ge [sflag:s6], $0xFA0  }
0x118: {  	[sflag:s6] =	ssyncset.done $0x0  }
0x119: {  	s31 =	sadd.s32 $0x2C80, s0;
	[sflag:s6] =	ssyncadd.s32 $0xFFFFF060  }
0x11a: {  	[spmem:s9] =	stream.indirect.scatter.add.bf16 [tilespmem:s10], [sflag:$0xA], $0x20, s31, s8, $0xb8;
	[tilespmem:$0x11B20] =	vst v63  }
0x11b: {  	_ =	swait.ge [sflag:s28], $0xFA0  }
0x11c: {  	[sflag:s28] =	ssyncset.done $0x0  }
0x11d: {  	s2 =	sadd.s32 $0x680, s0;
	s15 =	simm.s32 $0x9E20;
	[sflag:s28] =	ssyncadd.s32 $0xFFFFF060  }
0x11e: {  	[tilespmem:s15], [sflag:$0x6] =	stream.indirect.gather [hbm4b:s12+s8], $0x20, s2, s8, $0xb8;
	[tilespmem:$0x11B20] =	vst v63  }
0x11f: {  	_ =	swait.ge [sflag:s16], $0xFA0  }
0x120: {  	[sflag:s16] =	ssyncset.done $0x0  }
0x121: {  	s31 =	sadd.s32 $0x2D00, s0;
	[sflag:s16] =	ssyncadd.s32 $0xFFFFF060  }
0x122: {  	[spmem:s9] =	stream.indirect.scatter.add.bf16 [tilespmem:s11], [sflag:$0xB], $0x20, s31, s8, $0xb8;
	[tilespmem:$0x11B20] =	vst v63  }
0x123: {  	_ =	swait.ge [sflag:s29], $0xFA0  }
0x124: {  	[sflag:s29] =	ssyncset.done $0x0  }
0x125: {  	s2 =	sadd.s32 $0x700, s0;
	[sflag:s29] =	ssyncadd.s32 $0xFFFFF060  }
0x126: {  	[tilespmem:s17], [sflag:$0x7] =	stream.indirect.gather [hbm4b:s12+s8], $0x20, s2, s8, $0xb8;
	[tilespmem:$0x11B20] =	vst v63  }
0x127: {  	_ =	swait.ge [sflag:s18], $0xFA0  }
0x128: {  	[sflag:s18] =	ssyncset.done $0x0  }
0x129: {  	s15 =	sadd.s32 $0x2D80, s0;
	[sflag:s18] =	ssyncadd.s32 $0xFFFFF060  }
0x12a: {  	[spmem:s9] =	stream.indirect.scatter.add.bf16 [tilespmem:s13], [sflag:$0xC], $0x20, s15, s8, $0xb8;
	[tilespmem:$0x11B20] =	vst v63  }
.Ltmp3:
0x12b: {  	_ = 	snop;
	(pc) =	sbr.rel .LBB2_2-.Ltmp3, $4  }
0x12c: {  	_ =	swait.ge [sflag:s30], $0xFA0  }
0x12d: {  	[sflag:s30] =	ssyncset.done $0x0  }
0x12e: {  	s7 =	sadd.s32 $0x1000, s7;
	s31 =	sadd.s32 $0x780, s0;
	[sflag:s30] =	ssyncadd.s32 $0xFFFFF060  }
0x12f: {  	[tilespmem:s19], [sflag:$0x8] =	stream.indirect.gather [hbm4b:s12+s8], $0x20, s31, s8, $0xb8;
	[tilespmem:$0x11B20] =	vst v63  }
.LBB2_5:
0x130: {  	_ =	sfence.sel $0x180000  }
0x131: {  	[bflag:$0x0] =	sbarrier.arrive $0xFFFF  }
0x132: {  	_ =	strace $0x9000004A  }
0x133: {  	s0 =	stileid.u32;
	[bflag:$0x2] =	sbarrier.arrive $0xFFFF  }
0x134: {  	p0 =	sne.s32 s0, $0x0;
	s0 =	rddreg [dreg:$0x2]  }
0x135: {  	s0 =	sadd.s32 @!p0 $0x100000, s0  }
0x136: {  	[sflag:s0] =	ssyncadd.tile.s32 @!p0 $0x1;
	_ =	shalt  }
.Lfunc_end2:
_tile_overlayer_lowered:
.L_overlay_start_2:
0x137: {  	(tag) =	ssettag $0x2  }
0x138: {  	s0 =	rddreg [dreg:$0x0];
	s2 =	stileid.u32  }
0x139: {  	s1 =	rddreg [dreg:$0x1];
	p0 =	sne.s32 s2, $0x0  }
0x13a: {  	s3 =	rddreg [dreg:$0x2];
	[bflag:$0x3] =	sbarrier.arrive $0xFFFF;
	s2 =	simm.s32 @!p0 $0x1C11  }
0x13b: {  	[timem:s3], [sflag:s2] =	dma.local @!p0 [hbm:s0], s1  }
0x13c: {  	s0 =	simm.s32 @!p0 $0x11  }
0x13d: {  	_ =	swait.ge @!p0 [sflag:s0], s1  }
0x13e: {  	s1 =	ssub.s32 @!p0 $0x0, s1;
	[sflag:s0] =	ssyncset.done @!p0 $0x0  }
0x13f: {  	[sflag:s0] =	ssyncadd.s32 @!p0 s1  }
0x140: {  	[bflag:$0x3] =	sbarrier.arrive $0xFFFF  }
0x141: {  	_ =	shalt  }

// kernel: kernel.18.cloned.1.call-start
scs
__scs_entry_jumppad:
0x0: {  	(pc) =	sbr.rel $0x88, $3  }
0x1: {  	(tag) =	ssettag $0x0;
	lr =	simm.s32 $0x1  }
0x2: {  	[smem:$0x3F96] =	sst lr;
	_ =	strace $0xD0000000  }
0x3: {  	_ = 	snop  }
0x4: {  	_ = 	snop  }
0x5: {  	_ = 	snop  }
0x6: {  	_ = 	snop  }
0x7: {  	_ = 	snop  }
__scs_overlays_trampoline_lowered:
0x8: {  	[smem:$0x3FA5] =	sst s0  }
0x9: {  	[smem:$0x3FA6] =	sst s1  }
0xa: {  	[smem:$0x3FA7] =	sst s2  }
0xb: {  	[smem:$0x3FA8] =	sst s3  }
0xc: {  	[smem:$0x3FA9] =	sst s4  }
0xd: {  	[smem:$0x3FAA] =	sst s5  }
0xe: {  	[smem:$0x3FAB] =	sst s6  }
0xf: {  	[smem:$0x3FAC] =	sst s7  }
0x10: {  	[smem:$0x3FAD] =	sst s8  }
0x11: {  	[smem:$0x3FAE] =	sst s9;
	s0 =	simm.s32 @!p0 $0x0  }
0x12: {  	s1 =	sld [smem:$0x3F94];
	s0 =	simm.s32 @p0 $0x1  }
0x13: {  	[smem:$0x3FAF] =	sst s0;
	s0 =	simm.s32 @!p1 $0x0  }
0x14: {  	s2 =	sld [smem:$0x3F93];
	s0 =	simm.s32 @p1 $0x1  }
0x15: {  	[smem:$0x3FB0] =	sst s0;
	s0 =	simm.s32 @!p2 $0x0  }
0x16: {  	s3 =	sld [smem:$0x3FDB];
	s0 =	simm.s32 @p2 $0x1  }
0x17: {  	s4 =	simm.s32 $0x1BF5;
	[smem:$0x3FB2] =	sst s0  }
0x18: {  	s0 =	sld [smem:$0x3F95];
	_ =	swait.ge [sflag:s4], $0x0  }
0x19: {  	s7 =	sld [smem:$0x3F96]  }
0x1a: {  	s8 =	sadd.s32 $0xFFFFE003, lr  }
0x1b: {  	s9 =	sadd.s32 $0xFFFFFEF7, lr;
	s5 =	simm.s32 $0xFFFFFFFF;
	p2 =	slt.u32 s8, $0xFFFFF086  }
0x1c: {  	p1 =	slt.u32 s9, $0xF7A;
	s5 =	simm.s32 @!p2 $0x0  }
0x1d: {  	s5 =	simm.s32 @p1 $0x1;
	p0 =	seq.s32 s7, s2  }
0x1e: {  	s7 =	smul.u32 @!p0 $0xF7A, s2;
	p2 =	seq.s32 @!p0 s5, $0x0  }
0x1f: {  	s9 =	smul.u32 $0xF7A, s1;
	s8 =	simm.s32 @!p0 $0x1BF5;
	p2 =	por !p2, p0  }
0x20: {  	[sflag:s8] =	ssyncset.s32 @!p0 $0xFFFFF086;
	s6 =	sadd.s32 @!p0 s3, s7;
	s7 =	simm.s32 @!p0 $0x108  }
0x21: {  	s3 =	sadd.s32 s3, s9;
	s6 =	sadd.s32 @!p0 $0x88, s6;
	s7 =	simm.s32 @p2 $0x1082  }
0x22: {  	[simem:s7], [sflag:s8] =	dma.local @!p0 [hbm:s6], $0xF7A  }
0x23: {  	s9 =	sor.u32 $0xD0000000, s2;
	s6 =	simm.s32 $0x108;
	_ =	swait.ge @!p0 [sflag:s8], $0x0  }
0x24: {  	s3 =	sadd.s32 $0x88, s3;
	s6 =	simm.s32 @!p1 $0x1082;
	[sflag:s4] =	ssyncset.s32 $0xFFFFF086  }
0x25: {  	[simem:s6], [sflag:s4] =	dma.local [hbm:s3], $0xF7A  }
0x26: {  	[smem:$0x3F96] =	sst s1;
	(tag) =	ssettag s2;
	_ =	strace s9  }
0x27: {  	s1 =	sld [smem:$0x3FA6]  }
0x28: {  	s2 =	sld [smem:$0x3FA7]  }
0x29: {  	s4 =	sld [smem:$0x3FA9]  }
0x2a: {  	p0 =	seq.s32 s5, $0x0;
	s5 =	sld [smem:$0x3FAA]  }
0x2b: {  	s6 =	sld [smem:$0x3FAB]  }
0x2c: {  	s7 =	sld [smem:$0x3FAC]  }
0x2d: {  	s3 =	simm.s32 $0x108;
	s8 =	sld [smem:$0x3FAD]  }
0x2e: {  	s3 =	simm.s32 @!p0 $0x1082;
	s9 =	sld [smem:$0x3FAE]  }
0x2f: {  	lr =	sadd.s32 s0, s3;
	s0 =	sld [smem:$0x3FA5]  }
0x30: {  	s3 =	sld [smem:$0x3FA8]  }
0x31: {  	[smem:$0x3FB1] =	sst s10  }
0x32: {  	s10 =	sld [smem:$0x3FAF];
	_ =	sdelay $0x3  }
0x33: {  	p0 =	seq.s32 s10, $0x1;
	s10 =	sld [smem:$0x3FB1];
	_ =	sdelay $0x3  }
0x34: {  	[smem:$0x3FB1] =	sst s10  }
0x35: {  	s10 =	sld [smem:$0x3FB0];
	_ =	sdelay $0x3  }
0x36: {  	p1 =	seq.s32 s10, $0x1;
	s10 =	sld [smem:$0x3FB1];
	_ =	sdelay $0x3  }
0x37: {  	[smem:$0x3FB1] =	sst s10  }
0x38: {  	s10 =	sld [smem:$0x3FB2]  }
0x39: {  	_ = 	snop;
	(pc) =	sbr.ind lr, $3  }
0x3a: {  	_ = 	snop  }
0x3b: {  	_ = 	snop  }
0x3c: {  	p2 =	seq.s32 s10, $0x1;
	s10 =	sld [smem:$0x3FB1]  }
0x3d: {  	_ =	shalt  }
0x3e: {  	_ =	shalt  }
0x3f: {  	_ =	shalt  }
0x40: {  	_ =	shalt  }
0x41: {  	_ =	shalt  }
0x42: {  	_ =	shalt  }
0x43: {  	_ =	shalt  }
0x44: {  	_ =	shalt  }
0x45: {  	_ =	shalt  }
0x46: {  	_ =	shalt  }
0x47: {  	_ =	shalt  }
0x48: {  	_ =	shalt  }
0x49: {  	_ =	shalt  }
0x4a: {  	_ =	shalt  }
0x4b: {  	_ =	shalt  }
0x4c: {  	_ =	shalt  }
0x4d: {  	_ =	shalt  }
0x4e: {  	_ =	shalt  }
0x4f: {  	_ =	shalt  }
0x50: {  	_ =	shalt  }
0x51: {  	_ =	shalt  }
0x52: {  	_ =	shalt  }
0x53: {  	_ =	shalt  }
0x54: {  	_ =	shalt  }
0x55: {  	_ =	shalt  }
0x56: {  	_ =	shalt  }
0x57: {  	_ =	shalt  }
0x58: {  	_ =	shalt  }
0x59: {  	_ =	shalt  }
0x5a: {  	_ =	shalt  }
0x5b: {  	_ =	shalt  }
0x5c: {  	_ =	shalt  }
0x5d: {  	_ =	shalt  }
0x5e: {  	_ =	shalt  }
0x5f: {  	_ =	shalt  }
0x60: {  	_ =	shalt  }
0x61: {  	_ =	shalt  }
0x62: {  	_ =	shalt  }
0x63: {  	_ =	shalt  }
0x64: {  	_ =	shalt  }
0x65: {  	_ =	shalt  }
0x66: {  	_ =	shalt  }
0x67: {  	_ =	shalt  }
0x68: {  	_ =	shalt  }
0x69: {  	_ =	shalt  }
0x6a: {  	_ =	shalt  }
0x6b: {  	_ =	shalt  }
0x6c: {  	_ =	shalt  }
0x6d: {  	_ =	shalt  }
0x6e: {  	_ =	shalt  }
0x6f: {  	_ =	shalt  }
0x70: {  	_ =	shalt  }
0x71: {  	_ =	shalt  }
0x72: {  	_ =	shalt  }
0x73: {  	_ =	shalt  }
0x74: {  	_ =	shalt  }
0x75: {  	_ =	shalt  }
0x76: {  	_ =	shalt  }
0x77: {  	_ =	shalt  }
0x78: {  	_ =	shalt  }
0x79: {  	_ =	shalt  }
0x7a: {  	_ =	shalt  }
0x7b: {  	_ =	shalt  }
0x7c: {  	_ =	shalt  }
0x7d: {  	_ =	shalt  }
0x7e: {  	_ =	shalt  }
0x7f: {  	_ =	shalt  }
0x80: {  	_ =	shalt  }
0x81: {  	_ =	shalt  }
0x82: {  	_ =	shalt  }
0x83: {  	_ =	shalt  }
0x84: {  	_ =	shalt  }
0x85: {  	_ =	shalt  }
0x86: {  	_ =	shalt  }
0x87: {  	_ =	shalt  }
.Lfunc_end0:
.L_simem_size_0:
called_computation.3_lowered:
.L_overlay_start_0:
0x88: {  	s2 =	sld [smem:$0x3FD9]  }
0x89: {  	s3 =	sld [smem:$0x3FFE];
	_ =	sdelay $0x1  }
0x8a: {  	s1 =	srdreg.scid  }
0x8b: {  	s0 =	sand.u32 $0x1, s1  }
0x8c: {  	s16 =	sshll.u32 s0, $0xA;
	s2 =	sadd.s32 s3, s2  }
0x8d: {  	s2 =	sadd.s32 s2, s16  }
0x8e: {  	[smem:$0x3FBD] =	sst s2  }
0x8f: {  	_ = 	snop  }
0x90: {  	(tm) =	ssettm $0x1  }
0x91: {  	s17 =	sld [smem:$0x3FFB];
	_ =	sdelay $0x3  }
0x92: {  	_ =	strace s17  }
0x93: {  	s2 =	sld [smem:$0x3FFC];
	_ =	sdelay $0x3  }
0x94: {  	_ =	strace s2  }
0x95: {  	s2 =	sld [smem:$0x3FFD];
	_ =	sdelay $0x3  }
0x96: {  	_ =	strace s2  }
0x97: {  	_ =	strace $0x8FFFFFFF  }
0x98: {  	s18 =	sld [smem:$0x3FDB];
	_ =	sdelay $0x1  }
0x99: {  	s19 =	simm.s32 $_scs_section_size  }
0x9a: {  	s4 =	simm.s32 $_size__tile_overlayer_lowered;
	s5 =	simm.s32 $_tile_overlayer_lowered  }
0x9b: {  	s22 =	simm.s32 $0x1BFF;
	s21 =	sshll.u32 s5, $0x1;
	s2 =	sadd.s32 s19, s18  }
0x9c: {  	s6 =	simm.s32 $0x0;
	s20 =	sshll.u32 s4, $0x1;
	s4 =	sadd.s32 s21, s2  }
0x9d: {  	[timem:s6], [sflag:s22] =	dma.local [hbm:s4], s20  }
0x9e: {  	_ =	swait.ge [sflag:s22], s20  }
0x9f: {  	s3 =	ssub.s32 $0x0, s20;
	[sflag:s22] =	ssyncset.done $0x0  }
0xa0: {  	[sflag:s22] =	ssyncadd.s32 s3;
	_ =	sdelay $0x1  }
0xa1: {  	s23 =	simm.s32 $0x1B8B  }
0xa2: {  	_ =	swait.ge [sflag:s23], $0x1  }
0xa3: {  	[sflag:s23] =	ssyncset.done $0x0  }
0xa4: {  	s25 =	simm.s32 $0x1B8E;
	s24 =	sld [smem:$0x3FFE];
	[sflag:s23] =	ssyncadd.s32 $0xFFFFFFFF  }
0xa5: {  	s26 =	simm.s32 $execute0_lowered;
	[smem:$0x3FD2] =	sst s25  }
0xa6: {  	s4 =	sshll.u32 s26, $0x1;
	_ =	strace $0x8000004F;
	[dreg:$0x1] =	wrdreg $0xFFFFFFFF  }
0xa7: {  	s28 =	simm.s32 $_size_execute0_lowered;
	s2 =	sadd.s32 s2, s4;
	[dreg:$0x0] =	wrdreg $0x0  }
0xa8: {  	s4 =	sshll.u32 s28, $0x1;
	[dreg:$0x2] =	wrdreg s2  }
0xa9: {  	[dreg:$0x3] =	wrdreg s4  }
0xaa: {  	[dreg:$0x4] =	wrdreg $0xC0  }
0xab: {  	_ =	task [dreg:s6], $0x5FFFF  }
0xac: {  	[dreg:$0x1] =	wrdreg $0xFFFFFFFF  }
0xad: {  	[dreg:$0x0] =	wrdreg $0x60  }
0xae: {  	[dreg:$0x2] =	wrdreg s24  }
0xaf: {  	[dreg:$0x3] =	wrdreg $0xCD000  }
0xb0: {  	[dreg:$0x4] =	wrdreg $0x9  }
0xb1: {  	_ =	task.clear_ibuf [dreg:s6], $0x5FFFF;
	_ =	strace $0x9000004F  }
0xb2: {  	s29 =	simm.s32 $0x9;
	_ =	strace $0x80000051  }
0xb3: {  	_ =	swait.ge [sflag:s29], $0x1  }
0xb4: {  	[sflag:s29] =	ssyncadd.s32 $0xFFFFFFFF  }
0xb5: {  	_ =	strace $0x90000051  }
0xb6: {  	_ =	sfence  }
0xb7: {  	s30 =	sld [smem:$0x0];
	_ =	sdelay $0x2  }
0xb8: {  	s31 =	sshll.u32 s1, $0xD;
	s1 =	sshrl.u32 s1, $0x2  }
0xb9: {  	s3 =	sand.u32 $0x4000, s31;
	s1 =	sadd.s32 s1, s30  }
0xba: {  	s0 =	sor.u32 s3, s0;
	s1 =	sshll.u32 s1, $0x11  }
0xbb: {  	s0 =	sor.u32 s1, s0  }
0xbc: {  	s0 =	sadd.s32 $0x8F2B, s0  }
0xbd: {  	[sflag:s0] =	ssyncadd.remote.s32 $0x1  }
0xbe: {  	_ =	sfence.sel $0xFFFF  }
0xbf: {  	[dreg:$0x0] =	wrdreg $0xFFFFFFFF;
	(pc) =	sbr.abs _section_cstart, $3  }
0xc0: {  	[dreg:$0x1] =	wrdreg $0xFFFFFFFF  }
0xc1: {  	_ =	task.clear_ibuf [dreg:s6], $0x2FFFF;
	_ =	strace $0x9FFFFFFF  }
0xc2: {  	(tm) =	ssettm $0x7FFFFFFF  }
0xc3: {  	_ =	shalt  }
tec
execute0_lowered:
.L_overlay_start_1:
0x0: {  	(tag) =	ssettag $0x1  }
0x1: {  	s0 =	srdreg.scid;
	s1 =	rddreg [dreg:$0x0]  }
0x2: {  	s23 =	stileid.u32;
	s31 =	simm.s32 $0x0;
	s28 =	simm.s32 $0xE  }
0x3: {  	s29 =	simm.s32 $0xF;
	s30 =	simm.s32 $0x10;
	s0 =	sand.u32 $0x1, s0  }
0x4: {  	[smem:$0x7FF] =	sst s31;
	s8 =	sadd.s32 $0x7AE00, s1;
	s11 =	sor.u32 $0x10, s23  }
0x5: {  	s13 =	sor.u32 $0x20, s23;
	s14 =	sor.u32 $0x30, s23;
	s15 =	sor.u32 $0x40, s23  }
0x6: {  	s16 =	sor.u32 $0x50, s23;
	s17 =	sor.u32 $0x60, s23;
	s9 =	smul.u32 $0x9C400, s0  }
0x7: {  	s2 =	sshll.u32 s0, $0x4;
	s3 =	ssub.s32 $0x2, s0;
	s0 =	smul.u32 $0x1400, s23  }
0x8: {  	s18 =	sor.u32 $0x70, s23;
	s21 =	smul.u32 $0x1400, s17;
	s2 =	sor.u32 s23, s2  }
0x9: {  	p0 =	sgt.u32 s18, $0x7C;
	s22 =	sshrl.u32 s3, $0x1;
	s7 =	smul.u32 $0x500, s2  }
0xa: {  	s10 =	ssub.s32 s3, s22;
	s24 =	sadd.s32 s9, s0;
	s2 =	smul.u32 $0x1400, s11  }
0xb: {  	s3 =	smul.u32 $0x1400, s13;
	s0 =	sshrl.u32 s0, $0x1;
	s4 =	sshrl.u32 s24, $0x4  }
0xc: {  	s10 =	smax.u32 s10, $0x1;
	s4 =	sadd.s32 s8, s4;
	s5 =	sadd.s32 s9, s2  }
0xd: {  	s6 =	sadd.s32 s9, s3;
	[dreg:$0x3] =	wrdreg s4;
	s4 =	smul.u32 $0x1400, s14  }
0xe: {  	s7 =	sadd.s32 s7, s1;
	s12 =	sshrl.u32 s5, $0x4;
	s5 =	smul.u32 $0x1400, s15  }
0xf: {  	s19 =	sshrl.u32 s6, $0x4;
	s6 =	smul.u32 $0x1400, s16;
	s12 =	sadd.s32 s8, s12  }
0x10: {  	s25 =	sadd.s32 s8, s19;
	s20 =	sadd.s32 s9, s4;
	[dreg:$0x4] =	wrdreg s12  }
0x11: {  	[dreg:$0x5] =	wrdreg s25;
	s22 =	sadd.s32 s9, s5;
	s24 =	sadd.s32 s9, s6  }
0x12: {  	s26 =	sshrl.u32 s20, $0x4;
	s19 =	sshrl.u32 s22, $0x4;
	s22 =	smul.u32 $0x1400, s18  }
0x13: {  	s20 =	sshrl.u32 s24, $0x4;
	s24 =	smul.u32 $0x2800, s11;
	s12 =	sadd.s32 s8, s26  }
0x14: {  	s11 =	smul.u32 $0x2800, s13;
	s25 =	sadd.s32 s8, s19;
	[dreg:$0x6] =	wrdreg s12  }
0x15: {  	s13 =	smul.u32 $0x2800, s14;
	s26 =	sadd.s32 s8, s20;
	[dreg:$0x7] =	wrdreg s25  }
0x16: {  	s19 =	sadd.s32 s9, s21;
	[dreg:$0x8] =	wrdreg s26;
	s20 =	sadd.s32 s9, s22  }
0x17: {  	s9 =	rddreg [dreg:$0x1];
	s12 =	sshrl.u32 s19, $0x4;
	s26 =	smul.u32 $0x2800, s23  }
0x18: {  	s25 =	sadd.s32 $0x22800, s7;
	s7 =	sadd.s32 $0x18800, s7;
	s23 =	smul.u32 $0x2800, s16  }
0x19: {  	s19 =	sshrl.u32 s20, $0x4;
	s12 =	sadd.s32 s8, s12;
	s20 =	sshrl.u32 s13, $0x2  }
0x1a: {  	s0 =	sadd.s32 s0, s9;
	[dreg:$0x9] =	wrdreg s12;
	s8 =	sadd.s32 s8, s19  }
0x1b: {  	s12 =	sadd.s32 $0x3600, s1;
	s1 =	sadd.s32 $0x2C800, s1;
	[dreg:$0xa] =	wrdreg s8  }
0x1c: {  	s19 =	smul.u32 $0x2800, s15;
	_ =	strace $0x80000050;
	[dreg:$0xb] =	wrdreg s1  }
0x1d: {  	s15 =	sshrl.u32 s2, $0x1;
	s2 =	simm.s32 $0x0;
	[dreg:$0xc] =	wrdreg s25  }
0x1e: {  	s8 =	sshrl.u32 s24, $0x2;
	s24 =	sadd.s32 s20, s9;
	[dreg:$0xd] =	wrdreg s7  }
0x1f: {  	s16 =	sadd.s32 s15, s9;
	[dreg:$0xe] =	wrdreg s10;
	s1 =	sshrl.u32 s26, $0x2  }
0x20: {  	s14 =	sadd.s32 s8, s9;
	[dreg:$0x12] =	wrdreg s24;
	s25 =	smul.u32 $0x2800, s17  }
0x21: {  	s7 =	sshrl.u32 s11, $0x2;
	s26 =	smul.u32 $0x2800, s18;
	[dreg:$0x17] =	wrdreg s0  }
0x22: {  	s11 =	sshrl.u32 s23, $0x2;
	[dreg:$0x18] =	wrdreg s16;
	s17 =	sshrl.u32 s3, $0x1  }
0x23: {  	s18 =	sshrl.u32 s4, $0x1;
	s23 =	sshrl.u32 s6, $0x1;
	s24 =	sshrl.u32 s21, $0x1  }
0x24: {  	s3 =	simm.s32 $0x5000;
	s4 =	simm.s32 $0x11;
	s6 =	simm.s32 $0x2  }
0x25: {  	s8 =	simm.s32 $0x7D;
	s10 =	simm.s32 $0x5FA0;
	s16 =	simm.s32 $0x3  }
0x26: {  	s21 =	simm.s32 $0x9;
	s1 =	sadd.s32 s1, s9;
	[dreg:$0x10] =	wrdreg s14  }
0x27: {  	s7 =	sadd.s32 s7, s9;
	s0 =	sadd.s32 s17, s9;
	[dreg:$0xf] =	wrdreg s1  }
0x28: {  	s17 =	simm.s32 $0xADC0;
	[dreg:$0x11] =	wrdreg s7;
	s1 =	sshrl.u32 s19, $0x2  }
0x29: {  	s7 =	sshrl.u32 s25, $0x2;
	s14 =	sshrl.u32 s26, $0x2;
	[dreg:$0x19] =	wrdreg s0  }
0x2a: {  	s19 =	sshrl.u32 s5, $0x1;
	s0 =	sadd.s32 s18, s9;
	s25 =	sshrl.u32 s22, $0x1  }
0x2b: {  	s5 =	simm.s32 $0x1;
	s18 =	simm.s32 $0x4;
	s22 =	simm.s32 $0x7  }
0x2c: {  	s1 =	sadd.s32 s1, s9;
	s13 =	sadd.s32 s7, s9;
	[dreg:$0x1a] =	wrdreg s0  }
0x2d: {  	s20 =	sadd.s32 s19, s9;
	s0 =	sadd.s32 s23, s9;
	[dreg:$0x13] =	wrdreg s1  }
0x2e: {  	s26 =	sadd.s32 s25, s9;
	s19 =	simm.s32 $0xBD60;
	[dreg:$0x15] =	wrdreg s13  }
0x2f: {  	s23 =	simm.s32 $0xB;
	s25 =	simm.s32 $0xC;
	[dreg:$0x1b] =	wrdreg s20  }
.Ltmp0:
0x30: {  	s1 =	sadd.s32 s11, s9;
	[dreg:$0x1c] =	wrdreg s0;
	(pc) =	sbr.rel .LBB2_1-.Ltmp0, $4  }
0x31: {  	s0 =	sadd.s32 s24, s9;
	[dreg:$0x1e] =	wrdreg s26;
	s11 =	simm.s32 $0x6F40  }
0x32: {  	s13 =	simm.s32 $0x7EE0;
	s20 =	simm.s32 $0x5;
	[dreg:$0x14] =	wrdreg s1  }
0x33: {  	s24 =	simm.s32 $0x8;
	s1 =	sadd.s32 s14, s9;
	[dreg:$0x1d] =	wrdreg s0  }
0x34: {  	s26 =	simm.s32 $0xD;
	s14 =	simm.s32 $0x8E80;
	[dreg:$0x16] =	wrdreg s1  }
.LBB2_4:
0x35: {  	_ =	swait.ge [sflag:s24], $0xFA0  }
0x36: {  	[sflag:s24] =	ssyncset.done $0x0  }
0x37: {  	[sflag:s24] =	ssyncadd.s32 $0xFFFFF060  }
0x38: {  	[spmem:s9] =	stream.indirect.scatter.add.bf16 [tilespmem:s19], [sflag:$0x10], $0x20, s1, s8, $0xb8;
	[tilespmem:$0x11B20] =	vst v63  }
0x39: {  	_ =	swait.ge [sflag:s25], $0xFA0  }
0x3a: {  	[sflag:s25] =	ssyncset.done $0x0  }
0x3b: {  	[sflag:s25] =	ssyncadd.s32 $0xFFFFF060  }
0x3c: {  	_ =	swait.ge [sflag:s26], $0xFA0  }
0x3d: {  	[sflag:s26] =	ssyncset.done $0x0  }
0x3e: {  	[sflag:s26] =	ssyncadd.s32 $0xFFFFF060  }
0x3f: {  	_ =	swait.ge [sflag:s28], $0xFA0  }
0x40: {  	[sflag:s28] =	ssyncset.done $0x0  }
0x41: {  	[sflag:s28] =	ssyncadd.s32 $0xFFFFF060  }
0x42: {  	_ =	swait.ge [sflag:s29], $0xFA0  }
0x43: {  	[sflag:s29] =	ssyncset.done $0x0  }
0x44: {  	[sflag:s29] =	ssyncadd.s32 $0xFFFFF060  }
0x45: {  	_ =	swait.ge [sflag:s30], $0xFA0  }
0x46: {  	[sflag:s30] =	ssyncset.done $0x0  }
0x47: {  	[sflag:s30] =	ssyncadd.s32 $0xFFFFF060  }
0x48: {  	[bflag:$0x0] =	sbarrier.arrive $0xFFFF  }
0x49: {  	s1 =	simm.s32 $0x12;
	s0 =	rddreg [dreg:$0x17]  }
0x4a: {  	[tilespmem:s3], [sflag:$0x12] =	stream.linear.gather [spmem:s0], $0xA00, $0x38;
	[tilespmem:$0x11B20] =	vst v63  }
0x4b: {  	_ =	swait.ge [sflag:s1], $0xA00  }
0x4c: {  	[sflag:s1] =	ssyncset.done $0x0  }
0x4d: {  	s31 =	simm.s32 $0x0;
	s2 =	rddreg [dreg:$0x3];
	[sflag:s1] =	ssyncadd.s32 $0xFFFFF600  }
0x4e: {  	[hbm4b:s2+s31] =	stream.linear.scatter [tilespmem:s3], [sflag:$0x11], $0xA00, $0x38;
	[tilespmem:$0x11B20] =	vst v63  }
0x4f: {  	_ =	swait.ge [sflag:s4], $0xA00  }
0x50: {  	[sflag:s4] =	ssyncset.done $0x0  }
0x51: {  	s7 =	rddreg [dreg:$0x18];
	[sflag:s4] =	ssyncadd.s32 $0xFFFFF600  }
0x52: {  	[tilespmem:s3], [sflag:$0x12] =	stream.linear.gather [spmem:s7], $0xA00, $0x38;
	[tilespmem:$0x11B20] =	vst v63  }
0x53: {  	_ =	swait.ge [sflag:s1], $0xA00  }
0x54: {  	[sflag:s1] =	ssyncset.done $0x0  }
0x55: {  	s15 =	rddreg [dreg:$0x4];
	[sflag:s1] =	ssyncadd.s32 $0xFFFFF600  }
0x56: {  	[hbm4b:s15+s31] =	stream.linear.scatter [tilespmem:s3], [sflag:$0x11], $0xA00, $0x38;
	[tilespmem:$0x11B20] =	vst v63  }
0x57: {  	_ =	swait.ge [sflag:s4], $0xA00  }
0x58: {  	[sflag:s4] =	ssyncset.done $0x0  }
0x59: {  	s2 =	rddreg [dreg:$0x19];
	[sflag:s4] =	ssyncadd.s32 $0xFFFFF600  }
0x5a: {  	[tilespmem:s3], [sflag:$0x12] =	stream.linear.gather [spmem:s2], $0xA00, $0x38;
	[tilespmem:$0x11B20] =	vst v63  }
0x5b: {  	_ =	swait.ge [sflag:s1], $0xA00  }
0x5c: {  	[sflag:s1] =	ssyncset.done $0x0  }
0x5d: {  	s7 =	rddreg [dreg:$0x5];
	[sflag:s1] =	ssyncadd.s32 $0xFFFFF600  }
0x5e: {  	[hbm4b:s7+s31] =	stream.linear.scatter [tilespmem:s3], [sflag:$0x11], $0xA00, $0x38;
	[tilespmem:$0x11B20] =	vst v63  }
0x5f: {  	_ =	swait.ge [sflag:s4], $0xA00  }
0x60: {  	[sflag:s4] =	ssyncset.done $0x0  }
0x61: {  	s15 =	rddreg [dreg:$0x1a];
	[sflag:s4] =	ssyncadd.s32 $0xFFFFF600  }
0x62: {  	[tilespmem:s3], [sflag:$0x12] =	stream.linear.gather [spmem:s15], $0xA00, $0x38;
	[tilespmem:$0x11B20] =	vst v63  }
0x63: {  	_ =	swait.ge [sflag:s1], $0xA00  }
0x64: {  	[sflag:s1] =	ssyncset.done $0x0  }
0x65: {  	s2 =	rddreg [dreg:$0x6];
	[sflag:s1] =	ssyncadd.s32 $0xFFFFF600  }
0x66: {  	[hbm4b:s2+s31] =	stream.linear.scatter [tilespmem:s3], [sflag:$0x11], $0xA00, $0x38;
	[tilespmem:$0x11B20] =	vst v63  }
0x67: {  	_ =	swait.ge [sflag:s4], $0xA00  }
0x68: {  	[sflag:s4] =	ssyncset.done $0x0  }
0x69: {  	s7 =	rddreg [dreg:$0x1b];
	[sflag:s4] =	ssyncadd.s32 $0xFFFFF600  }
0x6a: {  	[tilespmem:s3], [sflag:$0x12] =	stream.linear.gather [spmem:s7], $0xA00, $0x38;
	[tilespmem:$0x11B20] =	vst v63  }
0x6b: {  	_ =	swait.ge [sflag:s1], $0xA00  }
0x6c: {  	[sflag:s1] =	ssyncset.done $0x0  }
0x6d: {  	s15 =	rddreg [dreg:$0x7];
	[sflag:s1] =	ssyncadd.s32 $0xFFFFF600  }
0x6e: {  	[hbm4b:s15+s31] =	stream.linear.scatter [tilespmem:s3], [sflag:$0x11], $0xA00, $0x38;
	[tilespmem:$0x11B20] =	vst v63  }
0x6f: {  	_ =	swait.ge [sflag:s4], $0xA00  }
0x70: {  	[sflag:s4] =	ssyncset.done $0x0  }
0x71: {  	s2 =	rddreg [dreg:$0x1c];
	[sflag:s4] =	ssyncadd.s32 $0xFFFFF600  }
0x72: {  	[tilespmem:s3], [sflag:$0x12] =	stream.linear.gather [spmem:s2], $0xA00, $0x38;
	[tilespmem:$0x11B20] =	vst v63  }
0x73: {  	_ =	swait.ge [sflag:s1], $0xA00  }
0x74: {  	[sflag:s1] =	ssyncset.done $0x0  }
0x75: {  	s7 =	rddreg [dreg:$0x8];
	[sflag:s1] =	ssyncadd.s32 $0xFFFFF600  }
0x76: {  	[hbm4b:s7+s31] =	stream.linear.scatter [tilespmem:s3], [sflag:$0x11], $0xA00, $0x38;
	[tilespmem:$0x11B20] =	vst v63  }
0x77: {  	_ =	swait.ge [sflag:s4], $0xA00  }
0x78: {  	[sflag:s4] =	ssyncset.done $0x0  }
0x79: {  	s15 =	rddreg [dreg:$0x1d];
	[sflag:s4] =	ssyncadd.s32 $0xFFFFF600  }
0x7a: {  	[tilespmem:s3], [sflag:$0x12] =	stream.linear.gather [spmem:s15], $0xA00, $0x38;
	[tilespmem:$0x11B20] =	vst v63  }
0x7b: {  	_ =	swait.ge [sflag:s1], $0xA00  }
0x7c: {  	[sflag:s1] =	ssyncset.done $0x0  }
0x7d: {  	s2 =	rddreg [dreg:$0x9];
	[sflag:s1] =	ssyncadd.s32 $0xFFFFF600  }
0x7e: {  	[hbm4b:s2+s31] =	stream.linear.scatter [tilespmem:s3], [sflag:$0x11], $0xA00, $0x38;
	[tilespmem:$0x11B20] =	vst v63  }
0x7f: {  	_ =	swait.ge [sflag:s4], $0xA00  }
0x80: {  	[sflag:s4] =	ssyncset.done $0x0  }
0x81: {  	s0 =	simm.s32 @!p0 $0x5000;
	s1 =	rddreg [dreg:$0x1e];
	[sflag:s4] =	ssyncadd.s32 $0xFFFFF600  }
0x82: {  	[tilespmem:s0], [sflag:$0x12] =	stream.linear.gather @!p0 [spmem:s1], $0xA00, $0x38;
	[tilespmem:$0x11B20] =	vst v63  }
0x83: {  	s1 =	simm.s32 @!p0 $0x12  }
0x84: {  	_ =	swait.ge @!p0 [sflag:s1], $0xA00  }
0x85: {  	[sflag:s1] =	ssyncset.done @!p0 $0x0  }
0x86: {  	s2 =	rddreg [dreg:$0xa];
	[sflag:s1] =	ssyncadd.s32 @!p0 $0xFFFFF600;
	s1 =	simm.s32 @!p0 $0x0  }
0x87: {  	[hbm4b:s2+s1] =	stream.linear.scatter @!p0 [tilespmem:s0], [sflag:$0x11], $0xA00, $0x38;
	[tilespmem:$0x11B20] =	vst v63  }
0x88: {  	s0 =	simm.s32 @!p0 $0x11  }
0x89: {  	_ =	swait.ge @!p0 [sflag:s0], $0xA00  }
0x8a: {  	s7 =	rddreg [dreg:$0x1f]  }
0x8b: {  	s15 =	rddreg [dreg:$0xe];
	s2 =	sadd.s32 $0x1, s7  }
0x8c: {  	p1 =	sne.s32 s2, s15  }
.Ltmp1:
0x8d: {  	_ = 	snop;
	(pc) =	sbr.rel @!p1 .LBB2_5-.Ltmp1, $3  }
0x8e: {  	_ =	sdelay $0x1  }
0x8f: {  	[sflag:s0] =	ssyncset.done @!p0 $0x0  }
0x90: {  	[sflag:s0] =	ssyncadd.s32 @!p0 $0xFFFFF600  }
.LBB2_1:
0x91: {  	[dreg:$0x1f] =	wrdreg s2  }
0x92: {  	s0 =	rddreg [dreg:$0xc]  }
0x93: {  	[tilespmem:s31], [sflag:$0x1] =	stream.linear.gather [hbm4b:s0+s31], $0x2800, $0x38;
	[tilespmem:$0x11B20] =	vst v63  }
0x94: {  	s15 =	rddreg [dreg:$0xd];
	s2 =	simm.s32 $0x2800  }
0x95: {  	[tilespmem:s2], [sflag:$0x2] =	stream.linear.gather [hbm4b:s15+s31], $0x2800, $0x38;
	[tilespmem:$0x11B20] =	vst v63  }
0x96: {  	s1 =	rddreg [dreg:$0xb]  }
0x97: {  	[tilespmem:s3], [sflag:$0x11] =	stream.linear.gather [hbm4b:s1+s31], $0xFA0, $0x38;
	[tilespmem:$0x11B20] =	vst v63  }
0x98: {  	_ =	swait.ge [sflag:s4], $0xFA0  }
0x99: {  	[sflag:s4] =	ssyncset.done $0x0  }
0x9a: {  	s7 =	rddreg [dreg:$0xf];
	[sflag:s4] =	ssyncadd.s32 $0xFFFFF060  }
0x9b: {  	[spmem:s7] =	stream.linear.scatter [tilespmem:s3], [sflag:$0x11], $0xA00, $0x38;
	[tilespmem:$0x11B20] =	vst v63  }
0x9c: {  	_ =	swait.ge [sflag:s4], $0xA00  }
0x9d: {  	[sflag:s4] =	ssyncset.done $0x0  }
0x9e: {  	s15 =	rddreg [dreg:$0x10];
	[sflag:s4] =	ssyncadd.s32 $0xFFFFF600  }
0x9f: {  	[spmem:s15] =	stream.linear.scatter [tilespmem:s3], [sflag:$0x11], $0xA00, $0x38;
	[tilespmem:$0x11B20] =	vst v63  }
0xa0: {  	_ =	swait.ge [sflag:s4], $0xA00  }
0xa1: {  	[sflag:s4] =	ssyncset.done $0x0  }
0xa2: {  	s1 =	rddreg [dreg:$0x11];
	[sflag:s4] =	ssyncadd.s32 $0xFFFFF600  }
0xa3: {  	[spmem:s1] =	stream.linear.scatter [tilespmem:s3], [sflag:$0x11], $0xA00, $0x38;
	[tilespmem:$0x11B20] =	vst v63  }
0xa4: {  	_ =	swait.ge [sflag:s4], $0xA00  }
0xa5: {  	[sflag:s4] =	ssyncset.done $0x0  }
0xa6: {  	s7 =	rddreg [dreg:$0x12];
	[sflag:s4] =	ssyncadd.s32 $0xFFFFF600  }
0xa7: {  	[spmem:s7] =	stream.linear.scatter [tilespmem:s3], [sflag:$0x11], $0xA00, $0x38;
	[tilespmem:$0x11B20] =	vst v63  }
0xa8: {  	_ =	swait.ge [sflag:s4], $0xA00  }
0xa9: {  	[sflag:s4] =	ssyncset.done $0x0  }
0xaa: {  	s15 =	rddreg [dreg:$0x13];
	[sflag:s4] =	ssyncadd.s32 $0xFFFFF600  }
0xab: {  	[spmem:s15] =	stream.linear.scatter [tilespmem:s3], [sflag:$0x11], $0xA00, $0x38;
	[tilespmem:$0x11B20] =	vst v63  }
0xac: {  	_ =	swait.ge [sflag:s4], $0xA00  }
0xad: {  	[sflag:s4] =	ssyncset.done $0x0  }
0xae: {  	s1 =	rddreg [dreg:$0x14];
	[sflag:s4] =	ssyncadd.s32 $0xFFFFF600  }
0xaf: {  	[spmem:s1] =	stream.linear.scatter [tilespmem:s3], [sflag:$0x11], $0xA00, $0x38;
	[tilespmem:$0x11B20] =	vst v63  }
0xb0: {  	_ =	swait.ge [sflag:s4], $0xA00  }
0xb1: {  	[sflag:s4] =	ssyncset.done $0x0  }
0xb2: {  	s7 =	rddreg [dreg:$0x15];
	[sflag:s4] =	ssyncadd.s32 $0xFFFFF600  }
0xb3: {  	[spmem:s7] =	stream.linear.scatter [tilespmem:s3], [sflag:$0x11], $0xA00, $0x38;
	[tilespmem:$0x11B20] =	vst v63  }
0xb4: {  	_ =	swait.ge [sflag:s4], $0xA00  }
0xb5: {  	[sflag:s4] =	ssyncset.done $0x0  }
0xb6: {  	s0 =	simm.s32 @!p0 $0x5000;
	s1 =	rddreg [dreg:$0x16];
	[sflag:s4] =	ssyncadd.s32 $0xFFFFF600  }
0xb7: {  	[spmem:s1] =	stream.linear.scatter @!p0 [tilespmem:s0], [sflag:$0x11], $0xA00, $0x38;
	[tilespmem:$0x11B20] =	vst v63  }
0xb8: {  	s0 =	simm.s32 @!p0 $0x11  }
0xb9: {  	_ =	swait.ge @!p0 [sflag:s0], $0xA00  }
0xba: {  	[sflag:s0] =	ssyncset.done @!p0 $0x0  }
0xbb: {  	[sflag:s0] =	ssyncadd.s32 @!p0 $0xFFFFF600  }
0xbc: {  	_ =	swait.ge [sflag:s5], $0x2800  }
0xbd: {  	[sflag:s5] =	ssyncset.done $0x0  }
0xbe: {  	[sflag:s5] =	ssyncadd.s32 $0xFFFFD800  }
0xbf: {  	_ =	swait.ge [sflag:s6], $0x2800  }
0xc0: {  	[sflag:s6] =	ssyncset.done $0x0  }
0xc1: {  	[sflag:s6] =	ssyncadd.s32 $0xFFFFD800  }
0xc2: {  	[bflag:$0x0] =	sbarrier.arrive $0xFFFF  }
0xc3: {  	[tilespmem:s3], [sflag:$0x1] =	stream.indirect.gather [hbm4b:s12+s8], $0x20, s31, s8, $0xb8;
	[tilespmem:$0x11B20] =	vst v63  }
0xc4: {  	s15 =	simm.s32 $0x80  }
0xc5: {  	[tilespmem:s10], [sflag:$0x2] =	stream.indirect.gather [hbm4b:s12+s8], $0x20, s15, s8, $0xb8;
	[tilespmem:$0x11B20] =	vst v63  }
0xc6: {  	s31 =	simm.s32 $0x100  }
0xc7: {  	[tilespmem:s11], [sflag:$0x3] =	stream.indirect.gather [hbm4b:s12+s8], $0x20, s31, s8, $0xb8;
	[tilespmem:$0x11B20] =	vst v63  }
0xc8: {  	s1 =	simm.s32 $0x180  }
0xc9: {  	[tilespmem:s13], [sflag:$0x4] =	stream.indirect.gather [hbm4b:s12+s8], $0x20, s1, s8, $0xb8;
	[tilespmem:$0x11B20] =	vst v63  }
0xca: {  	_ =	swait.ge [sflag:s5], $0xFA0  }
0xcb: {  	[sflag:s5] =	ssyncset.done $0x0  }
0xcc: {  	[sflag:s5] =	ssyncadd.s32 $0xFFFFF060  }
0xcd: {  	[spmem:s9] =	stream.indirect.scatter.add.bf16 [tilespmem:s3], [sflag:$0x9], $0x20, s2, s8, $0xb8;
	[tilespmem:$0x11B20] =	vst v63  }
0xce: {  	s2 =	simm.s32 $0x200  }
0xcf: {  	[tilespmem:s14], [sflag:$0x5] =	stream.indirect.gather [hbm4b:s12+s8], $0x20, s2, s8, $0xb8;
	[tilespmem:$0x11B20] =	vst v63  }
0xd0: {  	_ =	swait.ge [sflag:s6], $0xFA0  }
0xd1: {  	[sflag:s6] =	ssyncset.done $0x0  }
0xd2: {  	s7 =	simm.s32 $0x2880;
	[sflag:s6] =	ssyncadd.s32 $0xFFFFF060  }
0xd3: {  	[spmem:s9] =	stream.indirect.scatter.add.bf16 [tilespmem:s10], [sflag:$0xA], $0x20, s7, s8, $0xb8;
	[tilespmem:$0x11B20] =	vst v63  }
0xd4: {  	s15 =	simm.s32 $0x280;
	s31 =	simm.s32 $0x9E20  }
0xd5: {  	[tilespmem:s31], [sflag:$0x6] =	stream.indirect.gather [hbm4b:s12+s8], $0x20, s15, s8, $0xb8;
	[tilespmem:$0x11B20] =	vst v63  }
0xd6: {  	_ =	swait.ge [sflag:s16], $0xFA0  }
0xd7: {  	[sflag:s16] =	ssyncset.done $0x0  }
0xd8: {  	s2 =	simm.s32 $0x2900;
	[sflag:s16] =	ssyncadd.s32 $0xFFFFF060  }
0xd9: {  	[spmem:s9] =	stream.indirect.scatter.add.bf16 [tilespmem:s11], [sflag:$0xB], $0x20, s2, s8, $0xb8;
	[tilespmem:$0x11B20] =	vst v63  }
0xda: {  	s7 =	simm.s32 $0x300  }
0xdb: {  	[tilespmem:s17], [sflag:$0x7] =	stream.indirect.gather [hbm4b:s12+s8], $0x20, s7, s8, $0xb8;
	[tilespmem:$0x11B20] =	vst v63  }
0xdc: {  	_ =	swait.ge [sflag:s18], $0xFA0  }
0xdd: {  	[sflag:s18] =	ssyncset.done $0x0  }
0xde: {  	s15 =	simm.s32 $0x2980;
	[sflag:s18] =	ssyncadd.s32 $0xFFFFF060  }
0xdf: {  	[spmem:s9] =	stream.indirect.scatter.add.bf16 [tilespmem:s13], [sflag:$0xC], $0x20, s15, s8, $0xb8;
	[tilespmem:$0x11B20] =	vst v63  }
0xe0: {  	s31 =	simm.s32 $0x380;
	s7 =	simm.s32 $0x0  }
0xe1: {  	[tilespmem:s19], [sflag:$0x8] =	stream.indirect.gather [hbm4b:s12+s8], $0x20, s31, s8, $0xb8;
	[tilespmem:$0x11B20] =	vst v63  }
.LBB2_2:
0xe2: {  	_ =	swait.ge [sflag:s20], $0xFA0  }
0xe3: {  	s0 =	sshra.s32 s7, $0x2;
	[sflag:s20] =	ssyncset.done $0x0  }
0xe4: {  	s1 =	sadd.s32 $0x2A00, s0;
	[sflag:s20] =	ssyncadd.s32 $0xFFFFF060  }
0xe5: {  	[spmem:s9] =	stream.indirect.scatter.add.bf16 [tilespmem:s14], [sflag:$0xD], $0x20, s1, s8, $0xb8;
	[tilespmem:$0x11B20] =	vst v63  }
0xe6: {  	_ =	swait.ge [sflag:s21], $0xFA0  }
0xe7: {  	p1 =	seq.s32 s7, $0x9000;
	[sflag:s21] =	ssyncset.done $0x0  }
0xe8: {  	s1 =	simm.s32 @p1 $0x6;
	[sflag:s21] =	ssyncadd.s32 $0xFFFFF060  }
0xe9: {  	_ =	swait.ge @p1 [sflag:s1], $0xFA0  }
0xea: {  	[sflag:s1] =	ssyncset.done @p1 $0x0  }
0xeb: {  	[sflag:s1] =	ssyncadd.s32 @p1 $0xFFFFF060;
	s1 =	sshra.s32 @p1 s7, $0x2  }
0xec: {  	s31 =	simm.s32 @p1 $0x7D;
	s2 =	simm.s32 @p1 $0x9E20;
	s1 =	sadd.s32 @p1 $0x2A80, s1  }
0xed: {  	[spmem:s9] =	stream.indirect.scatter.add.bf16 @p1 [tilespmem:s2], [sflag:$0xE], $0x20, s1, s31, $0xb8;
	[tilespmem:$0x11B20] =	vst v63  }
0xee: {  	s1 =	simm.s32 @p1 $0xA  }
0xef: {  	_ =	swait.ge @p1 [sflag:s1], $0xFA0  }
0xf0: {  	[sflag:s1] =	ssyncset.done @p1 $0x0  }
0xf1: {  	[sflag:s1] =	ssyncadd.s32 @p1 $0xFFFFF060;
	s1 =	sshra.s32 @!p1 s7, $0x2  }
0xf2: {  	s15 =	simm.s32 @!p1 $0x5000;
	s31 =	simm.s32 @!p1 $0x7D;
	s2 =	sadd.s32 @!p1 $0x400, s1  }
0xf3: {  	[tilespmem:s15], [sflag:$0x1] =	stream.indirect.gather @!p1 [hbm4b:s12+s31], $0x20, s2, s31, $0xb8;
	[tilespmem:$0x11B20] =	vst v63  }
0xf4: {  	s2 =	simm.s32 @!p1 $0x6  }
0xf5: {  	_ =	swait.ge @!p1 [sflag:s2], $0xFA0  }
0xf6: {  	[sflag:s2] =	ssyncset.done @!p1 $0x0  }
0xf7: {  	s15 =	simm.s32 @!p1 $0x9E20;
	[sflag:s2] =	ssyncadd.s32 @!p1 $0xFFFFF060;
	s2 =	sadd.s32 @!p1 $0x2A80, s1  }
0xf8: {  	[spmem:s9] =	stream.indirect.scatter.add.bf16 @!p1 [tilespmem:s15], [sflag:$0xE], $0x20, s2, s31, $0xb8;
	[tilespmem:$0x11B20] =	vst v63  }
0xf9: {  	s2 =	simm.s32 @!p1 $0xA  }
0xfa: {  	_ =	swait.ge @!p1 [sflag:s2], $0xFA0  }
0xfb: {  	[sflag:s2] =	ssyncset.done @!p1 $0x0  }
0xfc: {  	s1 =	sadd.s32 @!p1 $0x480, s1;
	[sflag:s2] =	ssyncadd.s32 @!p1 $0xFFFFF060;
	s2 =	simm.s32 @!p1 $0x5FA0  }
0xfd: {  	[tilespmem:s2], [sflag:$0x2] =	stream.indirect.gather @!p1 [hbm4b:s12+s31], $0x20, s1, s31, $0xb8;
	[tilespmem:$0x11B20] =	vst v63  }
0xfe: {  	_ =	swait.ge [sflag:s22], $0xFA0  }
0xff: {  	[sflag:s22] =	ssyncset.done $0x0  }
.Ltmp2:
0x100: {  	s31 =	sadd.s32 $0x2B00, s0;
	[sflag:s22] =	ssyncadd.s32 $0xFFFFF060;
	(pc) =	sbr.rel @p1 .LBB2_4-.Ltmp2, $4  }
0x101: {  	[spmem:s9] =	stream.indirect.scatter.add.bf16 [tilespmem:s17], [sflag:$0xF], $0x20, s31, s8, $0xb8;
	[tilespmem:$0x11B20] =	vst v63  }
0x102: {  	_ =	swait.ge [sflag:s23], $0xFA0  }
0x103: {  	[sflag:s23] =	ssyncset.done $0x0  }
0x104: {  	s1 =	sadd.s32 $0x2B80, s0;
	[sflag:s23] =	ssyncadd.s32 $0xFFFFF060  }
0x105: {  	s2 =	sadd.s32 $0x500, s0  }
0x106: {  	[tilespmem:s11], [sflag:$0x3] =	stream.indirect.gather [hbm4b:s12+s8], $0x20, s2, s8, $0xb8;
	[tilespmem:$0x11B20] =	vst v63  }
0x107: {  	_ =	swait.ge [sflag:s24], $0xFA0  }
0x108: {  	[sflag:s24] =	ssyncset.done $0x0  }
0x109: {  	[sflag:s24] =	ssyncadd.s32 $0xFFFFF060  }
0x10a: {  	[spmem:s9] =	stream.indirect.scatter.add.bf16 [tilespmem:s19], [sflag:$0x10], $0x20, s1, s8, $0xb8;
	[tilespmem:$0x11B20] =	vst v63  }
0x10b: {  	_ =	swait.ge [sflag:s25], $0xFA0  }
0x10c: {  	[sflag:s25] =	ssyncset.done $0x0  }
0x10d: {  	s31 =	sadd.s32 $0x580, s0;
	[sflag:s25] =	ssyncadd.s32 $0xFFFFF060  }
0x10e: {  	[tilespmem:s13], [sflag:$0x4] =	stream.indirect.gather [hbm4b:s12+s8], $0x20, s31, s8, $0xb8;
	[tilespmem:$0x11B20] =	vst v63  }
0x10f: {  	_ =	swait.ge [sflag:s5], $0xFA0  }
0x110: {  	[sflag:s5] =	ssyncset.done $0x0  }
0x111: {  	s2 =	sadd.s32 $0x2C00, s0;
	[sflag:s5] =	ssyncadd.s32 $0xFFFFF060  }
0x112: {  	[spmem:s9] =	stream.indirect.scatter.add.bf16 [tilespmem:s3], [sflag:$0x9], $0x20, s2, s8, $0xb8;
	[tilespmem:$0x11B20] =	vst v63  }
0x113: {  	_ =	swait.ge [sflag:s26], $0xFA0  }
0x114: {  	[sflag:s26] =	ssyncset.done $0x0  }
0x115: {  	s15 =	sadd.s32 $0x600, s0;
	[sflag:s26] =	ssyncadd.s32 $0xFFFFF060  }
0x116: {  	[tilespmem:s14], [sflag:$0x5] =	stream.indirect.gather [hbm4b:s12+s8], $0x20, s15, s8, $0xb8;
	[tilespmem:$0x11B20] =	vst v63  }
0x117: {  	_ =	swait.ge [sflag:s6], $0xFA0  }
0x118: {  	[sflag:s6] =	ssyncset.done $0x0  }
0x119: {  	s31 =	sadd.s32 $0x2C80, s0;
	[sflag:s6] =	ssyncadd.s32 $0xFFFFF060  }
0x11a: {  	[spmem:s9] =	stream.indirect.scatter.add.bf16 [tilespmem:s10], [sflag:$0xA], $0x20, s31, s8, $0xb8;
	[tilespmem:$0x11B20] =	vst v63  }
0x11b: {  	_ =	swait.ge [sflag:s28], $0xFA0  }
0x11c: {  	[sflag:s28] =	ssyncset.done $0x0  }
0x11d: {  	s2 =	sadd.s32 $0x680, s0;
	s15 =	simm.s32 $0x9E20;
	[sflag:s28] =	ssyncadd.s32 $0xFFFFF060  }
0x11e: {  	[tilespmem:s15], [sflag:$0x6] =	stream.indirect.gather [hbm4b:s12+s8], $0x20, s2, s8, $0xb8;
	[tilespmem:$0x11B20] =	vst v63  }
0x11f: {  	_ =	swait.ge [sflag:s16], $0xFA0  }
0x120: {  	[sflag:s16] =	ssyncset.done $0x0  }
0x121: {  	s31 =	sadd.s32 $0x2D00, s0;
	[sflag:s16] =	ssyncadd.s32 $0xFFFFF060  }
0x122: {  	[spmem:s9] =	stream.indirect.scatter.add.bf16 [tilespmem:s11], [sflag:$0xB], $0x20, s31, s8, $0xb8;
	[tilespmem:$0x11B20] =	vst v63  }
0x123: {  	_ =	swait.ge [sflag:s29], $0xFA0  }
0x124: {  	[sflag:s29] =	ssyncset.done $0x0  }
0x125: {  	s2 =	sadd.s32 $0x700, s0;
	[sflag:s29] =	ssyncadd.s32 $0xFFFFF060  }
0x126: {  	[tilespmem:s17], [sflag:$0x7] =	stream.indirect.gather [hbm4b:s12+s8], $0x20, s2, s8, $0xb8;
	[tilespmem:$0x11B20] =	vst v63  }
0x127: {  	_ =	swait.ge [sflag:s18], $0xFA0  }
0x128: {  	[sflag:s18] =	ssyncset.done $0x0  }
0x129: {  	s15 =	sadd.s32 $0x2D80, s0;
	[sflag:s18] =	ssyncadd.s32 $0xFFFFF060  }
0x12a: {  	[spmem:s9] =	stream.indirect.scatter.add.bf16 [tilespmem:s13], [sflag:$0xC], $0x20, s15, s8, $0xb8;
	[tilespmem:$0x11B20] =	vst v63  }
.Ltmp3:
0x12b: {  	_ = 	snop;
	(pc) =	sbr.rel .LBB2_2-.Ltmp3, $4  }
0x12c: {  	_ =	swait.ge [sflag:s30], $0xFA0  }
0x12d: {  	[sflag:s30] =	ssyncset.done $0x0  }
0x12e: {  	s7 =	sadd.s32 $0x1000, s7;
	s31 =	sadd.s32 $0x780, s0;
	[sflag:s30] =	ssyncadd.s32 $0xFFFFF060  }
0x12f: {  	[tilespmem:s19], [sflag:$0x8] =	stream.indirect.gather [hbm4b:s12+s8], $0x20, s31, s8, $0xb8;
	[tilespmem:$0x11B20] =	vst v63  }
.LBB2_5:
0x130: {  	_ =	sfence.sel $0x180000  }
0x131: {  	[bflag:$0x0] =	sbarrier.arrive $0xFFFF  }
0x132: {  	_ =	strace $0x90000050  }
0x133: {  	s0 =	stileid.u32;
	[bflag:$0x2] =	sbarrier.arrive $0xFFFF  }
0x134: {  	p0 =	sne.s32 s0, $0x0;
	s0 =	rddreg [dreg:$0x2]  }
0x135: {  	s0 =	sadd.s32 @!p0 $0x100000, s0  }
0x136: {  	[sflag:s0] =	ssyncadd.tile.s32 @!p0 $0x1;
	_ =	shalt  }
.Lfunc_end2:
_tile_overlayer_lowered:
.L_overlay_start_2:
0x137: {  	(tag) =	ssettag $0x2  }
0x138: {  	s0 =	rddreg [dreg:$0x0];
	s2 =	stileid.u32  }
0x139: {  	s1 =	rddreg [dreg:$0x1];
	p0 =	sne.s32 s2, $0x0  }
0x13a: {  	s3 =	rddreg [dreg:$0x2];
	[bflag:$0x3] =	sbarrier.arrive $0xFFFF;
	s2 =	simm.s32 @!p0 $0x1C11  }
0x13b: {  	[timem:s3], [sflag:s2] =	dma.local @!p0 [hbm:s0], s1  }
0x13c: {  	s0 =	simm.s32 @!p0 $0x11  }
0x13d: {  	_ =	swait.ge @!p0 [sflag:s0], s1  }
0x13e: {  	s1 =	ssub.s32 @!p0 $0x0, s1;
	[sflag:s0] =	ssyncset.done @!p0 $0x0  }
0x13f: {  	[sflag:s0] =	ssyncadd.s32 @!p0 s1  }
0x140: {  	[bflag:$0x3] =	sbarrier.arrive $0xFFFF  }
0x141: {  	_ =	shalt  }

// kernel: kernel.9.cloned.1.call-start
scs
__scs_entry_jumppad:
0x0: {  	(pc) =	sbr.rel $0x88, $3  }
0x1: {  	(tag) =	ssettag $0x0;
	lr =	simm.s32 $0x1  }
0x2: {  	[smem:$0x3F96] =	sst lr;
	_ =	strace $0xD0000000  }
0x3: {  	_ = 	snop  }
0x4: {  	_ = 	snop  }
0x5: {  	_ = 	snop  }
0x6: {  	_ = 	snop  }
0x7: {  	_ = 	snop  }
__scs_overlays_trampoline_lowered:
0x8: {  	[smem:$0x3FA5] =	sst s0  }
0x9: {  	[smem:$0x3FA6] =	sst s1  }
0xa: {  	[smem:$0x3FA7] =	sst s2  }
0xb: {  	[smem:$0x3FA8] =	sst s3  }
0xc: {  	[smem:$0x3FA9] =	sst s4  }
0xd: {  	[smem:$0x3FAA] =	sst s5  }
0xe: {  	[smem:$0x3FAB] =	sst s6  }
0xf: {  	[smem:$0x3FAC] =	sst s7  }
0x10: {  	[smem:$0x3FAD] =	sst s8  }
0x11: {  	[smem:$0x3FAE] =	sst s9;
	s0 =	simm.s32 @!p0 $0x0  }
0x12: {  	s1 =	sld [smem:$0x3F94];
	s0 =	simm.s32 @p0 $0x1  }
0x13: {  	[smem:$0x3FAF] =	sst s0;
	s0 =	simm.s32 @!p1 $0x0  }
0x14: {  	s2 =	sld [smem:$0x3F93];
	s0 =	simm.s32 @p1 $0x1  }
0x15: {  	[smem:$0x3FB0] =	sst s0;
	s0 =	simm.s32 @!p2 $0x0  }
0x16: {  	s3 =	sld [smem:$0x3FDB];
	s0 =	simm.s32 @p2 $0x1  }
0x17: {  	s4 =	simm.s32 $0x1BF5;
	[smem:$0x3FB2] =	sst s0  }
0x18: {  	s0 =	sld [smem:$0x3F95];
	_ =	swait.ge [sflag:s4], $0x0  }
0x19: {  	s7 =	sld [smem:$0x3F96]  }
0x1a: {  	s8 =	sadd.s32 $0xFFFFE003, lr  }
0x1b: {  	s9 =	sadd.s32 $0xFFFFFEF7, lr;
	s5 =	simm.s32 $0xFFFFFFFF;
	p2 =	slt.u32 s8, $0xFFFFF086  }
0x1c: {  	p1 =	slt.u32 s9, $0xF7A;
	s5 =	simm.s32 @!p2 $0x0  }
0x1d: {  	s5 =	simm.s32 @p1 $0x1;
	p0 =	seq.s32 s7, s2  }
0x1e: {  	s7 =	smul.u32 @!p0 $0xF7A, s2;
	p2 =	seq.s32 @!p0 s5, $0x0  }
0x1f: {  	s9 =	smul.u32 $0xF7A, s1;
	s8 =	simm.s32 @!p0 $0x1BF5;
	p2 =	por !p2, p0  }
0x20: {  	[sflag:s8] =	ssyncset.s32 @!p0 $0xFFFFF086;
	s6 =	sadd.s32 @!p0 s3, s7;
	s7 =	simm.s32 @!p0 $0x108  }
0x21: {  	s3 =	sadd.s32 s3, s9;
	s6 =	sadd.s32 @!p0 $0x88, s6;
	s7 =	simm.s32 @p2 $0x1082  }
0x22: {  	[simem:s7], [sflag:s8] =	dma.local @!p0 [hbm:s6], $0xF7A  }
0x23: {  	s9 =	sor.u32 $0xD0000000, s2;
	s6 =	simm.s32 $0x108;
	_ =	swait.ge @!p0 [sflag:s8], $0x0  }
0x24: {  	s3 =	sadd.s32 $0x88, s3;
	s6 =	simm.s32 @!p1 $0x1082;
	[sflag:s4] =	ssyncset.s32 $0xFFFFF086  }
0x25: {  	[simem:s6], [sflag:s4] =	dma.local [hbm:s3], $0xF7A  }
0x26: {  	[smem:$0x3F96] =	sst s1;
	(tag) =	ssettag s2;
	_ =	strace s9  }
0x27: {  	s1 =	sld [smem:$0x3FA6]  }
0x28: {  	s2 =	sld [smem:$0x3FA7]  }
0x29: {  	s4 =	sld [smem:$0x3FA9]  }
0x2a: {  	p0 =	seq.s32 s5, $0x0;
	s5 =	sld [smem:$0x3FAA]  }
0x2b: {  	s6 =	sld [smem:$0x3FAB]  }
0x2c: {  	s7 =	sld [smem:$0x3FAC]  }
0x2d: {  	s3 =	simm.s32 $0x108;
	s8 =	sld [smem:$0x3FAD]  }
0x2e: {  	s3 =	simm.s32 @!p0 $0x1082;
	s9 =	sld [smem:$0x3FAE]  }
0x2f: {  	lr =	sadd.s32 s0, s3;
	s0 =	sld [smem:$0x3FA5]  }
0x30: {  	s3 =	sld [smem:$0x3FA8]  }
0x31: {  	[smem:$0x3FB1] =	sst s10  }
0x32: {  	s10 =	sld [smem:$0x3FAF];
	_ =	sdelay $0x3  }
0x33: {  	p0 =	seq.s32 s10, $0x1;
	s10 =	sld [smem:$0x3FB1];
	_ =	sdelay $0x3  }
0x34: {  	[smem:$0x3FB1] =	sst s10  }
0x35: {  	s10 =	sld [smem:$0x3FB0];
	_ =	sdelay $0x3  }
0x36: {  	p1 =	seq.s32 s10, $0x1;
	s10 =	sld [smem:$0x3FB1];
	_ =	sdelay $0x3  }
0x37: {  	[smem:$0x3FB1] =	sst s10  }
0x38: {  	s10 =	sld [smem:$0x3FB2]  }
0x39: {  	_ = 	snop;
	(pc) =	sbr.ind lr, $3  }
0x3a: {  	_ = 	snop  }
0x3b: {  	_ = 	snop  }
0x3c: {  	p2 =	seq.s32 s10, $0x1;
	s10 =	sld [smem:$0x3FB1]  }
0x3d: {  	_ =	shalt  }
0x3e: {  	_ =	shalt  }
0x3f: {  	_ =	shalt  }
0x40: {  	_ =	shalt  }
0x41: {  	_ =	shalt  }
0x42: {  	_ =	shalt  }
0x43: {  	_ =	shalt  }
0x44: {  	_ =	shalt  }
0x45: {  	_ =	shalt  }
0x46: {  	_ =	shalt  }
0x47: {  	_ =	shalt  }
0x48: {  	_ =	shalt  }
0x49: {  	_ =	shalt  }
0x4a: {  	_ =	shalt  }
0x4b: {  	_ =	shalt  }
0x4c: {  	_ =	shalt  }
0x4d: {  	_ =	shalt  }
0x4e: {  	_ =	shalt  }
0x4f: {  	_ =	shalt  }
0x50: {  	_ =	shalt  }
0x51: {  	_ =	shalt  }
0x52: {  	_ =	shalt  }
0x53: {  	_ =	shalt  }
0x54: {  	_ =	shalt  }
0x55: {  	_ =	shalt  }
0x56: {  	_ =	shalt  }
0x57: {  	_ =	shalt  }
0x58: {  	_ =	shalt  }
0x59: {  	_ =	shalt  }
0x5a: {  	_ =	shalt  }
0x5b: {  	_ =	shalt  }
0x5c: {  	_ =	shalt  }
0x5d: {  	_ =	shalt  }
0x5e: {  	_ =	shalt  }
0x5f: {  	_ =	shalt  }
0x60: {  	_ =	shalt  }
0x61: {  	_ =	shalt  }
0x62: {  	_ =	shalt  }
0x63: {  	_ =	shalt  }
0x64: {  	_ =	shalt  }
0x65: {  	_ =	shalt  }
0x66: {  	_ =	shalt  }
0x67: {  	_ =	shalt  }
0x68: {  	_ =	shalt  }
0x69: {  	_ =	shalt  }
0x6a: {  	_ =	shalt  }
0x6b: {  	_ =	shalt  }
0x6c: {  	_ =	shalt  }
0x6d: {  	_ =	shalt  }
0x6e: {  	_ =	shalt  }
0x6f: {  	_ =	shalt  }
0x70: {  	_ =	shalt  }
0x71: {  	_ =	shalt  }
0x72: {  	_ =	shalt  }
0x73: {  	_ =	shalt  }
0x74: {  	_ =	shalt  }
0x75: {  	_ =	shalt  }
0x76: {  	_ =	shalt  }
0x77: {  	_ =	shalt  }
0x78: {  	_ =	shalt  }
0x79: {  	_ =	shalt  }
0x7a: {  	_ =	shalt  }
0x7b: {  	_ =	shalt  }
0x7c: {  	_ =	shalt  }
0x7d: {  	_ =	shalt  }
0x7e: {  	_ =	shalt  }
0x7f: {  	_ =	shalt  }
0x80: {  	_ =	shalt  }
0x81: {  	_ =	shalt  }
0x82: {  	_ =	shalt  }
0x83: {  	_ =	shalt  }
0x84: {  	_ =	shalt  }
0x85: {  	_ =	shalt  }
0x86: {  	_ =	shalt  }
0x87: {  	_ =	shalt  }
.Lfunc_end0:
.L_simem_size_0:
called_computation_lowered:
.L_overlay_start_0:
0x88: {  	s2 =	sld [smem:$0x3FD9]  }
0x89: {  	s3 =	sld [smem:$0x3FFE];
	_ =	sdelay $0x1  }
0x8a: {  	s1 =	srdreg.scid  }
0x8b: {  	s0 =	sand.u32 $0x1, s1  }
0x8c: {  	s17 =	sshll.u32 s0, $0xA;
	s2 =	sadd.s32 s3, s2  }
0x8d: {  	s2 =	sadd.s32 s2, s17  }
0x8e: {  	[smem:$0x3FBD] =	sst s2  }
0x8f: {  	_ = 	snop  }
0x90: {  	s2 =	sld [smem:$0x3FD0];
	(tm) =	ssettm $0x1  }
0x91: {  	s18 =	sld [smem:$0x3FFB];
	_ =	sdelay $0x3  }
0x92: {  	_ =	strace s18  }
0x93: {  	s3 =	sld [smem:$0x3FFC];
	_ =	sdelay $0x3  }
0x94: {  	_ =	strace s3  }
0x95: {  	s3 =	sld [smem:$0x3FFD];
	_ =	sdelay $0x3  }
0x96: {  	_ =	strace s3  }
0x97: {  	_ =	strace $0x8FFFFFFF  }
0x98: {  	s19 =	sld [smem:$0x3FDB];
	_ =	sdelay $0x1  }
0x99: {  	s4 =	simm.s32 $_scs_section_size  }
0x9a: {  	s5 =	simm.s32 $_size__tile_overlayer_lowered;
	s6 =	simm.s32 $_tile_overlayer_lowered  }
0x9b: {  	s22 =	simm.s32 $0x1BFF;
	s21 =	sshll.u32 s6, $0x1;
	s3 =	sadd.s32 s4, s19  }
0x9c: {  	s7 =	simm.s32 $0x0;
	s20 =	sshll.u32 s5, $0x1;
	s5 =	sadd.s32 s21, s3  }
0x9d: {  	[timem:s7], [sflag:s22] =	dma.local [hbm:s5], s20  }
0x9e: {  	_ =	swait.ge [sflag:s22], s20  }
0x9f: {  	s4 =	ssub.s32 $0x0, s20;
	[sflag:s22] =	ssyncset.done $0x0  }
0xa0: {  	[sflag:s22] =	ssyncadd.s32 s4;
	_ =	sdelay $0x1  }
0xa1: {  	s23 =	simm.s32 $0x1B8B  }
0xa2: {  	_ =	swait.ge [sflag:s23], $0x1  }
0xa3: {  	[sflag:s23] =	ssyncset.done $0x0  }
0xa4: {  	s25 =	simm.s32 $0x1B8E;
	s24 =	sld [smem:$0x3FFE];
	[sflag:s23] =	ssyncadd.s32 $0xFFFFFFFF  }
0xa5: {  	s26 =	simm.s32 $execute0_lowered;
	[smem:$0x3FD2] =	sst s25  }
0xa6: {  	s5 =	sshll.u32 s26, $0x1;
	_ =	strace $0x80000046;
	[dreg:$0x1] =	wrdreg $0xFFFFFFFF  }
0xa7: {  	s28 =	simm.s32 $_size_execute0_lowered;
	s3 =	sadd.s32 s3, s5;
	[dreg:$0x0] =	wrdreg $0x0  }
0xa8: {  	s5 =	sshll.u32 s28, $0x1;
	[dreg:$0x2] =	wrdreg s3  }
0xa9: {  	[dreg:$0x3] =	wrdreg s5  }
0xaa: {  	[dreg:$0x4] =	wrdreg $0xC0  }
0xab: {  	_ =	task [dreg:s7], $0x5FFFF  }
0xac: {  	[dreg:$0x1] =	wrdreg $0xFFFFFFFF  }
0xad: {  	[dreg:$0x0] =	wrdreg $0x60  }
0xae: {  	[dreg:$0x2] =	wrdreg s24  }
0xaf: {  	[dreg:$0x3] =	wrdreg s2  }
0xb0: {  	[dreg:$0x4] =	wrdreg $0x78000  }
0xb1: {  	[dreg:$0x5] =	wrdreg $0x7A780  }
0xb2: {  	[dreg:$0x6] =	wrdreg $0x9  }
0xb3: {  	_ =	task.clear_ibuf [dreg:s7], $0x7FFFF;
	_ =	strace $0x90000046  }
0xb4: {  	s29 =	simm.s32 $0x9;
	_ =	strace $0x80000048  }
0xb5: {  	_ =	swait.ge [sflag:s29], $0x1  }
0xb6: {  	[sflag:s29] =	ssyncadd.s32 $0xFFFFFFFF  }
0xb7: {  	_ =	strace $0x90000048  }
0xb8: {  	_ =	sfence  }
0xb9: {  	s30 =	sld [smem:$0x0];
	_ =	sdelay $0x2  }
0xba: {  	s31 =	sshll.u32 s1, $0xD;
	s1 =	sshrl.u32 s1, $0x2  }
0xbb: {  	s3 =	sand.u32 $0x4000, s31;
	s1 =	sadd.s32 s1, s30  }
0xbc: {  	s0 =	sor.u32 s3, s0;
	s1 =	sshll.u32 s1, $0x11  }
0xbd: {  	s0 =	sor.u32 s1, s0  }
0xbe: {  	s0 =	sadd.s32 $0x8F2B, s0  }
0xbf: {  	[sflag:s0] =	ssyncadd.remote.s32 $0x1  }
0xc0: {  	_ =	sfence.sel $0xFFFF  }
0xc1: {  	[dreg:$0x0] =	wrdreg $0xFFFFFFFF;
	(pc) =	sbr.abs _section_cstart, $3  }
0xc2: {  	[dreg:$0x1] =	wrdreg $0xFFFFFFFF  }
0xc3: {  	_ =	task.clear_ibuf [dreg:s7], $0x2FFFF;
	_ =	strace $0x9FFFFFFF  }
0xc4: {  	(tm) =	ssettm $0x7FFFFFFF  }
0xc5: {  	_ =	shalt  }
tec
execute0_lowered:
.L_overlay_start_1:
0x0: {  	(tag) =	ssettag $0x1  }
0x1: {  	s6 =	rddreg [dreg:$0x0]  }
0x2: {  	s8 =	rddreg [dreg:$0x1]  }
0x3: {  	s0 =	srdreg.scid;
	s1 =	rddreg [dreg:$0x2]  }
0x4: {  	s2 =	rddreg [dreg:$0x3];
	s11 =	stileid.u32  }
0x5: {  	s3 =	simm.s32 $0x0;
	s14 =	simm.s32 $0x1;
	s15 =	simm.s32 $0x2  }
0x6: {  	s16 =	simm.s32 $0x3;
	s17 =	simm.s32 $0x4;
	s18 =	simm.s32 $0x7D  }
0x7: {  	s19 =	simm.s32 $0x0;
	s4 =	sand.u32 $0x1, s0;
	s0 =	rddreg [dreg:$0x4]  }
0x8: {  	[smem:$0x7FF] =	sst s3;
	p0 =	sne.s32 s11, $0x0;
	s9 =	sshll.u32 s4, $0x4  }
0x9: {  	_ =	strace $0x80000047;
	s7 =	ssub.s32 $0x2, s4;
	s5 =	sor.u32 s11, s9  }
0xa: {  	s4 =	sadd.s32 $0x17600, s6;
	s12 =	sshrl.u32 s7, $0x1;
	s5 =	smul.u32 $0x500, s5  }
0xb: {  	s13 =	sadd.s32 s9, s6;
	s8 =	sadd.s32 s8, s9;
	s11 =	simm.s32 $0x5000  }
0xc: {  	s12 =	ssub.s32 s7, s12;
	s9 =	sadd.s32 $0x17E00, s13;
	s10 =	sadd.s32 s5, s6  }
0xd: {  	s13 =	simm.s32 $0x2800;
	s5 =	sadd.s32 $0x17C00, s6;
	s6 =	sadd.s32 $0x3600, s10  }
0xe: {  	s7 =	sadd.s32 $0xD600, s10;
	s10 =	smax.u32 s12, $0x1;
	s12 =	simm.s32 $0x7780  }
.LBB2_1:
0xf: {  	[tilespmem:s11], [sflag:$0x1] =	stream.linear.gather [hbm4b:s4+s3], $0x2780, $0x38;
	[tilespmem:$0x7CF0] =	vst v63  }
0x10: {  	_ = 	snop  }
0x11: {  	[tilespmem:s12], [sflag:$0x2] =	stream.linear.gather [hbm4b:s5+s3], $0x80, $0x38;
	[tilespmem:$0x7CF0] =	vst v63  }
0x12: {  	_ = 	snop  }
0x13: {  	[tilespmem:s3], [sflag:$0x3] =	stream.linear.gather [hbm4b:s6+s3], $0x2800, $0x38;
	[tilespmem:$0x7CF0] =	vst v63  }
0x14: {  	_ = 	snop  }
0x15: {  	[tilespmem:s13], [sflag:$0x4] =	stream.linear.gather [hbm4b:s7+s3], $0x2800, $0x38;
	[tilespmem:$0x7CF0] =	vst v63  }
0x16: {  	_ =	swait.ge [sflag:s14], $0x2780  }
0x17: {  	[sflag:s14] =	ssyncset.done $0x0  }
0x18: {  	s20 =	simm.s32 @!p0 $0x5000;
	s21 =	simm.s32 @!p0 $0x5;
	[sflag:s14] =	ssyncadd.s32 $0xFFFFD880  }
0x19: {  	[spmem:s1] =	stream.linear.scatter @!p0 [tilespmem:s20], [sflag:$0x5], $0x2780, $0x38;
	[tilespmem:$0x7CF0] =	vst v63  }
0x1a: {  	_ =	swait.ge @!p0 [sflag:s21], $0x2780  }
0x1b: {  	[sflag:s21] =	ssyncset.done @!p0 $0x0  }
0x1c: {  	[sflag:s21] =	ssyncadd.s32 @!p0 $0xFFFFD880  }
0x1d: {  	[spmem:s2] =	stream.linear.scatter @!p0 [tilespmem:s20], [sflag:$0x5], $0x2780, $0x38;
	[tilespmem:$0x7CF0] =	vst v63  }
0x1e: {  	_ =	swait.ge @!p0 [sflag:s21], $0x2780  }
0x1f: {  	[sflag:s21] =	ssyncset.done @!p0 $0x0  }
0x20: {  	[sflag:s21] =	ssyncadd.s32 @!p0 $0xFFFFD880  }
0x21: {  	_ =	swait.ge [sflag:s15], $0x80  }
0x22: {  	[sflag:s15] =	ssyncset.done $0x0  }
0x23: {  	[sflag:s15] =	ssyncadd.s32 $0xFFFFFF80  }
0x24: {  	_ =	swait.ge [sflag:s16], $0x2800  }
0x25: {  	[sflag:s16] =	ssyncset.done $0x0  }
0x26: {  	[sflag:s16] =	ssyncadd.s32 $0xFFFFD800  }
0x27: {  	_ =	swait.ge [sflag:s17], $0x2800  }
0x28: {  	[sflag:s17] =	ssyncset.done $0x0  }
0x29: {  	[sflag:s17] =	ssyncadd.s32 $0xFFFFD800  }
0x2a: {  	s25 =	simm.s32 $0x0;
	[bflag:$0x0] =	sbarrier.arrive $0xFFFF  }
0x2b: {  	[spmem:s1] =	stream.indirect.scatter.add.f32 [tilespmem:s12], [sflag:$0x1], $0x1, s25, s18, $0xb8;
	[tilespmem:$0x7CF0] =	vst v63  }
0x2c: {  	s26 =	simm.s32 $0x80  }
0x2d: {  	[spmem:s1] =	stream.indirect.scatter.add.f32 [tilespmem:s12], [sflag:$0x1], $0x1, s26, s18, $0xb8;
	[tilespmem:$0x7CF0] =	vst v63  }
0x2e: {  	s28 =	simm.s32 $0x100  }
0x2f: {  	[spmem:s1] =	stream.indirect.scatter.add.f32 [tilespmem:s12], [sflag:$0x1], $0x1, s28, s18, $0xb8;
	[tilespmem:$0x7CF0] =	vst v63  }
0x30: {  	s29 =	simm.s32 $0x180  }
0x31: {  	[spmem:s1] =	stream.indirect.scatter.add.f32 [tilespmem:s12], [sflag:$0x1], $0x1, s29, s18, $0xb8;
	[tilespmem:$0x7CF0] =	vst v63  }
0x32: {  	s30 =	simm.s32 $0x200  }
0x33: {  	[spmem:s1] =	stream.indirect.scatter.add.f32 [tilespmem:s12], [sflag:$0x1], $0x1, s30, s18, $0xb8;
	[tilespmem:$0x7CF0] =	vst v63  }
0x34: {  	s31 =	simm.s32 $0x280  }
0x35: {  	[spmem:s1] =	stream.indirect.scatter.add.f32 [tilespmem:s12], [sflag:$0x1], $0x1, s31, s18, $0xb8;
	[tilespmem:$0x7CF0] =	vst v63  }
0x36: {  	s21 =	simm.s32 $0x300  }
0x37: {  	[spmem:s1] =	stream.indirect.scatter.add.f32 [tilespmem:s12], [sflag:$0x1], $0x1, s21, s18, $0xb8;
	[tilespmem:$0x7CF0] =	vst v63  }
0x38: {  	s22 =	simm.s32 $0x380  }
0x39: {  	[spmem:s1] =	stream.indirect.scatter.add.f32 [tilespmem:s12], [sflag:$0x1], $0x1, s22, s18, $0xb8;
	[tilespmem:$0x7CF0] =	vst v63  }
0x3a: {  	s23 =	simm.s32 $0x400  }
0x3b: {  	[spmem:s1] =	stream.indirect.scatter.add.f32 [tilespmem:s12], [sflag:$0x1], $0x1, s23, s18, $0xb8;
	[tilespmem:$0x7CF0] =	vst v63  }
0x3c: {  	s24 =	simm.s32 $0x480  }
0x3d: {  	[spmem:s1] =	stream.indirect.scatter.add.f32 [tilespmem:s12], [sflag:$0x1], $0x1, s24, s18, $0xb8;
	[tilespmem:$0x7CF0] =	vst v63  }
0x3e: {  	s25 =	simm.s32 $0x500  }
0x3f: {  	[spmem:s1] =	stream.indirect.scatter.add.f32 [tilespmem:s12], [sflag:$0x1], $0x1, s25, s18, $0xb8;
	[tilespmem:$0x7CF0] =	vst v63  }
0x40: {  	s26 =	simm.s32 $0x580  }
0x41: {  	[spmem:s1] =	stream.indirect.scatter.add.f32 [tilespmem:s12], [sflag:$0x1], $0x1, s26, s18, $0xb8;
	[tilespmem:$0x7CF0] =	vst v63  }
0x42: {  	s28 =	simm.s32 $0x600  }
0x43: {  	[spmem:s1] =	stream.indirect.scatter.add.f32 [tilespmem:s12], [sflag:$0x1], $0x1, s28, s18, $0xb8;
	[tilespmem:$0x7CF0] =	vst v63  }
0x44: {  	s29 =	simm.s32 $0x680  }
0x45: {  	[spmem:s1] =	stream.indirect.scatter.add.f32 [tilespmem:s12], [sflag:$0x1], $0x1, s29, s18, $0xb8;
	[tilespmem:$0x7CF0] =	vst v63  }
0x46: {  	s30 =	simm.s32 $0x700  }
0x47: {  	[spmem:s1] =	stream.indirect.scatter.add.f32 [tilespmem:s12], [sflag:$0x1], $0x1, s30, s18, $0xb8;
	[tilespmem:$0x7CF0] =	vst v63  }
0x48: {  	s31 =	simm.s32 $0x780  }
0x49: {  	[spmem:s1] =	stream.indirect.scatter.add.f32 [tilespmem:s12], [sflag:$0x1], $0x1, s31, s18, $0xb8;
	[tilespmem:$0x7CF0] =	vst v63  }
0x4a: {  	_ =	swait.ge [sflag:s14], $0x7D  }
0x4b: {  	[sflag:s14] =	ssyncset.done $0x0  }
0x4c: {  	[sflag:s14] =	ssyncadd.s32 $0xFFFFFF83  }
0x4d: {  	_ =	swait.ge [sflag:s14], $0x7D  }
0x4e: {  	[sflag:s14] =	ssyncset.done $0x0  }
0x4f: {  	[sflag:s14] =	ssyncadd.s32 $0xFFFFFF83  }
0x50: {  	_ =	swait.ge [sflag:s14], $0x7D  }
0x51: {  	[sflag:s14] =	ssyncset.done $0x0  }
0x52: {  	[sflag:s14] =	ssyncadd.s32 $0xFFFFFF83  }
0x53: {  	_ =	swait.ge [sflag:s14], $0x7D  }
0x54: {  	[sflag:s14] =	ssyncset.done $0x0  }
0x55: {  	[sflag:s14] =	ssyncadd.s32 $0xFFFFFF83  }
0x56: {  	_ =	swait.ge [sflag:s14], $0x7D  }
0x57: {  	[sflag:s14] =	ssyncset.done $0x0  }
0x58: {  	[sflag:s14] =	ssyncadd.s32 $0xFFFFFF83  }
0x59: {  	_ =	swait.ge [sflag:s14], $0x7D  }
0x5a: {  	[sflag:s14] =	ssyncset.done $0x0  }
0x5b: {  	[sflag:s14] =	ssyncadd.s32 $0xFFFFFF83  }
0x5c: {  	_ =	swait.ge [sflag:s14], $0x7D  }
0x5d: {  	[sflag:s14] =	ssyncset.done $0x0  }
0x5e: {  	[sflag:s14] =	ssyncadd.s32 $0xFFFFFF83  }
0x5f: {  	_ =	swait.ge [sflag:s14], $0x7D  }
0x60: {  	[sflag:s14] =	ssyncset.done $0x0  }
0x61: {  	[sflag:s14] =	ssyncadd.s32 $0xFFFFFF83  }
0x62: {  	_ =	swait.ge [sflag:s14], $0x7D  }
0x63: {  	[sflag:s14] =	ssyncset.done $0x0  }
0x64: {  	[sflag:s14] =	ssyncadd.s32 $0xFFFFFF83  }
0x65: {  	_ =	swait.ge [sflag:s14], $0x7D  }
0x66: {  	[sflag:s14] =	ssyncset.done $0x0  }
0x67: {  	[sflag:s14] =	ssyncadd.s32 $0xFFFFFF83  }
0x68: {  	_ =	swait.ge [sflag:s14], $0x7D  }
0x69: {  	[sflag:s14] =	ssyncset.done $0x0  }
0x6a: {  	[sflag:s14] =	ssyncadd.s32 $0xFFFFFF83  }
0x6b: {  	_ =	swait.ge [sflag:s14], $0x7D  }
0x6c: {  	[sflag:s14] =	ssyncset.done $0x0  }
0x6d: {  	[sflag:s14] =	ssyncadd.s32 $0xFFFFFF83  }
0x6e: {  	_ =	swait.ge [sflag:s14], $0x7D  }
0x6f: {  	[sflag:s14] =	ssyncset.done $0x0  }
0x70: {  	[sflag:s14] =	ssyncadd.s32 $0xFFFFFF83  }
0x71: {  	_ =	swait.ge [sflag:s14], $0x7D  }
0x72: {  	[sflag:s14] =	ssyncset.done $0x0  }
0x73: {  	[sflag:s14] =	ssyncadd.s32 $0xFFFFFF83  }
0x74: {  	_ =	swait.ge [sflag:s14], $0x7D  }
0x75: {  	[sflag:s14] =	ssyncset.done $0x0  }
0x76: {  	[sflag:s14] =	ssyncadd.s32 $0xFFFFFF83  }
0x77: {  	_ =	swait.ge [sflag:s14], $0x7D  }
0x78: {  	s20 =	simm.s32 $0x2000;
	s23 =	simm.s32 $0x4000;
	[sflag:s14] =	ssyncset.done $0x0  }
.LBB2_2:
0x79: {  	s22 =	sshra.s32 s20, $0x2  }
0x7a: {  	[sflag:s14] =	ssyncadd.s32 $0xFFFFFF83;
	s20 =	smov.u32 s23;
	s21 =	sadd.s32 $0x2000, s23  }
0x7b: {  	[spmem:s1] =	stream.indirect.scatter.add.f32 [tilespmem:s12], [sflag:$0x1], $0x1, s22, s18, $0xb8;
	[tilespmem:$0x7CF0] =	vst v63  }
0x7c: {  	p1 =	sne.s32 s23, $0x8000;
	s23 =	sadd.s32 $0x80, s22  }
0x7d: {  	[spmem:s1] =	stream.indirect.scatter.add.f32 [tilespmem:s12], [sflag:$0x1], $0x1, s23, s18, $0xb8;
	[tilespmem:$0x7CF0] =	vst v63  }
0x7e: {  	s23 =	sadd.s32 $0x100, s22  }
0x7f: {  	[spmem:s1] =	stream.indirect.scatter.add.f32 [tilespmem:s12], [sflag:$0x1], $0x1, s23, s18, $0xb8;
	[tilespmem:$0x7CF0] =	vst v63  }
0x80: {  	s23 =	sadd.s32 $0x180, s22  }
0x81: {  	[spmem:s1] =	stream.indirect.scatter.add.f32 [tilespmem:s12], [sflag:$0x1], $0x1, s23, s18, $0xb8;
	[tilespmem:$0x7CF0] =	vst v63  }
0x82: {  	s23 =	sadd.s32 $0x200, s22  }
0x83: {  	[spmem:s1] =	stream.indirect.scatter.add.f32 [tilespmem:s12], [sflag:$0x1], $0x1, s23, s18, $0xb8;
	[tilespmem:$0x7CF0] =	vst v63  }
0x84: {  	s23 =	sadd.s32 $0x280, s22  }
0x85: {  	[spmem:s1] =	stream.indirect.scatter.add.f32 [tilespmem:s12], [sflag:$0x1], $0x1, s23, s18, $0xb8;
	[tilespmem:$0x7CF0] =	vst v63  }
0x86: {  	s23 =	sadd.s32 $0x300, s22  }
0x87: {  	[spmem:s1] =	stream.indirect.scatter.add.f32 [tilespmem:s12], [sflag:$0x1], $0x1, s23, s18, $0xb8;
	[tilespmem:$0x7CF0] =	vst v63  }
0x88: {  	s23 =	sadd.s32 $0x380, s22  }
0x89: {  	[spmem:s1] =	stream.indirect.scatter.add.f32 [tilespmem:s12], [sflag:$0x1], $0x1, s23, s18, $0xb8;
	[tilespmem:$0x7CF0] =	vst v63  }
0x8a: {  	s23 =	sadd.s32 $0x400, s22  }
0x8b: {  	[spmem:s1] =	stream.indirect.scatter.add.f32 [tilespmem:s12], [sflag:$0x1], $0x1, s23, s18, $0xb8;
	[tilespmem:$0x7CF0] =	vst v63  }
0x8c: {  	s23 =	sadd.s32 $0x480, s22  }
0x8d: {  	[spmem:s1] =	stream.indirect.scatter.add.f32 [tilespmem:s12], [sflag:$0x1], $0x1, s23, s18, $0xb8;
	[tilespmem:$0x7CF0] =	vst v63  }
0x8e: {  	s23 =	sadd.s32 $0x500, s22  }
0x8f: {  	[spmem:s1] =	stream.indirect.scatter.add.f32 [tilespmem:s12], [sflag:$0x1], $0x1, s23, s18, $0xb8;
	[tilespmem:$0x7CF0] =	vst v63  }
0x90: {  	s23 =	sadd.s32 $0x580, s22  }
0x91: {  	[spmem:s1] =	stream.indirect.scatter.add.f32 [tilespmem:s12], [sflag:$0x1], $0x1, s23, s18, $0xb8;
	[tilespmem:$0x7CF0] =	vst v63  }
0x92: {  	s23 =	sadd.s32 $0x600, s22  }
0x93: {  	[spmem:s1] =	stream.indirect.scatter.add.f32 [tilespmem:s12], [sflag:$0x1], $0x1, s23, s18, $0xb8;
	[tilespmem:$0x7CF0] =	vst v63  }
0x94: {  	s23 =	sadd.s32 $0x680, s22  }
0x95: {  	[spmem:s1] =	stream.indirect.scatter.add.f32 [tilespmem:s12], [sflag:$0x1], $0x1, s23, s18, $0xb8;
	[tilespmem:$0x7CF0] =	vst v63  }
0x96: {  	s23 =	sadd.s32 $0x700, s22  }
0x97: {  	[spmem:s1] =	stream.indirect.scatter.add.f32 [tilespmem:s12], [sflag:$0x1], $0x1, s23, s18, $0xb8;
	[tilespmem:$0x7CF0] =	vst v63  }
0x98: {  	s22 =	sadd.s32 $0x780, s22  }
0x99: {  	[spmem:s1] =	stream.indirect.scatter.add.f32 [tilespmem:s12], [sflag:$0x1], $0x1, s22, s18, $0xb8;
	[tilespmem:$0x7CF0] =	vst v63  }
0x9a: {  	_ =	swait.ge [sflag:s14], $0x7D  }
0x9b: {  	[sflag:s14] =	ssyncset.done $0x0  }
0x9c: {  	[sflag:s14] =	ssyncadd.s32 $0xFFFFFF83  }
0x9d: {  	_ =	swait.ge [sflag:s14], $0x7D  }
0x9e: {  	[sflag:s14] =	ssyncset.done $0x0  }
0x9f: {  	[sflag:s14] =	ssyncadd.s32 $0xFFFFFF83  }
0xa0: {  	_ =	swait.ge [sflag:s14], $0x7D  }
0xa1: {  	[sflag:s14] =	ssyncset.done $0x0  }
0xa2: {  	[sflag:s14] =	ssyncadd.s32 $0xFFFFFF83  }
0xa3: {  	_ =	swait.ge [sflag:s14], $0x7D  }
0xa4: {  	[sflag:s14] =	ssyncset.done $0x0  }
0xa5: {  	[sflag:s14] =	ssyncadd.s32 $0xFFFFFF83  }
0xa6: {  	_ =	swait.ge [sflag:s14], $0x7D  }
0xa7: {  	[sflag:s14] =	ssyncset.done $0x0  }
0xa8: {  	[sflag:s14] =	ssyncadd.s32 $0xFFFFFF83  }
0xa9: {  	_ =	swait.ge [sflag:s14], $0x7D  }
0xaa: {  	[sflag:s14] =	ssyncset.done $0x0  }
0xab: {  	[sflag:s14] =	ssyncadd.s32 $0xFFFFFF83  }
0xac: {  	_ =	swait.ge [sflag:s14], $0x7D  }
0xad: {  	[sflag:s14] =	ssyncset.done $0x0  }
0xae: {  	[sflag:s14] =	ssyncadd.s32 $0xFFFFFF83  }
0xaf: {  	_ =	swait.ge [sflag:s14], $0x7D  }
0xb0: {  	[sflag:s14] =	ssyncset.done $0x0  }
0xb1: {  	[sflag:s14] =	ssyncadd.s32 $0xFFFFFF83  }
0xb2: {  	_ =	swait.ge [sflag:s14], $0x7D  }
0xb3: {  	[sflag:s14] =	ssyncset.done $0x0  }
0xb4: {  	[sflag:s14] =	ssyncadd.s32 $0xFFFFFF83  }
0xb5: {  	_ =	swait.ge [sflag:s14], $0x7D  }
0xb6: {  	[sflag:s14] =	ssyncset.done $0x0  }
0xb7: {  	[sflag:s14] =	ssyncadd.s32 $0xFFFFFF83  }
0xb8: {  	_ =	swait.ge [sflag:s14], $0x7D  }
0xb9: {  	[sflag:s14] =	ssyncset.done $0x0  }
0xba: {  	[sflag:s14] =	ssyncadd.s32 $0xFFFFFF83  }
0xbb: {  	_ =	swait.ge [sflag:s14], $0x7D  }
0xbc: {  	[sflag:s14] =	ssyncset.done $0x0  }
0xbd: {  	[sflag:s14] =	ssyncadd.s32 $0xFFFFFF83  }
0xbe: {  	_ =	swait.ge [sflag:s14], $0x7D  }
0xbf: {  	[sflag:s14] =	ssyncset.done $0x0  }
0xc0: {  	[sflag:s14] =	ssyncadd.s32 $0xFFFFFF83  }
0xc1: {  	_ =	swait.ge [sflag:s14], $0x7D  }
0xc2: {  	[sflag:s14] =	ssyncset.done $0x0  }
0xc3: {  	[sflag:s14] =	ssyncadd.s32 $0xFFFFFF83  }
.Ltmp0:
0xc4: {  	_ =	swait.ge [sflag:s14], $0x7D;
	(pc) =	sbr.rel @p1 .LBB2_2-.Ltmp0, $4  }
0xc5: {  	[sflag:s14] =	ssyncset.done $0x0  }
0xc6: {  	[sflag:s14] =	ssyncadd.s32 $0xFFFFFF83  }
0xc7: {  	_ =	swait.ge [sflag:s14], $0x7D  }
0xc8: {  	s23 =	smov.u32 s21;
	[sflag:s14] =	ssyncset.done $0x0  }
0xc9: {  	s20 =	sshra.s32 s20, $0x2;
	[sflag:s14] =	ssyncadd.s32 $0xFFFFFF83  }
0xca: {  	[spmem:s1] =	stream.indirect.scatter.add.f32 [tilespmem:s12], [sflag:$0x1], $0x1, s20, s18, $0xb8;
	[tilespmem:$0x7CF0] =	vst v63  }
0xcb: {  	s21 =	sadd.s32 $0x80, s20  }
0xcc: {  	[spmem:s1] =	stream.indirect.scatter.add.f32 [tilespmem:s12], [sflag:$0x1], $0x1, s21, s18, $0xb8;
	[tilespmem:$0x7CF0] =	vst v63  }
0xcd: {  	s31 =	sadd.s32 $0x100, s20  }
0xce: {  	[spmem:s1] =	stream.indirect.scatter.add.f32 [tilespmem:s12], [sflag:$0x1], $0x1, s31, s18, $0xb8;
	[tilespmem:$0x7CF0] =	vst v63  }
0xcf: {  	s22 =	sadd.s32 $0x180, s20  }
0xd0: {  	[spmem:s1] =	stream.indirect.scatter.add.f32 [tilespmem:s12], [sflag:$0x1], $0x1, s22, s18, $0xb8;
	[tilespmem:$0x7CF0] =	vst v63  }
0xd1: {  	s23 =	sadd.s32 $0x200, s20  }
0xd2: {  	[spmem:s1] =	stream.indirect.scatter.add.f32 [tilespmem:s12], [sflag:$0x1], $0x1, s23, s18, $0xb8;
	[tilespmem:$0x7CF0] =	vst v63  }
0xd3: {  	s24 =	sadd.s32 $0x280, s20  }
0xd4: {  	[spmem:s1] =	stream.indirect.scatter.add.f32 [tilespmem:s12], [sflag:$0x1], $0x1, s24, s18, $0xb8;
	[tilespmem:$0x7CF0] =	vst v63  }
0xd5: {  	s25 =	sadd.s32 $0x300, s20  }
0xd6: {  	[spmem:s1] =	stream.indirect.scatter.add.f32 [tilespmem:s12], [sflag:$0x1], $0x1, s25, s18, $0xb8;
	[tilespmem:$0x7CF0] =	vst v63  }
0xd7: {  	s26 =	sadd.s32 $0x380, s20  }
0xd8: {  	[spmem:s1] =	stream.indirect.scatter.add.f32 [tilespmem:s12], [sflag:$0x1], $0x1, s26, s18, $0xb8;
	[tilespmem:$0x7CF0] =	vst v63  }
0xd9: {  	s28 =	sadd.s32 $0x400, s20  }
0xda: {  	[spmem:s1] =	stream.indirect.scatter.add.f32 [tilespmem:s12], [sflag:$0x1], $0x1, s28, s18, $0xb8;
	[tilespmem:$0x7CF0] =	vst v63  }
0xdb: {  	s29 =	sadd.s32 $0x480, s20  }
0xdc: {  	[spmem:s1] =	stream.indirect.scatter.add.f32 [tilespmem:s12], [sflag:$0x1], $0x1, s29, s18, $0xb8;
	[tilespmem:$0x7CF0] =	vst v63  }
0xdd: {  	s30 =	sadd.s32 $0x500, s20  }
0xde: {  	[spmem:s1] =	stream.indirect.scatter.add.f32 [tilespmem:s12], [sflag:$0x1], $0x1, s30, s18, $0xb8;
	[tilespmem:$0x7CF0] =	vst v63  }
0xdf: {  	s31 =	sadd.s32 $0x580, s20  }
0xe0: {  	[spmem:s1] =	stream.indirect.scatter.add.f32 [tilespmem:s12], [sflag:$0x1], $0x1, s31, s18, $0xb8;
	[tilespmem:$0x7CF0] =	vst v63  }
0xe1: {  	s22 =	sadd.s32 $0x600, s20  }
0xe2: {  	[spmem:s1] =	stream.indirect.scatter.add.f32 [tilespmem:s12], [sflag:$0x1], $0x1, s22, s18, $0xb8;
	[tilespmem:$0x7CF0] =	vst v63  }
0xe3: {  	s23 =	sadd.s32 $0x680, s20  }
0xe4: {  	[spmem:s1] =	stream.indirect.scatter.add.f32 [tilespmem:s12], [sflag:$0x1], $0x1, s23, s18, $0xb8;
	[tilespmem:$0x7CF0] =	vst v63  }
0xe5: {  	s24 =	sadd.s32 $0x700, s20  }
0xe6: {  	[spmem:s1] =	stream.indirect.scatter.add.f32 [tilespmem:s12], [sflag:$0x1], $0x1, s24, s18, $0xb8;
	[tilespmem:$0x7CF0] =	vst v63  }
0xe7: {  	s20 =	sadd.s32 $0x780, s20  }
0xe8: {  	[spmem:s1] =	stream.indirect.scatter.add.f32 [tilespmem:s12], [sflag:$0x1], $0x1, s20, s18, $0xb8;
	[tilespmem:$0x7CF0] =	vst v63  }
0xe9: {  	_ =	swait.ge [sflag:s14], $0x7D  }
0xea: {  	[sflag:s14] =	ssyncset.done $0x0  }
0xeb: {  	[sflag:s14] =	ssyncadd.s32 $0xFFFFFF83  }
0xec: {  	_ =	swait.ge [sflag:s14], $0x7D  }
0xed: {  	[sflag:s14] =	ssyncset.done $0x0  }
0xee: {  	[sflag:s14] =	ssyncadd.s32 $0xFFFFFF83  }
0xef: {  	_ =	swait.ge [sflag:s14], $0x7D  }
0xf0: {  	[sflag:s14] =	ssyncset.done $0x0  }
0xf1: {  	[sflag:s14] =	ssyncadd.s32 $0xFFFFFF83  }
0xf2: {  	_ =	swait.ge [sflag:s14], $0x7D  }
0xf3: {  	[sflag:s14] =	ssyncset.done $0x0  }
0xf4: {  	[sflag:s14] =	ssyncadd.s32 $0xFFFFFF83  }
0xf5: {  	_ =	swait.ge [sflag:s14], $0x7D  }
0xf6: {  	[sflag:s14] =	ssyncset.done $0x0  }
0xf7: {  	[sflag:s14] =	ssyncadd.s32 $0xFFFFFF83  }
0xf8: {  	_ =	swait.ge [sflag:s14], $0x7D  }
0xf9: {  	[sflag:s14] =	ssyncset.done $0x0  }
0xfa: {  	[sflag:s14] =	ssyncadd.s32 $0xFFFFFF83  }
0xfb: {  	_ =	swait.ge [sflag:s14], $0x7D  }
0xfc: {  	[sflag:s14] =	ssyncset.done $0x0  }
0xfd: {  	[sflag:s14] =	ssyncadd.s32 $0xFFFFFF83  }
0xfe: {  	_ =	swait.ge [sflag:s14], $0x7D  }
0xff: {  	[sflag:s14] =	ssyncset.done $0x0  }
0x100: {  	[sflag:s14] =	ssyncadd.s32 $0xFFFFFF83  }
0x101: {  	_ =	swait.ge [sflag:s14], $0x7D  }
0x102: {  	[sflag:s14] =	ssyncset.done $0x0  }
0x103: {  	[sflag:s14] =	ssyncadd.s32 $0xFFFFFF83  }
0x104: {  	_ =	swait.ge [sflag:s14], $0x7D  }
0x105: {  	[sflag:s14] =	ssyncset.done $0x0  }
0x106: {  	[sflag:s14] =	ssyncadd.s32 $0xFFFFFF83  }
0x107: {  	_ =	swait.ge [sflag:s14], $0x7D  }
0x108: {  	[sflag:s14] =	ssyncset.done $0x0  }
0x109: {  	[sflag:s14] =	ssyncadd.s32 $0xFFFFFF83  }
0x10a: {  	_ =	swait.ge [sflag:s14], $0x7D  }
0x10b: {  	[sflag:s14] =	ssyncset.done $0x0  }
0x10c: {  	[sflag:s14] =	ssyncadd.s32 $0xFFFFFF83  }
0x10d: {  	_ =	swait.ge [sflag:s14], $0x7D  }
0x10e: {  	[sflag:s14] =	ssyncset.done $0x0  }
0x10f: {  	[sflag:s14] =	ssyncadd.s32 $0xFFFFFF83  }
0x110: {  	_ =	swait.ge [sflag:s14], $0x7D  }
0x111: {  	[sflag:s14] =	ssyncset.done $0x0  }
0x112: {  	[sflag:s14] =	ssyncadd.s32 $0xFFFFFF83  }
0x113: {  	_ =	swait.ge [sflag:s14], $0x7D  }
0x114: {  	[sflag:s14] =	ssyncset.done $0x0  }
0x115: {  	[sflag:s14] =	ssyncadd.s32 $0xFFFFFF83  }
0x116: {  	_ =	swait.ge [sflag:s14], $0x7D  }
0x117: {  	[sflag:s14] =	ssyncset.done $0x0  }
0x118: {  	s25 =	simm.s32 $0x2800;
	[sflag:s14] =	ssyncadd.s32 $0xFFFFFF83  }
0x119: {  	[spmem:s2] =	stream.indirect.scatter.add.f32 [tilespmem:s12], [sflag:$0x1], $0x1, s25, s18, $0xb8;
	[tilespmem:$0x7CF0] =	vst v63  }
0x11a: {  	s26 =	simm.s32 $0x2880  }
0x11b: {  	[spmem:s2] =	stream.indirect.scatter.add.f32 [tilespmem:s12], [sflag:$0x1], $0x1, s26, s18, $0xb8;
	[tilespmem:$0x7CF0] =	vst v63  }
0x11c: {  	s28 =	simm.s32 $0x2900  }
0x11d: {  	[spmem:s2] =	stream.indirect.scatter.add.f32 [tilespmem:s12], [sflag:$0x1], $0x1, s28, s18, $0xb8;
	[tilespmem:$0x7CF0] =	vst v63  }
0x11e: {  	s29 =	simm.s32 $0x2980  }
0x11f: {  	[spmem:s2] =	stream.indirect.scatter.add.f32 [tilespmem:s12], [sflag:$0x1], $0x1, s29, s18, $0xb8;
	[tilespmem:$0x7CF0] =	vst v63  }
0x120: {  	s30 =	simm.s32 $0x2A00  }
0x121: {  	[spmem:s2] =	stream.indirect.scatter.add.f32 [tilespmem:s12], [sflag:$0x1], $0x1, s30, s18, $0xb8;
	[tilespmem:$0x7CF0] =	vst v63  }
0x122: {  	s31 =	simm.s32 $0x2A80  }
0x123: {  	[spmem:s2] =	stream.indirect.scatter.add.f32 [tilespmem:s12], [sflag:$0x1], $0x1, s31, s18, $0xb8;
	[tilespmem:$0x7CF0] =	vst v63  }
0x124: {  	s21 =	simm.s32 $0x2B00  }
0x125: {  	[spmem:s2] =	stream.indirect.scatter.add.f32 [tilespmem:s12], [sflag:$0x1], $0x1, s21, s18, $0xb8;
	[tilespmem:$0x7CF0] =	vst v63  }
0x126: {  	s22 =	simm.s32 $0x2B80  }
0x127: {  	[spmem:s2] =	stream.indirect.scatter.add.f32 [tilespmem:s12], [sflag:$0x1], $0x1, s22, s18, $0xb8;
	[tilespmem:$0x7CF0] =	vst v63  }
0x128: {  	s23 =	simm.s32 $0x2C00  }
0x129: {  	[spmem:s2] =	stream.indirect.scatter.add.f32 [tilespmem:s12], [sflag:$0x1], $0x1, s23, s18, $0xb8;
	[tilespmem:$0x7CF0] =	vst v63  }
0x12a: {  	s24 =	simm.s32 $0x2C80  }
0x12b: {  	[spmem:s2] =	stream.indirect.scatter.add.f32 [tilespmem:s12], [sflag:$0x1], $0x1, s24, s18, $0xb8;
	[tilespmem:$0x7CF0] =	vst v63  }
0x12c: {  	s25 =	simm.s32 $0x2D00  }
0x12d: {  	[spmem:s2] =	stream.indirect.scatter.add.f32 [tilespmem:s12], [sflag:$0x1], $0x1, s25, s18, $0xb8;
	[tilespmem:$0x7CF0] =	vst v63  }
0x12e: {  	s26 =	simm.s32 $0x2D80  }
0x12f: {  	[spmem:s2] =	stream.indirect.scatter.add.f32 [tilespmem:s12], [sflag:$0x1], $0x1, s26, s18, $0xb8;
	[tilespmem:$0x7CF0] =	vst v63  }
0x130: {  	s28 =	simm.s32 $0x2E00  }
0x131: {  	[spmem:s2] =	stream.indirect.scatter.add.f32 [tilespmem:s12], [sflag:$0x1], $0x1, s28, s18, $0xb8;
	[tilespmem:$0x7CF0] =	vst v63  }
0x132: {  	s29 =	simm.s32 $0x2E80  }
0x133: {  	[spmem:s2] =	stream.indirect.scatter.add.f32 [tilespmem:s12], [sflag:$0x1], $0x1, s29, s18, $0xb8;
	[tilespmem:$0x7CF0] =	vst v63  }
0x134: {  	s30 =	simm.s32 $0x2F00  }
0x135: {  	[spmem:s2] =	stream.indirect.scatter.add.f32 [tilespmem:s12], [sflag:$0x1], $0x1, s30, s18, $0xb8;
	[tilespmem:$0x7CF0] =	vst v63  }
0x136: {  	s31 =	simm.s32 $0x2F80  }
0x137: {  	[spmem:s2] =	stream.indirect.scatter.add.f32 [tilespmem:s12], [sflag:$0x1], $0x1, s31, s18, $0xb8;
	[tilespmem:$0x7CF0] =	vst v63  }
0x138: {  	_ =	swait.ge [sflag:s14], $0x7D  }
0x139: {  	[sflag:s14] =	ssyncset.done $0x0  }
0x13a: {  	[sflag:s14] =	ssyncadd.s32 $0xFFFFFF83  }
0x13b: {  	_ =	swait.ge [sflag:s14], $0x7D  }
0x13c: {  	[sflag:s14] =	ssyncset.done $0x0  }
0x13d: {  	[sflag:s14] =	ssyncadd.s32 $0xFFFFFF83  }
0x13e: {  	_ =	swait.ge [sflag:s14], $0x7D  }
0x13f: {  	[sflag:s14] =	ssyncset.done $0x0  }
0x140: {  	[sflag:s14] =	ssyncadd.s32 $0xFFFFFF83  }
0x141: {  	_ =	swait.ge [sflag:s14], $0x7D  }
0x142: {  	[sflag:s14] =	ssyncset.done $0x0  }
0x143: {  	[sflag:s14] =	ssyncadd.s32 $0xFFFFFF83  }
0x144: {  	_ =	swait.ge [sflag:s14], $0x7D  }
0x145: {  	[sflag:s14] =	ssyncset.done $0x0  }
0x146: {  	[sflag:s14] =	ssyncadd.s32 $0xFFFFFF83  }
0x147: {  	_ =	swait.ge [sflag:s14], $0x7D  }
0x148: {  	[sflag:s14] =	ssyncset.done $0x0  }
0x149: {  	[sflag:s14] =	ssyncadd.s32 $0xFFFFFF83  }
0x14a: {  	_ =	swait.ge [sflag:s14], $0x7D  }
0x14b: {  	[sflag:s14] =	ssyncset.done $0x0  }
0x14c: {  	[sflag:s14] =	ssyncadd.s32 $0xFFFFFF83  }
0x14d: {  	_ =	swait.ge [sflag:s14], $0x7D  }
0x14e: {  	[sflag:s14] =	ssyncset.done $0x0  }
0x14f: {  	[sflag:s14] =	ssyncadd.s32 $0xFFFFFF83  }
0x150: {  	_ =	swait.ge [sflag:s14], $0x7D  }
0x151: {  	[sflag:s14] =	ssyncset.done $0x0  }
0x152: {  	[sflag:s14] =	ssyncadd.s32 $0xFFFFFF83  }
0x153: {  	_ =	swait.ge [sflag:s14], $0x7D  }
0x154: {  	[sflag:s14] =	ssyncset.done $0x0  }
0x155: {  	[sflag:s14] =	ssyncadd.s32 $0xFFFFFF83  }
0x156: {  	_ =	swait.ge [sflag:s14], $0x7D  }
0x157: {  	[sflag:s14] =	ssyncset.done $0x0  }
0x158: {  	[sflag:s14] =	ssyncadd.s32 $0xFFFFFF83  }
0x159: {  	_ =	swait.ge [sflag:s14], $0x7D  }
0x15a: {  	[sflag:s14] =	ssyncset.done $0x0  }
0x15b: {  	[sflag:s14] =	ssyncadd.s32 $0xFFFFFF83  }
0x15c: {  	_ =	swait.ge [sflag:s14], $0x7D  }
0x15d: {  	[sflag:s14] =	ssyncset.done $0x0  }
0x15e: {  	[sflag:s14] =	ssyncadd.s32 $0xFFFFFF83  }
0x15f: {  	_ =	swait.ge [sflag:s14], $0x7D  }
0x160: {  	[sflag:s14] =	ssyncset.done $0x0  }
0x161: {  	[sflag:s14] =	ssyncadd.s32 $0xFFFFFF83  }
0x162: {  	_ =	swait.ge [sflag:s14], $0x7D  }
0x163: {  	[sflag:s14] =	ssyncset.done $0x0  }
0x164: {  	[sflag:s14] =	ssyncadd.s32 $0xFFFFFF83  }
0x165: {  	_ =	swait.ge [sflag:s14], $0x7D  }
0x166: {  	s22 =	simm.s32 $0x800;
	s23 =	simm.s32 $0x4000;
	[sflag:s14] =	ssyncset.done $0x0  }
.LBB2_4:
0x167: {  	s24 =	sadd.s32 $0x2800, s22  }
0x168: {  	[sflag:s14] =	ssyncadd.s32 $0xFFFFFF83;
	s21 =	smov.u32 s23;
	s20 =	sadd.s32 $0x2000, s23  }
0x169: {  	[spmem:s2] =	stream.indirect.scatter.add.f32 [tilespmem:s12], [sflag:$0x1], $0x1, s24, s18, $0xb8;
	[tilespmem:$0x7CF0] =	vst v63  }
0x16a: {  	p1 =	sne.s32 s23, $0x8000;
	s23 =	sadd.s32 $0x2880, s22  }
0x16b: {  	[spmem:s2] =	stream.indirect.scatter.add.f32 [tilespmem:s12], [sflag:$0x1], $0x1, s23, s18, $0xb8;
	[tilespmem:$0x7CF0] =	vst v63  }
0x16c: {  	s23 =	sadd.s32 $0x2900, s22  }
0x16d: {  	[spmem:s2] =	stream.indirect.scatter.add.f32 [tilespmem:s12], [sflag:$0x1], $0x1, s23, s18, $0xb8;
	[tilespmem:$0x7CF0] =	vst v63  }
0x16e: {  	s23 =	sadd.s32 $0x2980, s22  }
0x16f: {  	[spmem:s2] =	stream.indirect.scatter.add.f32 [tilespmem:s12], [sflag:$0x1], $0x1, s23, s18, $0xb8;
	[tilespmem:$0x7CF0] =	vst v63  }
0x170: {  	s23 =	sadd.s32 $0x2A00, s22  }
0x171: {  	[spmem:s2] =	stream.indirect.scatter.add.f32 [tilespmem:s12], [sflag:$0x1], $0x1, s23, s18, $0xb8;
	[tilespmem:$0x7CF0] =	vst v63  }
0x172: {  	s23 =	sadd.s32 $0x2A80, s22  }
0x173: {  	[spmem:s2] =	stream.indirect.scatter.add.f32 [tilespmem:s12], [sflag:$0x1], $0x1, s23, s18, $0xb8;
	[tilespmem:$0x7CF0] =	vst v63  }
0x174: {  	s23 =	sadd.s32 $0x2B00, s22  }
0x175: {  	[spmem:s2] =	stream.indirect.scatter.add.f32 [tilespmem:s12], [sflag:$0x1], $0x1, s23, s18, $0xb8;
	[tilespmem:$0x7CF0] =	vst v63  }
0x176: {  	s23 =	sadd.s32 $0x2B80, s22  }
0x177: {  	[spmem:s2] =	stream.indirect.scatter.add.f32 [tilespmem:s12], [sflag:$0x1], $0x1, s23, s18, $0xb8;
	[tilespmem:$0x7CF0] =	vst v63  }
0x178: {  	s23 =	sadd.s32 $0x2C00, s22  }
0x179: {  	[spmem:s2] =	stream.indirect.scatter.add.f32 [tilespmem:s12], [sflag:$0x1], $0x1, s23, s18, $0xb8;
	[tilespmem:$0x7CF0] =	vst v63  }
0x17a: {  	s23 =	sadd.s32 $0x2C80, s22  }
0x17b: {  	[spmem:s2] =	stream.indirect.scatter.add.f32 [tilespmem:s12], [sflag:$0x1], $0x1, s23, s18, $0xb8;
	[tilespmem:$0x7CF0] =	vst v63  }
0x17c: {  	s23 =	sadd.s32 $0x2D00, s22  }
0x17d: {  	[spmem:s2] =	stream.indirect.scatter.add.f32 [tilespmem:s12], [sflag:$0x1], $0x1, s23, s18, $0xb8;
	[tilespmem:$0x7CF0] =	vst v63  }
0x17e: {  	s23 =	sadd.s32 $0x2D80, s22  }
0x17f: {  	[spmem:s2] =	stream.indirect.scatter.add.f32 [tilespmem:s12], [sflag:$0x1], $0x1, s23, s18, $0xb8;
	[tilespmem:$0x7CF0] =	vst v63  }
0x180: {  	s23 =	sadd.s32 $0x2E00, s22  }
0x181: {  	[spmem:s2] =	stream.indirect.scatter.add.f32 [tilespmem:s12], [sflag:$0x1], $0x1, s23, s18, $0xb8;
	[tilespmem:$0x7CF0] =	vst v63  }
0x182: {  	s23 =	sadd.s32 $0x2E80, s22  }
0x183: {  	[spmem:s2] =	stream.indirect.scatter.add.f32 [tilespmem:s12], [sflag:$0x1], $0x1, s23, s18, $0xb8;
	[tilespmem:$0x7CF0] =	vst v63  }
0x184: {  	s23 =	sadd.s32 $0x2F00, s22  }
0x185: {  	[spmem:s2] =	stream.indirect.scatter.add.f32 [tilespmem:s12], [sflag:$0x1], $0x1, s23, s18, $0xb8;
	[tilespmem:$0x7CF0] =	vst v63  }
0x186: {  	s22 =	sadd.s32 $0x2F80, s22  }
0x187: {  	[spmem:s2] =	stream.indirect.scatter.add.f32 [tilespmem:s12], [sflag:$0x1], $0x1, s22, s18, $0xb8;
	[tilespmem:$0x7CF0] =	vst v63  }
0x188: {  	_ =	swait.ge [sflag:s14], $0x7D  }
0x189: {  	[sflag:s14] =	ssyncset.done $0x0  }
0x18a: {  	[sflag:s14] =	ssyncadd.s32 $0xFFFFFF83  }
0x18b: {  	_ =	swait.ge [sflag:s14], $0x7D  }
0x18c: {  	[sflag:s14] =	ssyncset.done $0x0  }
0x18d: {  	[sflag:s14] =	ssyncadd.s32 $0xFFFFFF83  }
0x18e: {  	_ =	swait.ge [sflag:s14], $0x7D  }
0x18f: {  	[sflag:s14] =	ssyncset.done $0x0  }
0x190: {  	[sflag:s14] =	ssyncadd.s32 $0xFFFFFF83  }
0x191: {  	_ =	swait.ge [sflag:s14], $0x7D  }
0x192: {  	[sflag:s14] =	ssyncset.done $0x0  }
0x193: {  	[sflag:s14] =	ssyncadd.s32 $0xFFFFFF83  }
0x194: {  	_ =	swait.ge [sflag:s14], $0x7D  }
0x195: {  	[sflag:s14] =	ssyncset.done $0x0  }
0x196: {  	[sflag:s14] =	ssyncadd.s32 $0xFFFFFF83  }
0x197: {  	_ =	swait.ge [sflag:s14], $0x7D  }
0x198: {  	[sflag:s14] =	ssyncset.done $0x0  }
0x199: {  	[sflag:s14] =	ssyncadd.s32 $0xFFFFFF83  }
0x19a: {  	_ =	swait.ge [sflag:s14], $0x7D  }
0x19b: {  	[sflag:s14] =	ssyncset.done $0x0  }
0x19c: {  	[sflag:s14] =	ssyncadd.s32 $0xFFFFFF83  }
0x19d: {  	_ =	swait.ge [sflag:s14], $0x7D  }
0x19e: {  	[sflag:s14] =	ssyncset.done $0x0  }
0x19f: {  	[sflag:s14] =	ssyncadd.s32 $0xFFFFFF83  }
0x1a0: {  	_ =	swait.ge [sflag:s14], $0x7D  }
0x1a1: {  	[sflag:s14] =	ssyncset.done $0x0  }
0x1a2: {  	[sflag:s14] =	ssyncadd.s32 $0xFFFFFF83  }
0x1a3: {  	_ =	swait.ge [sflag:s14], $0x7D  }
0x1a4: {  	[sflag:s14] =	ssyncset.done $0x0  }
0x1a5: {  	[sflag:s14] =	ssyncadd.s32 $0xFFFFFF83  }
0x1a6: {  	_ =	swait.ge [sflag:s14], $0x7D  }
0x1a7: {  	[sflag:s14] =	ssyncset.done $0x0  }
0x1a8: {  	[sflag:s14] =	ssyncadd.s32 $0xFFFFFF83  }
0x1a9: {  	_ =	swait.ge [sflag:s14], $0x7D  }
0x1aa: {  	[sflag:s14] =	ssyncset.done $0x0  }
0x1ab: {  	[sflag:s14] =	ssyncadd.s32 $0xFFFFFF83  }
0x1ac: {  	_ =	swait.ge [sflag:s14], $0x7D  }
0x1ad: {  	[sflag:s14] =	ssyncset.done $0x0  }
0x1ae: {  	[sflag:s14] =	ssyncadd.s32 $0xFFFFFF83  }
0x1af: {  	_ =	swait.ge [sflag:s14], $0x7D  }
0x1b0: {  	[sflag:s14] =	ssyncset.done $0x0  }
0x1b1: {  	[sflag:s14] =	ssyncadd.s32 $0xFFFFFF83  }
.Ltmp1:
0x1b2: {  	_ =	swait.ge [sflag:s14], $0x7D;
	(pc) =	sbr.rel @p1 .LBB2_4-.Ltmp1, $4  }
0x1b3: {  	[sflag:s14] =	ssyncset.done $0x0  }
0x1b4: {  	[sflag:s14] =	ssyncadd.s32 $0xFFFFFF83  }
0x1b5: {  	_ =	swait.ge [sflag:s14], $0x7D  }
0x1b6: {  	s23 =	smov.u32 s20;
	s22 =	sshra.s32 s21, $0x2;
	[sflag:s14] =	ssyncset.done $0x0  }
0x1b7: {  	s20 =	sadd.s32 $0x2800, s22;
	[sflag:s14] =	ssyncadd.s32 $0xFFFFFF83  }
0x1b8: {  	[spmem:s2] =	stream.indirect.scatter.add.f32 [tilespmem:s12], [sflag:$0x1], $0x1, s20, s18, $0xb8;
	[tilespmem:$0x7CF0] =	vst v63  }
0x1b9: {  	s25 =	sadd.s32 $0x2880, s22  }
0x1ba: {  	[spmem:s2] =	stream.indirect.scatter.add.f32 [tilespmem:s12], [sflag:$0x1], $0x1, s25, s18, $0xb8;
	[tilespmem:$0x7CF0] =	vst v63  }
0x1bb: {  	s26 =	sadd.s32 $0x2900, s22  }
0x1bc: {  	[spmem:s2] =	stream.indirect.scatter.add.f32 [tilespmem:s12], [sflag:$0x1], $0x1, s26, s18, $0xb8;
	[tilespmem:$0x7CF0] =	vst v63  }
0x1bd: {  	s28 =	sadd.s32 $0x2980, s22  }
0x1be: {  	[spmem:s2] =	stream.indirect.scatter.add.f32 [tilespmem:s12], [sflag:$0x1], $0x1, s28, s18, $0xb8;
	[tilespmem:$0x7CF0] =	vst v63  }
0x1bf: {  	s29 =	sadd.s32 $0x2A00, s22  }
0x1c0: {  	[spmem:s2] =	stream.indirect.scatter.add.f32 [tilespmem:s12], [sflag:$0x1], $0x1, s29, s18, $0xb8;
	[tilespmem:$0x7CF0] =	vst v63  }
0x1c1: {  	s30 =	sadd.s32 $0x2A80, s22  }
0x1c2: {  	[spmem:s2] =	stream.indirect.scatter.add.f32 [tilespmem:s12], [sflag:$0x1], $0x1, s30, s18, $0xb8;
	[tilespmem:$0x7CF0] =	vst v63  }
0x1c3: {  	s31 =	sadd.s32 $0x2B00, s22  }
0x1c4: {  	[spmem:s2] =	stream.indirect.scatter.add.f32 [tilespmem:s12], [sflag:$0x1], $0x1, s31, s18, $0xb8;
	[tilespmem:$0x7CF0] =	vst v63  }
0x1c5: {  	s21 =	sadd.s32 $0x2B80, s22  }
0x1c6: {  	[spmem:s2] =	stream.indirect.scatter.add.f32 [tilespmem:s12], [sflag:$0x1], $0x1, s21, s18, $0xb8;
	[tilespmem:$0x7CF0] =	vst v63  }
0x1c7: {  	s23 =	sadd.s32 $0x2C00, s22  }
0x1c8: {  	[spmem:s2] =	stream.indirect.scatter.add.f32 [tilespmem:s12], [sflag:$0x1], $0x1, s23, s18, $0xb8;
	[tilespmem:$0x7CF0] =	vst v63  }
0x1c9: {  	s24 =	sadd.s32 $0x2C80, s22  }
0x1ca: {  	[spmem:s2] =	stream.indirect.scatter.add.f32 [tilespmem:s12], [sflag:$0x1], $0x1, s24, s18, $0xb8;
	[tilespmem:$0x7CF0] =	vst v63  }
0x1cb: {  	s25 =	sadd.s32 $0x2D00, s22  }
0x1cc: {  	[spmem:s2] =	stream.indirect.scatter.add.f32 [tilespmem:s12], [sflag:$0x1], $0x1, s25, s18, $0xb8;
	[tilespmem:$0x7CF0] =	vst v63  }
0x1cd: {  	s26 =	sadd.s32 $0x2D80, s22  }
0x1ce: {  	[spmem:s2] =	stream.indirect.scatter.add.f32 [tilespmem:s12], [sflag:$0x1], $0x1, s26, s18, $0xb8;
	[tilespmem:$0x7CF0] =	vst v63  }
0x1cf: {  	s28 =	sadd.s32 $0x2E00, s22  }
0x1d0: {  	[spmem:s2] =	stream.indirect.scatter.add.f32 [tilespmem:s12], [sflag:$0x1], $0x1, s28, s18, $0xb8;
	[tilespmem:$0x7CF0] =	vst v63  }
0x1d1: {  	s29 =	sadd.s32 $0x2E80, s22  }
0x1d2: {  	[spmem:s2] =	stream.indirect.scatter.add.f32 [tilespmem:s12], [sflag:$0x1], $0x1, s29, s18, $0xb8;
	[tilespmem:$0x7CF0] =	vst v63  }
0x1d3: {  	s30 =	sadd.s32 $0x2F00, s22  }
0x1d4: {  	[spmem:s2] =	stream.indirect.scatter.add.f32 [tilespmem:s12], [sflag:$0x1], $0x1, s30, s18, $0xb8;
	[tilespmem:$0x7CF0] =	vst v63  }
0x1d5: {  	s31 =	sadd.s32 $0x2F80, s22  }
0x1d6: {  	[spmem:s2] =	stream.indirect.scatter.add.f32 [tilespmem:s12], [sflag:$0x1], $0x1, s31, s18, $0xb8;
	[tilespmem:$0x7CF0] =	vst v63  }
0x1d7: {  	_ =	swait.ge [sflag:s14], $0x7D  }
0x1d8: {  	[sflag:s14] =	ssyncset.done $0x0  }
0x1d9: {  	[sflag:s14] =	ssyncadd.s32 $0xFFFFFF83  }
0x1da: {  	_ =	swait.ge [sflag:s14], $0x7D  }
0x1db: {  	[sflag:s14] =	ssyncset.done $0x0  }
0x1dc: {  	[sflag:s14] =	ssyncadd.s32 $0xFFFFFF83  }
0x1dd: {  	_ =	swait.ge [sflag:s14], $0x7D  }
0x1de: {  	[sflag:s14] =	ssyncset.done $0x0  }
0x1df: {  	[sflag:s14] =	ssyncadd.s32 $0xFFFFFF83  }
0x1e0: {  	_ =	swait.ge [sflag:s14], $0x7D  }
0x1e1: {  	[sflag:s14] =	ssyncset.done $0x0  }
0x1e2: {  	[sflag:s14] =	ssyncadd.s32 $0xFFFFFF83  }
0x1e3: {  	_ =	swait.ge [sflag:s14], $0x7D  }
0x1e4: {  	[sflag:s14] =	ssyncset.done $0x0  }
0x1e5: {  	[sflag:s14] =	ssyncadd.s32 $0xFFFFFF83  }
0x1e6: {  	_ =	swait.ge [sflag:s14], $0x7D  }
0x1e7: {  	[sflag:s14] =	ssyncset.done $0x0  }
0x1e8: {  	[sflag:s14] =	ssyncadd.s32 $0xFFFFFF83  }
0x1e9: {  	_ =	swait.ge [sflag:s14], $0x7D  }
0x1ea: {  	[sflag:s14] =	ssyncset.done $0x0  }
0x1eb: {  	[sflag:s14] =	ssyncadd.s32 $0xFFFFFF83  }
0x1ec: {  	_ =	swait.ge [sflag:s14], $0x7D  }
0x1ed: {  	[sflag:s14] =	ssyncset.done $0x0  }
0x1ee: {  	[sflag:s14] =	ssyncadd.s32 $0xFFFFFF83  }
0x1ef: {  	_ =	swait.ge [sflag:s14], $0x7D  }
0x1f0: {  	[sflag:s14] =	ssyncset.done $0x0  }
0x1f1: {  	[sflag:s14] =	ssyncadd.s32 $0xFFFFFF83  }
0x1f2: {  	_ =	swait.ge [sflag:s14], $0x7D  }
0x1f3: {  	[sflag:s14] =	ssyncset.done $0x0  }
0x1f4: {  	[sflag:s14] =	ssyncadd.s32 $0xFFFFFF83  }
0x1f5: {  	_ =	swait.ge [sflag:s14], $0x7D  }
0x1f6: {  	[sflag:s14] =	ssyncset.done $0x0  }
0x1f7: {  	[sflag:s14] =	ssyncadd.s32 $0xFFFFFF83  }
0x1f8: {  	_ =	swait.ge [sflag:s14], $0x7D  }
0x1f9: {  	[sflag:s14] =	ssyncset.done $0x0  }
0x1fa: {  	[sflag:s14] =	ssyncadd.s32 $0xFFFFFF83  }
0x1fb: {  	_ =	swait.ge [sflag:s14], $0x7D  }
0x1fc: {  	[sflag:s14] =	ssyncset.done $0x0  }
0x1fd: {  	[sflag:s14] =	ssyncadd.s32 $0xFFFFFF83  }
0x1fe: {  	_ =	swait.ge [sflag:s14], $0x7D  }
0x1ff: {  	[sflag:s14] =	ssyncset.done $0x0  }
0x200: {  	[sflag:s14] =	ssyncadd.s32 $0xFFFFFF83  }
0x201: {  	_ =	swait.ge [sflag:s14], $0x7D  }
0x202: {  	[sflag:s14] =	ssyncset.done $0x0  }
0x203: {  	[sflag:s14] =	ssyncadd.s32 $0xFFFFFF83  }
0x204: {  	_ =	swait.ge [sflag:s14], $0x7D  }
0x205: {  	[sflag:s14] =	ssyncset.done $0x0  }
0x206: {  	[sflag:s14] =	ssyncadd.s32 $0xFFFFFF83  }
0x207: {  	s20 =	simm.s32 @!p0 $0x5000;
	s21 =	simm.s32 @!p0 $0x5;
	[bflag:$0x0] =	sbarrier.arrive $0xFFFF  }
0x208: {  	[tilespmem:s20], [sflag:$0x5] =	stream.linear.gather @!p0 [spmem:s1], $0x2780, $0x38;
	[tilespmem:$0x7CF0] =	vst v63  }
0x209: {  	_ =	swait.ge @!p0 [sflag:s21], $0x2780  }
0x20a: {  	[sflag:s21] =	ssyncset.done @!p0 $0x0  }
0x20b: {  	s22 =	simm.s32 @!p0 $0x80;
	s23 =	simm.s32 @!p0 $0x100;
	[sflag:s21] =	ssyncadd.s32 @!p0 $0xFFFFD880  }
0x20c: {  	[hbm4b:s8+s22] =	stream.strided.scatter @!p0 [tilespmem:s20], [sflag:$0x5], $0x2780, s23, s22, $0x38;
	[tilespmem:$0x7CF0] =	vst v63  }
0x20d: {  	_ =	swait.ge @!p0 [sflag:s21], $0x2780  }
0x20e: {  	[sflag:s21] =	ssyncset.done @!p0 $0x0  }
0x20f: {  	[sflag:s21] =	ssyncadd.s32 @!p0 $0xFFFFD880  }
0x210: {  	[tilespmem:s20], [sflag:$0x5] =	stream.linear.gather @!p0 [spmem:s2], $0x2780, $0x38;
	[tilespmem:$0x7CF0] =	vst v63  }
0x211: {  	s19 =	sadd.s32 $0x1, s19;
	_ =	swait.ge @!p0 [sflag:s21], $0x2780  }
0x212: {  	p1 =	sne.s32 s19, s10;
	[sflag:s21] =	ssyncset.done @!p0 $0x0  }
.Ltmp2:
0x213: {  	[sflag:s21] =	ssyncadd.s32 @!p0 $0xFFFFD880;
	(pc) =	sbr.rel @p1 .LBB2_1-.Ltmp2, $4  }
0x214: {  	[hbm4b:s9+s22] =	stream.strided.scatter @!p0 [tilespmem:s20], [sflag:$0x5], $0x2780, s23, s22, $0x38;
	[tilespmem:$0x7CF0] =	vst v63  }
0x215: {  	_ =	swait.ge @!p0 [sflag:s21], $0x2780  }
0x216: {  	[sflag:s21] =	ssyncset.done @!p0 $0x0  }
0x217: {  	[sflag:s21] =	ssyncadd.s32 @!p0 $0xFFFFD880  }
0x218: {  	_ =	sfence.sel $0x180000  }
0x219: {  	[bflag:$0x0] =	sbarrier.arrive $0xFFFF  }
0x21a: {  	_ =	strace $0x90000047  }
0x21b: {  	s0 =	sadd.s32 @!p0 $0x100000, s0;
	[bflag:$0x2] =	sbarrier.arrive $0xFFFF  }
0x21c: {  	[sflag:s0] =	ssyncadd.tile.s32 @!p0 $0x1;
	_ =	shalt  }
.Lfunc_end2:
_tile_overlayer_lowered:
.L_overlay_start_2:
0x21d: {  	(tag) =	ssettag $0x2  }
0x21e: {  	s0 =	rddreg [dreg:$0x0];
	s2 =	stileid.u32  }
0x21f: {  	s1 =	rddreg [dreg:$0x1];
	p0 =	sne.s32 s2, $0x0  }
0x220: {  	s3 =	rddreg [dreg:$0x2];
	[bflag:$0x3] =	sbarrier.arrive $0xFFFF;
	s2 =	simm.s32 @!p0 $0x1C05  }
0x221: {  	[timem:s3], [sflag:s2] =	dma.local @!p0 [hbm:s0], s1  }
0x222: {  	s0 =	simm.s32 @!p0 $0x5  }
0x223: {  	_ =	swait.ge @!p0 [sflag:s0], s1  }
0x224: {  	s1 =	ssub.s32 @!p0 $0x0, s1;
	[sflag:s0] =	ssyncset.done @!p0 $0x0  }
0x225: {  	[sflag:s0] =	ssyncadd.s32 @!p0 s1  }
0x226: {  	[bflag:$0x3] =	sbarrier.arrive $0xFFFF  }
0x227: {  	_ =	shalt  }

</sc_bundles>
